<compile_context>
chip_gen: v7x
topology: tpu7x:2x2x1
jax: 0.10.2.dev20260603
libtpu: 0.0.44.dev20260713+nightly
codegen_flags: <defaults>
</compile_context>

<pallas_src>
import functools

import jax
import jax.numpy as jnp
from jax import lax
from jax.experimental import pallas as pl
from jax.experimental.pallas import tpu as pltpu
from jax.experimental.pallas import tpu_sc as plsc

_N = 10000
_D = 256
_H = 128
_G = 64
_BN_EPS = 1e-5

_NC = 2
_NS = 16
_CH = 128
_NP = 10240
_ZR = 32
_BNR = 1000


def _fold_bn(lin, bn):
    s = bn["g"] / jnp.sqrt(bn["rv"] + _BN_EPS)
    return lin["W"] * s[None, :], (lin["b"] - bn["rm"]) * s + bn["be"]




def _mk_layer_in(first, interpret=False):
    grid = (_N // _BNR,)

    def body(*refs):
        if first:
            x_ref, wa_ref, ba_ref, oh_ref, hl_ref, r_ref, pooled_ref = refs
            hl = jnp.dot(x_ref[...], wa_ref[...],
                         preferred_element_type=jnp.float32) + ba_ref[...]
        else:
            h_ref, oh_ref, vn_ref, hl_ref, r_ref, pooled_ref = refs
            hl = h_ref[...] + jnp.dot(oh_ref[...], vn_ref[...],
                                      preferred_element_type=jnp.float32)
        i = pl.program_id(0)
        hl_ref[...] = hl
        r = jnp.maximum(hl, 0.0)
        r_ref[0] = r[:, :_H]
        r_ref[1] = r[:, _H:]
        contrib = lax.dot_general(oh_ref[...], hl, (((0,), (0,)), ((), ())),
                                  preferred_element_type=jnp.float32)

        @pl.when(i == 0)
        def _():
            pooled_ref[...] = contrib

        @pl.when(i > 0)
        def _():
            pooled_ref[...] += contrib

    if first:
        in_specs = [
            pl.BlockSpec((_BNR, _D), lambda i: (i, 0)),
            pl.BlockSpec((_D, _D), lambda i: (0, 0)),
            pl.BlockSpec((1, _D), lambda i: (0, 0)),
            pl.BlockSpec((_BNR, _G), lambda i: (i, 0)),
        ]
    else:
        in_specs = [
            pl.BlockSpec((_BNR, _D), lambda i: (i, 0)),
            pl.BlockSpec((_BNR, _G), lambda i: (i, 0)),
            pl.BlockSpec((_G, _D), lambda i: (0, 0)),
        ]
    return pl.pallas_call(
        body,
        grid=grid,
        in_specs=in_specs,
        out_specs=[
            pl.BlockSpec((_BNR, _D), lambda i: (i, 0)),
            pl.BlockSpec((2, _BNR, _H), lambda i: (0, i, 0)),
            pl.BlockSpec((_G, _D), lambda i: (0, 0)),
        ],
        out_shape=[
            jax.ShapeDtypeStruct((_N, _D), jnp.float32),
            jax.ShapeDtypeStruct((2, _NP, _H), jnp.float32),
            jax.ShapeDtypeStruct((_G, _D), jnp.float32),
        ],
        compiler_params=pltpu.CompilerParams(dimension_semantics=("arbitrary",)),
        interpret=interpret,
    )


def _mk_gin_mlp(relu_out, interpret=False):
    grid = (_N // _BNR,)

    def body(eps_ref, hl_ref, agg_ref, w1_ref, b1_ref, w2_ref, b2_ref, out_ref):
        agg = jnp.concatenate([agg_ref[0], agg_ref[1]], axis=-1)
        t = eps_ref[0, 0] * hl_ref[...] + agg
        t = jnp.maximum(
            jnp.dot(t, w1_ref[...], preferred_element_type=jnp.float32)
            + b1_ref[...], 0.0)
        o = jnp.dot(t, w2_ref[...], preferred_element_type=jnp.float32) + b2_ref[...]
        if relu_out:
            o = jnp.maximum(o, 0.0)
        out_ref[...] = o

    return pl.pallas_call(
        body,
        grid=grid,
        in_specs=[
            pl.BlockSpec((1, 1), lambda i: (0, 0)),
            pl.BlockSpec((_BNR, _D), lambda i: (i, 0)),
            pl.BlockSpec((2, _BNR, _H), lambda i: (0, i, 0)),
            pl.BlockSpec((_D, _D), lambda i: (0, 0)),
            pl.BlockSpec((1, _D), lambda i: (0, 0)),
            pl.BlockSpec((_D, _D), lambda i: (0, 0)),
            pl.BlockSpec((1, _D), lambda i: (0, 0)),
        ],
        out_specs=pl.BlockSpec((_BNR, _D), lambda i: (i, 0)),
        out_shape=jax.ShapeDtypeStruct((_N, _D), jnp.float32),
        interpret=interpret,
    )


def _mk_gin_fused(interpret=False):
    grid = (_N // _BNR,)

    def body(eps_ref, hl_ref, agg_ref, w1_ref, b1_ref, w2_ref, b2_ref,
             oh_ref, vn_ref, hl2_ref, r_ref, pooled_ref):
        i = pl.program_id(0)
        agg = jnp.concatenate([agg_ref[0], agg_ref[1]], axis=-1)
        t = eps_ref[0, 0] * hl_ref[...] + agg
        t = jnp.maximum(
            jnp.dot(t, w1_ref[...], preferred_element_type=jnp.float32)
            + b1_ref[...], 0.0)
        h = jnp.maximum(
            jnp.dot(t, w2_ref[...], preferred_element_type=jnp.float32)
            + b2_ref[...], 0.0)
        hl = h + jnp.dot(oh_ref[...], vn_ref[...],
                         preferred_element_type=jnp.float32)
        hl2_ref[...] = hl
        r = jnp.maximum(hl, 0.0)
        r_ref[0] = r[:, :_H]
        r_ref[1] = r[:, _H:]
        contrib = lax.dot_general(oh_ref[...], hl, (((0,), (0,)), ((), ())),
                                  preferred_element_type=jnp.float32)

        @pl.when(i == 0)
        def _():
            pooled_ref[...] = contrib

        @pl.when(i > 0)
        def _():
            pooled_ref[...] += contrib

    return pl.pallas_call(
        body,
        grid=grid,
        in_specs=[
            pl.BlockSpec((1, 1), lambda i: (0, 0)),
            pl.BlockSpec((_BNR, _D), lambda i: (i, 0)),
            pl.BlockSpec((2, _BNR, _H), lambda i: (0, i, 0)),
            pl.BlockSpec((_D, _D), lambda i: (0, 0)),
            pl.BlockSpec((1, _D), lambda i: (0, 0)),
            pl.BlockSpec((_D, _D), lambda i: (0, 0)),
            pl.BlockSpec((1, _D), lambda i: (0, 0)),
            pl.BlockSpec((_BNR, _G), lambda i: (i, 0)),
            pl.BlockSpec((_G, _D), lambda i: (0, 0)),
        ],
        out_specs=[
            pl.BlockSpec((_BNR, _D), lambda i: (i, 0)),
            pl.BlockSpec((2, _BNR, _H), lambda i: (0, i, 0)),
            pl.BlockSpec((_G, _D), lambda i: (0, 0)),
        ],
        out_shape=[
            jax.ShapeDtypeStruct((_N, _D), jnp.float32),
            jax.ShapeDtypeStruct((2, _NP, _H), jnp.float32),
            jax.ShapeDtypeStruct((_G, _D), jnp.float32),
        ],
        compiler_params=pltpu.CompilerParams(dimension_semantics=("arbitrary",)),
        interpret=interpret,
    )


def _mk_vn_mlp(interpret=False):

    def body(p_ref, vn_ref, w1_ref, b1_ref, w2_ref, b2_ref, out_ref):
        vt = p_ref[...] + vn_ref[...]
        vt = jnp.maximum(
            jnp.dot(vt, w1_ref[...], preferred_element_type=jnp.float32)
            + b1_ref[...], 0.0)
        vt = jnp.maximum(
            jnp.dot(vt, w2_ref[...], preferred_element_type=jnp.float32)
            + b2_ref[...], 0.0)
        out_ref[...] = vt

    return pl.pallas_call(
        body,
        out_shape=jax.ShapeDtypeStruct((_G, _D), jnp.float32),
        interpret=interpret,
    )




def _mk_edge_agg(nck):
    mesh = plsc.VectorSubcoreMesh(core_axis_name="c", subcore_axis_name="s",
                                  num_cores=_NC, num_subcores=_NS)
    zrows_per_tile = _NP // _NS
    srows = _NP // _NS
    rpt = nck * _CH

    @functools.partial(
        pl.kernel,
        out_type=[
            jax.ShapeDtypeStruct((_NC, _NP, _H), jnp.float32),
            jax.ShapeDtypeStruct((_NC, _NS * rpt, _H), jnp.float32),
        ],
        mesh=mesh,
        scratch_types=[
            pltpu.VMEM((nck, _CH), jnp.int32),
            pltpu.VMEM((2, _CH, _H), jnp.float32),
            pltpu.VMEM((_ZR, _H), jnp.float32),
            pltpu.VMEM_SHARED((_NP, _H), jnp.float32),
        ] + [pltpu.SemaphoreType.DMA] * 4,
    )
    def edge_agg(r_hbm, src_hbm, dst_hbm, out_hbm, scr_hbm,
                 idx_v, buf_v, z_v, sp, *sems):
        c = lax.axis_index("c")
        s = lax.axis_index("s")
        sa = sems[0:2]
        sb = sems[2:4]

        sbase = s * srows
        pltpu.sync_copy(r_hbm.at[pl.ds(c * _NP + sbase, srows)],
                        sp.at[pl.ds(sbase, srows)])
        pltpu.sync_copy(src_hbm.at[s], idx_v)
        zeros16 = jnp.zeros((16,), jnp.float32)

        def zfill(i, carry):
            for j in range(_H // 16):
                z_v[i, pl.ds(j * 16, 16)] = zeros16
            return carry

        lax.fori_loop(0, _ZR, zfill, 0)
        plsc.subcore_barrier()

        rbase = s * rpt

        def g_start(k, q):
            pltpu.async_copy(sp.at[idx_v.at[k]], buf_v.at[q], sa[q])

        def g_wait(k, q):
            pltpu.make_async_copy(sp.at[idx_v.at[k]], buf_v.at[q],
                                  sa[q]).wait()

        def w_start(k, q):
            pltpu.async_copy(buf_v.at[q],
                             scr_hbm.at[c, pl.ds(rbase + k * _CH, _CH)],
                             sb[q])

        def w_wait(k, q):
            pltpu.make_async_copy(buf_v.at[q],
                                  scr_hbm.at[c, pl.ds(rbase + k * _CH, _CH)],
                                  sb[q]).wait()

        g_start(0, 0)
        g_start(1, 1)
        g_wait(0, 0)
        w_start(0, 0)

        def body_b(j, carry):
            for m in range(2):
                k = 2 * j + 2 + m
                q = m
                w_wait(k - 2, q)
                g_start(k, q)
                g_wait(k - 1, 1 - q)
                w_start(k - 1, 1 - q)
            return carry

        lax.fori_loop(0, (nck - 2) // 2, body_b, 0)
        g_wait(nck - 1, 1)
        w_start(nck - 1, 1)
        w_wait(nck - 2, 0)
        w_wait(nck - 1, 1)
        plsc.subcore_barrier()

        zbase = s * zrows_per_tile

        def zdma(k, carry):
            pltpu.sync_copy(z_v, sp.at[pl.ds(zbase + k * _ZR, _ZR)])
            return carry

        lax.fori_loop(0, zrows_per_tile // _ZR, zdma, 0)
        pltpu.sync_copy(dst_hbm.at[s], idx_v)
        plsc.subcore_barrier()

        def r_start(k, q):
            pltpu.async_copy(scr_hbm.at[c, pl.ds(rbase + k * _CH, _CH)],
                             buf_v.at[q], sb[q])

        def r_wait(k, q):
            pltpu.make_async_copy(scr_hbm.at[c, pl.ds(rbase + k * _CH, _CH)],
                                  buf_v.at[q], sb[q]).wait()

        def a_start(k, q):
            pltpu.async_copy(buf_v.at[q], sp.at[idx_v.at[k]], sa[q], add=True)

        def a_wait(k, q):
            pltpu.make_async_copy(buf_v.at[q], sp.at[idx_v.at[k]],
                                  sa[q]).wait()

        r_start(0, 0)
        r_start(1, 1)
        r_wait(0, 0)
        a_start(0, 0)

        def body_d(j, carry):
            for m in range(2):
                k = 2 * j + 2 + m
                q = m
                a_wait(k - 2, q)
                r_start(k, q)
                r_wait(k - 1, 1 - q)
                a_start(k - 1, 1 - q)
            return carry

        lax.fori_loop(0, (nck - 2) // 2, body_d, 0)
        r_wait(nck - 1, 1)
        a_start(nck - 1, 1)
        a_wait(nck - 2, 0)
        a_wait(nck - 1, 1)
        plsc.subcore_barrier()

        pltpu.sync_copy(sp.at[pl.ds(zbase, zrows_per_tile)],
                        out_hbm.at[c, pl.ds(zbase, zrows_per_tile)])

    return edge_agg




def kernel(x, edge_index, batch, params):
    e = edge_index.shape[1]
    nck = -(-e // (_NS * _CH))
    if nck < 4:
        nck = 4
    if nck % 2:
        nck += 1
    epad = _NS * nck * _CH
    src = edge_index[0].astype(jnp.int32)
    dst = edge_index[1].astype(jnp.int32)
    srcp = jnp.concatenate([src, jnp.zeros((epad - e,), jnp.int32)]
                           ).reshape(_NS, nck, _CH)
    dstp = jnp.concatenate([dst, jnp.full((epad - e,), _N, jnp.int32)]
                           ).reshape(_NS, nck, _CH)
    onehot = (batch[:, None] == jnp.arange(_G, dtype=batch.dtype)[None, :]
              ).astype(jnp.float32)

    layer_in0 = _mk_layer_in(first=True)
    edge_agg = _mk_edge_agg(nck)
    gin_fused = _mk_gin_fused()
    gin_last = _mk_gin_mlp(relu_out=False)
    vn_mlp = _mk_vn_mlp()

    def layer_params(layer):
        cp = params["convs"][layer]
        w1, b1 = _fold_bn(cp["lin1"], cp["bn"])
        w2, b2 = _fold_bn(cp["lin2"], params["bns"][layer])
        epsp1 = (1.0 + cp["eps"]).reshape(1, 1)
        return epsp1, w1, b1.reshape(1, _D), w2, b2.reshape(1, _D)

    def vn_update(layer, pooled, vn):
        mp = params["vn_mlps"][layer]
        wv1, bv1 = _fold_bn(mp["lin1"], mp["bn1"])
        wv2, bv2 = _fold_bn(mp["lin2"], mp["bn2"])
        return vn_mlp(pooled, vn, wv1, bv1.reshape(1, _D),
                      wv2, bv2.reshape(1, _D))

    vn = jnp.broadcast_to(params["vn_emb"], (_G, _D))
    ba0 = (params["atom"]["b"] + params["vn_emb"][0]).reshape(1, _D)
    hl, r3, pooled = layer_in0(x, params["atom"]["W"], ba0, onehot)
    for layer in range(2):
        vn = vn_update(layer, pooled, vn)
        agg3, _ = edge_agg(r3.reshape(2 * _NP, _H), srcp, dstp)
        epsp1, w1, b1, w2, b2 = layer_params(layer)
        hl, r3, pooled = gin_fused(epsp1, hl, agg3, w1, b1, w2, b2,
                                   onehot, vn)
    agg3, _ = edge_agg(r3.reshape(2 * _NP, _H), srcp, dstp)
    epsp1, w1, b1, w2, b2 = layer_params(2)
    return gin_last(epsp1, hl, agg3, w1, b1, w2, b2)

# --- scband reference (transcript-rebuilt; emitter-appended) ---
"""Pipeline reference for scband-gnnwith-virtual-node-18459769438284 (READ-ONLY COPY).

The authoritative reference and input builder live on the scoring server;
editing this copy changes nothing except your own understanding.
"""

import jax, jax.numpy as jnp
import numpy as np

N = 10000
E = 160000
D = 256
L = 3
G = 64
BN_EPS = 1e-5

def _lin(p, x):
    return x @ p["W"] + p["b"]

def _bn(p, x):
    return (x - p["rm"]) / jnp.sqrt(p["rv"] + BN_EPS) * p["g"] + p["be"]

def _lin_init(key, din, dout):
    k1, k2 = jax.random.split(key)
    s = 1.0 / np.sqrt(din)
    return {"W": jax.random.uniform(k1, (din, dout), minval=-s, maxval=s, dtype=jnp.float32),
            "b": jax.random.uniform(k2, (dout,), minval=-s, maxval=s, dtype=jnp.float32)}

def _bn_init():
    return {"g": jnp.ones((D,), jnp.float32), "be": jnp.zeros((D,), jnp.float32),
            "rm": jnp.zeros((D,), jnp.float32), "rv": jnp.ones((D,), jnp.float32)}

def setup_inputs(seed: int = 0):
    key = jax.random.key(seed)
    ks = jax.random.split(key, 32)
    x = jax.random.normal(ks[0], (N, D), dtype=jnp.float32)
    edge_index = jax.random.randint(ks[1], (2, E), 0, N)
    batch = jnp.sort(jax.random.randint(ks[2], (N,), 0, G))
    convs = []
    for i in range(L):
        convs.append({"eps": jnp.zeros((), jnp.float32),
                      "lin1": _lin_init(ks[3 + i], D, D),
                      "bn": _bn_init(),
                      "lin2": _lin_init(ks[6 + i], D, D)})
    bns = [_bn_init() for _ in range(L)]
    vn_mlps = []
    for i in range(L - 1):
        vn_mlps.append({"lin1": _lin_init(ks[9 + i], D, D), "bn1": _bn_init(),
                        "lin2": _lin_init(ks[12 + i], D, D), "bn2": _bn_init()})
    params = {"atom": _lin_init(ks[15], D, D),
              "vn_emb": jnp.zeros((1, D), jnp.float32),
              "convs": convs, "bns": bns, "vn_mlps": vn_mlps}
    return {"x": x, "edge_index": edge_index, "batch": batch, "params": params}

def reference(x, edge_index, batch, params):
    # GNNWithVirtualNode (gnn_type='gin', line_graph=True, JK='last',
    # residual=False, drop_ratio=0.0, eval mode -> dropout is identity,
    # BatchNorm uses running stats).
    src = edge_index[0]
    dst = edge_index[1]
    # virtualnode_embedding lookup of index 0 for each of G graphs (init zeros)
    vn = jnp.broadcast_to(params["vn_emb"], (G, D))
    # atom_encoder (line-graph node representation, modeled as Linear)
    h_list = [_lin(params["atom"], x)]
    for layer in range(L):
        # add message from virtual node to every node of its graph
        hl = h_list[layer] + vn[batch]
        # GINConvForLineGraph: aggregate relu(x_j) over incoming edges (add)
        agg = jax.ops.segment_sum(jax.nn.relu(hl[src]), dst, num_segments=N)
        cp = params["convs"][layer]
        t = (1.0 + cp["eps"]) * hl + agg
        t = jax.nn.relu(_bn(cp["bn"], _lin(cp["lin1"], t)))
        t = _lin(cp["lin2"], t)
        # outer batch_norm
        h = _bn(params["bns"][layer], t)
        if layer < L - 1:
            h = jax.nn.relu(h)
        h_list.append(h)
        # update virtual node embedding
        if layer < L - 1:
            pooled = jax.ops.segment_sum(hl, batch, num_segments=G)
            mp = params["vn_mlps"][layer]
            vt = pooled + vn
            vt = jax.nn.relu(_bn(mp["bn1"], _lin(mp["lin1"], vt)))
            vt = jax.nn.relu(_bn(mp["bn2"], _lin(mp["lin2"], vt)))
            vn = vt
    # JK == 'last'
    return h_list[-1]

if __name__ == "__main__":
    import jax
    _d = setup_inputs()
    print(jax.jit(kernel)(*tuple(_d.values())))

</pallas_src>

<mosaic_0001>
#map = affine_map<(d0, d1) -> (0, 0)>
#map1 = affine_map<(d0, d1) -> (0, 0, 0)>
module attributes {stable_mosaic.version = 14 : i64} {
  func.func @edge_agg(%arg0: i32, %arg1: i32, %arg2: memref<20480x128xf32, #tpu.memory_space<hbm>>, %arg3: memref<16x80x128xi32, #tpu.memory_space<hbm>>, %arg4: memref<16x80x128xi32, #tpu.memory_space<hbm>>, %arg5: memref<2x10240x128xf32, #tpu.memory_space<hbm>>, %arg6: memref<2x163840x128xf32, #tpu.memory_space<hbm>>, %arg7: memref<80x128xi32, #tpu.memory_space<vmem>>, %arg8: memref<2x128x128xf32, #tpu.memory_space<vmem>>, %arg9: memref<32x128xf32, #tpu.memory_space<vmem>>, %arg10: memref<10240x128xf32, #tpu.memory_space<vmem_shared>>, %arg11: memref<!tpu.dma_semaphore, #tpu.memory_space<semaphore_mem>>, %arg12: memref<!tpu.dma_semaphore, #tpu.memory_space<semaphore_mem>>, %arg13: memref<!tpu.dma_semaphore, #tpu.memory_space<semaphore_mem>>, %arg14: memref<!tpu.dma_semaphore, #tpu.memory_space<semaphore_mem>>) attributes {dimension_semantics = [#tpu.dimension_semantics<core_parallel>, #tpu.dimension_semantics<subcore_parallel>], iteration_bounds = array<i64: 2, 16>, scalar_prefetch = 0 : i64, scratch_operands = 8 : i64, tpu.core_type = #tpu.core_type<sc_vector_subcore>, window_params = [{transform_indices = #map}, {transform_indices = #map1}, {transform_indices = #map1}, {transform_indices = #map1}, {transform_indices = #map1}]} {
    %mul3A = arith.constant 640 : i32
    %mul3A_0 = arith.muli %arg1, %mul3A : i32
    %mul3A_1 = arith.constant 10240 : i32
    %mul3A_2 = arith.muli %arg0, %mul3A_1 : i32
    %add3A = arith.addi %mul3A_2, %mul3A_0 : i32
    "tpu.region"() ({
      %run_scoped3A = tpu.sem_alloc : memref<!tpu.dma_semaphore, #tpu.memory_space<semaphore_mem>>
      %dma_start3A_264 = arith.constant 0 : i32
      %dma_start3A_265 = tpu.memref_slice %arg10[%mul3A_0, %dma_start3A_264] : memref<10240x128xf32, #tpu.memory_space<vmem_shared>> -> memref<640x128xf32, #tpu.memory_space<vmem_shared>>
      %dma_start3A_266 = arith.constant 0 : i32
      %dma_start3A_267 = tpu.memref_slice %arg2[%add3A, %dma_start3A_266] : memref<20480x128xf32, #tpu.memory_space<hbm>> -> memref<640x128xf32, #tpu.memory_space<hbm>>
      tpu.enqueue_dma source(%dma_start3A_267 : memref<640x128xf32, #tpu.memory_space<hbm>>) target(%dma_start3A_265 : memref<640x128xf32, #tpu.memory_space<vmem_shared>>) target_semaphore(%run_scoped3A : memref<!tpu.dma_semaphore, #tpu.memory_space<semaphore_mem>>)
      %dma_wait3A_268 = arith.constant 0 : i32
      %dma_wait3A_269 = tpu.memref_slice %arg10[%mul3A_0, %dma_wait3A_268] : memref<10240x128xf32, #tpu.memory_space<vmem_shared>> -> memref<640x128xf32, #tpu.memory_space<vmem_shared>>
      %dma_wait3A_270 = arith.constant 0 : i32
      %dma_wait3A_271 = tpu.memref_slice %arg2[%add3A, %dma_wait3A_270] : memref<20480x128xf32, #tpu.memory_space<hbm>> -> memref<640x128xf32, #tpu.memory_space<hbm>>
      tpu.wait_dma2 semaphore(%run_scoped3A : memref<!tpu.dma_semaphore, #tpu.memory_space<semaphore_mem>>) src(%dma_wait3A_271 : memref<640x128xf32, #tpu.memory_space<hbm>>) dst(%dma_wait3A_269 : memref<640x128xf32, #tpu.memory_space<vmem_shared>>)
      tpu.yield
    }) : () -> ()
    "tpu.region"() ({
      %run_scoped3A = tpu.sem_alloc : memref<!tpu.dma_semaphore, #tpu.memory_space<semaphore_mem>>
      %dma_start3A_264 = arith.constant 0 : i32
      %dma_start3A_265 = arith.constant 0 : i32
      %dma_start3A_266 = tpu.memref_slice %arg3[%arg1, %dma_start3A_264, %dma_start3A_265] : memref<16x80x128xi32, #tpu.memory_space<hbm>> -> memref<1x80x128xi32, #tpu.memory_space<hbm>>
      %dma_start3A_267 = tpu.memref_squeeze %dma_start3A_266 : memref<1x80x128xi32, #tpu.memory_space<hbm>> -> memref<80x128xi32, #tpu.memory_space<hbm>>
      %dma_start3A_268 = arith.constant 0 : i32
      %dma_start3A_269 = arith.constant 0 : i32
      %dma_start3A_270 = tpu.memref_slice %arg3[%arg1, %dma_start3A_268, %dma_start3A_269] : memref<16x80x128xi32, #tpu.memory_space<hbm>> -> memref<1x80x128xi32, #tpu.memory_space<hbm>>
      %dma_start3A_271 = tpu.memref_squeeze %dma_start3A_270 : memref<1x80x128xi32, #tpu.memory_space<hbm>> -> memref<80x128xi32, #tpu.memory_space<hbm>>
      tpu.enqueue_dma source(%dma_start3A_271 : memref<80x128xi32, #tpu.memory_space<hbm>>) target(%arg7 : memref<80x128xi32, #tpu.memory_space<vmem>>) target_semaphore(%run_scoped3A : memref<!tpu.dma_semaphore, #tpu.memory_space<semaphore_mem>>)
      %dma_wait3A_272 = arith.constant 0 : i32
      %dma_wait3A_273 = arith.constant 0 : i32
      %dma_wait3A_274 = tpu.memref_slice %arg3[%arg1, %dma_wait3A_272, %dma_wait3A_273] : memref<16x80x128xi32, #tpu.memory_space<hbm>> -> memref<1x80x128xi32, #tpu.memory_space<hbm>>
      %dma_wait3A_275 = tpu.memref_squeeze %dma_wait3A_274 : memref<1x80x128xi32, #tpu.memory_space<hbm>> -> memref<80x128xi32, #tpu.memory_space<hbm>>
      %dma_wait3A_276 = arith.constant 0 : i32
      %dma_wait3A_277 = arith.constant 0 : i32
      %dma_wait3A_278 = tpu.memref_slice %arg3[%arg1, %dma_wait3A_276, %dma_wait3A_277] : memref<16x80x128xi32, #tpu.memory_space<hbm>> -> memref<1x80x128xi32, #tpu.memory_space<hbm>>
      %dma_wait3A_279 = tpu.memref_squeeze %dma_wait3A_278 : memref<1x80x128xi32, #tpu.memory_space<hbm>> -> memref<80x128xi32, #tpu.memory_space<hbm>>
      tpu.wait_dma2 semaphore(%run_scoped3A : memref<!tpu.dma_semaphore, #tpu.memory_space<semaphore_mem>>) src(%dma_wait3A_279 : memref<80x128xi32, #tpu.memory_space<hbm>>) dst(%arg7 : memref<80x128xi32, #tpu.memory_space<vmem>>)
      tpu.yield
    }) : () -> ()
    %broadcast_in_dim3A = arith.constant 0.000000e+00 : f32
    %broadcast_in_dim3A_3 = vector.broadcast %broadcast_in_dim3A : f32 to vector<16xf32>
    %scan3A = arith.constant 0 : i32
    %scan3A_4 = arith.constant 0 : i32
    %scan3A_5 = arith.constant 32 : i32
    %scan3A_6 = arith.addi %scan3A_4, %scan3A_5 : i32
    %scan3A_7 = arith.constant 1 : i32
    scf.for %scan3A_264 = %scan3A_4 to %scan3A_6 step %scan3A_7  : i32 {
      %swap3A = arith.index_cast %scan3A_264 : i32 to index
      %swap3A_265 = arith.constant 0 : index
      %swap3A_266 = tpu.vector_load %arg9[%swap3A, %swap3A_265] {strides = array<i32>} : memref<32x128xf32, #tpu.memory_space<vmem>>, vector<1x16xf32>,
      %swap3A_267 = vector.shape_cast %swap3A_266 : vector<1x16xf32> to vector<16xf32>
      %swap3A_268 = vector.shape_cast %broadcast_in_dim3A_3 : vector<16xf32> to vector<1x16xf32>
      tpu.vector_store %arg9[%swap3A, %swap3A_265], %swap3A_268 {strides = array<i32>} : memref<32x128xf32, #tpu.memory_space<vmem>>, vector<1x16xf32>,
      %swap3A_269 = arith.index_cast %scan3A_264 : i32 to index
      %swap3A_270 = arith.constant 16 : index
      %swap3A_271 = tpu.vector_load %arg9[%swap3A_269, %swap3A_270] {strides = array<i32>} : memref<32x128xf32, #tpu.memory_space<vmem>>, vector<1x16xf32>,
      %swap3A_272 = vector.shape_cast %swap3A_271 : vector<1x16xf32> to vector<16xf32>
      %swap3A_273 = vector.shape_cast %broadcast_in_dim3A_3 : vector<16xf32> to vector<1x16xf32>
      tpu.vector_store %arg9[%swap3A_269, %swap3A_270], %swap3A_273 {strides = array<i32>} : memref<32x128xf32, #tpu.memory_space<vmem>>, vector<1x16xf32>,
      %swap3A_274 = arith.index_cast %scan3A_264 : i32 to index
      %swap3A_275 = arith.constant 32 : index
      %swap3A_276 = tpu.vector_load %arg9[%swap3A_274, %swap3A_275] {strides = array<i32>} : memref<32x128xf32, #tpu.memory_space<vmem>>, vector<1x16xf32>,
      %swap3A_277 = vector.shape_cast %swap3A_276 : vector<1x16xf32> to vector<16xf32>
      %swap3A_278 = vector.shape_cast %broadcast_in_dim3A_3 : vector<16xf32> to vector<1x16xf32>
      tpu.vector_store %arg9[%swap3A_274, %swap3A_275], %swap3A_278 {strides = array<i32>} : memref<32x128xf32, #tpu.memory_space<vmem>>, vector<1x16xf32>,
      %swap3A_279 = arith.index_cast %scan3A_264 : i32 to index
      %swap3A_280 = arith.constant 48 : index
      %swap3A_281 = tpu.vector_load %arg9[%swap3A_279, %swap3A_280] {strides = array<i32>} : memref<32x128xf32, #tpu.memory_space<vmem>>, vector<1x16xf32>,
      %swap3A_282 = vector.shape_cast %swap3A_281 : vector<1x16xf32> to vector<16xf32>
      %swap3A_283 = vector.shape_cast %broadcast_in_dim3A_3 : vector<16xf32> to vector<1x16xf32>
      tpu.vector_store %arg9[%swap3A_279, %swap3A_280], %swap3A_283 {strides = array<i32>} : memref<32x128xf32, #tpu.memory_space<vmem>>, vector<1x16xf32>,
      %swap3A_284 = arith.index_cast %scan3A_264 : i32 to index
      %swap3A_285 = arith.constant 64 : index
      %swap3A_286 = tpu.vector_load %arg9[%swap3A_284, %swap3A_285] {strides = array<i32>} : memref<32x128xf32, #tpu.memory_space<vmem>>, vector<1x16xf32>,
      %swap3A_287 = vector.shape_cast %swap3A_286 : vector<1x16xf32> to vector<16xf32>
      %swap3A_288 = vector.shape_cast %broadcast_in_dim3A_3 : vector<16xf32> to vector<1x16xf32>
      tpu.vector_store %arg9[%swap3A_284, %swap3A_285], %swap3A_288 {strides = array<i32>} : memref<32x128xf32, #tpu.memory_space<vmem>>, vector<1x16xf32>,
      %swap3A_289 = arith.index_cast %scan3A_264 : i32 to index
      %swap3A_290 = arith.constant 80 : index
      %swap3A_291 = tpu.vector_load %arg9[%swap3A_289, %swap3A_290] {strides = array<i32>} : memref<32x128xf32, #tpu.memory_space<vmem>>, vector<1x16xf32>,
      %swap3A_292 = vector.shape_cast %swap3A_291 : vector<1x16xf32> to vector<16xf32>
      %swap3A_293 = vector.shape_cast %broadcast_in_dim3A_3 : vector<16xf32> to vector<1x16xf32>
      tpu.vector_store %arg9[%swap3A_289, %swap3A_290], %swap3A_293 {strides = array<i32>} : memref<32x128xf32, #tpu.memory_space<vmem>>, vector<1x16xf32>,
      %swap3A_294 = arith.index_cast %scan3A_264 : i32 to index
      %swap3A_295 = arith.constant 96 : index
      %swap3A_296 = tpu.vector_load %arg9[%swap3A_294, %swap3A_295] {strides = array<i32>} : memref<32x128xf32, #tpu.memory_space<vmem>>, vector<1x16xf32>,
      %swap3A_297 = vector.shape_cast %swap3A_296 : vector<1x16xf32> to vector<16xf32>
      %swap3A_298 = vector.shape_cast %broadcast_in_dim3A_3 : vector<16xf32> to vector<1x16xf32>
      tpu.vector_store %arg9[%swap3A_294, %swap3A_295], %swap3A_298 {strides = array<i32>} : memref<32x128xf32, #tpu.memory_space<vmem>>, vector<1x16xf32>,
      %swap3A_299 = arith.index_cast %scan3A_264 : i32 to index
      %swap3A_300 = arith.constant 112 : index
      %swap3A_301 = tpu.vector_load %arg9[%swap3A_299, %swap3A_300] {strides = array<i32>} : memref<32x128xf32, #tpu.memory_space<vmem>>, vector<1x16xf32>,
      %swap3A_302 = vector.shape_cast %swap3A_301 : vector<1x16xf32> to vector<16xf32>
      %swap3A_303 = vector.shape_cast %broadcast_in_dim3A_3 : vector<16xf32> to vector<1x16xf32>
      tpu.vector_store %arg9[%swap3A_299, %swap3A_300], %swap3A_303 {strides = array<i32>} : memref<32x128xf32, #tpu.memory_space<vmem>>, vector<1x16xf32>,
    }
    %scan3A_8 = arith.constant 32 : i32
    %barrier3A = arith.constant 0 : index
    tpu.barrier barrier_id(%barrier3A)
    %mul3A_9 = arith.constant 10240 : i32
    %mul3A_10 = arith.muli %arg1, %mul3A_9 : i32
    %dma_start3A = arith.constant 0 : i32
    %dma_start3A_11 = arith.constant 0 : i32
    %dma_start3A_12 = arith.constant 0 : i32
    %dma_start3A_13 = arith.constant 0 : i32
    %dma_start3A_14 = tpu.memref_slice %arg8[%dma_start3A_11, %dma_start3A_12, %dma_start3A_13] : memref<2x128x128xf32, #tpu.memory_space<vmem>> -> memref<1x128x128xf32, #tpu.memory_space<vmem>>
    %dma_start3A_15 = tpu.memref_squeeze %dma_start3A_14 : memref<1x128x128xf32, #tpu.memory_space<vmem>> -> memref<128x128xf32, #tpu.memory_space<vmem>>
    %dma_start3A_16 = arith.constant 0 : i32
    %dma_start3A_17 = tpu.memref_slice %arg7[%dma_start3A, %dma_start3A_16] : memref<80x128xi32, #tpu.memory_space<vmem>> -> memref<1x128xi32, #tpu.memory_space<vmem>>
    %dma_start3A_18 = tpu.memref_squeeze %dma_start3A_17 : memref<1x128xi32, #tpu.memory_space<vmem>> -> memref<128xi32, #tpu.memory_space<vmem>>
    %dma_start3A_19 = arith.constant 0 : i32
    %dma_start3A_20 = arith.constant 0 : i32
    %dma_start3A_21 = tpu.memref_slice %arg10[%dma_start3A_19, %dma_start3A_20] : memref<10240x128xf32, #tpu.memory_space<vmem_shared>> -> memref<10240x128xf32, #tpu.memory_space<vmem_shared>>
    tpu.enqueue_indirect_dma source(%dma_start3A_21 : memref<10240x128xf32, #tpu.memory_space<vmem_shared>>) target(%dma_start3A_15 : memref<128x128xf32, #tpu.memory_space<vmem>>) offsets(%dma_start3A_18 : memref<128xi32, #tpu.memory_space<vmem>>) semaphore(%arg11 : memref<!tpu.dma_semaphore, #tpu.memory_space<semaphore_mem>>)
    %dma_start3A_22 = arith.constant 1 : i32
    %dma_start3A_23 = arith.constant 1 : i32
    %dma_start3A_24 = arith.constant 0 : i32
    %dma_start3A_25 = arith.constant 0 : i32
    %dma_start3A_26 = tpu.memref_slice %arg8[%dma_start3A_23, %dma_start3A_24, %dma_start3A_25] : memref<2x128x128xf32, #tpu.memory_space<vmem>> -> memref<1x128x128xf32, #tpu.memory_space<vmem>>
    %dma_start3A_27 = tpu.memref_squeeze %dma_start3A_26 : memref<1x128x128xf32, #tpu.memory_space<vmem>> -> memref<128x128xf32, #tpu.memory_space<vmem>>
    %dma_start3A_28 = arith.constant 0 : i32
    %dma_start3A_29 = tpu.memref_slice %arg7[%dma_start3A_22, %dma_start3A_28] : memref<80x128xi32, #tpu.memory_space<vmem>> -> memref<1x128xi32, #tpu.memory_space<vmem>>
    %dma_start3A_30 = tpu.memref_squeeze %dma_start3A_29 : memref<1x128xi32, #tpu.memory_space<vmem>> -> memref<128xi32, #tpu.memory_space<vmem>>
    %dma_start3A_31 = arith.constant 0 : i32
    %dma_start3A_32 = arith.constant 0 : i32
    %dma_start3A_33 = tpu.memref_slice %arg10[%dma_start3A_31, %dma_start3A_32] : memref<10240x128xf32, #tpu.memory_space<vmem_shared>> -> memref<10240x128xf32, #tpu.memory_space<vmem_shared>>
    tpu.enqueue_indirect_dma source(%dma_start3A_33 : memref<10240x128xf32, #tpu.memory_space<vmem_shared>>) target(%dma_start3A_27 : memref<128x128xf32, #tpu.memory_space<vmem>>) offsets(%dma_start3A_30 : memref<128xi32, #tpu.memory_space<vmem>>) semaphore(%arg12 : memref<!tpu.dma_semaphore, #tpu.memory_space<semaphore_mem>>)
    %dma_wait3A = arith.constant 0 : i32
    %dma_wait3A_34 = arith.constant 0 : i32
    %dma_wait3A_35 = arith.constant 0 : i32
    %dma_wait3A_36 = arith.constant 0 : i32
    %dma_wait3A_37 = tpu.memref_slice %arg8[%dma_wait3A_34, %dma_wait3A_35, %dma_wait3A_36] : memref<2x128x128xf32, #tpu.memory_space<vmem>> -> memref<1x128x128xf32, #tpu.memory_space<vmem>>
    %dma_wait3A_38 = tpu.memref_squeeze %dma_wait3A_37 : memref<1x128x128xf32, #tpu.memory_space<vmem>> -> memref<128x128xf32, #tpu.memory_space<vmem>>
    %dma_wait3A_39 = arith.constant 0 : i32
    %dma_wait3A_40 = tpu.memref_slice %arg7[%dma_wait3A, %dma_wait3A_39] : memref<80x128xi32, #tpu.memory_space<vmem>> -> memref<1x128xi32, #tpu.memory_space<vmem>>
    %dma_wait3A_41 = tpu.memref_squeeze %dma_wait3A_40 : memref<1x128xi32, #tpu.memory_space<vmem>> -> memref<128xi32, #tpu.memory_space<vmem>>
    %dma_wait3A_42 = arith.constant 0 : i32
    %dma_wait3A_43 = arith.constant 0 : i32
    %dma_wait3A_44 = tpu.memref_slice %arg10[%dma_wait3A_42, %dma_wait3A_43] : memref<10240x128xf32, #tpu.memory_space<vmem_shared>> -> memref<10240x128xf32, #tpu.memory_space<vmem_shared>>
    tpu.wait_indirect_dma semaphore(%arg11 : memref<!tpu.dma_semaphore, #tpu.memory_space<semaphore_mem>>) src(%dma_wait3A_44 : memref<10240x128xf32, #tpu.memory_space<vmem_shared>>) dst(%dma_wait3A_38 : memref<128x128xf32, #tpu.memory_space<vmem>>)
    %add3A_45 = arith.constant 0 : i32
    %add3A_46 = arith.addi %mul3A_10, %add3A_45 : i32
    %dma_start3A_47 = arith.constant 0 : i32
    %dma_start3A_48 = arith.constant 0 : i32
    %dma_start3A_49 = arith.constant 0 : i32
    %dma_start3A_50 = tpu.memref_slice %arg8[%dma_start3A_47, %dma_start3A_48, %dma_start3A_49] : memref<2x128x128xf32, #tpu.memory_space<vmem>> -> memref<1x128x128xf32, #tpu.memory_space<vmem>>
    %dma_start3A_51 = tpu.memref_squeeze %dma_start3A_50 : memref<1x128x128xf32, #tpu.memory_space<vmem>> -> memref<128x128xf32, #tpu.memory_space<vmem>>
    %dma_start3A_52 = arith.constant 0 : i32
    %dma_start3A_53 = tpu.memref_slice %arg6[%arg0, %add3A_46, %dma_start3A_52] : memref<2x163840x128xf32, #tpu.memory_space<hbm>> -> memref<1x128x128xf32, #tpu.memory_space<hbm>>
    %dma_start3A_54 = tpu.memref_squeeze %dma_start3A_53 : memref<1x128x128xf32, #tpu.memory_space<hbm>> -> memref<128x128xf32, #tpu.memory_space<hbm>>
    %dma_start3A_55 = arith.constant 0 : i32
    %dma_start3A_56 = tpu.memref_slice %arg6[%arg0, %add3A_46, %dma_start3A_55] : memref<2x163840x128xf32, #tpu.memory_space<hbm>> -> memref<1x128x128xf32, #tpu.memory_space<hbm>>
    %dma_start3A_57 = tpu.memref_squeeze %dma_start3A_56 : memref<1x128x128xf32, #tpu.memory_space<hbm>> -> memref<128x128xf32, #tpu.memory_space<hbm>>
    %dma_start3A_58 = arith.constant 0 : i32
    %dma_start3A_59 = arith.constant 0 : i32
    %dma_start3A_60 = tpu.memref_slice %arg8[%dma_start3A_47, %dma_start3A_58, %dma_start3A_59] : memref<2x128x128xf32, #tpu.memory_space<vmem>> -> memref<1x128x128xf32, #tpu.memory_space<vmem>>
    %dma_start3A_61 = tpu.memref_squeeze %dma_start3A_60 : memref<1x128x128xf32, #tpu.memory_space<vmem>> -> memref<128x128xf32, #tpu.memory_space<vmem>>
    tpu.enqueue_dma source(%dma_start3A_61 : memref<128x128xf32, #tpu.memory_space<vmem>>) target(%dma_start3A_57 : memref<128x128xf32, #tpu.memory_space<hbm>>) target_semaphore(%arg13 : memref<!tpu.dma_semaphore, #tpu.memory_space<semaphore_mem>>)
    %scan3A_62 = arith.constant 0 : i32
    %scan3A_63 = arith.constant 0 : i32
    %scan3A_64 = arith.constant 39 : i32
    %scan3A_65 = arith.addi %scan3A_63, %scan3A_64 : i32
    %scan3A_66 = arith.constant 1 : i32
    scf.for %scan3A_264 = %scan3A_63 to %scan3A_65 step %scan3A_66  : i32 {
      %mul3A_265 = arith.constant 2 : i32
      %mul3A_266 = arith.muli %mul3A_265, %scan3A_264 : i32
      %add3A_267 = arith.constant 2 : i32
      %add3A_268 = arith.addi %mul3A_266, %add3A_267 : i32
      %add3A_269 = arith.constant 0 : i32
      %add3A_270 = arith.addi %add3A_268, %add3A_269 : i32
      %sub3A = arith.constant 2 : i32
      %sub3A_271 = arith.subi %add3A_270, %sub3A : i32
      %mul3A_272 = arith.constant 128 : i32
      %mul3A_273 = arith.muli %sub3A_271, %mul3A_272 : i32
      %add3A_274 = arith.addi %mul3A_10, %mul3A_273 : i32
      %dma_wait3A_275 = arith.constant 0 : i32
      %dma_wait3A_276 = arith.constant 0 : i32
      %dma_wait3A_277 = arith.constant 0 : i32
      %dma_wait3A_278 = tpu.memref_slice %arg8[%dma_wait3A_275, %dma_wait3A_276, %dma_wait3A_277] : memref<2x128x128xf32, #tpu.memory_space<vmem>> -> memref<1x128x128xf32, #tpu.memory_space<vmem>>
      %dma_wait3A_279 = tpu.memref_squeeze %dma_wait3A_278 : memref<1x128x128xf32, #tpu.memory_space<vmem>> -> memref<128x128xf32, #tpu.memory_space<vmem>>
      %dma_wait3A_280 = arith.constant 0 : i32
      %dma_wait3A_281 = tpu.memref_slice %arg6[%arg0, %add3A_274, %dma_wait3A_280] : memref<2x163840x128xf32, #tpu.memory_space<hbm>> -> memref<1x128x128xf32, #tpu.memory_space<hbm>>
      %dma_wait3A_282 = tpu.memref_squeeze %dma_wait3A_281 : memref<1x128x128xf32, #tpu.memory_space<hbm>> -> memref<128x128xf32, #tpu.memory_space<hbm>>
      %dma_wait3A_283 = arith.constant 0 : i32
      %dma_wait3A_284 = tpu.memref_slice %arg6[%arg0, %add3A_274, %dma_wait3A_283] : memref<2x163840x128xf32, #tpu.memory_space<hbm>> -> memref<1x128x128xf32, #tpu.memory_space<hbm>>
      %dma_wait3A_285 = tpu.memref_squeeze %dma_wait3A_284 : memref<1x128x128xf32, #tpu.memory_space<hbm>> -> memref<128x128xf32, #tpu.memory_space<hbm>>
      %dma_wait3A_286 = arith.constant 0 : i32
      %dma_wait3A_287 = arith.constant 0 : i32
      %dma_wait3A_288 = tpu.memref_slice %arg8[%dma_wait3A_275, %dma_wait3A_286, %dma_wait3A_287] : memref<2x128x128xf32, #tpu.memory_space<vmem>> -> memref<1x128x128xf32, #tpu.memory_space<vmem>>
      %dma_wait3A_289 = tpu.memref_squeeze %dma_wait3A_288 : memref<1x128x128xf32, #tpu.memory_space<vmem>> -> memref<128x128xf32, #tpu.memory_space<vmem>>
      tpu.wait_dma2 semaphore(%arg13 : memref<!tpu.dma_semaphore, #tpu.memory_space<semaphore_mem>>) src(%dma_wait3A_289 : memref<128x128xf32, #tpu.memory_space<vmem>>) dst(%dma_wait3A_285 : memref<128x128xf32, #tpu.memory_space<hbm>>)
      %dma_start3A_290 = arith.constant 0 : i32
      %dma_start3A_291 = arith.constant 0 : i32
      %dma_start3A_292 = arith.constant 0 : i32
      %dma_start3A_293 = tpu.memref_slice %arg8[%dma_start3A_290, %dma_start3A_291, %dma_start3A_292] : memref<2x128x128xf32, #tpu.memory_space<vmem>> -> memref<1x128x128xf32, #tpu.memory_space<vmem>>
      %dma_start3A_294 = tpu.memref_squeeze %dma_start3A_293 : memref<1x128x128xf32, #tpu.memory_space<vmem>> -> memref<128x128xf32, #tpu.memory_space<vmem>>
      %dma_start3A_295 = arith.constant 0 : i32
      %dma_start3A_296 = tpu.memref_slice %arg7[%add3A_270, %dma_start3A_295] : memref<80x128xi32, #tpu.memory_space<vmem>> -> memref<1x128xi32, #tpu.memory_space<vmem>>
      %dma_start3A_297 = tpu.memref_squeeze %dma_start3A_296 : memref<1x128xi32, #tpu.memory_space<vmem>> -> memref<128xi32, #tpu.memory_space<vmem>>
      %dma_start3A_298 = arith.constant 0 : i32
      %dma_start3A_299 = arith.constant 0 : i32
      %dma_start3A_300 = tpu.memref_slice %arg10[%dma_start3A_298, %dma_start3A_299] : memref<10240x128xf32, #tpu.memory_space<vmem_shared>> -> memref<10240x128xf32, #tpu.memory_space<vmem_shared>>
      tpu.enqueue_indirect_dma source(%dma_start3A_300 : memref<10240x128xf32, #tpu.memory_space<vmem_shared>>) target(%dma_start3A_294 : memref<128x128xf32, #tpu.memory_space<vmem>>) offsets(%dma_start3A_297 : memref<128xi32, #tpu.memory_space<vmem>>) semaphore(%arg11 : memref<!tpu.dma_semaphore, #tpu.memory_space<semaphore_mem>>)
      %sub3A_301 = arith.constant 1 : i32
      %sub3A_302 = arith.subi %add3A_270, %sub3A_301 : i32
      %dma_wait3A_303 = arith.constant 1 : i32
      %dma_wait3A_304 = arith.constant 0 : i32
      %dma_wait3A_305 = arith.constant 0 : i32
      %dma_wait3A_306 = tpu.memref_slice %arg8[%dma_wait3A_303, %dma_wait3A_304, %dma_wait3A_305] : memref<2x128x128xf32, #tpu.memory_space<vmem>> -> memref<1x128x128xf32, #tpu.memory_space<vmem>>
      %dma_wait3A_307 = tpu.memref_squeeze %dma_wait3A_306 : memref<1x128x128xf32, #tpu.memory_space<vmem>> -> memref<128x128xf32, #tpu.memory_space<vmem>>
      %dma_wait3A_308 = arith.constant 0 : i32
      %dma_wait3A_309 = tpu.memref_slice %arg7[%sub3A_302, %dma_wait3A_308] : memref<80x128xi32, #tpu.memory_space<vmem>> -> memref<1x128xi32, #tpu.memory_space<vmem>>
      %dma_wait3A_310 = tpu.memref_squeeze %dma_wait3A_309 : memref<1x128xi32, #tpu.memory_space<vmem>> -> memref<128xi32, #tpu.memory_space<vmem>>
      %dma_wait3A_311 = arith.constant 0 : i32
      %dma_wait3A_312 = arith.constant 0 : i32
      %dma_wait3A_313 = tpu.memref_slice %arg10[%dma_wait3A_311, %dma_wait3A_312] : memref<10240x128xf32, #tpu.memory_space<vmem_shared>> -> memref<10240x128xf32, #tpu.memory_space<vmem_shared>>
      tpu.wait_indirect_dma semaphore(%arg12 : memref<!tpu.dma_semaphore, #tpu.memory_space<semaphore_mem>>) src(%dma_wait3A_313 : memref<10240x128xf32, #tpu.memory_space<vmem_shared>>) dst(%dma_wait3A_307 : memref<128x128xf32, #tpu.memory_space<vmem>>)
      %sub3A_314 = arith.constant 1 : i32
      %sub3A_315 = arith.subi %add3A_270, %sub3A_314 : i32
      %mul3A_316 = arith.constant 128 : i32
      %mul3A_317 = arith.muli %sub3A_315, %mul3A_316 : i32
      %add3A_318 = arith.addi %mul3A_10, %mul3A_317 : i32
      %dma_start3A_319 = arith.constant 1 : i32
      %dma_start3A_320 = arith.constant 0 : i32
      %dma_start3A_321 = arith.constant 0 : i32
      %dma_start3A_322 = tpu.memref_slice %arg8[%dma_start3A_319, %dma_start3A_320, %dma_start3A_321] : memref<2x128x128xf32, #tpu.memory_space<vmem>> -> memref<1x128x128xf32, #tpu.memory_space<vmem>>
      %dma_start3A_323 = tpu.memref_squeeze %dma_start3A_322 : memref<1x128x128xf32, #tpu.memory_space<vmem>> -> memref<128x128xf32, #tpu.memory_space<vmem>>
      %dma_start3A_324 = arith.constant 0 : i32
      %dma_start3A_325 = tpu.memref_slice %arg6[%arg0, %add3A_318, %dma_start3A_324] : memref<2x163840x128xf32, #tpu.memory_space<hbm>> -> memref<1x128x128xf32, #tpu.memory_space<hbm>>
      %dma_start3A_326 = tpu.memref_squeeze %dma_start3A_325 : memref<1x128x128xf32, #tpu.memory_space<hbm>> -> memref<128x128xf32, #tpu.memory_space<hbm>>
      %dma_start3A_327 = arith.constant 0 : i32
      %dma_start3A_328 = tpu.memref_slice %arg6[%arg0, %add3A_318, %dma_start3A_327] : memref<2x163840x128xf32, #tpu.memory_space<hbm>> -> memref<1x128x128xf32, #tpu.memory_space<hbm>>
      %dma_start3A_329 = tpu.memref_squeeze %dma_start3A_328 : memref<1x128x128xf32, #tpu.memory_space<hbm>> -> memref<128x128xf32, #tpu.memory_space<hbm>>
      %dma_start3A_330 = arith.constant 0 : i32
      %dma_start3A_331 = arith.constant 0 : i32
      %dma_start3A_332 = tpu.memref_slice %arg8[%dma_start3A_319, %dma_start3A_330, %dma_start3A_331] : memref<2x128x128xf32, #tpu.memory_space<vmem>> -> memref<1x128x128xf32, #tpu.memory_space<vmem>>
      %dma_start3A_333 = tpu.memref_squeeze %dma_start3A_332 : memref<1x128x128xf32, #tpu.memory_space<vmem>> -> memref<128x128xf32, #tpu.memory_space<vmem>>
      tpu.enqueue_dma source(%dma_start3A_333 : memref<128x128xf32, #tpu.memory_space<vmem>>) target(%dma_start3A_329 : memref<128x128xf32, #tpu.memory_space<hbm>>) target_semaphore(%arg14 : memref<!tpu.dma_semaphore, #tpu.memory_space<semaphore_mem>>)
      %mul3A_334 = arith.constant 2 : i32
      %mul3A_335 = arith.muli %mul3A_334, %scan3A_264 : i32
      %add3A_336 = arith.constant 2 : i32
      %add3A_337 = arith.addi %mul3A_335, %add3A_336 : i32
      %add3A_338 = arith.constant 1 : i32
      %add3A_339 = arith.addi %add3A_337, %add3A_338 : i32
      %sub3A_340 = arith.constant 2 : i32
      %sub3A_341 = arith.subi %add3A_339, %sub3A_340 : i32
      %mul3A_342 = arith.constant 128 : i32
      %mul3A_343 = arith.muli %sub3A_341, %mul3A_342 : i32
      %add3A_344 = arith.addi %mul3A_10, %mul3A_343 : i32
      %dma_wait3A_345 = arith.constant 1 : i32
      %dma_wait3A_346 = arith.constant 0 : i32
      %dma_wait3A_347 = arith.constant 0 : i32
      %dma_wait3A_348 = tpu.memref_slice %arg8[%dma_wait3A_345, %dma_wait3A_346, %dma_wait3A_347] : memref<2x128x128xf32, #tpu.memory_space<vmem>> -> memref<1x128x128xf32, #tpu.memory_space<vmem>>
      %dma_wait3A_349 = tpu.memref_squeeze %dma_wait3A_348 : memref<1x128x128xf32, #tpu.memory_space<vmem>> -> memref<128x128xf32, #tpu.memory_space<vmem>>
      %dma_wait3A_350 = arith.constant 0 : i32
      %dma_wait3A_351 = tpu.memref_slice %arg6[%arg0, %add3A_344, %dma_wait3A_350] : memref<2x163840x128xf32, #tpu.memory_space<hbm>> -> memref<1x128x128xf32, #tpu.memory_space<hbm>>
      %dma_wait3A_352 = tpu.memref_squeeze %dma_wait3A_351 : memref<1x128x128xf32, #tpu.memory_space<hbm>> -> memref<128x128xf32, #tpu.memory_space<hbm>>
      %dma_wait3A_353 = arith.constant 0 : i32
      %dma_wait3A_354 = tpu.memref_slice %arg6[%arg0, %add3A_344, %dma_wait3A_353] : memref<2x163840x128xf32, #tpu.memory_space<hbm>> -> memref<1x128x128xf32, #tpu.memory_space<hbm>>
      %dma_wait3A_355 = tpu.memref_squeeze %dma_wait3A_354 : memref<1x128x128xf32, #tpu.memory_space<hbm>> -> memref<128x128xf32, #tpu.memory_space<hbm>>
      %dma_wait3A_356 = arith.constant 0 : i32
      %dma_wait3A_357 = arith.constant 0 : i32
      %dma_wait3A_358 = tpu.memref_slice %arg8[%dma_wait3A_345, %dma_wait3A_356, %dma_wait3A_357] : memref<2x128x128xf32, #tpu.memory_space<vmem>> -> memref<1x128x128xf32, #tpu.memory_space<vmem>>
      %dma_wait3A_359 = tpu.memref_squeeze %dma_wait3A_358 : memref<1x128x128xf32, #tpu.memory_space<vmem>> -> memref<128x128xf32, #tpu.memory_space<vmem>>
      tpu.wait_dma2 semaphore(%arg14 : memref<!tpu.dma_semaphore, #tpu.memory_space<semaphore_mem>>) src(%dma_wait3A_359 : memref<128x128xf32, #tpu.memory_space<vmem>>) dst(%dma_wait3A_355 : memref<128x128xf32, #tpu.memory_space<hbm>>)
      %dma_start3A_360 = arith.constant 1 : i32
      %dma_start3A_361 = arith.constant 0 : i32
      %dma_start3A_362 = arith.constant 0 : i32
      %dma_start3A_363 = tpu.memref_slice %arg8[%dma_start3A_360, %dma_start3A_361, %dma_start3A_362] : memref<2x128x128xf32, #tpu.memory_space<vmem>> -> memref<1x128x128xf32, #tpu.memory_space<vmem>>
      %dma_start3A_364 = tpu.memref_squeeze %dma_start3A_363 : memref<1x128x128xf32, #tpu.memory_space<vmem>> -> memref<128x128xf32, #tpu.memory_space<vmem>>
      %dma_start3A_365 = arith.constant 0 : i32
      %dma_start3A_366 = tpu.memref_slice %arg7[%add3A_339, %dma_start3A_365] : memref<80x128xi32, #tpu.memory_space<vmem>> -> memref<1x128xi32, #tpu.memory_space<vmem>>
      %dma_start3A_367 = tpu.memref_squeeze %dma_start3A_366 : memref<1x128xi32, #tpu.memory_space<vmem>> -> memref<128xi32, #tpu.memory_space<vmem>>
      %dma_start3A_368 = arith.constant 0 : i32
      %dma_start3A_369 = arith.constant 0 : i32
      %dma_start3A_370 = tpu.memref_slice %arg10[%dma_start3A_368, %dma_start3A_369] : memref<10240x128xf32, #tpu.memory_space<vmem_shared>> -> memref<10240x128xf32, #tpu.memory_space<vmem_shared>>
      tpu.enqueue_indirect_dma source(%dma_start3A_370 : memref<10240x128xf32, #tpu.memory_space<vmem_shared>>) target(%dma_start3A_364 : memref<128x128xf32, #tpu.memory_space<vmem>>) offsets(%dma_start3A_367 : memref<128xi32, #tpu.memory_space<vmem>>) semaphore(%arg12 : memref<!tpu.dma_semaphore, #tpu.memory_space<semaphore_mem>>)
      %sub3A_371 = arith.constant 1 : i32
      %sub3A_372 = arith.subi %add3A_339, %sub3A_371 : i32
      %dma_wait3A_373 = arith.constant 0 : i32
      %dma_wait3A_374 = arith.constant 0 : i32
      %dma_wait3A_375 = arith.constant 0 : i32
      %dma_wait3A_376 = tpu.memref_slice %arg8[%dma_wait3A_373, %dma_wait3A_374, %dma_wait3A_375] : memref<2x128x128xf32, #tpu.memory_space<vmem>> -> memref<1x128x128xf32, #tpu.memory_space<vmem>>
      %dma_wait3A_377 = tpu.memref_squeeze %dma_wait3A_376 : memref<1x128x128xf32, #tpu.memory_space<vmem>> -> memref<128x128xf32, #tpu.memory_space<vmem>>
      %dma_wait3A_378 = arith.constant 0 : i32
      %dma_wait3A_379 = tpu.memref_slice %arg7[%sub3A_372, %dma_wait3A_378] : memref<80x128xi32, #tpu.memory_space<vmem>> -> memref<1x128xi32, #tpu.memory_space<vmem>>
      %dma_wait3A_380 = tpu.memref_squeeze %dma_wait3A_379 : memref<1x128xi32, #tpu.memory_space<vmem>> -> memref<128xi32, #tpu.memory_space<vmem>>
      %dma_wait3A_381 = arith.constant 0 : i32
      %dma_wait3A_382 = arith.constant 0 : i32
      %dma_wait3A_383 = tpu.memref_slice %arg10[%dma_wait3A_381, %dma_wait3A_382] : memref<10240x128xf32, #tpu.memory_space<vmem_shared>> -> memref<10240x128xf32, #tpu.memory_space<vmem_shared>>
      tpu.wait_indirect_dma semaphore(%arg11 : memref<!tpu.dma_semaphore, #tpu.memory_space<semaphore_mem>>) src(%dma_wait3A_383 : memref<10240x128xf32, #tpu.memory_space<vmem_shared>>) dst(%dma_wait3A_377 : memref<128x128xf32, #tpu.memory_space<vmem>>)
      %sub3A_384 = arith.constant 1 : i32
      %sub3A_385 = arith.subi %add3A_339, %sub3A_384 : i32
      %mul3A_386 = arith.constant 128 : i32
      %mul3A_387 = arith.muli %sub3A_385, %mul3A_386 : i32
      %add3A_388 = arith.addi %mul3A_10, %mul3A_387 : i32
      %dma_start3A_389 = arith.constant 0 : i32
      %dma_start3A_390 = arith.constant 0 : i32
      %dma_start3A_391 = arith.constant 0 : i32
      %dma_start3A_392 = tpu.memref_slice %arg8[%dma_start3A_389, %dma_start3A_390, %dma_start3A_391] : memref<2x128x128xf32, #tpu.memory_space<vmem>> -> memref<1x128x128xf32, #tpu.memory_space<vmem>>
      %dma_start3A_393 = tpu.memref_squeeze %dma_start3A_392 : memref<1x128x128xf32, #tpu.memory_space<vmem>> -> memref<128x128xf32, #tpu.memory_space<vmem>>
      %dma_start3A_394 = arith.constant 0 : i32
      %dma_start3A_395 = tpu.memref_slice %arg6[%arg0, %add3A_388, %dma_start3A_394] : memref<2x163840x128xf32, #tpu.memory_space<hbm>> -> memref<1x128x128xf32, #tpu.memory_space<hbm>>
      %dma_start3A_396 = tpu.memref_squeeze %dma_start3A_395 : memref<1x128x128xf32, #tpu.memory_space<hbm>> -> memref<128x128xf32, #tpu.memory_space<hbm>>
      %dma_start3A_397 = arith.constant 0 : i32
      %dma_start3A_398 = tpu.memref_slice %arg6[%arg0, %add3A_388, %dma_start3A_397] : memref<2x163840x128xf32, #tpu.memory_space<hbm>> -> memref<1x128x128xf32, #tpu.memory_space<hbm>>
      %dma_start3A_399 = tpu.memref_squeeze %dma_start3A_398 : memref<1x128x128xf32, #tpu.memory_space<hbm>> -> memref<128x128xf32, #tpu.memory_space<hbm>>
      %dma_start3A_400 = arith.constant 0 : i32
      %dma_start3A_401 = arith.constant 0 : i32
      %dma_start3A_402 = tpu.memref_slice %arg8[%dma_start3A_389, %dma_start3A_400, %dma_start3A_401] : memref<2x128x128xf32, #tpu.memory_space<vmem>> -> memref<1x128x128xf32, #tpu.memory_space<vmem>>
      %dma_start3A_403 = tpu.memref_squeeze %dma_start3A_402 : memref<1x128x128xf32, #tpu.memory_space<vmem>> -> memref<128x128xf32, #tpu.memory_space<vmem>>
      tpu.enqueue_dma source(%dma_start3A_403 : memref<128x128xf32, #tpu.memory_space<vmem>>) target(%dma_start3A_399 : memref<128x128xf32, #tpu.memory_space<hbm>>) target_semaphore(%arg13 : memref<!tpu.dma_semaphore, #tpu.memory_space<semaphore_mem>>)
    }
    %scan3A_67 = arith.constant 39 : i32
    %dma_wait3A_68 = arith.constant 79 : i32
    %dma_wait3A_69 = arith.constant 1 : i32
    %dma_wait3A_70 = arith.constant 0 : i32
    %dma_wait3A_71 = arith.constant 0 : i32
    %dma_wait3A_72 = tpu.memref_slice %arg8[%dma_wait3A_69, %dma_wait3A_70, %dma_wait3A_71] : memref<2x128x128xf32, #tpu.memory_space<vmem>> -> memref<1x128x128xf32, #tpu.memory_space<vmem>>
    %dma_wait3A_73 = tpu.memref_squeeze %dma_wait3A_72 : memref<1x128x128xf32, #tpu.memory_space<vmem>> -> memref<128x128xf32, #tpu.memory_space<vmem>>
    %dma_wait3A_74 = arith.constant 0 : i32
    %dma_wait3A_75 = tpu.memref_slice %arg7[%dma_wait3A_68, %dma_wait3A_74] : memref<80x128xi32, #tpu.memory_space<vmem>> -> memref<1x128xi32, #tpu.memory_space<vmem>>
    %dma_wait3A_76 = tpu.memref_squeeze %dma_wait3A_75 : memref<1x128xi32, #tpu.memory_space<vmem>> -> memref<128xi32, #tpu.memory_space<vmem>>
    %dma_wait3A_77 = arith.constant 0 : i32
    %dma_wait3A_78 = arith.constant 0 : i32
    %dma_wait3A_79 = tpu.memref_slice %arg10[%dma_wait3A_77, %dma_wait3A_78] : memref<10240x128xf32, #tpu.memory_space<vmem_shared>> -> memref<10240x128xf32, #tpu.memory_space<vmem_shared>>
    tpu.wait_indirect_dma semaphore(%arg12 : memref<!tpu.dma_semaphore, #tpu.memory_space<semaphore_mem>>) src(%dma_wait3A_79 : memref<10240x128xf32, #tpu.memory_space<vmem_shared>>) dst(%dma_wait3A_73 : memref<128x128xf32, #tpu.memory_space<vmem>>)
    %add3A_80 = arith.constant 10112 : i32
    %add3A_81 = arith.addi %mul3A_10, %add3A_80 : i32
    %dma_start3A_82 = arith.constant 1 : i32
    %dma_start3A_83 = arith.constant 0 : i32
    %dma_start3A_84 = arith.constant 0 : i32
    %dma_start3A_85 = tpu.memref_slice %arg8[%dma_start3A_82, %dma_start3A_83, %dma_start3A_84] : memref<2x128x128xf32, #tpu.memory_space<vmem>> -> memref<1x128x128xf32, #tpu.memory_space<vmem>>
    %dma_start3A_86 = tpu.memref_squeeze %dma_start3A_85 : memref<1x128x128xf32, #tpu.memory_space<vmem>> -> memref<128x128xf32, #tpu.memory_space<vmem>>
    %dma_start3A_87 = arith.constant 0 : i32
    %dma_start3A_88 = tpu.memref_slice %arg6[%arg0, %add3A_81, %dma_start3A_87] : memref<2x163840x128xf32, #tpu.memory_space<hbm>> -> memref<1x128x128xf32, #tpu.memory_space<hbm>>
    %dma_start3A_89 = tpu.memref_squeeze %dma_start3A_88 : memref<1x128x128xf32, #tpu.memory_space<hbm>> -> memref<128x128xf32, #tpu.memory_space<hbm>>
    %dma_start3A_90 = arith.constant 0 : i32
    %dma_start3A_91 = tpu.memref_slice %arg6[%arg0, %add3A_81, %dma_start3A_90] : memref<2x163840x128xf32, #tpu.memory_space<hbm>> -> memref<1x128x128xf32, #tpu.memory_space<hbm>>
    %dma_start3A_92 = tpu.memref_squeeze %dma_start3A_91 : memref<1x128x128xf32, #tpu.memory_space<hbm>> -> memref<128x128xf32, #tpu.memory_space<hbm>>
    %dma_start3A_93 = arith.constant 0 : i32
    %dma_start3A_94 = arith.constant 0 : i32
    %dma_start3A_95 = tpu.memref_slice %arg8[%dma_start3A_82, %dma_start3A_93, %dma_start3A_94] : memref<2x128x128xf32, #tpu.memory_space<vmem>> -> memref<1x128x128xf32, #tpu.memory_space<vmem>>
    %dma_start3A_96 = tpu.memref_squeeze %dma_start3A_95 : memref<1x128x128xf32, #tpu.memory_space<vmem>> -> memref<128x128xf32, #tpu.memory_space<vmem>>
    tpu.enqueue_dma source(%dma_start3A_96 : memref<128x128xf32, #tpu.memory_space<vmem>>) target(%dma_start3A_92 : memref<128x128xf32, #tpu.memory_space<hbm>>) target_semaphore(%arg14 : memref<!tpu.dma_semaphore, #tpu.memory_space<semaphore_mem>>)
    %add3A_97 = arith.constant 9984 : i32
    %add3A_98 = arith.addi %mul3A_10, %add3A_97 : i32
    %dma_wait3A_99 = arith.constant 0 : i32
    %dma_wait3A_100 = arith.constant 0 : i32
    %dma_wait3A_101 = arith.constant 0 : i32
    %dma_wait3A_102 = tpu.memref_slice %arg8[%dma_wait3A_99, %dma_wait3A_100, %dma_wait3A_101] : memref<2x128x128xf32, #tpu.memory_space<vmem>> -> memref<1x128x128xf32, #tpu.memory_space<vmem>>
    %dma_wait3A_103 = tpu.memref_squeeze %dma_wait3A_102 : memref<1x128x128xf32, #tpu.memory_space<vmem>> -> memref<128x128xf32, #tpu.memory_space<vmem>>
    %dma_wait3A_104 = arith.constant 0 : i32
    %dma_wait3A_105 = tpu.memref_slice %arg6[%arg0, %add3A_98, %dma_wait3A_104] : memref<2x163840x128xf32, #tpu.memory_space<hbm>> -> memref<1x128x128xf32, #tpu.memory_space<hbm>>
    %dma_wait3A_106 = tpu.memref_squeeze %dma_wait3A_105 : memref<1x128x128xf32, #tpu.memory_space<hbm>> -> memref<128x128xf32, #tpu.memory_space<hbm>>
    %dma_wait3A_107 = arith.constant 0 : i32
    %dma_wait3A_108 = tpu.memref_slice %arg6[%arg0, %add3A_98, %dma_wait3A_107] : memref<2x163840x128xf32, #tpu.memory_space<hbm>> -> memref<1x128x128xf32, #tpu.memory_space<hbm>>
    %dma_wait3A_109 = tpu.memref_squeeze %dma_wait3A_108 : memref<1x128x128xf32, #tpu.memory_space<hbm>> -> memref<128x128xf32, #tpu.memory_space<hbm>>
    %dma_wait3A_110 = arith.constant 0 : i32
    %dma_wait3A_111 = arith.constant 0 : i32
    %dma_wait3A_112 = tpu.memref_slice %arg8[%dma_wait3A_99, %dma_wait3A_110, %dma_wait3A_111] : memref<2x128x128xf32, #tpu.memory_space<vmem>> -> memref<1x128x128xf32, #tpu.memory_space<vmem>>
    %dma_wait3A_113 = tpu.memref_squeeze %dma_wait3A_112 : memref<1x128x128xf32, #tpu.memory_space<vmem>> -> memref<128x128xf32, #tpu.memory_space<vmem>>
    tpu.wait_dma2 semaphore(%arg13 : memref<!tpu.dma_semaphore, #tpu.memory_space<semaphore_mem>>) src(%dma_wait3A_113 : memref<128x128xf32, #tpu.memory_space<vmem>>) dst(%dma_wait3A_109 : memref<128x128xf32, #tpu.memory_space<hbm>>)
    %add3A_114 = arith.constant 10112 : i32
    %add3A_115 = arith.addi %mul3A_10, %add3A_114 : i32
    %dma_wait3A_116 = arith.constant 1 : i32
    %dma_wait3A_117 = arith.constant 0 : i32
    %dma_wait3A_118 = arith.constant 0 : i32
    %dma_wait3A_119 = tpu.memref_slice %arg8[%dma_wait3A_116, %dma_wait3A_117, %dma_wait3A_118] : memref<2x128x128xf32, #tpu.memory_space<vmem>> -> memref<1x128x128xf32, #tpu.memory_space<vmem>>
    %dma_wait3A_120 = tpu.memref_squeeze %dma_wait3A_119 : memref<1x128x128xf32, #tpu.memory_space<vmem>> -> memref<128x128xf32, #tpu.memory_space<vmem>>
    %dma_wait3A_121 = arith.constant 0 : i32
    %dma_wait3A_122 = tpu.memref_slice %arg6[%arg0, %add3A_115, %dma_wait3A_121] : memref<2x163840x128xf32, #tpu.memory_space<hbm>> -> memref<1x128x128xf32, #tpu.memory_space<hbm>>
    %dma_wait3A_123 = tpu.memref_squeeze %dma_wait3A_122 : memref<1x128x128xf32, #tpu.memory_space<hbm>> -> memref<128x128xf32, #tpu.memory_space<hbm>>
    %dma_wait3A_124 = arith.constant 0 : i32
    %dma_wait3A_125 = tpu.memref_slice %arg6[%arg0, %add3A_115, %dma_wait3A_124] : memref<2x163840x128xf32, #tpu.memory_space<hbm>> -> memref<1x128x128xf32, #tpu.memory_space<hbm>>
    %dma_wait3A_126 = tpu.memref_squeeze %dma_wait3A_125 : memref<1x128x128xf32, #tpu.memory_space<hbm>> -> memref<128x128xf32, #tpu.memory_space<hbm>>
    %dma_wait3A_127 = arith.constant 0 : i32
    %dma_wait3A_128 = arith.constant 0 : i32
    %dma_wait3A_129 = tpu.memref_slice %arg8[%dma_wait3A_116, %dma_wait3A_127, %dma_wait3A_128] : memref<2x128x128xf32, #tpu.memory_space<vmem>> -> memref<1x128x128xf32, #tpu.memory_space<vmem>>
    %dma_wait3A_130 = tpu.memref_squeeze %dma_wait3A_129 : memref<1x128x128xf32, #tpu.memory_space<vmem>> -> memref<128x128xf32, #tpu.memory_space<vmem>>
    tpu.wait_dma2 semaphore(%arg14 : memref<!tpu.dma_semaphore, #tpu.memory_space<semaphore_mem>>) src(%dma_wait3A_130 : memref<128x128xf32, #tpu.memory_space<vmem>>) dst(%dma_wait3A_126 : memref<128x128xf32, #tpu.memory_space<hbm>>)
    %barrier3A_131 = arith.constant 0 : index
    tpu.barrier barrier_id(%barrier3A_131)
    %mul3A_132 = arith.constant 640 : i32
    %mul3A_133 = arith.muli %arg1, %mul3A_132 : i32
    %scan3A_134 = arith.constant 0 : i32
    %scan3A_135 = arith.constant 0 : i32
    %scan3A_136 = arith.constant 20 : i32
    %scan3A_137 = arith.addi %scan3A_135, %scan3A_136 : i32
    %scan3A_138 = arith.constant 1 : i32
    scf.for %scan3A_264 = %scan3A_135 to %scan3A_137 step %scan3A_138  : i32 {
      %mul3A_265 = arith.constant 32 : i32
      %mul3A_266 = arith.muli %scan3A_264, %mul3A_265 : i32
      %add3A_267 = arith.addi %mul3A_133, %mul3A_266 : i32
      "tpu.region"() ({
        %run_scoped3A = tpu.sem_alloc : memref<!tpu.dma_semaphore, #tpu.memory_space<semaphore_mem>>
        %dma_start3A_268 = arith.constant 0 : i32
        %dma_start3A_269 = tpu.memref_slice %arg10[%add3A_267, %dma_start3A_268] : memref<10240x128xf32, #tpu.memory_space<vmem_shared>> -> memref<32x128xf32, #tpu.memory_space<vmem_shared>>
        %dma_start3A_270 = arith.constant 0 : i32
        %dma_start3A_271 = tpu.memref_slice %arg10[%add3A_267, %dma_start3A_270] : memref<10240x128xf32, #tpu.memory_space<vmem_shared>> -> memref<32x128xf32, #tpu.memory_space<vmem_shared>>
        tpu.enqueue_dma source(%arg9 : memref<32x128xf32, #tpu.memory_space<vmem>>) target(%dma_start3A_271 : memref<32x128xf32, #tpu.memory_space<vmem_shared>>) target_semaphore(%run_scoped3A : memref<!tpu.dma_semaphore, #tpu.memory_space<semaphore_mem>>)
        %dma_wait3A_272 = arith.constant 0 : i32
        %dma_wait3A_273 = tpu.memref_slice %arg10[%add3A_267, %dma_wait3A_272] : memref<10240x128xf32, #tpu.memory_space<vmem_shared>> -> memref<32x128xf32, #tpu.memory_space<vmem_shared>>
        %dma_wait3A_274 = arith.constant 0 : i32
        %dma_wait3A_275 = tpu.memref_slice %arg10[%add3A_267, %dma_wait3A_274] : memref<10240x128xf32, #tpu.memory_space<vmem_shared>> -> memref<32x128xf32, #tpu.memory_space<vmem_shared>>
        tpu.wait_dma2 semaphore(%run_scoped3A : memref<!tpu.dma_semaphore, #tpu.memory_space<semaphore_mem>>) src(%arg9 : memref<32x128xf32, #tpu.memory_space<vmem>>) dst(%dma_wait3A_275 : memref<32x128xf32, #tpu.memory_space<vmem_shared>>)
        tpu.yield
      }) : () -> ()
    }
    %scan3A_139 = arith.constant 20 : i32
    "tpu.region"() ({
      %run_scoped3A = tpu.sem_alloc : memref<!tpu.dma_semaphore, #tpu.memory_space<semaphore_mem>>
      %dma_start3A_264 = arith.constant 0 : i32
      %dma_start3A_265 = arith.constant 0 : i32
      %dma_start3A_266 = tpu.memref_slice %arg4[%arg1, %dma_start3A_264, %dma_start3A_265] : memref<16x80x128xi32, #tpu.memory_space<hbm>> -> memref<1x80x128xi32, #tpu.memory_space<hbm>>
      %dma_start3A_267 = tpu.memref_squeeze %dma_start3A_266 : memref<1x80x128xi32, #tpu.memory_space<hbm>> -> memref<80x128xi32, #tpu.memory_space<hbm>>
      %dma_start3A_268 = arith.constant 0 : i32
      %dma_start3A_269 = arith.constant 0 : i32
      %dma_start3A_270 = tpu.memref_slice %arg4[%arg1, %dma_start3A_268, %dma_start3A_269] : memref<16x80x128xi32, #tpu.memory_space<hbm>> -> memref<1x80x128xi32, #tpu.memory_space<hbm>>
      %dma_start3A_271 = tpu.memref_squeeze %dma_start3A_270 : memref<1x80x128xi32, #tpu.memory_space<hbm>> -> memref<80x128xi32, #tpu.memory_space<hbm>>
      tpu.enqueue_dma source(%dma_start3A_271 : memref<80x128xi32, #tpu.memory_space<hbm>>) target(%arg7 : memref<80x128xi32, #tpu.memory_space<vmem>>) target_semaphore(%run_scoped3A : memref<!tpu.dma_semaphore, #tpu.memory_space<semaphore_mem>>)
      %dma_wait3A_272 = arith.constant 0 : i32
      %dma_wait3A_273 = arith.constant 0 : i32
      %dma_wait3A_274 = tpu.memref_slice %arg4[%arg1, %dma_wait3A_272, %dma_wait3A_273] : memref<16x80x128xi32, #tpu.memory_space<hbm>> -> memref<1x80x128xi32, #tpu.memory_space<hbm>>
      %dma_wait3A_275 = tpu.memref_squeeze %dma_wait3A_274 : memref<1x80x128xi32, #tpu.memory_space<hbm>> -> memref<80x128xi32, #tpu.memory_space<hbm>>
      %dma_wait3A_276 = arith.constant 0 : i32
      %dma_wait3A_277 = arith.constant 0 : i32
      %dma_wait3A_278 = tpu.memref_slice %arg4[%arg1, %dma_wait3A_276, %dma_wait3A_277] : memref<16x80x128xi32, #tpu.memory_space<hbm>> -> memref<1x80x128xi32, #tpu.memory_space<hbm>>
      %dma_wait3A_279 = tpu.memref_squeeze %dma_wait3A_278 : memref<1x80x128xi32, #tpu.memory_space<hbm>> -> memref<80x128xi32, #tpu.memory_space<hbm>>
      tpu.wait_dma2 semaphore(%run_scoped3A : memref<!tpu.dma_semaphore, #tpu.memory_space<semaphore_mem>>) src(%dma_wait3A_279 : memref<80x128xi32, #tpu.memory_space<hbm>>) dst(%arg7 : memref<80x128xi32, #tpu.memory_space<vmem>>)
      tpu.yield
    }) : () -> ()
    %barrier3A_140 = arith.constant 0 : index
    tpu.barrier barrier_id(%barrier3A_140)
    %add3A_141 = arith.constant 0 : i32
    %add3A_142 = arith.addi %mul3A_10, %add3A_141 : i32
    %dma_start3A_143 = arith.constant 0 : i32
    %dma_start3A_144 = arith.constant 0 : i32
    %dma_start3A_145 = arith.constant 0 : i32
    %dma_start3A_146 = tpu.memref_slice %arg8[%dma_start3A_143, %dma_start3A_144, %dma_start3A_145] : memref<2x128x128xf32, #tpu.memory_space<vmem>> -> memref<1x128x128xf32, #tpu.memory_space<vmem>>
    %dma_start3A_147 = tpu.memref_squeeze %dma_start3A_146 : memref<1x128x128xf32, #tpu.memory_space<vmem>> -> memref<128x128xf32, #tpu.memory_space<vmem>>
    %dma_start3A_148 = arith.constant 0 : i32
    %dma_start3A_149 = tpu.memref_slice %arg6[%arg0, %add3A_142, %dma_start3A_148] : memref<2x163840x128xf32, #tpu.memory_space<hbm>> -> memref<1x128x128xf32, #tpu.memory_space<hbm>>
    %dma_start3A_150 = tpu.memref_squeeze %dma_start3A_149 : memref<1x128x128xf32, #tpu.memory_space<hbm>> -> memref<128x128xf32, #tpu.memory_space<hbm>>
    %dma_start3A_151 = arith.constant 0 : i32
    %dma_start3A_152 = arith.constant 0 : i32
    %dma_start3A_153 = tpu.memref_slice %arg8[%dma_start3A_143, %dma_start3A_151, %dma_start3A_152] : memref<2x128x128xf32, #tpu.memory_space<vmem>> -> memref<1x128x128xf32, #tpu.memory_space<vmem>>
    %dma_start3A_154 = tpu.memref_squeeze %dma_start3A_153 : memref<1x128x128xf32, #tpu.memory_space<vmem>> -> memref<128x128xf32, #tpu.memory_space<vmem>>
    %dma_start3A_155 = arith.constant 0 : i32
    %dma_start3A_156 = tpu.memref_slice %arg6[%arg0, %add3A_142, %dma_start3A_155] : memref<2x163840x128xf32, #tpu.memory_space<hbm>> -> memref<1x128x128xf32, #tpu.memory_space<hbm>>
    %dma_start3A_157 = tpu.memref_squeeze %dma_start3A_156 : memref<1x128x128xf32, #tpu.memory_space<hbm>> -> memref<128x128xf32, #tpu.memory_space<hbm>>
    tpu.enqueue_dma source(%dma_start3A_157 : memref<128x128xf32, #tpu.memory_space<hbm>>) target(%dma_start3A_154 : memref<128x128xf32, #tpu.memory_space<vmem>>) target_semaphore(%arg13 : memref<!tpu.dma_semaphore, #tpu.memory_space<semaphore_mem>>)
    %add3A_158 = arith.constant 128 : i32
    %add3A_159 = arith.addi %mul3A_10, %add3A_158 : i32
    %dma_start3A_160 = arith.constant 1 : i32
    %dma_start3A_161 = arith.constant 0 : i32
    %dma_start3A_162 = arith.constant 0 : i32
    %dma_start3A_163 = tpu.memref_slice %arg8[%dma_start3A_160, %dma_start3A_161, %dma_start3A_162] : memref<2x128x128xf32, #tpu.memory_space<vmem>> -> memref<1x128x128xf32, #tpu.memory_space<vmem>>
    %dma_start3A_164 = tpu.memref_squeeze %dma_start3A_163 : memref<1x128x128xf32, #tpu.memory_space<vmem>> -> memref<128x128xf32, #tpu.memory_space<vmem>>
    %dma_start3A_165 = arith.constant 0 : i32
    %dma_start3A_166 = tpu.memref_slice %arg6[%arg0, %add3A_159, %dma_start3A_165] : memref<2x163840x128xf32, #tpu.memory_space<hbm>> -> memref<1x128x128xf32, #tpu.memory_space<hbm>>
    %dma_start3A_167 = tpu.memref_squeeze %dma_start3A_166 : memref<1x128x128xf32, #tpu.memory_space<hbm>> -> memref<128x128xf32, #tpu.memory_space<hbm>>
    %dma_start3A_168 = arith.constant 0 : i32
    %dma_start3A_169 = arith.constant 0 : i32
    %dma_start3A_170 = tpu.memref_slice %arg8[%dma_start3A_160, %dma_start3A_168, %dma_start3A_169] : memref<2x128x128xf32, #tpu.memory_space<vmem>> -> memref<1x128x128xf32, #tpu.memory_space<vmem>>
    %dma_start3A_171 = tpu.memref_squeeze %dma_start3A_170 : memref<1x128x128xf32, #tpu.memory_space<vmem>> -> memref<128x128xf32, #tpu.memory_space<vmem>>
    %dma_start3A_172 = arith.constant 0 : i32
    %dma_start3A_173 = tpu.memref_slice %arg6[%arg0, %add3A_159, %dma_start3A_172] : memref<2x163840x128xf32, #tpu.memory_space<hbm>> -> memref<1x128x128xf32, #tpu.memory_space<hbm>>
    %dma_start3A_174 = tpu.memref_squeeze %dma_start3A_173 : memref<1x128x128xf32, #tpu.memory_space<hbm>> -> memref<128x128xf32, #tpu.memory_space<hbm>>
    tpu.enqueue_dma source(%dma_start3A_174 : memref<128x128xf32, #tpu.memory_space<hbm>>) target(%dma_start3A_171 : memref<128x128xf32, #tpu.memory_space<vmem>>) target_semaphore(%arg14 : memref<!tpu.dma_semaphore, #tpu.memory_space<semaphore_mem>>)
    %add3A_175 = arith.constant 0 : i32
    %add3A_176 = arith.addi %mul3A_10, %add3A_175 : i32
    %dma_wait3A_177 = arith.constant 0 : i32
    %dma_wait3A_178 = arith.constant 0 : i32
    %dma_wait3A_179 = arith.constant 0 : i32
    %dma_wait3A_180 = tpu.memref_slice %arg8[%dma_wait3A_177, %dma_wait3A_178, %dma_wait3A_179] : memref<2x128x128xf32, #tpu.memory_space<vmem>> -> memref<1x128x128xf32, #tpu.memory_space<vmem>>
    %dma_wait3A_181 = tpu.memref_squeeze %dma_wait3A_180 : memref<1x128x128xf32, #tpu.memory_space<vmem>> -> memref<128x128xf32, #tpu.memory_space<vmem>>
    %dma_wait3A_182 = arith.constant 0 : i32
    %dma_wait3A_183 = tpu.memref_slice %arg6[%arg0, %add3A_176, %dma_wait3A_182] : memref<2x163840x128xf32, #tpu.memory_space<hbm>> -> memref<1x128x128xf32, #tpu.memory_space<hbm>>
    %dma_wait3A_184 = tpu.memref_squeeze %dma_wait3A_183 : memref<1x128x128xf32, #tpu.memory_space<hbm>> -> memref<128x128xf32, #tpu.memory_space<hbm>>
    %dma_wait3A_185 = arith.constant 0 : i32
    %dma_wait3A_186 = arith.constant 0 : i32
    %dma_wait3A_187 = tpu.memref_slice %arg8[%dma_wait3A_177, %dma_wait3A_185, %dma_wait3A_186] : memref<2x128x128xf32, #tpu.memory_space<vmem>> -> memref<1x128x128xf32, #tpu.memory_space<vmem>>
    %dma_wait3A_188 = tpu.memref_squeeze %dma_wait3A_187 : memref<1x128x128xf32, #tpu.memory_space<vmem>> -> memref<128x128xf32, #tpu.memory_space<vmem>>
    %dma_wait3A_189 = arith.constant 0 : i32
    %dma_wait3A_190 = tpu.memref_slice %arg6[%arg0, %add3A_176, %dma_wait3A_189] : memref<2x163840x128xf32, #tpu.memory_space<hbm>> -> memref<1x128x128xf32, #tpu.memory_space<hbm>>
    %dma_wait3A_191 = tpu.memref_squeeze %dma_wait3A_190 : memref<1x128x128xf32, #tpu.memory_space<hbm>> -> memref<128x128xf32, #tpu.memory_space<hbm>>
    tpu.wait_dma2 semaphore(%arg13 : memref<!tpu.dma_semaphore, #tpu.memory_space<semaphore_mem>>) src(%dma_wait3A_191 : memref<128x128xf32, #tpu.memory_space<hbm>>) dst(%dma_wait3A_188 : memref<128x128xf32, #tpu.memory_space<vmem>>)
    %dma_start3A_192 = arith.constant 0 : i32
    %dma_start3A_193 = arith.constant 0 : i32
    %dma_start3A_194 = arith.constant 0 : i32
    %dma_start3A_195 = arith.constant 0 : i32
    %dma_start3A_196 = tpu.memref_slice %arg8[%dma_start3A_192, %dma_start3A_194, %dma_start3A_195] : memref<2x128x128xf32, #tpu.memory_space<vmem>> -> memref<1x128x128xf32, #tpu.memory_space<vmem>>
    %dma_start3A_197 = tpu.memref_squeeze %dma_start3A_196 : memref<1x128x128xf32, #tpu.memory_space<vmem>> -> memref<128x128xf32, #tpu.memory_space<vmem>>
    %dma_start3A_198 = arith.constant 0 : i32
    %dma_start3A_199 = tpu.memref_slice %arg7[%dma_start3A_193, %dma_start3A_198] : memref<80x128xi32, #tpu.memory_space<vmem>> -> memref<1x128xi32, #tpu.memory_space<vmem>>
    %dma_start3A_200 = tpu.memref_squeeze %dma_start3A_199 : memref<1x128xi32, #tpu.memory_space<vmem>> -> memref<128xi32, #tpu.memory_space<vmem>>
    %dma_start3A_201 = arith.constant 0 : i32
    %dma_start3A_202 = arith.constant 0 : i32
    %dma_start3A_203 = tpu.memref_slice %arg10[%dma_start3A_201, %dma_start3A_202] : memref<10240x128xf32, #tpu.memory_space<vmem_shared>> -> memref<10240x128xf32, #tpu.memory_space<vmem_shared>>
    tpu.enqueue_indirect_dma source(%dma_start3A_197 : memref<128x128xf32, #tpu.memory_space<vmem>>) target(%dma_start3A_203 : memref<10240x128xf32, #tpu.memory_space<vmem_shared>>) offsets(%dma_start3A_200 : memref<128xi32, #tpu.memory_space<vmem>>) semaphore(%arg11 : memref<!tpu.dma_semaphore, #tpu.memory_space<semaphore_mem>>) {add = true}
    %scan3A_204 = arith.constant 0 : i32
    %scan3A_205 = arith.constant 0 : i32
    %scan3A_206 = arith.constant 39 : i32
    %scan3A_207 = arith.addi %scan3A_205, %scan3A_206 : i32
    %scan3A_208 = arith.constant 1 : i32
    scf.for %scan3A_264 = %scan3A_205 to %scan3A_207 step %scan3A_208  : i32 {
      %mul3A_265 = arith.constant 2 : i32
      %mul3A_266 = arith.muli %mul3A_265, %scan3A_264 : i32
      %add3A_267 = arith.constant 2 : i32
      %add3A_268 = arith.addi %mul3A_266, %add3A_267 : i32
      %add3A_269 = arith.constant 0 : i32
      %add3A_270 = arith.addi %add3A_268, %add3A_269 : i32
      %sub3A = arith.constant 2 : i32
      %sub3A_271 = arith.subi %add3A_270, %sub3A : i32
      %dma_wait3A_272 = arith.constant 0 : i32
      %dma_wait3A_273 = arith.constant 0 : i32
      %dma_wait3A_274 = arith.constant 0 : i32
      %dma_wait3A_275 = tpu.memref_slice %arg8[%dma_wait3A_272, %dma_wait3A_273, %dma_wait3A_274] : memref<2x128x128xf32, #tpu.memory_space<vmem>> -> memref<1x128x128xf32, #tpu.memory_space<vmem>>
      %dma_wait3A_276 = tpu.memref_squeeze %dma_wait3A_275 : memref<1x128x128xf32, #tpu.memory_space<vmem>> -> memref<128x128xf32, #tpu.memory_space<vmem>>
      %dma_wait3A_277 = arith.constant 0 : i32
      %dma_wait3A_278 = tpu.memref_slice %arg7[%sub3A_271, %dma_wait3A_277] : memref<80x128xi32, #tpu.memory_space<vmem>> -> memref<1x128xi32, #tpu.memory_space<vmem>>
      %dma_wait3A_279 = tpu.memref_squeeze %dma_wait3A_278 : memref<1x128xi32, #tpu.memory_space<vmem>> -> memref<128xi32, #tpu.memory_space<vmem>>
      %dma_wait3A_280 = arith.constant 0 : i32
      %dma_wait3A_281 = arith.constant 0 : i32
      %dma_wait3A_282 = tpu.memref_slice %arg10[%dma_wait3A_280, %dma_wait3A_281] : memref<10240x128xf32, #tpu.memory_space<vmem_shared>> -> memref<10240x128xf32, #tpu.memory_space<vmem_shared>>
      tpu.wait_indirect_dma semaphore(%arg11 : memref<!tpu.dma_semaphore, #tpu.memory_space<semaphore_mem>>) src(%dma_wait3A_276 : memref<128x128xf32, #tpu.memory_space<vmem>>) dst(%dma_wait3A_282 : memref<10240x128xf32, #tpu.memory_space<vmem_shared>>)
      %mul3A_283 = arith.constant 128 : i32
      %mul3A_284 = arith.muli %add3A_270, %mul3A_283 : i32
      %add3A_285 = arith.addi %mul3A_10, %mul3A_284 : i32
      %dma_start3A_286 = arith.constant 0 : i32
      %dma_start3A_287 = arith.constant 0 : i32
      %dma_start3A_288 = arith.constant 0 : i32
      %dma_start3A_289 = tpu.memref_slice %arg8[%dma_start3A_286, %dma_start3A_287, %dma_start3A_288] : memref<2x128x128xf32, #tpu.memory_space<vmem>> -> memref<1x128x128xf32, #tpu.memory_space<vmem>>
      %dma_start3A_290 = tpu.memref_squeeze %dma_start3A_289 : memref<1x128x128xf32, #tpu.memory_space<vmem>> -> memref<128x128xf32, #tpu.memory_space<vmem>>
      %dma_start3A_291 = arith.constant 0 : i32
      %dma_start3A_292 = tpu.memref_slice %arg6[%arg0, %add3A_285, %dma_start3A_291] : memref<2x163840x128xf32, #tpu.memory_space<hbm>> -> memref<1x128x128xf32, #tpu.memory_space<hbm>>
      %dma_start3A_293 = tpu.memref_squeeze %dma_start3A_292 : memref<1x128x128xf32, #tpu.memory_space<hbm>> -> memref<128x128xf32, #tpu.memory_space<hbm>>
      %dma_start3A_294 = arith.constant 0 : i32
      %dma_start3A_295 = arith.constant 0 : i32
      %dma_start3A_296 = tpu.memref_slice %arg8[%dma_start3A_286, %dma_start3A_294, %dma_start3A_295] : memref<2x128x128xf32, #tpu.memory_space<vmem>> -> memref<1x128x128xf32, #tpu.memory_space<vmem>>
      %dma_start3A_297 = tpu.memref_squeeze %dma_start3A_296 : memref<1x128x128xf32, #tpu.memory_space<vmem>> -> memref<128x128xf32, #tpu.memory_space<vmem>>
      %dma_start3A_298 = arith.constant 0 : i32
      %dma_start3A_299 = tpu.memref_slice %arg6[%arg0, %add3A_285, %dma_start3A_298] : memref<2x163840x128xf32, #tpu.memory_space<hbm>> -> memref<1x128x128xf32, #tpu.memory_space<hbm>>
      %dma_start3A_300 = tpu.memref_squeeze %dma_start3A_299 : memref<1x128x128xf32, #tpu.memory_space<hbm>> -> memref<128x128xf32, #tpu.memory_space<hbm>>
      tpu.enqueue_dma source(%dma_start3A_300 : memref<128x128xf32, #tpu.memory_space<hbm>>) target(%dma_start3A_297 : memref<128x128xf32, #tpu.memory_space<vmem>>) target_semaphore(%arg13 : memref<!tpu.dma_semaphore, #tpu.memory_space<semaphore_mem>>)
      %sub3A_301 = arith.constant 1 : i32
      %sub3A_302 = arith.subi %add3A_270, %sub3A_301 : i32
      %mul3A_303 = arith.constant 128 : i32
      %mul3A_304 = arith.muli %sub3A_302, %mul3A_303 : i32
      %add3A_305 = arith.addi %mul3A_10, %mul3A_304 : i32
      %dma_wait3A_306 = arith.constant 1 : i32
      %dma_wait3A_307 = arith.constant 0 : i32
      %dma_wait3A_308 = arith.constant 0 : i32
      %dma_wait3A_309 = tpu.memref_slice %arg8[%dma_wait3A_306, %dma_wait3A_307, %dma_wait3A_308] : memref<2x128x128xf32, #tpu.memory_space<vmem>> -> memref<1x128x128xf32, #tpu.memory_space<vmem>>
      %dma_wait3A_310 = tpu.memref_squeeze %dma_wait3A_309 : memref<1x128x128xf32, #tpu.memory_space<vmem>> -> memref<128x128xf32, #tpu.memory_space<vmem>>
      %dma_wait3A_311 = arith.constant 0 : i32
      %dma_wait3A_312 = tpu.memref_slice %arg6[%arg0, %add3A_305, %dma_wait3A_311] : memref<2x163840x128xf32, #tpu.memory_space<hbm>> -> memref<1x128x128xf32, #tpu.memory_space<hbm>>
      %dma_wait3A_313 = tpu.memref_squeeze %dma_wait3A_312 : memref<1x128x128xf32, #tpu.memory_space<hbm>> -> memref<128x128xf32, #tpu.memory_space<hbm>>
      %dma_wait3A_314 = arith.constant 0 : i32
      %dma_wait3A_315 = arith.constant 0 : i32
      %dma_wait3A_316 = tpu.memref_slice %arg8[%dma_wait3A_306, %dma_wait3A_314, %dma_wait3A_315] : memref<2x128x128xf32, #tpu.memory_space<vmem>> -> memref<1x128x128xf32, #tpu.memory_space<vmem>>
      %dma_wait3A_317 = tpu.memref_squeeze %dma_wait3A_316 : memref<1x128x128xf32, #tpu.memory_space<vmem>> -> memref<128x128xf32, #tpu.memory_space<vmem>>
      %dma_wait3A_318 = arith.constant 0 : i32
      %dma_wait3A_319 = tpu.memref_slice %arg6[%arg0, %add3A_305, %dma_wait3A_318] : memref<2x163840x128xf32, #tpu.memory_space<hbm>> -> memref<1x128x128xf32, #tpu.memory_space<hbm>>
      %dma_wait3A_320 = tpu.memref_squeeze %dma_wait3A_319 : memref<1x128x128xf32, #tpu.memory_space<hbm>> -> memref<128x128xf32, #tpu.memory_space<hbm>>
      tpu.wait_dma2 semaphore(%arg14 : memref<!tpu.dma_semaphore, #tpu.memory_space<semaphore_mem>>) src(%dma_wait3A_320 : memref<128x128xf32, #tpu.memory_space<hbm>>) dst(%dma_wait3A_317 : memref<128x128xf32, #tpu.memory_space<vmem>>)
      %sub3A_321 = arith.constant 1 : i32
      %sub3A_322 = arith.subi %add3A_270, %sub3A_321 : i32
      %dma_start3A_323 = arith.constant 1 : i32
      %dma_start3A_324 = arith.constant 0 : i32
      %dma_start3A_325 = arith.constant 0 : i32
      %dma_start3A_326 = tpu.memref_slice %arg8[%dma_start3A_323, %dma_start3A_324, %dma_start3A_325] : memref<2x128x128xf32, #tpu.memory_space<vmem>> -> memref<1x128x128xf32, #tpu.memory_space<vmem>>
      %dma_start3A_327 = tpu.memref_squeeze %dma_start3A_326 : memref<1x128x128xf32, #tpu.memory_space<vmem>> -> memref<128x128xf32, #tpu.memory_space<vmem>>
      %dma_start3A_328 = arith.constant 0 : i32
      %dma_start3A_329 = tpu.memref_slice %arg7[%sub3A_322, %dma_start3A_328] : memref<80x128xi32, #tpu.memory_space<vmem>> -> memref<1x128xi32, #tpu.memory_space<vmem>>
      %dma_start3A_330 = tpu.memref_squeeze %dma_start3A_329 : memref<1x128xi32, #tpu.memory_space<vmem>> -> memref<128xi32, #tpu.memory_space<vmem>>
      %dma_start3A_331 = arith.constant 0 : i32
      %dma_start3A_332 = arith.constant 0 : i32
      %dma_start3A_333 = tpu.memref_slice %arg10[%dma_start3A_331, %dma_start3A_332] : memref<10240x128xf32, #tpu.memory_space<vmem_shared>> -> memref<10240x128xf32, #tpu.memory_space<vmem_shared>>
      tpu.enqueue_indirect_dma source(%dma_start3A_327 : memref<128x128xf32, #tpu.memory_space<vmem>>) target(%dma_start3A_333 : memref<10240x128xf32, #tpu.memory_space<vmem_shared>>) offsets(%dma_start3A_330 : memref<128xi32, #tpu.memory_space<vmem>>) semaphore(%arg12 : memref<!tpu.dma_semaphore, #tpu.memory_space<semaphore_mem>>) {add = true}
      %mul3A_334 = arith.constant 2 : i32
      %mul3A_335 = arith.muli %mul3A_334, %scan3A_264 : i32
      %add3A_336 = arith.constant 2 : i32
      %add3A_337 = arith.addi %mul3A_335, %add3A_336 : i32
      %add3A_338 = arith.constant 1 : i32
      %add3A_339 = arith.addi %add3A_337, %add3A_338 : i32
      %sub3A_340 = arith.constant 2 : i32
      %sub3A_341 = arith.subi %add3A_339, %sub3A_340 : i32
      %dma_wait3A_342 = arith.constant 1 : i32
      %dma_wait3A_343 = arith.constant 0 : i32
      %dma_wait3A_344 = arith.constant 0 : i32
      %dma_wait3A_345 = tpu.memref_slice %arg8[%dma_wait3A_342, %dma_wait3A_343, %dma_wait3A_344] : memref<2x128x128xf32, #tpu.memory_space<vmem>> -> memref<1x128x128xf32, #tpu.memory_space<vmem>>
      %dma_wait3A_346 = tpu.memref_squeeze %dma_wait3A_345 : memref<1x128x128xf32, #tpu.memory_space<vmem>> -> memref<128x128xf32, #tpu.memory_space<vmem>>
      %dma_wait3A_347 = arith.constant 0 : i32
      %dma_wait3A_348 = tpu.memref_slice %arg7[%sub3A_341, %dma_wait3A_347] : memref<80x128xi32, #tpu.memory_space<vmem>> -> memref<1x128xi32, #tpu.memory_space<vmem>>
      %dma_wait3A_349 = tpu.memref_squeeze %dma_wait3A_348 : memref<1x128xi32, #tpu.memory_space<vmem>> -> memref<128xi32, #tpu.memory_space<vmem>>
      %dma_wait3A_350 = arith.constant 0 : i32
      %dma_wait3A_351 = arith.constant 0 : i32
      %dma_wait3A_352 = tpu.memref_slice %arg10[%dma_wait3A_350, %dma_wait3A_351] : memref<10240x128xf32, #tpu.memory_space<vmem_shared>> -> memref<10240x128xf32, #tpu.memory_space<vmem_shared>>
      tpu.wait_indirect_dma semaphore(%arg12 : memref<!tpu.dma_semaphore, #tpu.memory_space<semaphore_mem>>) src(%dma_wait3A_346 : memref<128x128xf32, #tpu.memory_space<vmem>>) dst(%dma_wait3A_352 : memref<10240x128xf32, #tpu.memory_space<vmem_shared>>)
      %mul3A_353 = arith.constant 128 : i32
      %mul3A_354 = arith.muli %add3A_339, %mul3A_353 : i32
      %add3A_355 = arith.addi %mul3A_10, %mul3A_354 : i32
      %dma_start3A_356 = arith.constant 1 : i32
      %dma_start3A_357 = arith.constant 0 : i32
      %dma_start3A_358 = arith.constant 0 : i32
      %dma_start3A_359 = tpu.memref_slice %arg8[%dma_start3A_356, %dma_start3A_357, %dma_start3A_358] : memref<2x128x128xf32, #tpu.memory_space<vmem>> -> memref<1x128x128xf32, #tpu.memory_space<vmem>>
      %dma_start3A_360 = tpu.memref_squeeze %dma_start3A_359 : memref<1x128x128xf32, #tpu.memory_space<vmem>> -> memref<128x128xf32, #tpu.memory_space<vmem>>
      %dma_start3A_361 = arith.constant 0 : i32
      %dma_start3A_362 = tpu.memref_slice %arg6[%arg0, %add3A_355, %dma_start3A_361] : memref<2x163840x128xf32, #tpu.memory_space<hbm>> -> memref<1x128x128xf32, #tpu.memory_space<hbm>>
      %dma_start3A_363 = tpu.memref_squeeze %dma_start3A_362 : memref<1x128x128xf32, #tpu.memory_space<hbm>> -> memref<128x128xf32, #tpu.memory_space<hbm>>
      %dma_start3A_364 = arith.constant 0 : i32
      %dma_start3A_365 = arith.constant 0 : i32
      %dma_start3A_366 = tpu.memref_slice %arg8[%dma_start3A_356, %dma_start3A_364, %dma_start3A_365] : memref<2x128x128xf32, #tpu.memory_space<vmem>> -> memref<1x128x128xf32, #tpu.memory_space<vmem>>
      %dma_start3A_367 = tpu.memref_squeeze %dma_start3A_366 : memref<1x128x128xf32, #tpu.memory_space<vmem>> -> memref<128x128xf32, #tpu.memory_space<vmem>>
      %dma_start3A_368 = arith.constant 0 : i32
      %dma_start3A_369 = tpu.memref_slice %arg6[%arg0, %add3A_355, %dma_start3A_368] : memref<2x163840x128xf32, #tpu.memory_space<hbm>> -> memref<1x128x128xf32, #tpu.memory_space<hbm>>
      %dma_start3A_370 = tpu.memref_squeeze %dma_start3A_369 : memref<1x128x128xf32, #tpu.memory_space<hbm>> -> memref<128x128xf32, #tpu.memory_space<hbm>>
      tpu.enqueue_dma source(%dma_start3A_370 : memref<128x128xf32, #tpu.memory_space<hbm>>) target(%dma_start3A_367 : memref<128x128xf32, #tpu.memory_space<vmem>>) target_semaphore(%arg14 : memref<!tpu.dma_semaphore, #tpu.memory_space<semaphore_mem>>)
      %sub3A_371 = arith.constant 1 : i32
      %sub3A_372 = arith.subi %add3A_339, %sub3A_371 : i32
      %mul3A_373 = arith.constant 128 : i32
      %mul3A_374 = arith.muli %sub3A_372, %mul3A_373 : i32
      %add3A_375 = arith.addi %mul3A_10, %mul3A_374 : i32
      %dma_wait3A_376 = arith.constant 0 : i32
      %dma_wait3A_377 = arith.constant 0 : i32
      %dma_wait3A_378 = arith.constant 0 : i32
      %dma_wait3A_379 = tpu.memref_slice %arg8[%dma_wait3A_376, %dma_wait3A_377, %dma_wait3A_378] : memref<2x128x128xf32, #tpu.memory_space<vmem>> -> memref<1x128x128xf32, #tpu.memory_space<vmem>>
      %dma_wait3A_380 = tpu.memref_squeeze %dma_wait3A_379 : memref<1x128x128xf32, #tpu.memory_space<vmem>> -> memref<128x128xf32, #tpu.memory_space<vmem>>
      %dma_wait3A_381 = arith.constant 0 : i32
      %dma_wait3A_382 = tpu.memref_slice %arg6[%arg0, %add3A_375, %dma_wait3A_381] : memref<2x163840x128xf32, #tpu.memory_space<hbm>> -> memref<1x128x128xf32, #tpu.memory_space<hbm>>
      %dma_wait3A_383 = tpu.memref_squeeze %dma_wait3A_382 : memref<1x128x128xf32, #tpu.memory_space<hbm>> -> memref<128x128xf32, #tpu.memory_space<hbm>>
      %dma_wait3A_384 = arith.constant 0 : i32
      %dma_wait3A_385 = arith.constant 0 : i32
      %dma_wait3A_386 = tpu.memref_slice %arg8[%dma_wait3A_376, %dma_wait3A_384, %dma_wait3A_385] : memref<2x128x128xf32, #tpu.memory_space<vmem>> -> memref<1x128x128xf32, #tpu.memory_space<vmem>>
      %dma_wait3A_387 = tpu.memref_squeeze %dma_wait3A_386 : memref<1x128x128xf32, #tpu.memory_space<vmem>> -> memref<128x128xf32, #tpu.memory_space<vmem>>
      %dma_wait3A_388 = arith.constant 0 : i32
      %dma_wait3A_389 = tpu.memref_slice %arg6[%arg0, %add3A_375, %dma_wait3A_388] : memref<2x163840x128xf32, #tpu.memory_space<hbm>> -> memref<1x128x128xf32, #tpu.memory_space<hbm>>
      %dma_wait3A_390 = tpu.memref_squeeze %dma_wait3A_389 : memref<1x128x128xf32, #tpu.memory_space<hbm>> -> memref<128x128xf32, #tpu.memory_space<hbm>>
      tpu.wait_dma2 semaphore(%arg13 : memref<!tpu.dma_semaphore, #tpu.memory_space<semaphore_mem>>) src(%dma_wait3A_390 : memref<128x128xf32, #tpu.memory_space<hbm>>) dst(%dma_wait3A_387 : memref<128x128xf32, #tpu.memory_space<vmem>>)
      %sub3A_391 = arith.constant 1 : i32
      %sub3A_392 = arith.subi %add3A_339, %sub3A_391 : i32
      %dma_start3A_393 = arith.constant 0 : i32
      %dma_start3A_394 = arith.constant 0 : i32
      %dma_start3A_395 = arith.constant 0 : i32
      %dma_start3A_396 = tpu.memref_slice %arg8[%dma_start3A_393, %dma_start3A_394, %dma_start3A_395] : memref<2x128x128xf32, #tpu.memory_space<vmem>> -> memref<1x128x128xf32, #tpu.memory_space<vmem>>
      %dma_start3A_397 = tpu.memref_squeeze %dma_start3A_396 : memref<1x128x128xf32, #tpu.memory_space<vmem>> -> memref<128x128xf32, #tpu.memory_space<vmem>>
      %dma_start3A_398 = arith.constant 0 : i32
      %dma_start3A_399 = tpu.memref_slice %arg7[%sub3A_392, %dma_start3A_398] : memref<80x128xi32, #tpu.memory_space<vmem>> -> memref<1x128xi32, #tpu.memory_space<vmem>>
      %dma_start3A_400 = tpu.memref_squeeze %dma_start3A_399 : memref<1x128xi32, #tpu.memory_space<vmem>> -> memref<128xi32, #tpu.memory_space<vmem>>
      %dma_start3A_401 = arith.constant 0 : i32
      %dma_start3A_402 = arith.constant 0 : i32
      %dma_start3A_403 = tpu.memref_slice %arg10[%dma_start3A_401, %dma_start3A_402] : memref<10240x128xf32, #tpu.memory_space<vmem_shared>> -> memref<10240x128xf32, #tpu.memory_space<vmem_shared>>
      tpu.enqueue_indirect_dma source(%dma_start3A_397 : memref<128x128xf32, #tpu.memory_space<vmem>>) target(%dma_start3A_403 : memref<10240x128xf32, #tpu.memory_space<vmem_shared>>) offsets(%dma_start3A_400 : memref<128xi32, #tpu.memory_space<vmem>>) semaphore(%arg11 : memref<!tpu.dma_semaphore, #tpu.memory_space<semaphore_mem>>) {add = true}
    }
    %scan3A_209 = arith.constant 39 : i32
    %add3A_210 = arith.constant 10112 : i32
    %add3A_211 = arith.addi %mul3A_10, %add3A_210 : i32
    %dma_wait3A_212 = arith.constant 1 : i32
    %dma_wait3A_213 = arith.constant 0 : i32
    %dma_wait3A_214 = arith.constant 0 : i32
    %dma_wait3A_215 = tpu.memref_slice %arg8[%dma_wait3A_212, %dma_wait3A_213, %dma_wait3A_214] : memref<2x128x128xf32, #tpu.memory_space<vmem>> -> memref<1x128x128xf32, #tpu.memory_space<vmem>>
    %dma_wait3A_216 = tpu.memref_squeeze %dma_wait3A_215 : memref<1x128x128xf32, #tpu.memory_space<vmem>> -> memref<128x128xf32, #tpu.memory_space<vmem>>
    %dma_wait3A_217 = arith.constant 0 : i32
    %dma_wait3A_218 = tpu.memref_slice %arg6[%arg0, %add3A_211, %dma_wait3A_217] : memref<2x163840x128xf32, #tpu.memory_space<hbm>> -> memref<1x128x128xf32, #tpu.memory_space<hbm>>
    %dma_wait3A_219 = tpu.memref_squeeze %dma_wait3A_218 : memref<1x128x128xf32, #tpu.memory_space<hbm>> -> memref<128x128xf32, #tpu.memory_space<hbm>>
    %dma_wait3A_220 = arith.constant 0 : i32
    %dma_wait3A_221 = arith.constant 0 : i32
    %dma_wait3A_222 = tpu.memref_slice %arg8[%dma_wait3A_212, %dma_wait3A_220, %dma_wait3A_221] : memref<2x128x128xf32, #tpu.memory_space<vmem>> -> memref<1x128x128xf32, #tpu.memory_space<vmem>>
    %dma_wait3A_223 = tpu.memref_squeeze %dma_wait3A_222 : memref<1x128x128xf32, #tpu.memory_space<vmem>> -> memref<128x128xf32, #tpu.memory_space<vmem>>
    %dma_wait3A_224 = arith.constant 0 : i32
    %dma_wait3A_225 = tpu.memref_slice %arg6[%arg0, %add3A_211, %dma_wait3A_224] : memref<2x163840x128xf32, #tpu.memory_space<hbm>> -> memref<1x128x128xf32, #tpu.memory_space<hbm>>
    %dma_wait3A_226 = tpu.memref_squeeze %dma_wait3A_225 : memref<1x128x128xf32, #tpu.memory_space<hbm>> -> memref<128x128xf32, #tpu.memory_space<hbm>>
    tpu.wait_dma2 semaphore(%arg14 : memref<!tpu.dma_semaphore, #tpu.memory_space<semaphore_mem>>) src(%dma_wait3A_226 : memref<128x128xf32, #tpu.memory_space<hbm>>) dst(%dma_wait3A_223 : memref<128x128xf32, #tpu.memory_space<vmem>>)
    %dma_start3A_227 = arith.constant 1 : i32
    %dma_start3A_228 = arith.constant 79 : i32
    %dma_start3A_229 = arith.constant 0 : i32
    %dma_start3A_230 = arith.constant 0 : i32
    %dma_start3A_231 = tpu.memref_slice %arg8[%dma_start3A_227, %dma_start3A_229, %dma_start3A_230] : memref<2x128x128xf32, #tpu.memory_space<vmem>> -> memref<1x128x128xf32, #tpu.memory_space<vmem>>
    %dma_start3A_232 = tpu.memref_squeeze %dma_start3A_231 : memref<1x128x128xf32, #tpu.memory_space<vmem>> -> memref<128x128xf32, #tpu.memory_space<vmem>>
    %dma_start3A_233 = arith.constant 0 : i32
    %dma_start3A_234 = tpu.memref_slice %arg7[%dma_start3A_228, %dma_start3A_233] : memref<80x128xi32, #tpu.memory_space<vmem>> -> memref<1x128xi32, #tpu.memory_space<vmem>>
    %dma_start3A_235 = tpu.memref_squeeze %dma_start3A_234 : memref<1x128xi32, #tpu.memory_space<vmem>> -> memref<128xi32, #tpu.memory_space<vmem>>
    %dma_start3A_236 = arith.constant 0 : i32
    %dma_start3A_237 = arith.constant 0 : i32
    %dma_start3A_238 = tpu.memref_slice %arg10[%dma_start3A_236, %dma_start3A_237] : memref<10240x128xf32, #tpu.memory_space<vmem_shared>> -> memref<10240x128xf32, #tpu.memory_space<vmem_shared>>
    tpu.enqueue_indirect_dma source(%dma_start3A_232 : memref<128x128xf32, #tpu.memory_space<vmem>>) target(%dma_start3A_238 : memref<10240x128xf32, #tpu.memory_space<vmem_shared>>) offsets(%dma_start3A_235 : memref<128xi32, #tpu.memory_space<vmem>>) semaphore(%arg12 : memref<!tpu.dma_semaphore, #tpu.memory_space<semaphore_mem>>) {add = true}
    %dma_wait3A_239 = arith.constant 0 : i32
    %dma_wait3A_240 = arith.constant 78 : i32
    %dma_wait3A_241 = arith.constant 0 : i32
    %dma_wait3A_242 = arith.constant 0 : i32
    %dma_wait3A_243 = tpu.memref_slice %arg8[%dma_wait3A_239, %dma_wait3A_241, %dma_wait3A_242] : memref<2x128x128xf32, #tpu.memory_space<vmem>> -> memref<1x128x128xf32, #tpu.memory_space<vmem>>
    %dma_wait3A_244 = tpu.memref_squeeze %dma_wait3A_243 : memref<1x128x128xf32, #tpu.memory_space<vmem>> -> memref<128x128xf32, #tpu.memory_space<vmem>>
    %dma_wait3A_245 = arith.constant 0 : i32
    %dma_wait3A_246 = tpu.memref_slice %arg7[%dma_wait3A_240, %dma_wait3A_245] : memref<80x128xi32, #tpu.memory_space<vmem>> -> memref<1x128xi32, #tpu.memory_space<vmem>>
    %dma_wait3A_247 = tpu.memref_squeeze %dma_wait3A_246 : memref<1x128xi32, #tpu.memory_space<vmem>> -> memref<128xi32, #tpu.memory_space<vmem>>
    %dma_wait3A_248 = arith.constant 0 : i32
    %dma_wait3A_249 = arith.constant 0 : i32
    %dma_wait3A_250 = tpu.memref_slice %arg10[%dma_wait3A_248, %dma_wait3A_249] : memref<10240x128xf32, #tpu.memory_space<vmem_shared>> -> memref<10240x128xf32, #tpu.memory_space<vmem_shared>>
    tpu.wait_indirect_dma semaphore(%arg11 : memref<!tpu.dma_semaphore, #tpu.memory_space<semaphore_mem>>) src(%dma_wait3A_244 : memref<128x128xf32, #tpu.memory_space<vmem>>) dst(%dma_wait3A_250 : memref<10240x128xf32, #tpu.memory_space<vmem_shared>>)
    %dma_wait3A_251 = arith.constant 1 : i32
    %dma_wait3A_252 = arith.constant 79 : i32
    %dma_wait3A_253 = arith.constant 0 : i32
    %dma_wait3A_254 = arith.constant 0 : i32
    %dma_wait3A_255 = tpu.memref_slice %arg8[%dma_wait3A_251, %dma_wait3A_253, %dma_wait3A_254] : memref<2x128x128xf32, #tpu.memory_space<vmem>> -> memref<1x128x128xf32, #tpu.memory_space<vmem>>
    %dma_wait3A_256 = tpu.memref_squeeze %dma_wait3A_255 : memref<1x128x128xf32, #tpu.memory_space<vmem>> -> memref<128x128xf32, #tpu.memory_space<vmem>>
    %dma_wait3A_257 = arith.constant 0 : i32
    %dma_wait3A_258 = tpu.memref_slice %arg7[%dma_wait3A_252, %dma_wait3A_257] : memref<80x128xi32, #tpu.memory_space<vmem>> -> memref<1x128xi32, #tpu.memory_space<vmem>>
    %dma_wait3A_259 = tpu.memref_squeeze %dma_wait3A_258 : memref<1x128xi32, #tpu.memory_space<vmem>> -> memref<128xi32, #tpu.memory_space<vmem>>
    %dma_wait3A_260 = arith.constant 0 : i32
    %dma_wait3A_261 = arith.constant 0 : i32
    %dma_wait3A_262 = tpu.memref_slice %arg10[%dma_wait3A_260, %dma_wait3A_261] : memref<10240x128xf32, #tpu.memory_space<vmem_shared>> -> memref<10240x128xf32, #tpu.memory_space<vmem_shared>>
    tpu.wait_indirect_dma semaphore(%arg12 : memref<!tpu.dma_semaphore, #tpu.memory_space<semaphore_mem>>) src(%dma_wait3A_256 : memref<128x128xf32, #tpu.memory_space<vmem>>) dst(%dma_wait3A_262 : memref<10240x128xf32, #tpu.memory_space<vmem_shared>>)
    %barrier3A_263 = arith.constant 0 : index
    tpu.barrier barrier_id(%barrier3A_263)
    "tpu.region"() ({
      %run_scoped3A = tpu.sem_alloc : memref<!tpu.dma_semaphore, #tpu.memory_space<semaphore_mem>>
      %dma_start3A_264 = arith.constant 0 : i32
      %dma_start3A_265 = tpu.memref_slice %arg5[%arg0, %mul3A_133, %dma_start3A_264] : memref<2x10240x128xf32, #tpu.memory_space<hbm>> -> memref<1x640x128xf32, #tpu.memory_space<hbm>>
      %dma_start3A_266 = tpu.memref_squeeze %dma_start3A_265 : memref<1x640x128xf32, #tpu.memory_space<hbm>> -> memref<640x128xf32, #tpu.memory_space<hbm>>
      %dma_start3A_267 = arith.constant 0 : i32
      %dma_start3A_268 = tpu.memref_slice %arg10[%mul3A_133, %dma_start3A_267] : memref<10240x128xf32, #tpu.memory_space<vmem_shared>> -> memref<640x128xf32, #tpu.memory_space<vmem_shared>>
      tpu.enqueue_dma source(%dma_start3A_268 : memref<640x128xf32, #tpu.memory_space<vmem_shared>>) target(%dma_start3A_266 : memref<640x128xf32, #tpu.memory_space<hbm>>) target_semaphore(%run_scoped3A : memref<!tpu.dma_semaphore, #tpu.memory_space<semaphore_mem>>)
      %dma_wait3A_269 = arith.constant 0 : i32
      %dma_wait3A_270 = tpu.memref_slice %arg5[%arg0, %mul3A_133, %dma_wait3A_269] : memref<2x10240x128xf32, #tpu.memory_space<hbm>> -> memref<1x640x128xf32, #tpu.memory_space<hbm>>
      %dma_wait3A_271 = tpu.memref_squeeze %dma_wait3A_270 : memref<1x640x128xf32, #tpu.memory_space<hbm>> -> memref<640x128xf32, #tpu.memory_space<hbm>>
      %dma_wait3A_272 = arith.constant 0 : i32
      %dma_wait3A_273 = tpu.memref_slice %arg10[%mul3A_133, %dma_wait3A_272] : memref<10240x128xf32, #tpu.memory_space<vmem_shared>> -> memref<640x128xf32, #tpu.memory_space<vmem_shared>>
      tpu.wait_dma2 semaphore(%run_scoped3A : memref<!tpu.dma_semaphore, #tpu.memory_space<semaphore_mem>>) src(%dma_wait3A_273 : memref<640x128xf32, #tpu.memory_space<vmem_shared>>) dst(%dma_wait3A_271 : memref<640x128xf32, #tpu.memory_space<hbm>>)
      tpu.yield
    }) : () -> ()
    return
  }
}

#map = affine_map<(d0, d1) -> (0, 0)>
#map1 = affine_map<(d0, d1) -> (0, 0, 0)>
module attributes {stable_mosaic.version = 14 : i64} {
  func.func @edge_agg(%arg0: i32, %arg1: i32, %arg2: memref<20480x128xf32, #tpu.memory_space<hbm>>, %arg3: memref<16x80x128xi32, #tpu.memory_space<hbm>>, %arg4: memref<16x80x128xi32, #tpu.memory_space<hbm>>, %arg5: memref<2x10240x128xf32, #tpu.memory_space<hbm>>, %arg6: memref<2x163840x128xf32, #tpu.memory_space<hbm>>, %arg7: memref<80x128xi32, #tpu.memory_space<vmem>>, %arg8: memref<2x128x128xf32, #tpu.memory_space<vmem>>, %arg9: memref<32x128xf32, #tpu.memory_space<vmem>>, %arg10: memref<10240x128xf32, #tpu.memory_space<vmem_shared>>, %arg11: memref<!tpu.dma_semaphore, #tpu.memory_space<semaphore_mem>>, %arg12: memref<!tpu.dma_semaphore, #tpu.memory_space<semaphore_mem>>, %arg13: memref<!tpu.dma_semaphore, #tpu.memory_space<semaphore_mem>>, %arg14: memref<!tpu.dma_semaphore, #tpu.memory_space<semaphore_mem>>) attributes {dimension_semantics = [#tpu.dimension_semantics<core_parallel>, #tpu.dimension_semantics<subcore_parallel>], iteration_bounds = array<i64: 2, 16>, scalar_prefetch = 0 : i64, scratch_operands = 8 : i64, tpu.core_type = #tpu.core_type<sc_vector_subcore>, window_params = [{transform_indices = #map}, {transform_indices = #map1}, {transform_indices = #map1}, {transform_indices = #map1}, {transform_indices = #map1}]} {
    %mul3A = arith.constant 640 : i32
    %mul3A_0 = arith.muli %arg1, %mul3A : i32
    %mul3A_1 = arith.constant 10240 : i32
    %mul3A_2 = arith.muli %arg0, %mul3A_1 : i32
    %add3A = arith.addi %mul3A_2, %mul3A_0 : i32
    "tpu.region"() ({
      %run_scoped3A = tpu.sem_alloc : memref<!tpu.dma_semaphore, #tpu.memory_space<semaphore_mem>>
      %dma_start3A_264 = arith.constant 0 : i32
      %dma_start3A_265 = tpu.memref_slice %arg10[%mul3A_0, %dma_start3A_264] : memref<10240x128xf32, #tpu.memory_space<vmem_shared>> -> memref<640x128xf32, #tpu.memory_space<vmem_shared>>
      %dma_start3A_266 = arith.constant 0 : i32
      %dma_start3A_267 = tpu.memref_slice %arg2[%add3A, %dma_start3A_266] : memref<20480x128xf32, #tpu.memory_space<hbm>> -> memref<640x128xf32, #tpu.memory_space<hbm>>
      tpu.enqueue_dma source(%dma_start3A_267 : memref<640x128xf32, #tpu.memory_space<hbm>>) target(%dma_start3A_265 : memref<640x128xf32, #tpu.memory_space<vmem_shared>>) target_semaphore(%run_scoped3A : memref<!tpu.dma_semaphore, #tpu.memory_space<semaphore_mem>>)
      %dma_wait3A_268 = arith.constant 0 : i32
      %dma_wait3A_269 = tpu.memref_slice %arg10[%mul3A_0, %dma_wait3A_268] : memref<10240x128xf32, #tpu.memory_space<vmem_shared>> -> memref<640x128xf32, #tpu.memory_space<vmem_shared>>
      %dma_wait3A_270 = arith.constant 0 : i32
      %dma_wait3A_271 = tpu.memref_slice %arg2[%add3A, %dma_wait3A_270] : memref<20480x128xf32, #tpu.memory_space<hbm>> -> memref<640x128xf32, #tpu.memory_space<hbm>>
      tpu.wait_dma2 semaphore(%run_scoped3A : memref<!tpu.dma_semaphore, #tpu.memory_space<semaphore_mem>>) src(%dma_wait3A_271 : memref<640x128xf32, #tpu.memory_space<hbm>>) dst(%dma_wait3A_269 : memref<640x128xf32, #tpu.memory_space<vmem_shared>>)
      tpu.yield
    }) : () -> ()
    "tpu.region"() ({
      %run_scoped3A = tpu.sem_alloc : memref<!tpu.dma_semaphore, #tpu.memory_space<semaphore_mem>>
      %dma_start3A_264 = arith.constant 0 : i32
      %dma_start3A_265 = arith.constant 0 : i32
      %dma_start3A_266 = tpu.memref_slice %arg3[%arg1, %dma_start3A_264, %dma_start3A_265] : memref<16x80x128xi32, #tpu.memory_space<hbm>> -> memref<1x80x128xi32, #tpu.memory_space<hbm>>
      %dma_start3A_267 = tpu.memref_squeeze %dma_start3A_266 : memref<1x80x128xi32, #tpu.memory_space<hbm>> -> memref<80x128xi32, #tpu.memory_space<hbm>>
      %dma_start3A_268 = arith.constant 0 : i32
      %dma_start3A_269 = arith.constant 0 : i32
      %dma_start3A_270 = tpu.memref_slice %arg3[%arg1, %dma_start3A_268, %dma_start3A_269] : memref<16x80x128xi32, #tpu.memory_space<hbm>> -> memref<1x80x128xi32, #tpu.memory_space<hbm>>
      %dma_start3A_271 = tpu.memref_squeeze %dma_start3A_270 : memref<1x80x128xi32, #tpu.memory_space<hbm>> -> memref<80x128xi32, #tpu.memory_space<hbm>>
      tpu.enqueue_dma source(%dma_start3A_271 : memref<80x128xi32, #tpu.memory_space<hbm>>) target(%arg7 : memref<80x128xi32, #tpu.memory_space<vmem>>) target_semaphore(%run_scoped3A : memref<!tpu.dma_semaphore, #tpu.memory_space<semaphore_mem>>)
      %dma_wait3A_272 = arith.constant 0 : i32
      %dma_wait3A_273 = arith.constant 0 : i32
      %dma_wait3A_274 = tpu.memref_slice %arg3[%arg1, %dma_wait3A_272, %dma_wait3A_273] : memref<16x80x128xi32, #tpu.memory_space<hbm>> -> memref<1x80x128xi32, #tpu.memory_space<hbm>>
      %dma_wait3A_275 = tpu.memref_squeeze %dma_wait3A_274 : memref<1x80x128xi32, #tpu.memory_space<hbm>> -> memref<80x128xi32, #tpu.memory_space<hbm>>
      %dma_wait3A_276 = arith.constant 0 : i32
      %dma_wait3A_277 = arith.constant 0 : i32
      %dma_wait3A_278 = tpu.memref_slice %arg3[%arg1, %dma_wait3A_276, %dma_wait3A_277] : memref<16x80x128xi32, #tpu.memory_space<hbm>> -> memref<1x80x128xi32, #tpu.memory_space<hbm>>
      %dma_wait3A_279 = tpu.memref_squeeze %dma_wait3A_278 : memref<1x80x128xi32, #tpu.memory_space<hbm>> -> memref<80x128xi32, #tpu.memory_space<hbm>>
      tpu.wait_dma2 semaphore(%run_scoped3A : memref<!tpu.dma_semaphore, #tpu.memory_space<semaphore_mem>>) src(%dma_wait3A_279 : memref<80x128xi32, #tpu.memory_space<hbm>>) dst(%arg7 : memref<80x128xi32, #tpu.memory_space<vmem>>)
      tpu.yield
    }) : () -> ()
    %broadcast_in_dim3A = arith.constant 0.000000e+00 : f32
    %broadcast_in_dim3A_3 = vector.broadcast %broadcast_in_dim3A : f32 to vector<16xf32>
    %scan3A = arith.constant 0 : i32
    %scan3A_4 = arith.constant 0 : i32
    %scan3A_5 = arith.constant 32 : i32
    %scan3A_6 = arith.addi %scan3A_4, %scan3A_5 : i32
    %scan3A_7 = arith.constant 1 : i32
    scf.for %scan3A_264 = %scan3A_4 to %scan3A_6 step %scan3A_7  : i32 {
      %swap3A = arith.index_cast %scan3A_264 : i32 to index
      %swap3A_265 = arith.constant 0 : index
      %swap3A_266 = tpu.vector_load %arg9[%swap3A, %swap3A_265] {strides = array<i32>} : memref<32x128xf32, #tpu.memory_space<vmem>>, vector<1x16xf32>,
      %swap3A_267 = vector.shape_cast %swap3A_266 : vector<1x16xf32> to vector<16xf32>
      %swap3A_268 = vector.shape_cast %broadcast_in_dim3A_3 : vector<16xf32> to vector<1x16xf32>
      tpu.vector_store %arg9[%swap3A, %swap3A_265], %swap3A_268 {strides = array<i32>} : memref<32x128xf32, #tpu.memory_space<vmem>>, vector<1x16xf32>,
      %swap3A_269 = arith.index_cast %scan3A_264 : i32 to index
      %swap3A_270 = arith.constant 16 : index
      %swap3A_271 = tpu.vector_load %arg9[%swap3A_269, %swap3A_270] {strides = array<i32>} : memref<32x128xf32, #tpu.memory_space<vmem>>, vector<1x16xf32>,
      %swap3A_272 = vector.shape_cast %swap3A_271 : vector<1x16xf32> to vector<16xf32>
      %swap3A_273 = vector.shape_cast %broadcast_in_dim3A_3 : vector<16xf32> to vector<1x16xf32>
      tpu.vector_store %arg9[%swap3A_269, %swap3A_270], %swap3A_273 {strides = array<i32>} : memref<32x128xf32, #tpu.memory_space<vmem>>, vector<1x16xf32>,
      %swap3A_274 = arith.index_cast %scan3A_264 : i32 to index
      %swap3A_275 = arith.constant 32 : index
      %swap3A_276 = tpu.vector_load %arg9[%swap3A_274, %swap3A_275] {strides = array<i32>} : memref<32x128xf32, #tpu.memory_space<vmem>>, vector<1x16xf32>,
      %swap3A_277 = vector.shape_cast %swap3A_276 : vector<1x16xf32> to vector<16xf32>
      %swap3A_278 = vector.shape_cast %broadcast_in_dim3A_3 : vector<16xf32> to vector<1x16xf32>
      tpu.vector_store %arg9[%swap3A_274, %swap3A_275], %swap3A_278 {strides = array<i32>} : memref<32x128xf32, #tpu.memory_space<vmem>>, vector<1x16xf32>,
      %swap3A_279 = arith.index_cast %scan3A_264 : i32 to index
      %swap3A_280 = arith.constant 48 : index
      %swap3A_281 = tpu.vector_load %arg9[%swap3A_279, %swap3A_280] {strides = array<i32>} : memref<32x128xf32, #tpu.memory_space<vmem>>, vector<1x16xf32>,
      %swap3A_282 = vector.shape_cast %swap3A_281 : vector<1x16xf32> to vector<16xf32>
      %swap3A_283 = vector.shape_cast %broadcast_in_dim3A_3 : vector<16xf32> to vector<1x16xf32>
      tpu.vector_store %arg9[%swap3A_279, %swap3A_280], %swap3A_283 {strides = array<i32>} : memref<32x128xf32, #tpu.memory_space<vmem>>, vector<1x16xf32>,
      %swap3A_284 = arith.index_cast %scan3A_264 : i32 to index
      %swap3A_285 = arith.constant 64 : index
      %swap3A_286 = tpu.vector_load %arg9[%swap3A_284, %swap3A_285] {strides = array<i32>} : memref<32x128xf32, #tpu.memory_space<vmem>>, vector<1x16xf32>,
      %swap3A_287 = vector.shape_cast %swap3A_286 : vector<1x16xf32> to vector<16xf32>
      %swap3A_288 = vector.shape_cast %broadcast_in_dim3A_3 : vector<16xf32> to vector<1x16xf32>
      tpu.vector_store %arg9[%swap3A_284, %swap3A_285], %swap3A_288 {strides = array<i32>} : memref<32x128xf32, #tpu.memory_space<vmem>>, vector<1x16xf32>,
      %swap3A_289 = arith.index_cast %scan3A_264 : i32 to index
      %swap3A_290 = arith.constant 80 : index
      %swap3A_291 = tpu.vector_load %arg9[%swap3A_289, %swap3A_290] {strides = array<i32>} : memref<32x128xf32, #tpu.memory_space<vmem>>, vector<1x16xf32>,
      %swap3A_292 = vector.shape_cast %swap3A_291 : vector<1x16xf32> to vector<16xf32>
      %swap3A_293 = vector.shape_cast %broadcast_in_dim3A_3 : vector<16xf32> to vector<1x16xf32>
      tpu.vector_store %arg9[%swap3A_289, %swap3A_290], %swap3A_293 {strides = array<i32>} : memref<32x128xf32, #tpu.memory_space<vmem>>, vector<1x16xf32>,
      %swap3A_294 = arith.index_cast %scan3A_264 : i32 to index
      %swap3A_295 = arith.constant 96 : index
      %swap3A_296 = tpu.vector_load %arg9[%swap3A_294, %swap3A_295] {strides = array<i32>} : memref<32x128xf32, #tpu.memory_space<vmem>>, vector<1x16xf32>,
      %swap3A_297 = vector.shape_cast %swap3A_296 : vector<1x16xf32> to vector<16xf32>
      %swap3A_298 = vector.shape_cast %broadcast_in_dim3A_3 : vector<16xf32> to vector<1x16xf32>
      tpu.vector_store %arg9[%swap3A_294, %swap3A_295], %swap3A_298 {strides = array<i32>} : memref<32x128xf32, #tpu.memory_space<vmem>>, vector<1x16xf32>,
      %swap3A_299 = arith.index_cast %scan3A_264 : i32 to index
      %swap3A_300 = arith.constant 112 : index
      %swap3A_301 = tpu.vector_load %arg9[%swap3A_299, %swap3A_300] {strides = array<i32>} : memref<32x128xf32, #tpu.memory_space<vmem>>, vector<1x16xf32>,
      %swap3A_302 = vector.shape_cast %swap3A_301 : vector<1x16xf32> to vector<16xf32>
      %swap3A_303 = vector.shape_cast %broadcast_in_dim3A_3 : vector<16xf32> to vector<1x16xf32>
      tpu.vector_store %arg9[%swap3A_299, %swap3A_300], %swap3A_303 {strides = array<i32>} : memref<32x128xf32, #tpu.memory_space<vmem>>, vector<1x16xf32>,
    }
    %scan3A_8 = arith.constant 32 : i32
    %barrier3A = arith.constant 0 : index
    tpu.barrier barrier_id(%barrier3A)
    %mul3A_9 = arith.constant 10240 : i32
    %mul3A_10 = arith.muli %arg1, %mul3A_9 : i32
    %dma_start3A = arith.constant 0 : i32
    %dma_start3A_11 = arith.constant 0 : i32
    %dma_start3A_12 = arith.constant 0 : i32
    %dma_start3A_13 = arith.constant 0 : i32
    %dma_start3A_14 = tpu.memref_slice %arg8[%dma_start3A_11, %dma_start3A_12, %dma_start3A_13] : memref<2x128x128xf32, #tpu.memory_space<vmem>> -> memref<1x128x128xf32, #tpu.memory_space<vmem>>
    %dma_start3A_15 = tpu.memref_squeeze %dma_start3A_14 : memref<1x128x128xf32, #tpu.memory_space<vmem>> -> memref<128x128xf32, #tpu.memory_space<vmem>>
    %dma_start3A_16 = arith.constant 0 : i32
    %dma_start3A_17 = tpu.memref_slice %arg7[%dma_start3A, %dma_start3A_16] : memref<80x128xi32, #tpu.memory_space<vmem>> -> memref<1x128xi32, #tpu.memory_space<vmem>>
    %dma_start3A_18 = tpu.memref_squeeze %dma_start3A_17 : memref<1x128xi32, #tpu.memory_space<vmem>> -> memref<128xi32, #tpu.memory_space<vmem>>
    %dma_start3A_19 = arith.constant 0 : i32
    %dma_start3A_20 = arith.constant 0 : i32
    %dma_start3A_21 = tpu.memref_slice %arg10[%dma_start3A_19, %dma_start3A_20] : memref<10240x128xf32, #tpu.memory_space<vmem_shared>> -> memref<10240x128xf32, #tpu.memory_space<vmem_shared>>
    tpu.enqueue_indirect_dma source(%dma_start3A_21 : memref<10240x128xf32, #tpu.memory_space<vmem_shared>>) target(%dma_start3A_15 : memref<128x128xf32, #tpu.memory_space<vmem>>) offsets(%dma_start3A_18 : memref<128xi32, #tpu.memory_space<vmem>>) semaphore(%arg11 : memref<!tpu.dma_semaphore, #tpu.memory_space<semaphore_mem>>)
    %dma_start3A_22 = arith.constant 1 : i32
    %dma_start3A_23 = arith.constant 1 : i32
    %dma_start3A_24 = arith.constant 0 : i32
    %dma_start3A_25 = arith.constant 0 : i32
    %dma_start3A_26 = tpu.memref_slice %arg8[%dma_start3A_23, %dma_start3A_24, %dma_start3A_25] : memref<2x128x128xf32, #tpu.memory_space<vmem>> -> memref<1x128x128xf32, #tpu.memory_space<vmem>>
    %dma_start3A_27 = tpu.memref_squeeze %dma_start3A_26 : memref<1x128x128xf32, #tpu.memory_space<vmem>> -> memref<128x128xf32, #tpu.memory_space<vmem>>
    %dma_start3A_28 = arith.constant 0 : i32
    %dma_start3A_29 = tpu.memref_slice %arg7[%dma_start3A_22, %dma_start3A_28] : memref<80x128xi32, #tpu.memory_space<vmem>> -> memref<1x128xi32, #tpu.memory_space<vmem>>
    %dma_start3A_30 = tpu.memref_squeeze %dma_start3A_29 : memref<1x128xi32, #tpu.memory_space<vmem>> -> memref<128xi32, #tpu.memory_space<vmem>>
    %dma_start3A_31 = arith.constant 0 : i32
    %dma_start3A_32 = arith.constant 0 : i32
    %dma_start3A_33 = tpu.memref_slice %arg10[%dma_start3A_31, %dma_start3A_32] : memref<10240x128xf32, #tpu.memory_space<vmem_shared>> -> memref<10240x128xf32, #tpu.memory_space<vmem_shared>>
    tpu.enqueue_indirect_dma source(%dma_start3A_33 : memref<10240x128xf32, #tpu.memory_space<vmem_shared>>) target(%dma_start3A_27 : memref<128x128xf32, #tpu.memory_space<vmem>>) offsets(%dma_start3A_30 : memref<128xi32, #tpu.memory_space<vmem>>) semaphore(%arg12 : memref<!tpu.dma_semaphore, #tpu.memory_space<semaphore_mem>>)
    %dma_wait3A = arith.constant 0 : i32
    %dma_wait3A_34 = arith.constant 0 : i32
    %dma_wait3A_35 = arith.constant 0 : i32
    %dma_wait3A_36 = arith.constant 0 : i32
    %dma_wait3A_37 = tpu.memref_slice %arg8[%dma_wait3A_34, %dma_wait3A_35, %dma_wait3A_36] : memref<2x128x128xf32, #tpu.memory_space<vmem>> -> memref<1x128x128xf32, #tpu.memory_space<vmem>>
    %dma_wait3A_38 = tpu.memref_squeeze %dma_wait3A_37 : memref<1x128x128xf32, #tpu.memory_space<vmem>> -> memref<128x128xf32, #tpu.memory_space<vmem>>
    %dma_wait3A_39 = arith.constant 0 : i32
    %dma_wait3A_40 = tpu.memref_slice %arg7[%dma_wait3A, %dma_wait3A_39] : memref<80x128xi32, #tpu.memory_space<vmem>> -> memref<1x128xi32, #tpu.memory_space<vmem>>
    %dma_wait3A_41 = tpu.memref_squeeze %dma_wait3A_40 : memref<1x128xi32, #tpu.memory_space<vmem>> -> memref<128xi32, #tpu.memory_space<vmem>>
    %dma_wait3A_42 = arith.constant 0 : i32
    %dma_wait3A_43 = arith.constant 0 : i32
    %dma_wait3A_44 = tpu.memref_slice %arg10[%dma_wait3A_42, %dma_wait3A_43] : memref<10240x128xf32, #tpu.memory_space<vmem_shared>> -> memref<10240x128xf32, #tpu.memory_space<vmem_shared>>
    tpu.wait_indirect_dma semaphore(%arg11 : memref<!tpu.dma_semaphore, #tpu.memory_space<semaphore_mem>>) src(%dma_wait3A_44 : memref<10240x128xf32, #tpu.memory_space<vmem_shared>>) dst(%dma_wait3A_38 : memref<128x128xf32, #tpu.memory_space<vmem>>)
    %add3A_45 = arith.constant 0 : i32
    %add3A_46 = arith.addi %mul3A_10, %add3A_45 : i32
    %dma_start3A_47 = arith.constant 0 : i32
    %dma_start3A_48 = arith.constant 0 : i32
    %dma_start3A_49 = arith.constant 0 : i32
    %dma_start3A_50 = tpu.memref_slice %arg8[%dma_start3A_47, %dma_start3A_48, %dma_start3A_49] : memref<2x128x128xf32, #tpu.memory_space<vmem>> -> memref<1x128x128xf32, #tpu.memory_space<vmem>>
    %dma_start3A_51 = tpu.memref_squeeze %dma_start3A_50 : memref<1x128x128xf32, #tpu.memory_space<vmem>> -> memref<128x128xf32, #tpu.memory_space<vmem>>
    %dma_start3A_52 = arith.constant 0 : i32
    %dma_start3A_53 = tpu.memref_slice %arg6[%arg0, %add3A_46, %dma_start3A_52] : memref<2x163840x128xf32, #tpu.memory_space<hbm>> -> memref<1x128x128xf32, #tpu.memory_space<hbm>>
    %dma_start3A_54 = tpu.memref_squeeze %dma_start3A_53 : memref<1x128x128xf32, #tpu.memory_space<hbm>> -> memref<128x128xf32, #tpu.memory_space<hbm>>
    %dma_start3A_55 = arith.constant 0 : i32
    %dma_start3A_56 = tpu.memref_slice %arg6[%arg0, %add3A_46, %dma_start3A_55] : memref<2x163840x128xf32, #tpu.memory_space<hbm>> -> memref<1x128x128xf32, #tpu.memory_space<hbm>>
    %dma_start3A_57 = tpu.memref_squeeze %dma_start3A_56 : memref<1x128x128xf32, #tpu.memory_space<hbm>> -> memref<128x128xf32, #tpu.memory_space<hbm>>
    %dma_start3A_58 = arith.constant 0 : i32
    %dma_start3A_59 = arith.constant 0 : i32
    %dma_start3A_60 = tpu.memref_slice %arg8[%dma_start3A_47, %dma_start3A_58, %dma_start3A_59] : memref<2x128x128xf32, #tpu.memory_space<vmem>> -> memref<1x128x128xf32, #tpu.memory_space<vmem>>
    %dma_start3A_61 = tpu.memref_squeeze %dma_start3A_60 : memref<1x128x128xf32, #tpu.memory_space<vmem>> -> memref<128x128xf32, #tpu.memory_space<vmem>>
    tpu.enqueue_dma source(%dma_start3A_61 : memref<128x128xf32, #tpu.memory_space<vmem>>) target(%dma_start3A_57 : memref<128x128xf32, #tpu.memory_space<hbm>>) target_semaphore(%arg13 : memref<!tpu.dma_semaphore, #tpu.memory_space<semaphore_mem>>)
    %scan3A_62 = arith.constant 0 : i32
    %scan3A_63 = arith.constant 0 : i32
    %scan3A_64 = arith.constant 39 : i32
    %scan3A_65 = arith.addi %scan3A_63, %scan3A_64 : i32
    %scan3A_66 = arith.constant 1 : i32
    scf.for %scan3A_264 = %scan3A_63 to %scan3A_65 step %scan3A_66  : i32 {
      %mul3A_265 = arith.constant 2 : i32
      %mul3A_266 = arith.muli %mul3A_265, %scan3A_264 : i32
      %add3A_267 = arith.constant 2 : i32
      %add3A_268 = arith.addi %mul3A_266, %add3A_267 : i32
      %add3A_269 = arith.constant 0 : i32
      %add3A_270 = arith.addi %add3A_268, %add3A_269 : i32
      %sub3A = arith.constant 2 : i32
      %sub3A_271 = arith.subi %add3A_270, %sub3A : i32
      %mul3A_272 = arith.constant 128 : i32
      %mul3A_273 = arith.muli %sub3A_271, %mul3A_272 : i32
      %add3A_274 = arith.addi %mul3A_10, %mul3A_273 : i32
      %dma_wait3A_275 = arith.constant 0 : i32
      %dma_wait3A_276 = arith.constant 0 : i32
      %dma_wait3A_277 = arith.constant 0 : i32
      %dma_wait3A_278 = tpu.memref_slice %arg8[%dma_wait3A_275, %dma_wait3A_276, %dma_wait3A_277] : memref<2x128x128xf32, #tpu.memory_space<vmem>> -> memref<1x128x128xf32, #tpu.memory_space<vmem>>
      %dma_wait3A_279 = tpu.memref_squeeze %dma_wait3A_278 : memref<1x128x128xf32, #tpu.memory_space<vmem>> -> memref<128x128xf32, #tpu.memory_space<vmem>>
      %dma_wait3A_280 = arith.constant 0 : i32
      %dma_wait3A_281 = tpu.memref_slice %arg6[%arg0, %add3A_274, %dma_wait3A_280] : memref<2x163840x128xf32, #tpu.memory_space<hbm>> -> memref<1x128x128xf32, #tpu.memory_space<hbm>>
      %dma_wait3A_282 = tpu.memref_squeeze %dma_wait3A_281 : memref<1x128x128xf32, #tpu.memory_space<hbm>> -> memref<128x128xf32, #tpu.memory_space<hbm>>
      %dma_wait3A_283 = arith.constant 0 : i32
      %dma_wait3A_284 = tpu.memref_slice %arg6[%arg0, %add3A_274, %dma_wait3A_283] : memref<2x163840x128xf32, #tpu.memory_space<hbm>> -> memref<1x128x128xf32, #tpu.memory_space<hbm>>
      %dma_wait3A_285 = tpu.memref_squeeze %dma_wait3A_284 : memref<1x128x128xf32, #tpu.memory_space<hbm>> -> memref<128x128xf32, #tpu.memory_space<hbm>>
      %dma_wait3A_286 = arith.constant 0 : i32
      %dma_wait3A_287 = arith.constant 0 : i32
      %dma_wait3A_288 = tpu.memref_slice %arg8[%dma_wait3A_275, %dma_wait3A_286, %dma_wait3A_287] : memref<2x128x128xf32, #tpu.memory_space<vmem>> -> memref<1x128x128xf32, #tpu.memory_space<vmem>>
      %dma_wait3A_289 = tpu.memref_squeeze %dma_wait3A_288 : memref<1x128x128xf32, #tpu.memory_space<vmem>> -> memref<128x128xf32, #tpu.memory_space<vmem>>
      tpu.wait_dma2 semaphore(%arg13 : memref<!tpu.dma_semaphore, #tpu.memory_space<semaphore_mem>>) src(%dma_wait3A_289 : memref<128x128xf32, #tpu.memory_space<vmem>>) dst(%dma_wait3A_285 : memref<128x128xf32, #tpu.memory_space<hbm>>)
      %dma_start3A_290 = arith.constant 0 : i32
      %dma_start3A_291 = arith.constant 0 : i32
      %dma_start3A_292 = arith.constant 0 : i32
      %dma_start3A_293 = tpu.memref_slice %arg8[%dma_start3A_290, %dma_start3A_291, %dma_start3A_292] : memref<2x128x128xf32, #tpu.memory_space<vmem>> -> memref<1x128x128xf32, #tpu.memory_space<vmem>>
      %dma_start3A_294 = tpu.memref_squeeze %dma_start3A_293 : memref<1x128x128xf32, #tpu.memory_space<vmem>> -> memref<128x128xf32, #tpu.memory_space<vmem>>
      %dma_start3A_295 = arith.constant 0 : i32
      %dma_start3A_296 = tpu.memref_slice %arg7[%add3A_270, %dma_start3A_295] : memref<80x128xi32, #tpu.memory_space<vmem>> -> memref<1x128xi32, #tpu.memory_space<vmem>>
      %dma_start3A_297 = tpu.memref_squeeze %dma_start3A_296 : memref<1x128xi32, #tpu.memory_space<vmem>> -> memref<128xi32, #tpu.memory_space<vmem>>
      %dma_start3A_298 = arith.constant 0 : i32
      %dma_start3A_299 = arith.constant 0 : i32
      %dma_start3A_300 = tpu.memref_slice %arg10[%dma_start3A_298, %dma_start3A_299] : memref<10240x128xf32, #tpu.memory_space<vmem_shared>> -> memref<10240x128xf32, #tpu.memory_space<vmem_shared>>
      tpu.enqueue_indirect_dma source(%dma_start3A_300 : memref<10240x128xf32, #tpu.memory_space<vmem_shared>>) target(%dma_start3A_294 : memref<128x128xf32, #tpu.memory_space<vmem>>) offsets(%dma_start3A_297 : memref<128xi32, #tpu.memory_space<vmem>>) semaphore(%arg11 : memref<!tpu.dma_semaphore, #tpu.memory_space<semaphore_mem>>)
      %sub3A_301 = arith.constant 1 : i32
      %sub3A_302 = arith.subi %add3A_270, %sub3A_301 : i32
      %dma_wait3A_303 = arith.constant 1 : i32
      %dma_wait3A_304 = arith.constant 0 : i32
      %dma_wait3A_305 = arith.constant 0 : i32
      %dma_wait3A_306 = tpu.memref_slice %arg8[%dma_wait3A_303, %dma_wait3A_304, %dma_wait3A_305] : memref<2x128x128xf32, #tpu.memory_space<vmem>> -> memref<1x128x128xf32, #tpu.memory_space<vmem>>
      %dma_wait3A_307 = tpu.memref_squeeze %dma_wait3A_306 : memref<1x128x128xf32, #tpu.memory_space<vmem>> -> memref<128x128xf32, #tpu.memory_space<vmem>>
      %dma_wait3A_308 = arith.constant 0 : i32
      %dma_wait3A_309 = tpu.memref_slice %arg7[%sub3A_302, %dma_wait3A_308] : memref<80x128xi32, #tpu.memory_space<vmem>> -> memref<1x128xi32, #tpu.memory_space<vmem>>
      %dma_wait3A_310 = tpu.memref_squeeze %dma_wait3A_309 : memref<1x128xi32, #tpu.memory_space<vmem>> -> memref<128xi32, #tpu.memory_space<vmem>>
      %dma_wait3A_311 = arith.constant 0 : i32
      %dma_wait3A_312 = arith.constant 0 : i32
      %dma_wait3A_313 = tpu.memref_slice %arg10[%dma_wait3A_311, %dma_wait3A_312] : memref<10240x128xf32, #tpu.memory_space<vmem_shared>> -> memref<10240x128xf32, #tpu.memory_space<vmem_shared>>
      tpu.wait_indirect_dma semaphore(%arg12 : memref<!tpu.dma_semaphore, #tpu.memory_space<semaphore_mem>>) src(%dma_wait3A_313 : memref<10240x128xf32, #tpu.memory_space<vmem_shared>>) dst(%dma_wait3A_307 : memref<128x128xf32, #tpu.memory_space<vmem>>)
      %sub3A_314 = arith.constant 1 : i32
      %sub3A_315 = arith.subi %add3A_270, %sub3A_314 : i32
      %mul3A_316 = arith.constant 128 : i32
      %mul3A_317 = arith.muli %sub3A_315, %mul3A_316 : i32
      %add3A_318 = arith.addi %mul3A_10, %mul3A_317 : i32
      %dma_start3A_319 = arith.constant 1 : i32
      %dma_start3A_320 = arith.constant 0 : i32
      %dma_start3A_321 = arith.constant 0 : i32
      %dma_start3A_322 = tpu.memref_slice %arg8[%dma_start3A_319, %dma_start3A_320, %dma_start3A_321] : memref<2x128x128xf32, #tpu.memory_space<vmem>> -> memref<1x128x128xf32, #tpu.memory_space<vmem>>
      %dma_start3A_323 = tpu.memref_squeeze %dma_start3A_322 : memref<1x128x128xf32, #tpu.memory_space<vmem>> -> memref<128x128xf32, #tpu.memory_space<vmem>>
      %dma_start3A_324 = arith.constant 0 : i32
      %dma_start3A_325 = tpu.memref_slice %arg6[%arg0, %add3A_318, %dma_start3A_324] : memref<2x163840x128xf32, #tpu.memory_space<hbm>> -> memref<1x128x128xf32, #tpu.memory_space<hbm>>
      %dma_start3A_326 = tpu.memref_squeeze %dma_start3A_325 : memref<1x128x128xf32, #tpu.memory_space<hbm>> -> memref<128x128xf32, #tpu.memory_space<hbm>>
      %dma_start3A_327 = arith.constant 0 : i32
      %dma_start3A_328 = tpu.memref_slice %arg6[%arg0, %add3A_318, %dma_start3A_327] : memref<2x163840x128xf32, #tpu.memory_space<hbm>> -> memref<1x128x128xf32, #tpu.memory_space<hbm>>
      %dma_start3A_329 = tpu.memref_squeeze %dma_start3A_328 : memref<1x128x128xf32, #tpu.memory_space<hbm>> -> memref<128x128xf32, #tpu.memory_space<hbm>>
      %dma_start3A_330 = arith.constant 0 : i32
      %dma_start3A_331 = arith.constant 0 : i32
      %dma_start3A_332 = tpu.memref_slice %arg8[%dma_start3A_319, %dma_start3A_330, %dma_start3A_331] : memref<2x128x128xf32, #tpu.memory_space<vmem>> -> memref<1x128x128xf32, #tpu.memory_space<vmem>>
      %dma_start3A_333 = tpu.memref_squeeze %dma_start3A_332 : memref<1x128x128xf32, #tpu.memory_space<vmem>> -> memref<128x128xf32, #tpu.memory_space<vmem>>
      tpu.enqueue_dma source(%dma_start3A_333 : memref<128x128xf32, #tpu.memory_space<vmem>>) target(%dma_start3A_329 : memref<128x128xf32, #tpu.memory_space<hbm>>) target_semaphore(%arg14 : memref<!tpu.dma_semaphore, #tpu.memory_space<semaphore_mem>>)
      %mul3A_334 = arith.constant 2 : i32
      %mul3A_335 = arith.muli %mul3A_334, %scan3A_264 : i32
      %add3A_336 = arith.constant 2 : i32
      %add3A_337 = arith.addi %mul3A_335, %add3A_336 : i32
      %add3A_338 = arith.constant 1 : i32
      %add3A_339 = arith.addi %add3A_337, %add3A_338 : i32
      %sub3A_340 = arith.constant 2 : i32
      %sub3A_341 = arith.subi %add3A_339, %sub3A_340 : i32
      %mul3A_342 = arith.constant 128 : i32
      %mul3A_343 = arith.muli %sub3A_341, %mul3A_342 : i32
      %add3A_344 = arith.addi %mul3A_10, %mul3A_343 : i32
      %dma_wait3A_345 = arith.constant 1 : i32
      %dma_wait3A_346 = arith.constant 0 : i32
      %dma_wait3A_347 = arith.constant 0 : i32
      %dma_wait3A_348 = tpu.memref_slice %arg8[%dma_wait3A_345, %dma_wait3A_346, %dma_wait3A_347] : memref<2x128x128xf32, #tpu.memory_space<vmem>> -> memref<1x128x128xf32, #tpu.memory_space<vmem>>
      %dma_wait3A_349 = tpu.memref_squeeze %dma_wait3A_348 : memref<1x128x128xf32, #tpu.memory_space<vmem>> -> memref<128x128xf32, #tpu.memory_space<vmem>>
      %dma_wait3A_350 = arith.constant 0 : i32
      %dma_wait3A_351 = tpu.memref_slice %arg6[%arg0, %add3A_344, %dma_wait3A_350] : memref<2x163840x128xf32, #tpu.memory_space<hbm>> -> memref<1x128x128xf32, #tpu.memory_space<hbm>>
      %dma_wait3A_352 = tpu.memref_squeeze %dma_wait3A_351 : memref<1x128x128xf32, #tpu.memory_space<hbm>> -> memref<128x128xf32, #tpu.memory_space<hbm>>
      %dma_wait3A_353 = arith.constant 0 : i32
      %dma_wait3A_354 = tpu.memref_slice %arg6[%arg0, %add3A_344, %dma_wait3A_353] : memref<2x163840x128xf32, #tpu.memory_space<hbm>> -> memref<1x128x128xf32, #tpu.memory_space<hbm>>
      %dma_wait3A_355 = tpu.memref_squeeze %dma_wait3A_354 : memref<1x128x128xf32, #tpu.memory_space<hbm>> -> memref<128x128xf32, #tpu.memory_space<hbm>>
      %dma_wait3A_356 = arith.constant 0 : i32
      %dma_wait3A_357 = arith.constant 0 : i32
      %dma_wait3A_358 = tpu.memref_slice %arg8[%dma_wait3A_345, %dma_wait3A_356, %dma_wait3A_357] : memref<2x128x128xf32, #tpu.memory_space<vmem>> -> memref<1x128x128xf32, #tpu.memory_space<vmem>>
      %dma_wait3A_359 = tpu.memref_squeeze %dma_wait3A_358 : memref<1x128x128xf32, #tpu.memory_space<vmem>> -> memref<128x128xf32, #tpu.memory_space<vmem>>
      tpu.wait_dma2 semaphore(%arg14 : memref<!tpu.dma_semaphore, #tpu.memory_space<semaphore_mem>>) src(%dma_wait3A_359 : memref<128x128xf32, #tpu.memory_space<vmem>>) dst(%dma_wait3A_355 : memref<128x128xf32, #tpu.memory_space<hbm>>)
      %dma_start3A_360 = arith.constant 1 : i32
      %dma_start3A_361 = arith.constant 0 : i32
      %dma_start3A_362 = arith.constant 0 : i32
      %dma_start3A_363 = tpu.memref_slice %arg8[%dma_start3A_360, %dma_start3A_361, %dma_start3A_362] : memref<2x128x128xf32, #tpu.memory_space<vmem>> -> memref<1x128x128xf32, #tpu.memory_space<vmem>>
      %dma_start3A_364 = tpu.memref_squeeze %dma_start3A_363 : memref<1x128x128xf32, #tpu.memory_space<vmem>> -> memref<128x128xf32, #tpu.memory_space<vmem>>
      %dma_start3A_365 = arith.constant 0 : i32
      %dma_start3A_366 = tpu.memref_slice %arg7[%add3A_339, %dma_start3A_365] : memref<80x128xi32, #tpu.memory_space<vmem>> -> memref<1x128xi32, #tpu.memory_space<vmem>>
      %dma_start3A_367 = tpu.memref_squeeze %dma_start3A_366 : memref<1x128xi32, #tpu.memory_space<vmem>> -> memref<128xi32, #tpu.memory_space<vmem>>
      %dma_start3A_368 = arith.constant 0 : i32
      %dma_start3A_369 = arith.constant 0 : i32
      %dma_start3A_370 = tpu.memref_slice %arg10[%dma_start3A_368, %dma_start3A_369] : memref<10240x128xf32, #tpu.memory_space<vmem_shared>> -> memref<10240x128xf32, #tpu.memory_space<vmem_shared>>
      tpu.enqueue_indirect_dma source(%dma_start3A_370 : memref<10240x128xf32, #tpu.memory_space<vmem_shared>>) target(%dma_start3A_364 : memref<128x128xf32, #tpu.memory_space<vmem>>) offsets(%dma_start3A_367 : memref<128xi32, #tpu.memory_space<vmem>>) semaphore(%arg12 : memref<!tpu.dma_semaphore, #tpu.memory_space<semaphore_mem>>)
      %sub3A_371 = arith.constant 1 : i32
      %sub3A_372 = arith.subi %add3A_339, %sub3A_371 : i32
      %dma_wait3A_373 = arith.constant 0 : i32
      %dma_wait3A_374 = arith.constant 0 : i32
      %dma_wait3A_375 = arith.constant 0 : i32
      %dma_wait3A_376 = tpu.memref_slice %arg8[%dma_wait3A_373, %dma_wait3A_374, %dma_wait3A_375] : memref<2x128x128xf32, #tpu.memory_space<vmem>> -> memref<1x128x128xf32, #tpu.memory_space<vmem>>
      %dma_wait3A_377 = tpu.memref_squeeze %dma_wait3A_376 : memref<1x128x128xf32, #tpu.memory_space<vmem>> -> memref<128x128xf32, #tpu.memory_space<vmem>>
      %dma_wait3A_378 = arith.constant 0 : i32
      %dma_wait3A_379 = tpu.memref_slice %arg7[%sub3A_372, %dma_wait3A_378] : memref<80x128xi32, #tpu.memory_space<vmem>> -> memref<1x128xi32, #tpu.memory_space<vmem>>
      %dma_wait3A_380 = tpu.memref_squeeze %dma_wait3A_379 : memref<1x128xi32, #tpu.memory_space<vmem>> -> memref<128xi32, #tpu.memory_space<vmem>>
      %dma_wait3A_381 = arith.constant 0 : i32
      %dma_wait3A_382 = arith.constant 0 : i32
      %dma_wait3A_383 = tpu.memref_slice %arg10[%dma_wait3A_381, %dma_wait3A_382] : memref<10240x128xf32, #tpu.memory_space<vmem_shared>> -> memref<10240x128xf32, #tpu.memory_space<vmem_shared>>
      tpu.wait_indirect_dma semaphore(%arg11 : memref<!tpu.dma_semaphore, #tpu.memory_space<semaphore_mem>>) src(%dma_wait3A_383 : memref<10240x128xf32, #tpu.memory_space<vmem_shared>>) dst(%dma_wait3A_377 : memref<128x128xf32, #tpu.memory_space<vmem>>)
      %sub3A_384 = arith.constant 1 : i32
      %sub3A_385 = arith.subi %add3A_339, %sub3A_384 : i32
      %mul3A_386 = arith.constant 128 : i32
      %mul3A_387 = arith.muli %sub3A_385, %mul3A_386 : i32
      %add3A_388 = arith.addi %mul3A_10, %mul3A_387 : i32
      %dma_start3A_389 = arith.constant 0 : i32
      %dma_start3A_390 = arith.constant 0 : i32
      %dma_start3A_391 = arith.constant 0 : i32
      %dma_start3A_392 = tpu.memref_slice %arg8[%dma_start3A_389, %dma_start3A_390, %dma_start3A_391] : memref<2x128x128xf32, #tpu.memory_space<vmem>> -> memref<1x128x128xf32, #tpu.memory_space<vmem>>
      %dma_start3A_393 = tpu.memref_squeeze %dma_start3A_392 : memref<1x128x128xf32, #tpu.memory_space<vmem>> -> memref<128x128xf32, #tpu.memory_space<vmem>>
      %dma_start3A_394 = arith.constant 0 : i32
      %dma_start3A_395 = tpu.memref_slice %arg6[%arg0, %add3A_388, %dma_start3A_394] : memref<2x163840x128xf32, #tpu.memory_space<hbm>> -> memref<1x128x128xf32, #tpu.memory_space<hbm>>
      %dma_start3A_396 = tpu.memref_squeeze %dma_start3A_395 : memref<1x128x128xf32, #tpu.memory_space<hbm>> -> memref<128x128xf32, #tpu.memory_space<hbm>>
      %dma_start3A_397 = arith.constant 0 : i32
      %dma_start3A_398 = tpu.memref_slice %arg6[%arg0, %add3A_388, %dma_start3A_397] : memref<2x163840x128xf32, #tpu.memory_space<hbm>> -> memref<1x128x128xf32, #tpu.memory_space<hbm>>
      %dma_start3A_399 = tpu.memref_squeeze %dma_start3A_398 : memref<1x128x128xf32, #tpu.memory_space<hbm>> -> memref<128x128xf32, #tpu.memory_space<hbm>>
      %dma_start3A_400 = arith.constant 0 : i32
      %dma_start3A_401 = arith.constant 0 : i32
      %dma_start3A_402 = tpu.memref_slice %arg8[%dma_start3A_389, %dma_start3A_400, %dma_start3A_401] : memref<2x128x128xf32, #tpu.memory_space<vmem>> -> memref<1x128x128xf32, #tpu.memory_space<vmem>>
      %dma_start3A_403 = tpu.memref_squeeze %dma_start3A_402 : memref<1x128x128xf32, #tpu.memory_space<vmem>> -> memref<128x128xf32, #tpu.memory_space<vmem>>
      tpu.enqueue_dma source(%dma_start3A_403 : memref<128x128xf32, #tpu.memory_space<vmem>>) target(%dma_start3A_399 : memref<128x128xf32, #tpu.memory_space<hbm>>) target_semaphore(%arg13 : memref<!tpu.dma_semaphore, #tpu.memory_space<semaphore_mem>>)
    }
    %scan3A_67 = arith.constant 39 : i32
    %dma_wait3A_68 = arith.constant 79 : i32
    %dma_wait3A_69 = arith.constant 1 : i32
    %dma_wait3A_70 = arith.constant 0 : i32
    %dma_wait3A_71 = arith.constant 0 : i32
    %dma_wait3A_72 = tpu.memref_slice %arg8[%dma_wait3A_69, %dma_wait3A_70, %dma_wait3A_71] : memref<2x128x128xf32, #tpu.memory_space<vmem>> -> memref<1x128x128xf32, #tpu.memory_space<vmem>>
    %dma_wait3A_73 = tpu.memref_squeeze %dma_wait3A_72 : memref<1x128x128xf32, #tpu.memory_space<vmem>> -> memref<128x128xf32, #tpu.memory_space<vmem>>
    %dma_wait3A_74 = arith.constant 0 : i32
    %dma_wait3A_75 = tpu.memref_slice %arg7[%dma_wait3A_68, %dma_wait3A_74] : memref<80x128xi32, #tpu.memory_space<vmem>> -> memref<1x128xi32, #tpu.memory_space<vmem>>
    %dma_wait3A_76 = tpu.memref_squeeze %dma_wait3A_75 : memref<1x128xi32, #tpu.memory_space<vmem>> -> memref<128xi32, #tpu.memory_space<vmem>>
    %dma_wait3A_77 = arith.constant 0 : i32
    %dma_wait3A_78 = arith.constant 0 : i32
    %dma_wait3A_79 = tpu.memref_slice %arg10[%dma_wait3A_77, %dma_wait3A_78] : memref<10240x128xf32, #tpu.memory_space<vmem_shared>> -> memref<10240x128xf32, #tpu.memory_space<vmem_shared>>
    tpu.wait_indirect_dma semaphore(%arg12 : memref<!tpu.dma_semaphore, #tpu.memory_space<semaphore_mem>>) src(%dma_wait3A_79 : memref<10240x128xf32, #tpu.memory_space<vmem_shared>>) dst(%dma_wait3A_73 : memref<128x128xf32, #tpu.memory_space<vmem>>)
    %add3A_80 = arith.constant 10112 : i32
    %add3A_81 = arith.addi %mul3A_10, %add3A_80 : i32
    %dma_start3A_82 = arith.constant 1 : i32
    %dma_start3A_83 = arith.constant 0 : i32
    %dma_start3A_84 = arith.constant 0 : i32
    %dma_start3A_85 = tpu.memref_slice %arg8[%dma_start3A_82, %dma_start3A_83, %dma_start3A_84] : memref<2x128x128xf32, #tpu.memory_space<vmem>> -> memref<1x128x128xf32, #tpu.memory_space<vmem>>
    %dma_start3A_86 = tpu.memref_squeeze %dma_start3A_85 : memref<1x128x128xf32, #tpu.memory_space<vmem>> -> memref<128x128xf32, #tpu.memory_space<vmem>>
    %dma_start3A_87 = arith.constant 0 : i32
    %dma_start3A_88 = tpu.memref_slice %arg6[%arg0, %add3A_81, %dma_start3A_87] : memref<2x163840x128xf32, #tpu.memory_space<hbm>> -> memref<1x128x128xf32, #tpu.memory_space<hbm>>
    %dma_start3A_89 = tpu.memref_squeeze %dma_start3A_88 : memref<1x128x128xf32, #tpu.memory_space<hbm>> -> memref<128x128xf32, #tpu.memory_space<hbm>>
    %dma_start3A_90 = arith.constant 0 : i32
    %dma_start3A_91 = tpu.memref_slice %arg6[%arg0, %add3A_81, %dma_start3A_90] : memref<2x163840x128xf32, #tpu.memory_space<hbm>> -> memref<1x128x128xf32, #tpu.memory_space<hbm>>
    %dma_start3A_92 = tpu.memref_squeeze %dma_start3A_91 : memref<1x128x128xf32, #tpu.memory_space<hbm>> -> memref<128x128xf32, #tpu.memory_space<hbm>>
    %dma_start3A_93 = arith.constant 0 : i32
    %dma_start3A_94 = arith.constant 0 : i32
    %dma_start3A_95 = tpu.memref_slice %arg8[%dma_start3A_82, %dma_start3A_93, %dma_start3A_94] : memref<2x128x128xf32, #tpu.memory_space<vmem>> -> memref<1x128x128xf32, #tpu.memory_space<vmem>>
    %dma_start3A_96 = tpu.memref_squeeze %dma_start3A_95 : memref<1x128x128xf32, #tpu.memory_space<vmem>> -> memref<128x128xf32, #tpu.memory_space<vmem>>
    tpu.enqueue_dma source(%dma_start3A_96 : memref<128x128xf32, #tpu.memory_space<vmem>>) target(%dma_start3A_92 : memref<128x128xf32, #tpu.memory_space<hbm>>) target_semaphore(%arg14 : memref<!tpu.dma_semaphore, #tpu.memory_space<semaphore_mem>>)
    %add3A_97 = arith.constant 9984 : i32
    %add3A_98 = arith.addi %mul3A_10, %add3A_97 : i32
    %dma_wait3A_99 = arith.constant 0 : i32
    %dma_wait3A_100 = arith.constant 0 : i32
    %dma_wait3A_101 = arith.constant 0 : i32
    %dma_wait3A_102 = tpu.memref_slice %arg8[%dma_wait3A_99, %dma_wait3A_100, %dma_wait3A_101] : memref<2x128x128xf32, #tpu.memory_space<vmem>> -> memref<1x128x128xf32, #tpu.memory_space<vmem>>
    %dma_wait3A_103 = tpu.memref_squeeze %dma_wait3A_102 : memref<1x128x128xf32, #tpu.memory_space<vmem>> -> memref<128x128xf32, #tpu.memory_space<vmem>>
    %dma_wait3A_104 = arith.constant 0 : i32
    %dma_wait3A_105 = tpu.memref_slice %arg6[%arg0, %add3A_98, %dma_wait3A_104] : memref<2x163840x128xf32, #tpu.memory_space<hbm>> -> memref<1x128x128xf32, #tpu.memory_space<hbm>>
    %dma_wait3A_106 = tpu.memref_squeeze %dma_wait3A_105 : memref<1x128x128xf32, #tpu.memory_space<hbm>> -> memref<128x128xf32, #tpu.memory_space<hbm>>
    %dma_wait3A_107 = arith.constant 0 : i32
    %dma_wait3A_108 = tpu.memref_slice %arg6[%arg0, %add3A_98, %dma_wait3A_107] : memref<2x163840x128xf32, #tpu.memory_space<hbm>> -> memref<1x128x128xf32, #tpu.memory_space<hbm>>
    %dma_wait3A_109 = tpu.memref_squeeze %dma_wait3A_108 : memref<1x128x128xf32, #tpu.memory_space<hbm>> -> memref<128x128xf32, #tpu.memory_space<hbm>>
    %dma_wait3A_110 = arith.constant 0 : i32
    %dma_wait3A_111 = arith.constant 0 : i32
    %dma_wait3A_112 = tpu.memref_slice %arg8[%dma_wait3A_99, %dma_wait3A_110, %dma_wait3A_111] : memref<2x128x128xf32, #tpu.memory_space<vmem>> -> memref<1x128x128xf32, #tpu.memory_space<vmem>>
    %dma_wait3A_113 = tpu.memref_squeeze %dma_wait3A_112 : memref<1x128x128xf32, #tpu.memory_space<vmem>> -> memref<128x128xf32, #tpu.memory_space<vmem>>
    tpu.wait_dma2 semaphore(%arg13 : memref<!tpu.dma_semaphore, #tpu.memory_space<semaphore_mem>>) src(%dma_wait3A_113 : memref<128x128xf32, #tpu.memory_space<vmem>>) dst(%dma_wait3A_109 : memref<128x128xf32, #tpu.memory_space<hbm>>)
    %add3A_114 = arith.constant 10112 : i32
    %add3A_115 = arith.addi %mul3A_10, %add3A_114 : i32
    %dma_wait3A_116 = arith.constant 1 : i32
    %dma_wait3A_117 = arith.constant 0 : i32
    %dma_wait3A_118 = arith.constant 0 : i32
    %dma_wait3A_119 = tpu.memref_slice %arg8[%dma_wait3A_116, %dma_wait3A_117, %dma_wait3A_118] : memref<2x128x128xf32, #tpu.memory_space<vmem>> -> memref<1x128x128xf32, #tpu.memory_space<vmem>>
    %dma_wait3A_120 = tpu.memref_squeeze %dma_wait3A_119 : memref<1x128x128xf32, #tpu.memory_space<vmem>> -> memref<128x128xf32, #tpu.memory_space<vmem>>
    %dma_wait3A_121 = arith.constant 0 : i32
    %dma_wait3A_122 = tpu.memref_slice %arg6[%arg0, %add3A_115, %dma_wait3A_121] : memref<2x163840x128xf32, #tpu.memory_space<hbm>> -> memref<1x128x128xf32, #tpu.memory_space<hbm>>
    %dma_wait3A_123 = tpu.memref_squeeze %dma_wait3A_122 : memref<1x128x128xf32, #tpu.memory_space<hbm>> -> memref<128x128xf32, #tpu.memory_space<hbm>>
    %dma_wait3A_124 = arith.constant 0 : i32
    %dma_wait3A_125 = tpu.memref_slice %arg6[%arg0, %add3A_115, %dma_wait3A_124] : memref<2x163840x128xf32, #tpu.memory_space<hbm>> -> memref<1x128x128xf32, #tpu.memory_space<hbm>>
    %dma_wait3A_126 = tpu.memref_squeeze %dma_wait3A_125 : memref<1x128x128xf32, #tpu.memory_space<hbm>> -> memref<128x128xf32, #tpu.memory_space<hbm>>
    %dma_wait3A_127 = arith.constant 0 : i32
    %dma_wait3A_128 = arith.constant 0 : i32
    %dma_wait3A_129 = tpu.memref_slice %arg8[%dma_wait3A_116, %dma_wait3A_127, %dma_wait3A_128] : memref<2x128x128xf32, #tpu.memory_space<vmem>> -> memref<1x128x128xf32, #tpu.memory_space<vmem>>
    %dma_wait3A_130 = tpu.memref_squeeze %dma_wait3A_129 : memref<1x128x128xf32, #tpu.memory_space<vmem>> -> memref<128x128xf32, #tpu.memory_space<vmem>>
    tpu.wait_dma2 semaphore(%arg14 : memref<!tpu.dma_semaphore, #tpu.memory_space<semaphore_mem>>) src(%dma_wait3A_130 : memref<128x128xf32, #tpu.memory_space<vmem>>) dst(%dma_wait3A_126 : memref<128x128xf32, #tpu.memory_space<hbm>>)
    %barrier3A_131 = arith.constant 0 : index
    tpu.barrier barrier_id(%barrier3A_131)
    %mul3A_132 = arith.constant 640 : i32
    %mul3A_133 = arith.muli %arg1, %mul3A_132 : i32
    %scan3A_134 = arith.constant 0 : i32
    %scan3A_135 = arith.constant 0 : i32
    %scan3A_136 = arith.constant 20 : i32
    %scan3A_137 = arith.addi %scan3A_135, %scan3A_136 : i32
    %scan3A_138 = arith.constant 1 : i32
    scf.for %scan3A_264 = %scan3A_135 to %scan3A_137 step %scan3A_138  : i32 {
      %mul3A_265 = arith.constant 32 : i32
      %mul3A_266 = arith.muli %scan3A_264, %mul3A_265 : i32
      %add3A_267 = arith.addi %mul3A_133, %mul3A_266 : i32
      "tpu.region"() ({
        %run_scoped3A = tpu.sem_alloc : memref<!tpu.dma_semaphore, #tpu.memory_space<semaphore_mem>>
        %dma_start3A_268 = arith.constant 0 : i32
        %dma_start3A_269 = tpu.memref_slice %arg10[%add3A_267, %dma_start3A_268] : memref<10240x128xf32, #tpu.memory_space<vmem_shared>> -> memref<32x128xf32, #tpu.memory_space<vmem_shared>>
        %dma_start3A_270 = arith.constant 0 : i32
        %dma_start3A_271 = tpu.memref_slice %arg10[%add3A_267, %dma_start3A_270] : memref<10240x128xf32, #tpu.memory_space<vmem_shared>> -> memref<32x128xf32, #tpu.memory_space<vmem_shared>>
        tpu.enqueue_dma source(%arg9 : memref<32x128xf32, #tpu.memory_space<vmem>>) target(%dma_start3A_271 : memref<32x128xf32, #tpu.memory_space<vmem_shared>>) target_semaphore(%run_scoped3A : memref<!tpu.dma_semaphore, #tpu.memory_space<semaphore_mem>>)
        %dma_wait3A_272 = arith.constant 0 : i32
        %dma_wait3A_273 = tpu.memref_slice %arg10[%add3A_267, %dma_wait3A_272] : memref<10240x128xf32, #tpu.memory_space<vmem_shared>> -> memref<32x128xf32, #tpu.memory_space<vmem_shared>>
        %dma_wait3A_274 = arith.constant 0 : i32
        %dma_wait3A_275 = tpu.memref_slice %arg10[%add3A_267, %dma_wait3A_274] : memref<10240x128xf32, #tpu.memory_space<vmem_shared>> -> memref<32x128xf32, #tpu.memory_space<vmem_shared>>
        tpu.wait_dma2 semaphore(%run_scoped3A : memref<!tpu.dma_semaphore, #tpu.memory_space<semaphore_mem>>) src(%arg9 : memref<32x128xf32, #tpu.memory_space<vmem>>) dst(%dma_wait3A_275 : memref<32x128xf32, #tpu.memory_space<vmem_shared>>)
        tpu.yield
      }) : () -> ()
    }
    %scan3A_139 = arith.constant 20 : i32
    "tpu.region"() ({
      %run_scoped3A = tpu.sem_alloc : memref<!tpu.dma_semaphore, #tpu.memory_space<semaphore_mem>>
      %dma_start3A_264 = arith.constant 0 : i32
      %dma_start3A_265 = arith.constant 0 : i32
      %dma_start3A_266 = tpu.memref_slice %arg4[%arg1, %dma_start3A_264, %dma_start3A_265] : memref<16x80x128xi32, #tpu.memory_space<hbm>> -> memref<1x80x128xi32, #tpu.memory_space<hbm>>
      %dma_start3A_267 = tpu.memref_squeeze %dma_start3A_266 : memref<1x80x128xi32, #tpu.memory_space<hbm>> -> memref<80x128xi32, #tpu.memory_space<hbm>>
      %dma_start3A_268 = arith.constant 0 : i32
      %dma_start3A_269 = arith.constant 0 : i32
      %dma_start3A_270 = tpu.memref_slice %arg4[%arg1, %dma_start3A_268, %dma_start3A_269] : memref<16x80x128xi32, #tpu.memory_space<hbm>> -> memref<1x80x128xi32, #tpu.memory_space<hbm>>
      %dma_start3A_271 = tpu.memref_squeeze %dma_start3A_270 : memref<1x80x128xi32, #tpu.memory_space<hbm>> -> memref<80x128xi32, #tpu.memory_space<hbm>>
      tpu.enqueue_dma source(%dma_start3A_271 : memref<80x128xi32, #tpu.memory_space<hbm>>) target(%arg7 : memref<80x128xi32, #tpu.memory_space<vmem>>) target_semaphore(%run_scoped3A : memref<!tpu.dma_semaphore, #tpu.memory_space<semaphore_mem>>)
      %dma_wait3A_272 = arith.constant 0 : i32
      %dma_wait3A_273 = arith.constant 0 : i32
      %dma_wait3A_274 = tpu.memref_slice %arg4[%arg1, %dma_wait3A_272, %dma_wait3A_273] : memref<16x80x128xi32, #tpu.memory_space<hbm>> -> memref<1x80x128xi32, #tpu.memory_space<hbm>>
      %dma_wait3A_275 = tpu.memref_squeeze %dma_wait3A_274 : memref<1x80x128xi32, #tpu.memory_space<hbm>> -> memref<80x128xi32, #tpu.memory_space<hbm>>
      %dma_wait3A_276 = arith.constant 0 : i32
      %dma_wait3A_277 = arith.constant 0 : i32
      %dma_wait3A_278 = tpu.memref_slice %arg4[%arg1, %dma_wait3A_276, %dma_wait3A_277] : memref<16x80x128xi32, #tpu.memory_space<hbm>> -> memref<1x80x128xi32, #tpu.memory_space<hbm>>
      %dma_wait3A_279 = tpu.memref_squeeze %dma_wait3A_278 : memref<1x80x128xi32, #tpu.memory_space<hbm>> -> memref<80x128xi32, #tpu.memory_space<hbm>>
      tpu.wait_dma2 semaphore(%run_scoped3A : memref<!tpu.dma_semaphore, #tpu.memory_space<semaphore_mem>>) src(%dma_wait3A_279 : memref<80x128xi32, #tpu.memory_space<hbm>>) dst(%arg7 : memref<80x128xi32, #tpu.memory_space<vmem>>)
      tpu.yield
    }) : () -> ()
    %barrier3A_140 = arith.constant 0 : index
    tpu.barrier barrier_id(%barrier3A_140)
    %add3A_141 = arith.constant 0 : i32
    %add3A_142 = arith.addi %mul3A_10, %add3A_141 : i32
    %dma_start3A_143 = arith.constant 0 : i32
    %dma_start3A_144 = arith.constant 0 : i32
    %dma_start3A_145 = arith.constant 0 : i32
    %dma_start3A_146 = tpu.memref_slice %arg8[%dma_start3A_143, %dma_start3A_144, %dma_start3A_145] : memref<2x128x128xf32, #tpu.memory_space<vmem>> -> memref<1x128x128xf32, #tpu.memory_space<vmem>>
    %dma_start3A_147 = tpu.memref_squeeze %dma_start3A_146 : memref<1x128x128xf32, #tpu.memory_space<vmem>> -> memref<128x128xf32, #tpu.memory_space<vmem>>
    %dma_start3A_148 = arith.constant 0 : i32
    %dma_start3A_149 = tpu.memref_slice %arg6[%arg0, %add3A_142, %dma_start3A_148] : memref<2x163840x128xf32, #tpu.memory_space<hbm>> -> memref<1x128x128xf32, #tpu.memory_space<hbm>>
    %dma_start3A_150 = tpu.memref_squeeze %dma_start3A_149 : memref<1x128x128xf32, #tpu.memory_space<hbm>> -> memref<128x128xf32, #tpu.memory_space<hbm>>
    %dma_start3A_151 = arith.constant 0 : i32
    %dma_start3A_152 = arith.constant 0 : i32
    %dma_start3A_153 = tpu.memref_slice %arg8[%dma_start3A_143, %dma_start3A_151, %dma_start3A_152] : memref<2x128x128xf32, #tpu.memory_space<vmem>> -> memref<1x128x128xf32, #tpu.memory_space<vmem>>
    %dma_start3A_154 = tpu.memref_squeeze %dma_start3A_153 : memref<1x128x128xf32, #tpu.memory_space<vmem>> -> memref<128x128xf32, #tpu.memory_space<vmem>>
    %dma_start3A_155 = arith.constant 0 : i32
    %dma_start3A_156 = tpu.memref_slice %arg6[%arg0, %add3A_142, %dma_start3A_155] : memref<2x163840x128xf32, #tpu.memory_space<hbm>> -> memref<1x128x128xf32, #tpu.memory_space<hbm>>
    %dma_start3A_157 = tpu.memref_squeeze %dma_start3A_156 : memref<1x128x128xf32, #tpu.memory_space<hbm>> -> memref<128x128xf32, #tpu.memory_space<hbm>>
    tpu.enqueue_dma source(%dma_start3A_157 : memref<128x128xf32, #tpu.memory_space<hbm>>) target(%dma_start3A_154 : memref<128x128xf32, #tpu.memory_space<vmem>>) target_semaphore(%arg13 : memref<!tpu.dma_semaphore, #tpu.memory_space<semaphore_mem>>)
    %add3A_158 = arith.constant 128 : i32
    %add3A_159 = arith.addi %mul3A_10, %add3A_158 : i32
    %dma_start3A_160 = arith.constant 1 : i32
    %dma_start3A_161 = arith.constant 0 : i32
    %dma_start3A_162 = arith.constant 0 : i32
    %dma_start3A_163 = tpu.memref_slice %arg8[%dma_start3A_160, %dma_start3A_161, %dma_start3A_162] : memref<2x128x128xf32, #tpu.memory_space<vmem>> -> memref<1x128x128xf32, #tpu.memory_space<vmem>>
    %dma_start3A_164 = tpu.memref_squeeze %dma_start3A_163 : memref<1x128x128xf32, #tpu.memory_space<vmem>> -> memref<128x128xf32, #tpu.memory_space<vmem>>
    %dma_start3A_165 = arith.constant 0 : i32
    %dma_start3A_166 = tpu.memref_slice %arg6[%arg0, %add3A_159, %dma_start3A_165] : memref<2x163840x128xf32, #tpu.memory_space<hbm>> -> memref<1x128x128xf32, #tpu.memory_space<hbm>>
    %dma_start3A_167 = tpu.memref_squeeze %dma_start3A_166 : memref<1x128x128xf32, #tpu.memory_space<hbm>> -> memref<128x128xf32, #tpu.memory_space<hbm>>
    %dma_start3A_168 = arith.constant 0 : i32
    %dma_start3A_169 = arith.constant 0 : i32
    %dma_start3A_170 = tpu.memref_slice %arg8[%dma_start3A_160, %dma_start3A_168, %dma_start3A_169] : memref<2x128x128xf32, #tpu.memory_space<vmem>> -> memref<1x128x128xf32, #tpu.memory_space<vmem>>
    %dma_start3A_171 = tpu.memref_squeeze %dma_start3A_170 : memref<1x128x128xf32, #tpu.memory_space<vmem>> -> memref<128x128xf32, #tpu.memory_space<vmem>>
    %dma_start3A_172 = arith.constant 0 : i32
    %dma_start3A_173 = tpu.memref_slice %arg6[%arg0, %add3A_159, %dma_start3A_172] : memref<2x163840x128xf32, #tpu.memory_space<hbm>> -> memref<1x128x128xf32, #tpu.memory_space<hbm>>
    %dma_start3A_174 = tpu.memref_squeeze %dma_start3A_173 : memref<1x128x128xf32, #tpu.memory_space<hbm>> -> memref<128x128xf32, #tpu.memory_space<hbm>>
    tpu.enqueue_dma source(%dma_start3A_174 : memref<128x128xf32, #tpu.memory_space<hbm>>) target(%dma_start3A_171 : memref<128x128xf32, #tpu.memory_space<vmem>>) target_semaphore(%arg14 : memref<!tpu.dma_semaphore, #tpu.memory_space<semaphore_mem>>)
    %add3A_175 = arith.constant 0 : i32
    %add3A_176 = arith.addi %mul3A_10, %add3A_175 : i32
    %dma_wait3A_177 = arith.constant 0 : i32
    %dma_wait3A_178 = arith.constant 0 : i32
    %dma_wait3A_179 = arith.constant 0 : i32
    %dma_wait3A_180 = tpu.memref_slice %arg8[%dma_wait3A_177, %dma_wait3A_178, %dma_wait3A_179] : memref<2x128x128xf32, #tpu.memory_space<vmem>> -> memref<1x128x128xf32, #tpu.memory_space<vmem>>
    %dma_wait3A_181 = tpu.memref_squeeze %dma_wait3A_180 : memref<1x128x128xf32, #tpu.memory_space<vmem>> -> memref<128x128xf32, #tpu.memory_space<vmem>>
    %dma_wait3A_182 = arith.constant 0 : i32
    %dma_wait3A_183 = tpu.memref_slice %arg6[%arg0, %add3A_176, %dma_wait3A_182] : memref<2x163840x128xf32, #tpu.memory_space<hbm>> -> memref<1x128x128xf32, #tpu.memory_space<hbm>>
    %dma_wait3A_184 = tpu.memref_squeeze %dma_wait3A_183 : memref<1x128x128xf32, #tpu.memory_space<hbm>> -> memref<128x128xf32, #tpu.memory_space<hbm>>
    %dma_wait3A_185 = arith.constant 0 : i32
    %dma_wait3A_186 = arith.constant 0 : i32
    %dma_wait3A_187 = tpu.memref_slice %arg8[%dma_wait3A_177, %dma_wait3A_185, %dma_wait3A_186] : memref<2x128x128xf32, #tpu.memory_space<vmem>> -> memref<1x128x128xf32, #tpu.memory_space<vmem>>
    %dma_wait3A_188 = tpu.memref_squeeze %dma_wait3A_187 : memref<1x128x128xf32, #tpu.memory_space<vmem>> -> memref<128x128xf32, #tpu.memory_space<vmem>>
    %dma_wait3A_189 = arith.constant 0 : i32
    %dma_wait3A_190 = tpu.memref_slice %arg6[%arg0, %add3A_176, %dma_wait3A_189] : memref<2x163840x128xf32, #tpu.memory_space<hbm>> -> memref<1x128x128xf32, #tpu.memory_space<hbm>>
    %dma_wait3A_191 = tpu.memref_squeeze %dma_wait3A_190 : memref<1x128x128xf32, #tpu.memory_space<hbm>> -> memref<128x128xf32, #tpu.memory_space<hbm>>
    tpu.wait_dma2 semaphore(%arg13 : memref<!tpu.dma_semaphore, #tpu.memory_space<semaphore_mem>>) src(%dma_wait3A_191 : memref<128x128xf32, #tpu.memory_space<hbm>>) dst(%dma_wait3A_188 : memref<128x128xf32, #tpu.memory_space<vmem>>)
    %dma_start3A_192 = arith.constant 0 : i32
    %dma_start3A_193 = arith.constant 0 : i32
    %dma_start3A_194 = arith.constant 0 : i32
    %dma_start3A_195 = arith.constant 0 : i32
    %dma_start3A_196 = tpu.memref_slice %arg8[%dma_start3A_192, %dma_start3A_194, %dma_start3A_195] : memref<2x128x128xf32, #tpu.memory_space<vmem>> -> memref<1x128x128xf32, #tpu.memory_space<vmem>>
    %dma_start3A_197 = tpu.memref_squeeze %dma_start3A_196 : memref<1x128x128xf32, #tpu.memory_space<vmem>> -> memref<128x128xf32, #tpu.memory_space<vmem>>
    %dma_start3A_198 = arith.constant 0 : i32
    %dma_start3A_199 = tpu.memref_slice %arg7[%dma_start3A_193, %dma_start3A_198] : memref<80x128xi32, #tpu.memory_space<vmem>> -> memref<1x128xi32, #tpu.memory_space<vmem>>
    %dma_start3A_200 = tpu.memref_squeeze %dma_start3A_199 : memref<1x128xi32, #tpu.memory_space<vmem>> -> memref<128xi32, #tpu.memory_space<vmem>>
    %dma_start3A_201 = arith.constant 0 : i32
    %dma_start3A_202 = arith.constant 0 : i32
    %dma_start3A_203 = tpu.memref_slice %arg10[%dma_start3A_201, %dma_start3A_202] : memref<10240x128xf32, #tpu.memory_space<vmem_shared>> -> memref<10240x128xf32, #tpu.memory_space<vmem_shared>>
    tpu.enqueue_indirect_dma source(%dma_start3A_197 : memref<128x128xf32, #tpu.memory_space<vmem>>) target(%dma_start3A_203 : memref<10240x128xf32, #tpu.memory_space<vmem_shared>>) offsets(%dma_start3A_200 : memref<128xi32, #tpu.memory_space<vmem>>) semaphore(%arg11 : memref<!tpu.dma_semaphore, #tpu.memory_space<semaphore_mem>>) {add = true}
    %scan3A_204 = arith.constant 0 : i32
    %scan3A_205 = arith.constant 0 : i32
    %scan3A_206 = arith.constant 39 : i32
    %scan3A_207 = arith.addi %scan3A_205, %scan3A_206 : i32
    %scan3A_208 = arith.constant 1 : i32
    scf.for %scan3A_264 = %scan3A_205 to %scan3A_207 step %scan3A_208  : i32 {
      %mul3A_265 = arith.constant 2 : i32
      %mul3A_266 = arith.muli %mul3A_265, %scan3A_264 : i32
      %add3A_267 = arith.constant 2 : i32
      %add3A_268 = arith.addi %mul3A_266, %add3A_267 : i32
      %add3A_269 = arith.constant 0 : i32
      %add3A_270 = arith.addi %add3A_268, %add3A_269 : i32
      %sub3A = arith.constant 2 : i32
      %sub3A_271 = arith.subi %add3A_270, %sub3A : i32
      %dma_wait3A_272 = arith.constant 0 : i32
      %dma_wait3A_273 = arith.constant 0 : i32
      %dma_wait3A_274 = arith.constant 0 : i32
      %dma_wait3A_275 = tpu.memref_slice %arg8[%dma_wait3A_272, %dma_wait3A_273, %dma_wait3A_274] : memref<2x128x128xf32, #tpu.memory_space<vmem>> -> memref<1x128x128xf32, #tpu.memory_space<vmem>>
      %dma_wait3A_276 = tpu.memref_squeeze %dma_wait3A_275 : memref<1x128x128xf32, #tpu.memory_space<vmem>> -> memref<128x128xf32, #tpu.memory_space<vmem>>
      %dma_wait3A_277 = arith.constant 0 : i32
      %dma_wait3A_278 = tpu.memref_slice %arg7[%sub3A_271, %dma_wait3A_277] : memref<80x128xi32, #tpu.memory_space<vmem>> -> memref<1x128xi32, #tpu.memory_space<vmem>>
      %dma_wait3A_279 = tpu.memref_squeeze %dma_wait3A_278 : memref<1x128xi32, #tpu.memory_space<vmem>> -> memref<128xi32, #tpu.memory_space<vmem>>
      %dma_wait3A_280 = arith.constant 0 : i32
      %dma_wait3A_281 = arith.constant 0 : i32
      %dma_wait3A_282 = tpu.memref_slice %arg10[%dma_wait3A_280, %dma_wait3A_281] : memref<10240x128xf32, #tpu.memory_space<vmem_shared>> -> memref<10240x128xf32, #tpu.memory_space<vmem_shared>>
      tpu.wait_indirect_dma semaphore(%arg11 : memref<!tpu.dma_semaphore, #tpu.memory_space<semaphore_mem>>) src(%dma_wait3A_276 : memref<128x128xf32, #tpu.memory_space<vmem>>) dst(%dma_wait3A_282 : memref<10240x128xf32, #tpu.memory_space<vmem_shared>>)
      %mul3A_283 = arith.constant 128 : i32
      %mul3A_284 = arith.muli %add3A_270, %mul3A_283 : i32
      %add3A_285 = arith.addi %mul3A_10, %mul3A_284 : i32
      %dma_start3A_286 = arith.constant 0 : i32
      %dma_start3A_287 = arith.constant 0 : i32
      %dma_start3A_288 = arith.constant 0 : i32
      %dma_start3A_289 = tpu.memref_slice %arg8[%dma_start3A_286, %dma_start3A_287, %dma_start3A_288] : memref<2x128x128xf32, #tpu.memory_space<vmem>> -> memref<1x128x128xf32, #tpu.memory_space<vmem>>
      %dma_start3A_290 = tpu.memref_squeeze %dma_start3A_289 : memref<1x128x128xf32, #tpu.memory_space<vmem>> -> memref<128x128xf32, #tpu.memory_space<vmem>>
      %dma_start3A_291 = arith.constant 0 : i32
      %dma_start3A_292 = tpu.memref_slice %arg6[%arg0, %add3A_285, %dma_start3A_291] : memref<2x163840x128xf32, #tpu.memory_space<hbm>> -> memref<1x128x128xf32, #tpu.memory_space<hbm>>
      %dma_start3A_293 = tpu.memref_squeeze %dma_start3A_292 : memref<1x128x128xf32, #tpu.memory_space<hbm>> -> memref<128x128xf32, #tpu.memory_space<hbm>>
      %dma_start3A_294 = arith.constant 0 : i32
      %dma_start3A_295 = arith.constant 0 : i32
      %dma_start3A_296 = tpu.memref_slice %arg8[%dma_start3A_286, %dma_start3A_294, %dma_start3A_295] : memref<2x128x128xf32, #tpu.memory_space<vmem>> -> memref<1x128x128xf32, #tpu.memory_space<vmem>>
      %dma_start3A_297 = tpu.memref_squeeze %dma_start3A_296 : memref<1x128x128xf32, #tpu.memory_space<vmem>> -> memref<128x128xf32, #tpu.memory_space<vmem>>
      %dma_start3A_298 = arith.constant 0 : i32
      %dma_start3A_299 = tpu.memref_slice %arg6[%arg0, %add3A_285, %dma_start3A_298] : memref<2x163840x128xf32, #tpu.memory_space<hbm>> -> memref<1x128x128xf32, #tpu.memory_space<hbm>>
      %dma_start3A_300 = tpu.memref_squeeze %dma_start3A_299 : memref<1x128x128xf32, #tpu.memory_space<hbm>> -> memref<128x128xf32, #tpu.memory_space<hbm>>
      tpu.enqueue_dma source(%dma_start3A_300 : memref<128x128xf32, #tpu.memory_space<hbm>>) target(%dma_start3A_297 : memref<128x128xf32, #tpu.memory_space<vmem>>) target_semaphore(%arg13 : memref<!tpu.dma_semaphore, #tpu.memory_space<semaphore_mem>>)
      %sub3A_301 = arith.constant 1 : i32
      %sub3A_302 = arith.subi %add3A_270, %sub3A_301 : i32
      %mul3A_303 = arith.constant 128 : i32
      %mul3A_304 = arith.muli %sub3A_302, %mul3A_303 : i32
      %add3A_305 = arith.addi %mul3A_10, %mul3A_304 : i32
      %dma_wait3A_306 = arith.constant 1 : i32
      %dma_wait3A_307 = arith.constant 0 : i32
      %dma_wait3A_308 = arith.constant 0 : i32
      %dma_wait3A_309 = tpu.memref_slice %arg8[%dma_wait3A_306, %dma_wait3A_307, %dma_wait3A_308] : memref<2x128x128xf32, #tpu.memory_space<vmem>> -> memref<1x128x128xf32, #tpu.memory_space<vmem>>
      %dma_wait3A_310 = tpu.memref_squeeze %dma_wait3A_309 : memref<1x128x128xf32, #tpu.memory_space<vmem>> -> memref<128x128xf32, #tpu.memory_space<vmem>>
      %dma_wait3A_311 = arith.constant 0 : i32
      %dma_wait3A_312 = tpu.memref_slice %arg6[%arg0, %add3A_305, %dma_wait3A_311] : memref<2x163840x128xf32, #tpu.memory_space<hbm>> -> memref<1x128x128xf32, #tpu.memory_space<hbm>>
      %dma_wait3A_313 = tpu.memref_squeeze %dma_wait3A_312 : memref<1x128x128xf32, #tpu.memory_space<hbm>> -> memref<128x128xf32, #tpu.memory_space<hbm>>
      %dma_wait3A_314 = arith.constant 0 : i32
      %dma_wait3A_315 = arith.constant 0 : i32
      %dma_wait3A_316 = tpu.memref_slice %arg8[%dma_wait3A_306, %dma_wait3A_314, %dma_wait3A_315] : memref<2x128x128xf32, #tpu.memory_space<vmem>> -> memref<1x128x128xf32, #tpu.memory_space<vmem>>
      %dma_wait3A_317 = tpu.memref_squeeze %dma_wait3A_316 : memref<1x128x128xf32, #tpu.memory_space<vmem>> -> memref<128x128xf32, #tpu.memory_space<vmem>>
      %dma_wait3A_318 = arith.constant 0 : i32
      %dma_wait3A_319 = tpu.memref_slice %arg6[%arg0, %add3A_305, %dma_wait3A_318] : memref<2x163840x128xf32, #tpu.memory_space<hbm>> -> memref<1x128x128xf32, #tpu.memory_space<hbm>>
      %dma_wait3A_320 = tpu.memref_squeeze %dma_wait3A_319 : memref<1x128x128xf32, #tpu.memory_space<hbm>> -> memref<128x128xf32, #tpu.memory_space<hbm>>
      tpu.wait_dma2 semaphore(%arg14 : memref<!tpu.dma_semaphore, #tpu.memory_space<semaphore_mem>>) src(%dma_wait3A_320 : memref<128x128xf32, #tpu.memory_space<hbm>>) dst(%dma_wait3A_317 : memref<128x128xf32, #tpu.memory_space<vmem>>)
      %sub3A_321 = arith.constant 1 : i32
      %sub3A_322 = arith.subi %add3A_270, %sub3A_321 : i32
      %dma_start3A_323 = arith.constant 1 : i32
      %dma_start3A_324 = arith.constant 0 : i32
      %dma_start3A_325 = arith.constant 0 : i32
      %dma_start3A_326 = tpu.memref_slice %arg8[%dma_start3A_323, %dma_start3A_324, %dma_start3A_325] : memref<2x128x128xf32, #tpu.memory_space<vmem>> -> memref<1x128x128xf32, #tpu.memory_space<vmem>>
      %dma_start3A_327 = tpu.memref_squeeze %dma_start3A_326 : memref<1x128x128xf32, #tpu.memory_space<vmem>> -> memref<128x128xf32, #tpu.memory_space<vmem>>
      %dma_start3A_328 = arith.constant 0 : i32
      %dma_start3A_329 = tpu.memref_slice %arg7[%sub3A_322, %dma_start3A_328] : memref<80x128xi32, #tpu.memory_space<vmem>> -> memref<1x128xi32, #tpu.memory_space<vmem>>
      %dma_start3A_330 = tpu.memref_squeeze %dma_start3A_329 : memref<1x128xi32, #tpu.memory_space<vmem>> -> memref<128xi32, #tpu.memory_space<vmem>>
      %dma_start3A_331 = arith.constant 0 : i32
      %dma_start3A_332 = arith.constant 0 : i32
      %dma_start3A_333 = tpu.memref_slice %arg10[%dma_start3A_331, %dma_start3A_332] : memref<10240x128xf32, #tpu.memory_space<vmem_shared>> -> memref<10240x128xf32, #tpu.memory_space<vmem_shared>>
      tpu.enqueue_indirect_dma source(%dma_start3A_327 : memref<128x128xf32, #tpu.memory_space<vmem>>) target(%dma_start3A_333 : memref<10240x128xf32, #tpu.memory_space<vmem_shared>>) offsets(%dma_start3A_330 : memref<128xi32, #tpu.memory_space<vmem>>) semaphore(%arg12 : memref<!tpu.dma_semaphore, #tpu.memory_space<semaphore_mem>>) {add = true}
      %mul3A_334 = arith.constant 2 : i32
      %mul3A_335 = arith.muli %mul3A_334, %scan3A_264 : i32
      %add3A_336 = arith.constant 2 : i32
      %add3A_337 = arith.addi %mul3A_335, %add3A_336 : i32
      %add3A_338 = arith.constant 1 : i32
      %add3A_339 = arith.addi %add3A_337, %add3A_338 : i32
      %sub3A_340 = arith.constant 2 : i32
      %sub3A_341 = arith.subi %add3A_339, %sub3A_340 : i32
      %dma_wait3A_342 = arith.constant 1 : i32
      %dma_wait3A_343 = arith.constant 0 : i32
      %dma_wait3A_344 = arith.constant 0 : i32
      %dma_wait3A_345 = tpu.memref_slice %arg8[%dma_wait3A_342, %dma_wait3A_343, %dma_wait3A_344] : memref<2x128x128xf32, #tpu.memory_space<vmem>> -> memref<1x128x128xf32, #tpu.memory_space<vmem>>
      %dma_wait3A_346 = tpu.memref_squeeze %dma_wait3A_345 : memref<1x128x128xf32, #tpu.memory_space<vmem>> -> memref<128x128xf32, #tpu.memory_space<vmem>>
      %dma_wait3A_347 = arith.constant 0 : i32
      %dma_wait3A_348 = tpu.memref_slice %arg7[%sub3A_341, %dma_wait3A_347] : memref<80x128xi32, #tpu.memory_space<vmem>> -> memref<1x128xi32, #tpu.memory_space<vmem>>
      %dma_wait3A_349 = tpu.memref_squeeze %dma_wait3A_348 : memref<1x128xi32, #tpu.memory_space<vmem>> -> memref<128xi32, #tpu.memory_space<vmem>>
      %dma_wait3A_350 = arith.constant 0 : i32
      %dma_wait3A_351 = arith.constant 0 : i32
      %dma_wait3A_352 = tpu.memref_slice %arg10[%dma_wait3A_350, %dma_wait3A_351] : memref<10240x128xf32, #tpu.memory_space<vmem_shared>> -> memref<10240x128xf32, #tpu.memory_space<vmem_shared>>
      tpu.wait_indirect_dma semaphore(%arg12 : memref<!tpu.dma_semaphore, #tpu.memory_space<semaphore_mem>>) src(%dma_wait3A_346 : memref<128x128xf32, #tpu.memory_space<vmem>>) dst(%dma_wait3A_352 : memref<10240x128xf32, #tpu.memory_space<vmem_shared>>)
      %mul3A_353 = arith.constant 128 : i32
      %mul3A_354 = arith.muli %add3A_339, %mul3A_353 : i32
      %add3A_355 = arith.addi %mul3A_10, %mul3A_354 : i32
      %dma_start3A_356 = arith.constant 1 : i32
      %dma_start3A_357 = arith.constant 0 : i32
      %dma_start3A_358 = arith.constant 0 : i32
      %dma_start3A_359 = tpu.memref_slice %arg8[%dma_start3A_356, %dma_start3A_357, %dma_start3A_358] : memref<2x128x128xf32, #tpu.memory_space<vmem>> -> memref<1x128x128xf32, #tpu.memory_space<vmem>>
      %dma_start3A_360 = tpu.memref_squeeze %dma_start3A_359 : memref<1x128x128xf32, #tpu.memory_space<vmem>> -> memref<128x128xf32, #tpu.memory_space<vmem>>
      %dma_start3A_361 = arith.constant 0 : i32
      %dma_start3A_362 = tpu.memref_slice %arg6[%arg0, %add3A_355, %dma_start3A_361] : memref<2x163840x128xf32, #tpu.memory_space<hbm>> -> memref<1x128x128xf32, #tpu.memory_space<hbm>>
      %dma_start3A_363 = tpu.memref_squeeze %dma_start3A_362 : memref<1x128x128xf32, #tpu.memory_space<hbm>> -> memref<128x128xf32, #tpu.memory_space<hbm>>
      %dma_start3A_364 = arith.constant 0 : i32
      %dma_start3A_365 = arith.constant 0 : i32
      %dma_start3A_366 = tpu.memref_slice %arg8[%dma_start3A_356, %dma_start3A_364, %dma_start3A_365] : memref<2x128x128xf32, #tpu.memory_space<vmem>> -> memref<1x128x128xf32, #tpu.memory_space<vmem>>
      %dma_start3A_367 = tpu.memref_squeeze %dma_start3A_366 : memref<1x128x128xf32, #tpu.memory_space<vmem>> -> memref<128x128xf32, #tpu.memory_space<vmem>>
      %dma_start3A_368 = arith.constant 0 : i32
      %dma_start3A_369 = tpu.memref_slice %arg6[%arg0, %add3A_355, %dma_start3A_368] : memref<2x163840x128xf32, #tpu.memory_space<hbm>> -> memref<1x128x128xf32, #tpu.memory_space<hbm>>
      %dma_start3A_370 = tpu.memref_squeeze %dma_start3A_369 : memref<1x128x128xf32, #tpu.memory_space<hbm>> -> memref<128x128xf32, #tpu.memory_space<hbm>>
      tpu.enqueue_dma source(%dma_start3A_370 : memref<128x128xf32, #tpu.memory_space<hbm>>) target(%dma_start3A_367 : memref<128x128xf32, #tpu.memory_space<vmem>>) target_semaphore(%arg14 : memref<!tpu.dma_semaphore, #tpu.memory_space<semaphore_mem>>)
      %sub3A_371 = arith.constant 1 : i32
      %sub3A_372 = arith.subi %add3A_339, %sub3A_371 : i32
      %mul3A_373 = arith.constant 128 : i32
      %mul3A_374 = arith.muli %sub3A_372, %mul3A_373 : i32
      %add3A_375 = arith.addi %mul3A_10, %mul3A_374 : i32
      %dma_wait3A_376 = arith.constant 0 : i32
      %dma_wait3A_377 = arith.constant 0 : i32
      %dma_wait3A_378 = arith.constant 0 : i32
      %dma_wait3A_379 = tpu.memref_slice %arg8[%dma_wait3A_376, %dma_wait3A_377, %dma_wait3A_378] : memref<2x128x128xf32, #tpu.memory_space<vmem>> -> memref<1x128x128xf32, #tpu.memory_space<vmem>>
      %dma_wait3A_380 = tpu.memref_squeeze %dma_wait3A_379 : memref<1x128x128xf32, #tpu.memory_space<vmem>> -> memref<128x128xf32, #tpu.memory_space<vmem>>
      %dma_wait3A_381 = arith.constant 0 : i32
      %dma_wait3A_382 = tpu.memref_slice %arg6[%arg0, %add3A_375, %dma_wait3A_381] : memref<2x163840x128xf32, #tpu.memory_space<hbm>> -> memref<1x128x128xf32, #tpu.memory_space<hbm>>
      %dma_wait3A_383 = tpu.memref_squeeze %dma_wait3A_382 : memref<1x128x128xf32, #tpu.memory_space<hbm>> -> memref<128x128xf32, #tpu.memory_space<hbm>>
      %dma_wait3A_384 = arith.constant 0 : i32
      %dma_wait3A_385 = arith.constant 0 : i32
      %dma_wait3A_386 = tpu.memref_slice %arg8[%dma_wait3A_376, %dma_wait3A_384, %dma_wait3A_385] : memref<2x128x128xf32, #tpu.memory_space<vmem>> -> memref<1x128x128xf32, #tpu.memory_space<vmem>>
      %dma_wait3A_387 = tpu.memref_squeeze %dma_wait3A_386 : memref<1x128x128xf32, #tpu.memory_space<vmem>> -> memref<128x128xf32, #tpu.memory_space<vmem>>
      %dma_wait3A_388 = arith.constant 0 : i32
      %dma_wait3A_389 = tpu.memref_slice %arg6[%arg0, %add3A_375, %dma_wait3A_388] : memref<2x163840x128xf32, #tpu.memory_space<hbm>> -> memref<1x128x128xf32, #tpu.memory_space<hbm>>
      %dma_wait3A_390 = tpu.memref_squeeze %dma_wait3A_389 : memref<1x128x128xf32, #tpu.memory_space<hbm>> -> memref<128x128xf32, #tpu.memory_space<hbm>>
      tpu.wait_dma2 semaphore(%arg13 : memref<!tpu.dma_semaphore, #tpu.memory_space<semaphore_mem>>) src(%dma_wait3A_390 : memref<128x128xf32, #tpu.memory_space<hbm>>) dst(%dma_wait3A_387 : memref<128x128xf32, #tpu.memory_space<vmem>>)
      %sub3A_391 = arith.constant 1 : i32
      %sub3A_392 = arith.subi %add3A_339, %sub3A_391 : i32
      %dma_start3A_393 = arith.constant 0 : i32
      %dma_start3A_394 = arith.constant 0 : i32
      %dma_start3A_395 = arith.constant 0 : i32
      %dma_start3A_396 = tpu.memref_slice %arg8[%dma_start3A_393, %dma_start3A_394, %dma_start3A_395] : memref<2x128x128xf32, #tpu.memory_space<vmem>> -> memref<1x128x128xf32, #tpu.memory_space<vmem>>
      %dma_start3A_397 = tpu.memref_squeeze %dma_start3A_396 : memref<1x128x128xf32, #tpu.memory_space<vmem>> -> memref<128x128xf32, #tpu.memory_space<vmem>>
      %dma_start3A_398 = arith.constant 0 : i32
      %dma_start3A_399 = tpu.memref_slice %arg7[%sub3A_392, %dma_start3A_398] : memref<80x128xi32, #tpu.memory_space<vmem>> -> memref<1x128xi32, #tpu.memory_space<vmem>>
      %dma_start3A_400 = tpu.memref_squeeze %dma_start3A_399 : memref<1x128xi32, #tpu.memory_space<vmem>> -> memref<128xi32, #tpu.memory_space<vmem>>
      %dma_start3A_401 = arith.constant 0 : i32
      %dma_start3A_402 = arith.constant 0 : i32
      %dma_start3A_403 = tpu.memref_slice %arg10[%dma_start3A_401, %dma_start3A_402] : memref<10240x128xf32, #tpu.memory_space<vmem_shared>> -> memref<10240x128xf32, #tpu.memory_space<vmem_shared>>
      tpu.enqueue_indirect_dma source(%dma_start3A_397 : memref<128x128xf32, #tpu.memory_space<vmem>>) target(%dma_start3A_403 : memref<10240x128xf32, #tpu.memory_space<vmem_shared>>) offsets(%dma_start3A_400 : memref<128xi32, #tpu.memory_space<vmem>>) semaphore(%arg11 : memref<!tpu.dma_semaphore, #tpu.memory_space<semaphore_mem>>) {add = true}
    }
    %scan3A_209 = arith.constant 39 : i32
    %add3A_210 = arith.constant 10112 : i32
    %add3A_211 = arith.addi %mul3A_10, %add3A_210 : i32
    %dma_wait3A_212 = arith.constant 1 : i32
    %dma_wait3A_213 = arith.constant 0 : i32
    %dma_wait3A_214 = arith.constant 0 : i32
    %dma_wait3A_215 = tpu.memref_slice %arg8[%dma_wait3A_212, %dma_wait3A_213, %dma_wait3A_214] : memref<2x128x128xf32, #tpu.memory_space<vmem>> -> memref<1x128x128xf32, #tpu.memory_space<vmem>>
    %dma_wait3A_216 = tpu.memref_squeeze %dma_wait3A_215 : memref<1x128x128xf32, #tpu.memory_space<vmem>> -> memref<128x128xf32, #tpu.memory_space<vmem>>
    %dma_wait3A_217 = arith.constant 0 : i32
    %dma_wait3A_218 = tpu.memref_slice %arg6[%arg0, %add3A_211, %dma_wait3A_217] : memref<2x163840x128xf32, #tpu.memory_space<hbm>> -> memref<1x128x128xf32, #tpu.memory_space<hbm>>
    %dma_wait3A_219 = tpu.memref_squeeze %dma_wait3A_218 : memref<1x128x128xf32, #tpu.memory_space<hbm>> -> memref<128x128xf32, #tpu.memory_space<hbm>>
    %dma_wait3A_220 = arith.constant 0 : i32
    %dma_wait3A_221 = arith.constant 0 : i32
    %dma_wait3A_222 = tpu.memref_slice %arg8[%dma_wait3A_212, %dma_wait3A_220, %dma_wait3A_221] : memref<2x128x128xf32, #tpu.memory_space<vmem>> -> memref<1x128x128xf32, #tpu.memory_space<vmem>>
    %dma_wait3A_223 = tpu.memref_squeeze %dma_wait3A_222 : memref<1x128x128xf32, #tpu.memory_space<vmem>> -> memref<128x128xf32, #tpu.memory_space<vmem>>
    %dma_wait3A_224 = arith.constant 0 : i32
    %dma_wait3A_225 = tpu.memref_slice %arg6[%arg0, %add3A_211, %dma_wait3A_224] : memref<2x163840x128xf32, #tpu.memory_space<hbm>> -> memref<1x128x128xf32, #tpu.memory_space<hbm>>
    %dma_wait3A_226 = tpu.memref_squeeze %dma_wait3A_225 : memref<1x128x128xf32, #tpu.memory_space<hbm>> -> memref<128x128xf32, #tpu.memory_space<hbm>>
    tpu.wait_dma2 semaphore(%arg14 : memref<!tpu.dma_semaphore, #tpu.memory_space<semaphore_mem>>) src(%dma_wait3A_226 : memref<128x128xf32, #tpu.memory_space<hbm>>) dst(%dma_wait3A_223 : memref<128x128xf32, #tpu.memory_space<vmem>>)
    %dma_start3A_227 = arith.constant 1 : i32
    %dma_start3A_228 = arith.constant 79 : i32
    %dma_start3A_229 = arith.constant 0 : i32
    %dma_start3A_230 = arith.constant 0 : i32
    %dma_start3A_231 = tpu.memref_slice %arg8[%dma_start3A_227, %dma_start3A_229, %dma_start3A_230] : memref<2x128x128xf32, #tpu.memory_space<vmem>> -> memref<1x128x128xf32, #tpu.memory_space<vmem>>
    %dma_start3A_232 = tpu.memref_squeeze %dma_start3A_231 : memref<1x128x128xf32, #tpu.memory_space<vmem>> -> memref<128x128xf32, #tpu.memory_space<vmem>>
    %dma_start3A_233 = arith.constant 0 : i32
    %dma_start3A_234 = tpu.memref_slice %arg7[%dma_start3A_228, %dma_start3A_233] : memref<80x128xi32, #tpu.memory_space<vmem>> -> memref<1x128xi32, #tpu.memory_space<vmem>>
    %dma_start3A_235 = tpu.memref_squeeze %dma_start3A_234 : memref<1x128xi32, #tpu.memory_space<vmem>> -> memref<128xi32, #tpu.memory_space<vmem>>
    %dma_start3A_236 = arith.constant 0 : i32
    %dma_start3A_237 = arith.constant 0 : i32
    %dma_start3A_238 = tpu.memref_slice %arg10[%dma_start3A_236, %dma_start3A_237] : memref<10240x128xf32, #tpu.memory_space<vmem_shared>> -> memref<10240x128xf32, #tpu.memory_space<vmem_shared>>
    tpu.enqueue_indirect_dma source(%dma_start3A_232 : memref<128x128xf32, #tpu.memory_space<vmem>>) target(%dma_start3A_238 : memref<10240x128xf32, #tpu.memory_space<vmem_shared>>) offsets(%dma_start3A_235 : memref<128xi32, #tpu.memory_space<vmem>>) semaphore(%arg12 : memref<!tpu.dma_semaphore, #tpu.memory_space<semaphore_mem>>) {add = true}
    %dma_wait3A_239 = arith.constant 0 : i32
    %dma_wait3A_240 = arith.constant 78 : i32
    %dma_wait3A_241 = arith.constant 0 : i32
    %dma_wait3A_242 = arith.constant 0 : i32
    %dma_wait3A_243 = tpu.memref_slice %arg8[%dma_wait3A_239, %dma_wait3A_241, %dma_wait3A_242] : memref<2x128x128xf32, #tpu.memory_space<vmem>> -> memref<1x128x128xf32, #tpu.memory_space<vmem>>
    %dma_wait3A_244 = tpu.memref_squeeze %dma_wait3A_243 : memref<1x128x128xf32, #tpu.memory_space<vmem>> -> memref<128x128xf32, #tpu.memory_space<vmem>>
    %dma_wait3A_245 = arith.constant 0 : i32
    %dma_wait3A_246 = tpu.memref_slice %arg7[%dma_wait3A_240, %dma_wait3A_245] : memref<80x128xi32, #tpu.memory_space<vmem>> -> memref<1x128xi32, #tpu.memory_space<vmem>>
    %dma_wait3A_247 = tpu.memref_squeeze %dma_wait3A_246 : memref<1x128xi32, #tpu.memory_space<vmem>> -> memref<128xi32, #tpu.memory_space<vmem>>
    %dma_wait3A_248 = arith.constant 0 : i32
    %dma_wait3A_249 = arith.constant 0 : i32
    %dma_wait3A_250 = tpu.memref_slice %arg10[%dma_wait3A_248, %dma_wait3A_249] : memref<10240x128xf32, #tpu.memory_space<vmem_shared>> -> memref<10240x128xf32, #tpu.memory_space<vmem_shared>>
    tpu.wait_indirect_dma semaphore(%arg11 : memref<!tpu.dma_semaphore, #tpu.memory_space<semaphore_mem>>) src(%dma_wait3A_244 : memref<128x128xf32, #tpu.memory_space<vmem>>) dst(%dma_wait3A_250 : memref<10240x128xf32, #tpu.memory_space<vmem_shared>>)
    %dma_wait3A_251 = arith.constant 1 : i32
    %dma_wait3A_252 = arith.constant 79 : i32
    %dma_wait3A_253 = arith.constant 0 : i32
    %dma_wait3A_254 = arith.constant 0 : i32
    %dma_wait3A_255 = tpu.memref_slice %arg8[%dma_wait3A_251, %dma_wait3A_253, %dma_wait3A_254] : memref<2x128x128xf32, #tpu.memory_space<vmem>> -> memref<1x128x128xf32, #tpu.memory_space<vmem>>
    %dma_wait3A_256 = tpu.memref_squeeze %dma_wait3A_255 : memref<1x128x128xf32, #tpu.memory_space<vmem>> -> memref<128x128xf32, #tpu.memory_space<vmem>>
    %dma_wait3A_257 = arith.constant 0 : i32
    %dma_wait3A_258 = tpu.memref_slice %arg7[%dma_wait3A_252, %dma_wait3A_257] : memref<80x128xi32, #tpu.memory_space<vmem>> -> memref<1x128xi32, #tpu.memory_space<vmem>>
    %dma_wait3A_259 = tpu.memref_squeeze %dma_wait3A_258 : memref<1x128xi32, #tpu.memory_space<vmem>> -> memref<128xi32, #tpu.memory_space<vmem>>
    %dma_wait3A_260 = arith.constant 0 : i32
    %dma_wait3A_261 = arith.constant 0 : i32
    %dma_wait3A_262 = tpu.memref_slice %arg10[%dma_wait3A_260, %dma_wait3A_261] : memref<10240x128xf32, #tpu.memory_space<vmem_shared>> -> memref<10240x128xf32, #tpu.memory_space<vmem_shared>>
    tpu.wait_indirect_dma semaphore(%arg12 : memref<!tpu.dma_semaphore, #tpu.memory_space<semaphore_mem>>) src(%dma_wait3A_256 : memref<128x128xf32, #tpu.memory_space<vmem>>) dst(%dma_wait3A_262 : memref<10240x128xf32, #tpu.memory_space<vmem_shared>>)
    %barrier3A_263 = arith.constant 0 : index
    tpu.barrier barrier_id(%barrier3A_263)
    "tpu.region"() ({
      %run_scoped3A = tpu.sem_alloc : memref<!tpu.dma_semaphore, #tpu.memory_space<semaphore_mem>>
      %dma_start3A_264 = arith.constant 0 : i32
      %dma_start3A_265 = tpu.memref_slice %arg5[%arg0, %mul3A_133, %dma_start3A_264] : memref<2x10240x128xf32, #tpu.memory_space<hbm>> -> memref<1x640x128xf32, #tpu.memory_space<hbm>>
      %dma_start3A_266 = tpu.memref_squeeze %dma_start3A_265 : memref<1x640x128xf32, #tpu.memory_space<hbm>> -> memref<640x128xf32, #tpu.memory_space<hbm>>
      %dma_start3A_267 = arith.constant 0 : i32
      %dma_start3A_268 = tpu.memref_slice %arg10[%mul3A_133, %dma_start3A_267] : memref<10240x128xf32, #tpu.memory_space<vmem_shared>> -> memref<640x128xf32, #tpu.memory_space<vmem_shared>>
      tpu.enqueue_dma source(%dma_start3A_268 : memref<640x128xf32, #tpu.memory_space<vmem_shared>>) target(%dma_start3A_266 : memref<640x128xf32, #tpu.memory_space<hbm>>) target_semaphore(%run_scoped3A : memref<!tpu.dma_semaphore, #tpu.memory_space<semaphore_mem>>)
      %dma_wait3A_269 = arith.constant 0 : i32
      %dma_wait3A_270 = tpu.memref_slice %arg5[%arg0, %mul3A_133, %dma_wait3A_269] : memref<2x10240x128xf32, #tpu.memory_space<hbm>> -> memref<1x640x128xf32, #tpu.memory_space<hbm>>
      %dma_wait3A_271 = tpu.memref_squeeze %dma_wait3A_270 : memref<1x640x128xf32, #tpu.memory_space<hbm>> -> memref<640x128xf32, #tpu.memory_space<hbm>>
      %dma_wait3A_272 = arith.constant 0 : i32
      %dma_wait3A_273 = tpu.memref_slice %arg10[%mul3A_133, %dma_wait3A_272] : memref<10240x128xf32, #tpu.memory_space<vmem_shared>> -> memref<640x128xf32, #tpu.memory_space<vmem_shared>>
      tpu.wait_dma2 semaphore(%run_scoped3A : memref<!tpu.dma_semaphore, #tpu.memory_space<semaphore_mem>>) src(%dma_wait3A_273 : memref<640x128xf32, #tpu.memory_space<vmem_shared>>) dst(%dma_wait3A_271 : memref<640x128xf32, #tpu.memory_space<hbm>>)
      tpu.yield
    }) : () -> ()
    return
  }
}

#map = affine_map<(d0, d1) -> (0, 0)>
#map1 = affine_map<(d0, d1) -> (0, 0, 0)>
module attributes {stable_mosaic.version = 14 : i64} {
  func.func @edge_agg(%arg0: i32, %arg1: i32, %arg2: memref<20480x128xf32, #tpu.memory_space<hbm>>, %arg3: memref<16x80x128xi32, #tpu.memory_space<hbm>>, %arg4: memref<16x80x128xi32, #tpu.memory_space<hbm>>, %arg5: memref<2x10240x128xf32, #tpu.memory_space<hbm>>, %arg6: memref<2x163840x128xf32, #tpu.memory_space<hbm>>, %arg7: memref<80x128xi32, #tpu.memory_space<vmem>>, %arg8: memref<2x128x128xf32, #tpu.memory_space<vmem>>, %arg9: memref<32x128xf32, #tpu.memory_space<vmem>>, %arg10: memref<10240x128xf32, #tpu.memory_space<vmem_shared>>, %arg11: memref<!tpu.dma_semaphore, #tpu.memory_space<semaphore_mem>>, %arg12: memref<!tpu.dma_semaphore, #tpu.memory_space<semaphore_mem>>, %arg13: memref<!tpu.dma_semaphore, #tpu.memory_space<semaphore_mem>>, %arg14: memref<!tpu.dma_semaphore, #tpu.memory_space<semaphore_mem>>) attributes {dimension_semantics = [#tpu.dimension_semantics<core_parallel>, #tpu.dimension_semantics<subcore_parallel>], iteration_bounds = array<i64: 2, 16>, scalar_prefetch = 0 : i64, scratch_operands = 8 : i64, tpu.core_type = #tpu.core_type<sc_vector_subcore>, window_params = [{transform_indices = #map}, {transform_indices = #map1}, {transform_indices = #map1}, {transform_indices = #map1}, {transform_indices = #map1}]} {
    %mul3A = arith.constant 640 : i32
    %mul3A_0 = arith.muli %arg1, %mul3A : i32
    %mul3A_1 = arith.constant 10240 : i32
    %mul3A_2 = arith.muli %arg0, %mul3A_1 : i32
    %add3A = arith.addi %mul3A_2, %mul3A_0 : i32
    "tpu.region"() ({
      %run_scoped3A = tpu.sem_alloc : memref<!tpu.dma_semaphore, #tpu.memory_space<semaphore_mem>>
      %dma_start3A_264 = arith.constant 0 : i32
      %dma_start3A_265 = tpu.memref_slice %arg10[%mul3A_0, %dma_start3A_264] : memref<10240x128xf32, #tpu.memory_space<vmem_shared>> -> memref<640x128xf32, #tpu.memory_space<vmem_shared>>
      %dma_start3A_266 = arith.constant 0 : i32
      %dma_start3A_267 = tpu.memref_slice %arg2[%add3A, %dma_start3A_266] : memref<20480x128xf32, #tpu.memory_space<hbm>> -> memref<640x128xf32, #tpu.memory_space<hbm>>
      tpu.enqueue_dma source(%dma_start3A_267 : memref<640x128xf32, #tpu.memory_space<hbm>>) target(%dma_start3A_265 : memref<640x128xf32, #tpu.memory_space<vmem_shared>>) target_semaphore(%run_scoped3A : memref<!tpu.dma_semaphore, #tpu.memory_space<semaphore_mem>>)
      %dma_wait3A_268 = arith.constant 0 : i32
      %dma_wait3A_269 = tpu.memref_slice %arg10[%mul3A_0, %dma_wait3A_268] : memref<10240x128xf32, #tpu.memory_space<vmem_shared>> -> memref<640x128xf32, #tpu.memory_space<vmem_shared>>
      %dma_wait3A_270 = arith.constant 0 : i32
      %dma_wait3A_271 = tpu.memref_slice %arg2[%add3A, %dma_wait3A_270] : memref<20480x128xf32, #tpu.memory_space<hbm>> -> memref<640x128xf32, #tpu.memory_space<hbm>>
      tpu.wait_dma2 semaphore(%run_scoped3A : memref<!tpu.dma_semaphore, #tpu.memory_space<semaphore_mem>>) src(%dma_wait3A_271 : memref<640x128xf32, #tpu.memory_space<hbm>>) dst(%dma_wait3A_269 : memref<640x128xf32, #tpu.memory_space<vmem_shared>>)
      tpu.yield
    }) : () -> ()
    "tpu.region"() ({
      %run_scoped3A = tpu.sem_alloc : memref<!tpu.dma_semaphore, #tpu.memory_space<semaphore_mem>>
      %dma_start3A_264 = arith.constant 0 : i32
      %dma_start3A_265 = arith.constant 0 : i32
      %dma_start3A_266 = tpu.memref_slice %arg3[%arg1, %dma_start3A_264, %dma_start3A_265] : memref<16x80x128xi32, #tpu.memory_space<hbm>> -> memref<1x80x128xi32, #tpu.memory_space<hbm>>
      %dma_start3A_267 = tpu.memref_squeeze %dma_start3A_266 : memref<1x80x128xi32, #tpu.memory_space<hbm>> -> memref<80x128xi32, #tpu.memory_space<hbm>>
      %dma_start3A_268 = arith.constant 0 : i32
      %dma_start3A_269 = arith.constant 0 : i32
      %dma_start3A_270 = tpu.memref_slice %arg3[%arg1, %dma_start3A_268, %dma_start3A_269] : memref<16x80x128xi32, #tpu.memory_space<hbm>> -> memref<1x80x128xi32, #tpu.memory_space<hbm>>
      %dma_start3A_271 = tpu.memref_squeeze %dma_start3A_270 : memref<1x80x128xi32, #tpu.memory_space<hbm>> -> memref<80x128xi32, #tpu.memory_space<hbm>>
      tpu.enqueue_dma source(%dma_start3A_271 : memref<80x128xi32, #tpu.memory_space<hbm>>) target(%arg7 : memref<80x128xi32, #tpu.memory_space<vmem>>) target_semaphore(%run_scoped3A : memref<!tpu.dma_semaphore, #tpu.memory_space<semaphore_mem>>)
      %dma_wait3A_272 = arith.constant 0 : i32
      %dma_wait3A_273 = arith.constant 0 : i32
      %dma_wait3A_274 = tpu.memref_slice %arg3[%arg1, %dma_wait3A_272, %dma_wait3A_273] : memref<16x80x128xi32, #tpu.memory_space<hbm>> -> memref<1x80x128xi32, #tpu.memory_space<hbm>>
      %dma_wait3A_275 = tpu.memref_squeeze %dma_wait3A_274 : memref<1x80x128xi32, #tpu.memory_space<hbm>> -> memref<80x128xi32, #tpu.memory_space<hbm>>
      %dma_wait3A_276 = arith.constant 0 : i32
      %dma_wait3A_277 = arith.constant 0 : i32
      %dma_wait3A_278 = tpu.memref_slice %arg3[%arg1, %dma_wait3A_276, %dma_wait3A_277] : memref<16x80x128xi32, #tpu.memory_space<hbm>> -> memref<1x80x128xi32, #tpu.memory_space<hbm>>
      %dma_wait3A_279 = tpu.memref_squeeze %dma_wait3A_278 : memref<1x80x128xi32, #tpu.memory_space<hbm>> -> memref<80x128xi32, #tpu.memory_space<hbm>>
      tpu.wait_dma2 semaphore(%run_scoped3A : memref<!tpu.dma_semaphore, #tpu.memory_space<semaphore_mem>>) src(%dma_wait3A_279 : memref<80x128xi32, #tpu.memory_space<hbm>>) dst(%arg7 : memref<80x128xi32, #tpu.memory_space<vmem>>)
      tpu.yield
    }) : () -> ()
    %broadcast_in_dim3A = arith.constant 0.000000e+00 : f32
    %broadcast_in_dim3A_3 = vector.broadcast %broadcast_in_dim3A : f32 to vector<16xf32>
    %scan3A = arith.constant 0 : i32
    %scan3A_4 = arith.constant 0 : i32
    %scan3A_5 = arith.constant 32 : i32
    %scan3A_6 = arith.addi %scan3A_4, %scan3A_5 : i32
    %scan3A_7 = arith.constant 1 : i32
    scf.for %scan3A_264 = %scan3A_4 to %scan3A_6 step %scan3A_7  : i32 {
      %swap3A = arith.index_cast %scan3A_264 : i32 to index
      %swap3A_265 = arith.constant 0 : index
      %swap3A_266 = tpu.vector_load %arg9[%swap3A, %swap3A_265] {strides = array<i32>} : memref<32x128xf32, #tpu.memory_space<vmem>>, vector<1x16xf32>,
      %swap3A_267 = vector.shape_cast %swap3A_266 : vector<1x16xf32> to vector<16xf32>
      %swap3A_268 = vector.shape_cast %broadcast_in_dim3A_3 : vector<16xf32> to vector<1x16xf32>
      tpu.vector_store %arg9[%swap3A, %swap3A_265], %swap3A_268 {strides = array<i32>} : memref<32x128xf32, #tpu.memory_space<vmem>>, vector<1x16xf32>,
      %swap3A_269 = arith.index_cast %scan3A_264 : i32 to index
      %swap3A_270 = arith.constant 16 : index
      %swap3A_271 = tpu.vector_load %arg9[%swap3A_269, %swap3A_270] {strides = array<i32>} : memref<32x128xf32, #tpu.memory_space<vmem>>, vector<1x16xf32>,
      %swap3A_272 = vector.shape_cast %swap3A_271 : vector<1x16xf32> to vector<16xf32>
      %swap3A_273 = vector.shape_cast %broadcast_in_dim3A_3 : vector<16xf32> to vector<1x16xf32>
      tpu.vector_store %arg9[%swap3A_269, %swap3A_270], %swap3A_273 {strides = array<i32>} : memref<32x128xf32, #tpu.memory_space<vmem>>, vector<1x16xf32>,
      %swap3A_274 = arith.index_cast %scan3A_264 : i32 to index
      %swap3A_275 = arith.constant 32 : index
      %swap3A_276 = tpu.vector_load %arg9[%swap3A_274, %swap3A_275] {strides = array<i32>} : memref<32x128xf32, #tpu.memory_space<vmem>>, vector<1x16xf32>,
      %swap3A_277 = vector.shape_cast %swap3A_276 : vector<1x16xf32> to vector<16xf32>
      %swap3A_278 = vector.shape_cast %broadcast_in_dim3A_3 : vector<16xf32> to vector<1x16xf32>
      tpu.vector_store %arg9[%swap3A_274, %swap3A_275], %swap3A_278 {strides = array<i32>} : memref<32x128xf32, #tpu.memory_space<vmem>>, vector<1x16xf32>,
      %swap3A_279 = arith.index_cast %scan3A_264 : i32 to index
      %swap3A_280 = arith.constant 48 : index
      %swap3A_281 = tpu.vector_load %arg9[%swap3A_279, %swap3A_280] {strides = array<i32>} : memref<32x128xf32, #tpu.memory_space<vmem>>, vector<1x16xf32>,
      %swap3A_282 = vector.shape_cast %swap3A_281 : vector<1x16xf32> to vector<16xf32>
      %swap3A_283 = vector.shape_cast %broadcast_in_dim3A_3 : vector<16xf32> to vector<1x16xf32>
      tpu.vector_store %arg9[%swap3A_279, %swap3A_280], %swap3A_283 {strides = array<i32>} : memref<32x128xf32, #tpu.memory_space<vmem>>, vector<1x16xf32>,
      %swap3A_284 = arith.index_cast %scan3A_264 : i32 to index
      %swap3A_285 = arith.constant 64 : index
      %swap3A_286 = tpu.vector_load %arg9[%swap3A_284, %swap3A_285] {strides = array<i32>} : memref<32x128xf32, #tpu.memory_space<vmem>>, vector<1x16xf32>,
      %swap3A_287 = vector.shape_cast %swap3A_286 : vector<1x16xf32> to vector<16xf32>
      %swap3A_288 = vector.shape_cast %broadcast_in_dim3A_3 : vector<16xf32> to vector<1x16xf32>
      tpu.vector_store %arg9[%swap3A_284, %swap3A_285], %swap3A_288 {strides = array<i32>} : memref<32x128xf32, #tpu.memory_space<vmem>>, vector<1x16xf32>,
      %swap3A_289 = arith.index_cast %scan3A_264 : i32 to index
      %swap3A_290 = arith.constant 80 : index
      %swap3A_291 = tpu.vector_load %arg9[%swap3A_289, %swap3A_290] {strides = array<i32>} : memref<32x128xf32, #tpu.memory_space<vmem>>, vector<1x16xf32>,
      %swap3A_292 = vector.shape_cast %swap3A_291 : vector<1x16xf32> to vector<16xf32>
      %swap3A_293 = vector.shape_cast %broadcast_in_dim3A_3 : vector<16xf32> to vector<1x16xf32>
      tpu.vector_store %arg9[%swap3A_289, %swap3A_290], %swap3A_293 {strides = array<i32>} : memref<32x128xf32, #tpu.memory_space<vmem>>, vector<1x16xf32>,
      %swap3A_294 = arith.index_cast %scan3A_264 : i32 to index
      %swap3A_295 = arith.constant 96 : index
      %swap3A_296 = tpu.vector_load %arg9[%swap3A_294, %swap3A_295] {strides = array<i32>} : memref<32x128xf32, #tpu.memory_space<vmem>>, vector<1x16xf32>,
      %swap3A_297 = vector.shape_cast %swap3A_296 : vector<1x16xf32> to vector<16xf32>
      %swap3A_298 = vector.shape_cast %broadcast_in_dim3A_3 : vector<16xf32> to vector<1x16xf32>
      tpu.vector_store %arg9[%swap3A_294, %swap3A_295], %swap3A_298 {strides = array<i32>} : memref<32x128xf32, #tpu.memory_space<vmem>>, vector<1x16xf32>,
      %swap3A_299 = arith.index_cast %scan3A_264 : i32 to index
      %swap3A_300 = arith.constant 112 : index
      %swap3A_301 = tpu.vector_load %arg9[%swap3A_299, %swap3A_300] {strides = array<i32>} : memref<32x128xf32, #tpu.memory_space<vmem>>, vector<1x16xf32>,
      %swap3A_302 = vector.shape_cast %swap3A_301 : vector<1x16xf32> to vector<16xf32>
      %swap3A_303 = vector.shape_cast %broadcast_in_dim3A_3 : vector<16xf32> to vector<1x16xf32>
      tpu.vector_store %arg9[%swap3A_299, %swap3A_300], %swap3A_303 {strides = array<i32>} : memref<32x128xf32, #tpu.memory_space<vmem>>, vector<1x16xf32>,
    }
    %scan3A_8 = arith.constant 32 : i32
    %barrier3A = arith.constant 0 : index
    tpu.barrier barrier_id(%barrier3A)
    %mul3A_9 = arith.constant 10240 : i32
    %mul3A_10 = arith.muli %arg1, %mul3A_9 : i32
    %dma_start3A = arith.constant 0 : i32
    %dma_start3A_11 = arith.constant 0 : i32
    %dma_start3A_12 = arith.constant 0 : i32
    %dma_start3A_13 = arith.constant 0 : i32
    %dma_start3A_14 = tpu.memref_slice %arg8[%dma_start3A_11, %dma_start3A_12, %dma_start3A_13] : memref<2x128x128xf32, #tpu.memory_space<vmem>> -> memref<1x128x128xf32, #tpu.memory_space<vmem>>
    %dma_start3A_15 = tpu.memref_squeeze %dma_start3A_14 : memref<1x128x128xf32, #tpu.memory_space<vmem>> -> memref<128x128xf32, #tpu.memory_space<vmem>>
    %dma_start3A_16 = arith.constant 0 : i32
    %dma_start3A_17 = tpu.memref_slice %arg7[%dma_start3A, %dma_start3A_16] : memref<80x128xi32, #tpu.memory_space<vmem>> -> memref<1x128xi32, #tpu.memory_space<vmem>>
    %dma_start3A_18 = tpu.memref_squeeze %dma_start3A_17 : memref<1x128xi32, #tpu.memory_space<vmem>> -> memref<128xi32, #tpu.memory_space<vmem>>
    %dma_start3A_19 = arith.constant 0 : i32
    %dma_start3A_20 = arith.constant 0 : i32
    %dma_start3A_21 = tpu.memref_slice %arg10[%dma_start3A_19, %dma_start3A_20] : memref<10240x128xf32, #tpu.memory_space<vmem_shared>> -> memref<10240x128xf32, #tpu.memory_space<vmem_shared>>
    tpu.enqueue_indirect_dma source(%dma_start3A_21 : memref<10240x128xf32, #tpu.memory_space<vmem_shared>>) target(%dma_start3A_15 : memref<128x128xf32, #tpu.memory_space<vmem>>) offsets(%dma_start3A_18 : memref<128xi32, #tpu.memory_space<vmem>>) semaphore(%arg11 : memref<!tpu.dma_semaphore, #tpu.memory_space<semaphore_mem>>)
    %dma_start3A_22 = arith.constant 1 : i32
    %dma_start3A_23 = arith.constant 1 : i32
    %dma_start3A_24 = arith.constant 0 : i32
    %dma_start3A_25 = arith.constant 0 : i32
    %dma_start3A_26 = tpu.memref_slice %arg8[%dma_start3A_23, %dma_start3A_24, %dma_start3A_25] : memref<2x128x128xf32, #tpu.memory_space<vmem>> -> memref<1x128x128xf32, #tpu.memory_space<vmem>>
    %dma_start3A_27 = tpu.memref_squeeze %dma_start3A_26 : memref<1x128x128xf32, #tpu.memory_space<vmem>> -> memref<128x128xf32, #tpu.memory_space<vmem>>
    %dma_start3A_28 = arith.constant 0 : i32
    %dma_start3A_29 = tpu.memref_slice %arg7[%dma_start3A_22, %dma_start3A_28] : memref<80x128xi32, #tpu.memory_space<vmem>> -> memref<1x128xi32, #tpu.memory_space<vmem>>
    %dma_start3A_30 = tpu.memref_squeeze %dma_start3A_29 : memref<1x128xi32, #tpu.memory_space<vmem>> -> memref<128xi32, #tpu.memory_space<vmem>>
    %dma_start3A_31 = arith.constant 0 : i32
    %dma_start3A_32 = arith.constant 0 : i32
    %dma_start3A_33 = tpu.memref_slice %arg10[%dma_start3A_31, %dma_start3A_32] : memref<10240x128xf32, #tpu.memory_space<vmem_shared>> -> memref<10240x128xf32, #tpu.memory_space<vmem_shared>>
    tpu.enqueue_indirect_dma source(%dma_start3A_33 : memref<10240x128xf32, #tpu.memory_space<vmem_shared>>) target(%dma_start3A_27 : memref<128x128xf32, #tpu.memory_space<vmem>>) offsets(%dma_start3A_30 : memref<128xi32, #tpu.memory_space<vmem>>) semaphore(%arg12 : memref<!tpu.dma_semaphore, #tpu.memory_space<semaphore_mem>>)
    %dma_wait3A = arith.constant 0 : i32
    %dma_wait3A_34 = arith.constant 0 : i32
    %dma_wait3A_35 = arith.constant 0 : i32
    %dma_wait3A_36 = arith.constant 0 : i32
    %dma_wait3A_37 = tpu.memref_slice %arg8[%dma_wait3A_34, %dma_wait3A_35, %dma_wait3A_36] : memref<2x128x128xf32, #tpu.memory_space<vmem>> -> memref<1x128x128xf32, #tpu.memory_space<vmem>>
    %dma_wait3A_38 = tpu.memref_squeeze %dma_wait3A_37 : memref<1x128x128xf32, #tpu.memory_space<vmem>> -> memref<128x128xf32, #tpu.memory_space<vmem>>
    %dma_wait3A_39 = arith.constant 0 : i32
    %dma_wait3A_40 = tpu.memref_slice %arg7[%dma_wait3A, %dma_wait3A_39] : memref<80x128xi32, #tpu.memory_space<vmem>> -> memref<1x128xi32, #tpu.memory_space<vmem>>
    %dma_wait3A_41 = tpu.memref_squeeze %dma_wait3A_40 : memref<1x128xi32, #tpu.memory_space<vmem>> -> memref<128xi32, #tpu.memory_space<vmem>>
    %dma_wait3A_42 = arith.constant 0 : i32
    %dma_wait3A_43 = arith.constant 0 : i32
    %dma_wait3A_44 = tpu.memref_slice %arg10[%dma_wait3A_42, %dma_wait3A_43] : memref<10240x128xf32, #tpu.memory_space<vmem_shared>> -> memref<10240x128xf32, #tpu.memory_space<vmem_shared>>
    tpu.wait_indirect_dma semaphore(%arg11 : memref<!tpu.dma_semaphore, #tpu.memory_space<semaphore_mem>>) src(%dma_wait3A_44 : memref<10240x128xf32, #tpu.memory_space<vmem_shared>>) dst(%dma_wait3A_38 : memref<128x128xf32, #tpu.memory_space<vmem>>)
    %add3A_45 = arith.constant 0 : i32
    %add3A_46 = arith.addi %mul3A_10, %add3A_45 : i32
    %dma_start3A_47 = arith.constant 0 : i32
    %dma_start3A_48 = arith.constant 0 : i32
    %dma_start3A_49 = arith.constant 0 : i32
    %dma_start3A_50 = tpu.memref_slice %arg8[%dma_start3A_47, %dma_start3A_48, %dma_start3A_49] : memref<2x128x128xf32, #tpu.memory_space<vmem>> -> memref<1x128x128xf32, #tpu.memory_space<vmem>>
    %dma_start3A_51 = tpu.memref_squeeze %dma_start3A_50 : memref<1x128x128xf32, #tpu.memory_space<vmem>> -> memref<128x128xf32, #tpu.memory_space<vmem>>
    %dma_start3A_52 = arith.constant 0 : i32
    %dma_start3A_53 = tpu.memref_slice %arg6[%arg0, %add3A_46, %dma_start3A_52] : memref<2x163840x128xf32, #tpu.memory_space<hbm>> -> memref<1x128x128xf32, #tpu.memory_space<hbm>>
    %dma_start3A_54 = tpu.memref_squeeze %dma_start3A_53 : memref<1x128x128xf32, #tpu.memory_space<hbm>> -> memref<128x128xf32, #tpu.memory_space<hbm>>
    %dma_start3A_55 = arith.constant 0 : i32
    %dma_start3A_56 = tpu.memref_slice %arg6[%arg0, %add3A_46, %dma_start3A_55] : memref<2x163840x128xf32, #tpu.memory_space<hbm>> -> memref<1x128x128xf32, #tpu.memory_space<hbm>>
    %dma_start3A_57 = tpu.memref_squeeze %dma_start3A_56 : memref<1x128x128xf32, #tpu.memory_space<hbm>> -> memref<128x128xf32, #tpu.memory_space<hbm>>
    %dma_start3A_58 = arith.constant 0 : i32
    %dma_start3A_59 = arith.constant 0 : i32
    %dma_start3A_60 = tpu.memref_slice %arg8[%dma_start3A_47, %dma_start3A_58, %dma_start3A_59] : memref<2x128x128xf32, #tpu.memory_space<vmem>> -> memref<1x128x128xf32, #tpu.memory_space<vmem>>
    %dma_start3A_61 = tpu.memref_squeeze %dma_start3A_60 : memref<1x128x128xf32, #tpu.memory_space<vmem>> -> memref<128x128xf32, #tpu.memory_space<vmem>>
    tpu.enqueue_dma source(%dma_start3A_61 : memref<128x128xf32, #tpu.memory_space<vmem>>) target(%dma_start3A_57 : memref<128x128xf32, #tpu.memory_space<hbm>>) target_semaphore(%arg13 : memref<!tpu.dma_semaphore, #tpu.memory_space<semaphore_mem>>)
    %scan3A_62 = arith.constant 0 : i32
    %scan3A_63 = arith.constant 0 : i32
    %scan3A_64 = arith.constant 39 : i32
    %scan3A_65 = arith.addi %scan3A_63, %scan3A_64 : i32
    %scan3A_66 = arith.constant 1 : i32
    scf.for %scan3A_264 = %scan3A_63 to %scan3A_65 step %scan3A_66  : i32 {
      %mul3A_265 = arith.constant 2 : i32
      %mul3A_266 = arith.muli %mul3A_265, %scan3A_264 : i32
      %add3A_267 = arith.constant 2 : i32
      %add3A_268 = arith.addi %mul3A_266, %add3A_267 : i32
      %add3A_269 = arith.constant 0 : i32
      %add3A_270 = arith.addi %add3A_268, %add3A_269 : i32
      %sub3A = arith.constant 2 : i32
      %sub3A_271 = arith.subi %add3A_270, %sub3A : i32
      %mul3A_272 = arith.constant 128 : i32
      %mul3A_273 = arith.muli %sub3A_271, %mul3A_272 : i32
      %add3A_274 = arith.addi %mul3A_10, %mul3A_273 : i32
      %dma_wait3A_275 = arith.constant 0 : i32
      %dma_wait3A_276 = arith.constant 0 : i32
      %dma_wait3A_277 = arith.constant 0 : i32
      %dma_wait3A_278 = tpu.memref_slice %arg8[%dma_wait3A_275, %dma_wait3A_276, %dma_wait3A_277] : memref<2x128x128xf32, #tpu.memory_space<vmem>> -> memref<1x128x128xf32, #tpu.memory_space<vmem>>
      %dma_wait3A_279 = tpu.memref_squeeze %dma_wait3A_278 : memref<1x128x128xf32, #tpu.memory_space<vmem>> -> memref<128x128xf32, #tpu.memory_space<vmem>>
      %dma_wait3A_280 = arith.constant 0 : i32
      %dma_wait3A_281 = tpu.memref_slice %arg6[%arg0, %add3A_274, %dma_wait3A_280] : memref<2x163840x128xf32, #tpu.memory_space<hbm>> -> memref<1x128x128xf32, #tpu.memory_space<hbm>>
      %dma_wait3A_282 = tpu.memref_squeeze %dma_wait3A_281 : memref<1x128x128xf32, #tpu.memory_space<hbm>> -> memref<128x128xf32, #tpu.memory_space<hbm>>
      %dma_wait3A_283 = arith.constant 0 : i32
      %dma_wait3A_284 = tpu.memref_slice %arg6[%arg0, %add3A_274, %dma_wait3A_283] : memref<2x163840x128xf32, #tpu.memory_space<hbm>> -> memref<1x128x128xf32, #tpu.memory_space<hbm>>
      %dma_wait3A_285 = tpu.memref_squeeze %dma_wait3A_284 : memref<1x128x128xf32, #tpu.memory_space<hbm>> -> memref<128x128xf32, #tpu.memory_space<hbm>>
      %dma_wait3A_286 = arith.constant 0 : i32
      %dma_wait3A_287 = arith.constant 0 : i32
      %dma_wait3A_288 = tpu.memref_slice %arg8[%dma_wait3A_275, %dma_wait3A_286, %dma_wait3A_287] : memref<2x128x128xf32, #tpu.memory_space<vmem>> -> memref<1x128x128xf32, #tpu.memory_space<vmem>>
      %dma_wait3A_289 = tpu.memref_squeeze %dma_wait3A_288 : memref<1x128x128xf32, #tpu.memory_space<vmem>> -> memref<128x128xf32, #tpu.memory_space<vmem>>
      tpu.wait_dma2 semaphore(%arg13 : memref<!tpu.dma_semaphore, #tpu.memory_space<semaphore_mem>>) src(%dma_wait3A_289 : memref<128x128xf32, #tpu.memory_space<vmem>>) dst(%dma_wait3A_285 : memref<128x128xf32, #tpu.memory_space<hbm>>)
      %dma_start3A_290 = arith.constant 0 : i32
      %dma_start3A_291 = arith.constant 0 : i32
      %dma_start3A_292 = arith.constant 0 : i32
      %dma_start3A_293 = tpu.memref_slice %arg8[%dma_start3A_290, %dma_start3A_291, %dma_start3A_292] : memref<2x128x128xf32, #tpu.memory_space<vmem>> -> memref<1x128x128xf32, #tpu.memory_space<vmem>>
      %dma_start3A_294 = tpu.memref_squeeze %dma_start3A_293 : memref<1x128x128xf32, #tpu.memory_space<vmem>> -> memref<128x128xf32, #tpu.memory_space<vmem>>
      %dma_start3A_295 = arith.constant 0 : i32
      %dma_start3A_296 = tpu.memref_slice %arg7[%add3A_270, %dma_start3A_295] : memref<80x128xi32, #tpu.memory_space<vmem>> -> memref<1x128xi32, #tpu.memory_space<vmem>>
      %dma_start3A_297 = tpu.memref_squeeze %dma_start3A_296 : memref<1x128xi32, #tpu.memory_space<vmem>> -> memref<128xi32, #tpu.memory_space<vmem>>
      %dma_start3A_298 = arith.constant 0 : i32
      %dma_start3A_299 = arith.constant 0 : i32
      %dma_start3A_300 = tpu.memref_slice %arg10[%dma_start3A_298, %dma_start3A_299] : memref<10240x128xf32, #tpu.memory_space<vmem_shared>> -> memref<10240x128xf32, #tpu.memory_space<vmem_shared>>
      tpu.enqueue_indirect_dma source(%dma_start3A_300 : memref<10240x128xf32, #tpu.memory_space<vmem_shared>>) target(%dma_start3A_294 : memref<128x128xf32, #tpu.memory_space<vmem>>) offsets(%dma_start3A_297 : memref<128xi32, #tpu.memory_space<vmem>>) semaphore(%arg11 : memref<!tpu.dma_semaphore, #tpu.memory_space<semaphore_mem>>)
      %sub3A_301 = arith.constant 1 : i32
      %sub3A_302 = arith.subi %add3A_270, %sub3A_301 : i32
      %dma_wait3A_303 = arith.constant 1 : i32
      %dma_wait3A_304 = arith.constant 0 : i32
      %dma_wait3A_305 = arith.constant 0 : i32
      %dma_wait3A_306 = tpu.memref_slice %arg8[%dma_wait3A_303, %dma_wait3A_304, %dma_wait3A_305] : memref<2x128x128xf32, #tpu.memory_space<vmem>> -> memref<1x128x128xf32, #tpu.memory_space<vmem>>
      %dma_wait3A_307 = tpu.memref_squeeze %dma_wait3A_306 : memref<1x128x128xf32, #tpu.memory_space<vmem>> -> memref<128x128xf32, #tpu.memory_space<vmem>>
      %dma_wait3A_308 = arith.constant 0 : i32
      %dma_wait3A_309 = tpu.memref_slice %arg7[%sub3A_302, %dma_wait3A_308] : memref<80x128xi32, #tpu.memory_space<vmem>> -> memref<1x128xi32, #tpu.memory_space<vmem>>
      %dma_wait3A_310 = tpu.memref_squeeze %dma_wait3A_309 : memref<1x128xi32, #tpu.memory_space<vmem>> -> memref<128xi32, #tpu.memory_space<vmem>>
      %dma_wait3A_311 = arith.constant 0 : i32
      %dma_wait3A_312 = arith.constant 0 : i32
      %dma_wait3A_313 = tpu.memref_slice %arg10[%dma_wait3A_311, %dma_wait3A_312] : memref<10240x128xf32, #tpu.memory_space<vmem_shared>> -> memref<10240x128xf32, #tpu.memory_space<vmem_shared>>
      tpu.wait_indirect_dma semaphore(%arg12 : memref<!tpu.dma_semaphore, #tpu.memory_space<semaphore_mem>>) src(%dma_wait3A_313 : memref<10240x128xf32, #tpu.memory_space<vmem_shared>>) dst(%dma_wait3A_307 : memref<128x128xf32, #tpu.memory_space<vmem>>)
      %sub3A_314 = arith.constant 1 : i32
      %sub3A_315 = arith.subi %add3A_270, %sub3A_314 : i32
      %mul3A_316 = arith.constant 128 : i32
      %mul3A_317 = arith.muli %sub3A_315, %mul3A_316 : i32
      %add3A_318 = arith.addi %mul3A_10, %mul3A_317 : i32
      %dma_start3A_319 = arith.constant 1 : i32
      %dma_start3A_320 = arith.constant 0 : i32
      %dma_start3A_321 = arith.constant 0 : i32
      %dma_start3A_322 = tpu.memref_slice %arg8[%dma_start3A_319, %dma_start3A_320, %dma_start3A_321] : memref<2x128x128xf32, #tpu.memory_space<vmem>> -> memref<1x128x128xf32, #tpu.memory_space<vmem>>
      %dma_start3A_323 = tpu.memref_squeeze %dma_start3A_322 : memref<1x128x128xf32, #tpu.memory_space<vmem>> -> memref<128x128xf32, #tpu.memory_space<vmem>>
      %dma_start3A_324 = arith.constant 0 : i32
      %dma_start3A_325 = tpu.memref_slice %arg6[%arg0, %add3A_318, %dma_start3A_324] : memref<2x163840x128xf32, #tpu.memory_space<hbm>> -> memref<1x128x128xf32, #tpu.memory_space<hbm>>
      %dma_start3A_326 = tpu.memref_squeeze %dma_start3A_325 : memref<1x128x128xf32, #tpu.memory_space<hbm>> -> memref<128x128xf32, #tpu.memory_space<hbm>>
      %dma_start3A_327 = arith.constant 0 : i32
      %dma_start3A_328 = tpu.memref_slice %arg6[%arg0, %add3A_318, %dma_start3A_327] : memref<2x163840x128xf32, #tpu.memory_space<hbm>> -> memref<1x128x128xf32, #tpu.memory_space<hbm>>
      %dma_start3A_329 = tpu.memref_squeeze %dma_start3A_328 : memref<1x128x128xf32, #tpu.memory_space<hbm>> -> memref<128x128xf32, #tpu.memory_space<hbm>>
      %dma_start3A_330 = arith.constant 0 : i32
      %dma_start3A_331 = arith.constant 0 : i32
      %dma_start3A_332 = tpu.memref_slice %arg8[%dma_start3A_319, %dma_start3A_330, %dma_start3A_331] : memref<2x128x128xf32, #tpu.memory_space<vmem>> -> memref<1x128x128xf32, #tpu.memory_space<vmem>>
      %dma_start3A_333 = tpu.memref_squeeze %dma_start3A_332 : memref<1x128x128xf32, #tpu.memory_space<vmem>> -> memref<128x128xf32, #tpu.memory_space<vmem>>
      tpu.enqueue_dma source(%dma_start3A_333 : memref<128x128xf32, #tpu.memory_space<vmem>>) target(%dma_start3A_329 : memref<128x128xf32, #tpu.memory_space<hbm>>) target_semaphore(%arg14 : memref<!tpu.dma_semaphore, #tpu.memory_space<semaphore_mem>>)
      %mul3A_334 = arith.constant 2 : i32
      %mul3A_335 = arith.muli %mul3A_334, %scan3A_264 : i32
      %add3A_336 = arith.constant 2 : i32
      %add3A_337 = arith.addi %mul3A_335, %add3A_336 : i32
      %add3A_338 = arith.constant 1 : i32
      %add3A_339 = arith.addi %add3A_337, %add3A_338 : i32
      %sub3A_340 = arith.constant 2 : i32
      %sub3A_341 = arith.subi %add3A_339, %sub3A_340 : i32
      %mul3A_342 = arith.constant 128 : i32
      %mul3A_343 = arith.muli %sub3A_341, %mul3A_342 : i32
      %add3A_344 = arith.addi %mul3A_10, %mul3A_343 : i32
      %dma_wait3A_345 = arith.constant 1 : i32
      %dma_wait3A_346 = arith.constant 0 : i32
      %dma_wait3A_347 = arith.constant 0 : i32
      %dma_wait3A_348 = tpu.memref_slice %arg8[%dma_wait3A_345, %dma_wait3A_346, %dma_wait3A_347] : memref<2x128x128xf32, #tpu.memory_space<vmem>> -> memref<1x128x128xf32, #tpu.memory_space<vmem>>
      %dma_wait3A_349 = tpu.memref_squeeze %dma_wait3A_348 : memref<1x128x128xf32, #tpu.memory_space<vmem>> -> memref<128x128xf32, #tpu.memory_space<vmem>>
      %dma_wait3A_350 = arith.constant 0 : i32
      %dma_wait3A_351 = tpu.memref_slice %arg6[%arg0, %add3A_344, %dma_wait3A_350] : memref<2x163840x128xf32, #tpu.memory_space<hbm>> -> memref<1x128x128xf32, #tpu.memory_space<hbm>>
      %dma_wait3A_352 = tpu.memref_squeeze %dma_wait3A_351 : memref<1x128x128xf32, #tpu.memory_space<hbm>> -> memref<128x128xf32, #tpu.memory_space<hbm>>
      %dma_wait3A_353 = arith.constant 0 : i32
      %dma_wait3A_354 = tpu.memref_slice %arg6[%arg0, %add3A_344, %dma_wait3A_353] : memref<2x163840x128xf32, #tpu.memory_space<hbm>> -> memref<1x128x128xf32, #tpu.memory_space<hbm>>
      %dma_wait3A_355 = tpu.memref_squeeze %dma_wait3A_354 : memref<1x128x128xf32, #tpu.memory_space<hbm>> -> memref<128x128xf32, #tpu.memory_space<hbm>>
      %dma_wait3A_356 = arith.constant 0 : i32
      %dma_wait3A_357 = arith.constant 0 : i32
      %dma_wait3A_358 = tpu.memref_slice %arg8[%dma_wait3A_345, %dma_wait3A_356, %dma_wait3A_357] : memref<2x128x128xf32, #tpu.memory_space<vmem>> -> memref<1x128x128xf32, #tpu.memory_space<vmem>>
      %dma_wait3A_359 = tpu.memref_squeeze %dma_wait3A_358 : memref<1x128x128xf32, #tpu.memory_space<vmem>> -> memref<128x128xf32, #tpu.memory_space<vmem>>
      tpu.wait_dma2 semaphore(%arg14 : memref<!tpu.dma_semaphore, #tpu.memory_space<semaphore_mem>>) src(%dma_wait3A_359 : memref<128x128xf32, #tpu.memory_space<vmem>>) dst(%dma_wait3A_355 : memref<128x128xf32, #tpu.memory_space<hbm>>)
      %dma_start3A_360 = arith.constant 1 : i32
      %dma_start3A_361 = arith.constant 0 : i32
      %dma_start3A_362 = arith.constant 0 : i32
      %dma_start3A_363 = tpu.memref_slice %arg8[%dma_start3A_360, %dma_start3A_361, %dma_start3A_362] : memref<2x128x128xf32, #tpu.memory_space<vmem>> -> memref<1x128x128xf32, #tpu.memory_space<vmem>>
      %dma_start3A_364 = tpu.memref_squeeze %dma_start3A_363 : memref<1x128x128xf32, #tpu.memory_space<vmem>> -> memref<128x128xf32, #tpu.memory_space<vmem>>
      %dma_start3A_365 = arith.constant 0 : i32
      %dma_start3A_366 = tpu.memref_slice %arg7[%add3A_339, %dma_start3A_365] : memref<80x128xi32, #tpu.memory_space<vmem>> -> memref<1x128xi32, #tpu.memory_space<vmem>>
      %dma_start3A_367 = tpu.memref_squeeze %dma_start3A_366 : memref<1x128xi32, #tpu.memory_space<vmem>> -> memref<128xi32, #tpu.memory_space<vmem>>
      %dma_start3A_368 = arith.constant 0 : i32
      %dma_start3A_369 = arith.constant 0 : i32
      %dma_start3A_370 = tpu.memref_slice %arg10[%dma_start3A_368, %dma_start3A_369] : memref<10240x128xf32, #tpu.memory_space<vmem_shared>> -> memref<10240x128xf32, #tpu.memory_space<vmem_shared>>
      tpu.enqueue_indirect_dma source(%dma_start3A_370 : memref<10240x128xf32, #tpu.memory_space<vmem_shared>>) target(%dma_start3A_364 : memref<128x128xf32, #tpu.memory_space<vmem>>) offsets(%dma_start3A_367 : memref<128xi32, #tpu.memory_space<vmem>>) semaphore(%arg12 : memref<!tpu.dma_semaphore, #tpu.memory_space<semaphore_mem>>)
      %sub3A_371 = arith.constant 1 : i32
      %sub3A_372 = arith.subi %add3A_339, %sub3A_371 : i32
      %dma_wait3A_373 = arith.constant 0 : i32
      %dma_wait3A_374 = arith.constant 0 : i32
      %dma_wait3A_375 = arith.constant 0 : i32
      %dma_wait3A_376 = tpu.memref_slice %arg8[%dma_wait3A_373, %dma_wait3A_374, %dma_wait3A_375] : memref<2x128x128xf32, #tpu.memory_space<vmem>> -> memref<1x128x128xf32, #tpu.memory_space<vmem>>
      %dma_wait3A_377 = tpu.memref_squeeze %dma_wait3A_376 : memref<1x128x128xf32, #tpu.memory_space<vmem>> -> memref<128x128xf32, #tpu.memory_space<vmem>>
      %dma_wait3A_378 = arith.constant 0 : i32
      %dma_wait3A_379 = tpu.memref_slice %arg7[%sub3A_372, %dma_wait3A_378] : memref<80x128xi32, #tpu.memory_space<vmem>> -> memref<1x128xi32, #tpu.memory_space<vmem>>
      %dma_wait3A_380 = tpu.memref_squeeze %dma_wait3A_379 : memref<1x128xi32, #tpu.memory_space<vmem>> -> memref<128xi32, #tpu.memory_space<vmem>>
      %dma_wait3A_381 = arith.constant 0 : i32
      %dma_wait3A_382 = arith.constant 0 : i32
      %dma_wait3A_383 = tpu.memref_slice %arg10[%dma_wait3A_381, %dma_wait3A_382] : memref<10240x128xf32, #tpu.memory_space<vmem_shared>> -> memref<10240x128xf32, #tpu.memory_space<vmem_shared>>
      tpu.wait_indirect_dma semaphore(%arg11 : memref<!tpu.dma_semaphore, #tpu.memory_space<semaphore_mem>>) src(%dma_wait3A_383 : memref<10240x128xf32, #tpu.memory_space<vmem_shared>>) dst(%dma_wait3A_377 : memref<128x128xf32, #tpu.memory_space<vmem>>)
      %sub3A_384 = arith.constant 1 : i32
      %sub3A_385 = arith.subi %add3A_339, %sub3A_384 : i32
      %mul3A_386 = arith.constant 128 : i32
      %mul3A_387 = arith.muli %sub3A_385, %mul3A_386 : i32
      %add3A_388 = arith.addi %mul3A_10, %mul3A_387 : i32
      %dma_start3A_389 = arith.constant 0 : i32
      %dma_start3A_390 = arith.constant 0 : i32
      %dma_start3A_391 = arith.constant 0 : i32
      %dma_start3A_392 = tpu.memref_slice %arg8[%dma_start3A_389, %dma_start3A_390, %dma_start3A_391] : memref<2x128x128xf32, #tpu.memory_space<vmem>> -> memref<1x128x128xf32, #tpu.memory_space<vmem>>
      %dma_start3A_393 = tpu.memref_squeeze %dma_start3A_392 : memref<1x128x128xf32, #tpu.memory_space<vmem>> -> memref<128x128xf32, #tpu.memory_space<vmem>>
      %dma_start3A_394 = arith.constant 0 : i32
      %dma_start3A_395 = tpu.memref_slice %arg6[%arg0, %add3A_388, %dma_start3A_394] : memref<2x163840x128xf32, #tpu.memory_space<hbm>> -> memref<1x128x128xf32, #tpu.memory_space<hbm>>
      %dma_start3A_396 = tpu.memref_squeeze %dma_start3A_395 : memref<1x128x128xf32, #tpu.memory_space<hbm>> -> memref<128x128xf32, #tpu.memory_space<hbm>>
      %dma_start3A_397 = arith.constant 0 : i32
      %dma_start3A_398 = tpu.memref_slice %arg6[%arg0, %add3A_388, %dma_start3A_397] : memref<2x163840x128xf32, #tpu.memory_space<hbm>> -> memref<1x128x128xf32, #tpu.memory_space<hbm>>
      %dma_start3A_399 = tpu.memref_squeeze %dma_start3A_398 : memref<1x128x128xf32, #tpu.memory_space<hbm>> -> memref<128x128xf32, #tpu.memory_space<hbm>>
      %dma_start3A_400 = arith.constant 0 : i32
      %dma_start3A_401 = arith.constant 0 : i32
      %dma_start3A_402 = tpu.memref_slice %arg8[%dma_start3A_389, %dma_start3A_400, %dma_start3A_401] : memref<2x128x128xf32, #tpu.memory_space<vmem>> -> memref<1x128x128xf32, #tpu.memory_space<vmem>>
      %dma_start3A_403 = tpu.memref_squeeze %dma_start3A_402 : memref<1x128x128xf32, #tpu.memory_space<vmem>> -> memref<128x128xf32, #tpu.memory_space<vmem>>
      tpu.enqueue_dma source(%dma_start3A_403 : memref<128x128xf32, #tpu.memory_space<vmem>>) target(%dma_start3A_399 : memref<128x128xf32, #tpu.memory_space<hbm>>) target_semaphore(%arg13 : memref<!tpu.dma_semaphore, #tpu.memory_space<semaphore_mem>>)
    }
    %scan3A_67 = arith.constant 39 : i32
    %dma_wait3A_68 = arith.constant 79 : i32
    %dma_wait3A_69 = arith.constant 1 : i32
    %dma_wait3A_70 = arith.constant 0 : i32
    %dma_wait3A_71 = arith.constant 0 : i32
    %dma_wait3A_72 = tpu.memref_slice %arg8[%dma_wait3A_69, %dma_wait3A_70, %dma_wait3A_71] : memref<2x128x128xf32, #tpu.memory_space<vmem>> -> memref<1x128x128xf32, #tpu.memory_space<vmem>>
    %dma_wait3A_73 = tpu.memref_squeeze %dma_wait3A_72 : memref<1x128x128xf32, #tpu.memory_space<vmem>> -> memref<128x128xf32, #tpu.memory_space<vmem>>
    %dma_wait3A_74 = arith.constant 0 : i32
    %dma_wait3A_75 = tpu.memref_slice %arg7[%dma_wait3A_68, %dma_wait3A_74] : memref<80x128xi32, #tpu.memory_space<vmem>> -> memref<1x128xi32, #tpu.memory_space<vmem>>
    %dma_wait3A_76 = tpu.memref_squeeze %dma_wait3A_75 : memref<1x128xi32, #tpu.memory_space<vmem>> -> memref<128xi32, #tpu.memory_space<vmem>>
    %dma_wait3A_77 = arith.constant 0 : i32
    %dma_wait3A_78 = arith.constant 0 : i32
    %dma_wait3A_79 = tpu.memref_slice %arg10[%dma_wait3A_77, %dma_wait3A_78] : memref<10240x128xf32, #tpu.memory_space<vmem_shared>> -> memref<10240x128xf32, #tpu.memory_space<vmem_shared>>
    tpu.wait_indirect_dma semaphore(%arg12 : memref<!tpu.dma_semaphore, #tpu.memory_space<semaphore_mem>>) src(%dma_wait3A_79 : memref<10240x128xf32, #tpu.memory_space<vmem_shared>>) dst(%dma_wait3A_73 : memref<128x128xf32, #tpu.memory_space<vmem>>)
    %add3A_80 = arith.constant 10112 : i32
    %add3A_81 = arith.addi %mul3A_10, %add3A_80 : i32
    %dma_start3A_82 = arith.constant 1 : i32
    %dma_start3A_83 = arith.constant 0 : i32
    %dma_start3A_84 = arith.constant 0 : i32
    %dma_start3A_85 = tpu.memref_slice %arg8[%dma_start3A_82, %dma_start3A_83, %dma_start3A_84] : memref<2x128x128xf32, #tpu.memory_space<vmem>> -> memref<1x128x128xf32, #tpu.memory_space<vmem>>
    %dma_start3A_86 = tpu.memref_squeeze %dma_start3A_85 : memref<1x128x128xf32, #tpu.memory_space<vmem>> -> memref<128x128xf32, #tpu.memory_space<vmem>>
    %dma_start3A_87 = arith.constant 0 : i32
    %dma_start3A_88 = tpu.memref_slice %arg6[%arg0, %add3A_81, %dma_start3A_87] : memref<2x163840x128xf32, #tpu.memory_space<hbm>> -> memref<1x128x128xf32, #tpu.memory_space<hbm>>
    %dma_start3A_89 = tpu.memref_squeeze %dma_start3A_88 : memref<1x128x128xf32, #tpu.memory_space<hbm>> -> memref<128x128xf32, #tpu.memory_space<hbm>>
    %dma_start3A_90 = arith.constant 0 : i32
    %dma_start3A_91 = tpu.memref_slice %arg6[%arg0, %add3A_81, %dma_start3A_90] : memref<2x163840x128xf32, #tpu.memory_space<hbm>> -> memref<1x128x128xf32, #tpu.memory_space<hbm>>
    %dma_start3A_92 = tpu.memref_squeeze %dma_start3A_91 : memref<1x128x128xf32, #tpu.memory_space<hbm>> -> memref<128x128xf32, #tpu.memory_space<hbm>>
    %dma_start3A_93 = arith.constant 0 : i32
    %dma_start3A_94 = arith.constant 0 : i32
    %dma_start3A_95 = tpu.memref_slice %arg8[%dma_start3A_82, %dma_start3A_93, %dma_start3A_94] : memref<2x128x128xf32, #tpu.memory_space<vmem>> -> memref<1x128x128xf32, #tpu.memory_space<vmem>>
    %dma_start3A_96 = tpu.memref_squeeze %dma_start3A_95 : memref<1x128x128xf32, #tpu.memory_space<vmem>> -> memref<128x128xf32, #tpu.memory_space<vmem>>
    tpu.enqueue_dma source(%dma_start3A_96 : memref<128x128xf32, #tpu.memory_space<vmem>>) target(%dma_start3A_92 : memref<128x128xf32, #tpu.memory_space<hbm>>) target_semaphore(%arg14 : memref<!tpu.dma_semaphore, #tpu.memory_space<semaphore_mem>>)
    %add3A_97 = arith.constant 9984 : i32
    %add3A_98 = arith.addi %mul3A_10, %add3A_97 : i32
    %dma_wait3A_99 = arith.constant 0 : i32
    %dma_wait3A_100 = arith.constant 0 : i32
    %dma_wait3A_101 = arith.constant 0 : i32
    %dma_wait3A_102 = tpu.memref_slice %arg8[%dma_wait3A_99, %dma_wait3A_100, %dma_wait3A_101] : memref<2x128x128xf32, #tpu.memory_space<vmem>> -> memref<1x128x128xf32, #tpu.memory_space<vmem>>
    %dma_wait3A_103 = tpu.memref_squeeze %dma_wait3A_102 : memref<1x128x128xf32, #tpu.memory_space<vmem>> -> memref<128x128xf32, #tpu.memory_space<vmem>>
    %dma_wait3A_104 = arith.constant 0 : i32
    %dma_wait3A_105 = tpu.memref_slice %arg6[%arg0, %add3A_98, %dma_wait3A_104] : memref<2x163840x128xf32, #tpu.memory_space<hbm>> -> memref<1x128x128xf32, #tpu.memory_space<hbm>>
    %dma_wait3A_106 = tpu.memref_squeeze %dma_wait3A_105 : memref<1x128x128xf32, #tpu.memory_space<hbm>> -> memref<128x128xf32, #tpu.memory_space<hbm>>
    %dma_wait3A_107 = arith.constant 0 : i32
    %dma_wait3A_108 = tpu.memref_slice %arg6[%arg0, %add3A_98, %dma_wait3A_107] : memref<2x163840x128xf32, #tpu.memory_space<hbm>> -> memref<1x128x128xf32, #tpu.memory_space<hbm>>
    %dma_wait3A_109 = tpu.memref_squeeze %dma_wait3A_108 : memref<1x128x128xf32, #tpu.memory_space<hbm>> -> memref<128x128xf32, #tpu.memory_space<hbm>>
    %dma_wait3A_110 = arith.constant 0 : i32
    %dma_wait3A_111 = arith.constant 0 : i32
    %dma_wait3A_112 = tpu.memref_slice %arg8[%dma_wait3A_99, %dma_wait3A_110, %dma_wait3A_111] : memref<2x128x128xf32, #tpu.memory_space<vmem>> -> memref<1x128x128xf32, #tpu.memory_space<vmem>>
    %dma_wait3A_113 = tpu.memref_squeeze %dma_wait3A_112 : memref<1x128x128xf32, #tpu.memory_space<vmem>> -> memref<128x128xf32, #tpu.memory_space<vmem>>
    tpu.wait_dma2 semaphore(%arg13 : memref<!tpu.dma_semaphore, #tpu.memory_space<semaphore_mem>>) src(%dma_wait3A_113 : memref<128x128xf32, #tpu.memory_space<vmem>>) dst(%dma_wait3A_109 : memref<128x128xf32, #tpu.memory_space<hbm>>)
    %add3A_114 = arith.constant 10112 : i32
    %add3A_115 = arith.addi %mul3A_10, %add3A_114 : i32
    %dma_wait3A_116 = arith.constant 1 : i32
    %dma_wait3A_117 = arith.constant 0 : i32
    %dma_wait3A_118 = arith.constant 0 : i32
    %dma_wait3A_119 = tpu.memref_slice %arg8[%dma_wait3A_116, %dma_wait3A_117, %dma_wait3A_118] : memref<2x128x128xf32, #tpu.memory_space<vmem>> -> memref<1x128x128xf32, #tpu.memory_space<vmem>>
    %dma_wait3A_120 = tpu.memref_squeeze %dma_wait3A_119 : memref<1x128x128xf32, #tpu.memory_space<vmem>> -> memref<128x128xf32, #tpu.memory_space<vmem>>
    %dma_wait3A_121 = arith.constant 0 : i32
    %dma_wait3A_122 = tpu.memref_slice %arg6[%arg0, %add3A_115, %dma_wait3A_121] : memref<2x163840x128xf32, #tpu.memory_space<hbm>> -> memref<1x128x128xf32, #tpu.memory_space<hbm>>
    %dma_wait3A_123 = tpu.memref_squeeze %dma_wait3A_122 : memref<1x128x128xf32, #tpu.memory_space<hbm>> -> memref<128x128xf32, #tpu.memory_space<hbm>>
    %dma_wait3A_124 = arith.constant 0 : i32
    %dma_wait3A_125 = tpu.memref_slice %arg6[%arg0, %add3A_115, %dma_wait3A_124] : memref<2x163840x128xf32, #tpu.memory_space<hbm>> -> memref<1x128x128xf32, #tpu.memory_space<hbm>>
    %dma_wait3A_126 = tpu.memref_squeeze %dma_wait3A_125 : memref<1x128x128xf32, #tpu.memory_space<hbm>> -> memref<128x128xf32, #tpu.memory_space<hbm>>
    %dma_wait3A_127 = arith.constant 0 : i32
    %dma_wait3A_128 = arith.constant 0 : i32
    %dma_wait3A_129 = tpu.memref_slice %arg8[%dma_wait3A_116, %dma_wait3A_127, %dma_wait3A_128] : memref<2x128x128xf32, #tpu.memory_space<vmem>> -> memref<1x128x128xf32, #tpu.memory_space<vmem>>
    %dma_wait3A_130 = tpu.memref_squeeze %dma_wait3A_129 : memref<1x128x128xf32, #tpu.memory_space<vmem>> -> memref<128x128xf32, #tpu.memory_space<vmem>>
    tpu.wait_dma2 semaphore(%arg14 : memref<!tpu.dma_semaphore, #tpu.memory_space<semaphore_mem>>) src(%dma_wait3A_130 : memref<128x128xf32, #tpu.memory_space<vmem>>) dst(%dma_wait3A_126 : memref<128x128xf32, #tpu.memory_space<hbm>>)
    %barrier3A_131 = arith.constant 0 : index
    tpu.barrier barrier_id(%barrier3A_131)
    %mul3A_132 = arith.constant 640 : i32
    %mul3A_133 = arith.muli %arg1, %mul3A_132 : i32
    %scan3A_134 = arith.constant 0 : i32
    %scan3A_135 = arith.constant 0 : i32
    %scan3A_136 = arith.constant 20 : i32
    %scan3A_137 = arith.addi %scan3A_135, %scan3A_136 : i32
    %scan3A_138 = arith.constant 1 : i32
    scf.for %scan3A_264 = %scan3A_135 to %scan3A_137 step %scan3A_138  : i32 {
      %mul3A_265 = arith.constant 32 : i32
      %mul3A_266 = arith.muli %scan3A_264, %mul3A_265 : i32
      %add3A_267 = arith.addi %mul3A_133, %mul3A_266 : i32
      "tpu.region"() ({
        %run_scoped3A = tpu.sem_alloc : memref<!tpu.dma_semaphore, #tpu.memory_space<semaphore_mem>>
        %dma_start3A_268 = arith.constant 0 : i32
        %dma_start3A_269 = tpu.memref_slice %arg10[%add3A_267, %dma_start3A_268] : memref<10240x128xf32, #tpu.memory_space<vmem_shared>> -> memref<32x128xf32, #tpu.memory_space<vmem_shared>>
        %dma_start3A_270 = arith.constant 0 : i32
        %dma_start3A_271 = tpu.memref_slice %arg10[%add3A_267, %dma_start3A_270] : memref<10240x128xf32, #tpu.memory_space<vmem_shared>> -> memref<32x128xf32, #tpu.memory_space<vmem_shared>>
        tpu.enqueue_dma source(%arg9 : memref<32x128xf32, #tpu.memory_space<vmem>>) target(%dma_start3A_271 : memref<32x128xf32, #tpu.memory_space<vmem_shared>>) target_semaphore(%run_scoped3A : memref<!tpu.dma_semaphore, #tpu.memory_space<semaphore_mem>>)
        %dma_wait3A_272 = arith.constant 0 : i32
        %dma_wait3A_273 = tpu.memref_slice %arg10[%add3A_267, %dma_wait3A_272] : memref<10240x128xf32, #tpu.memory_space<vmem_shared>> -> memref<32x128xf32, #tpu.memory_space<vmem_shared>>
        %dma_wait3A_274 = arith.constant 0 : i32
        %dma_wait3A_275 = tpu.memref_slice %arg10[%add3A_267, %dma_wait3A_274] : memref<10240x128xf32, #tpu.memory_space<vmem_shared>> -> memref<32x128xf32, #tpu.memory_space<vmem_shared>>
        tpu.wait_dma2 semaphore(%run_scoped3A : memref<!tpu.dma_semaphore, #tpu.memory_space<semaphore_mem>>) src(%arg9 : memref<32x128xf32, #tpu.memory_space<vmem>>) dst(%dma_wait3A_275 : memref<32x128xf32, #tpu.memory_space<vmem_shared>>)
        tpu.yield
      }) : () -> ()
    }
    %scan3A_139 = arith.constant 20 : i32
    "tpu.region"() ({
      %run_scoped3A = tpu.sem_alloc : memref<!tpu.dma_semaphore, #tpu.memory_space<semaphore_mem>>
      %dma_start3A_264 = arith.constant 0 : i32
      %dma_start3A_265 = arith.constant 0 : i32
      %dma_start3A_266 = tpu.memref_slice %arg4[%arg1, %dma_start3A_264, %dma_start3A_265] : memref<16x80x128xi32, #tpu.memory_space<hbm>> -> memref<1x80x128xi32, #tpu.memory_space<hbm>>
      %dma_start3A_267 = tpu.memref_squeeze %dma_start3A_266 : memref<1x80x128xi32, #tpu.memory_space<hbm>> -> memref<80x128xi32, #tpu.memory_space<hbm>>
      %dma_start3A_268 = arith.constant 0 : i32
      %dma_start3A_269 = arith.constant 0 : i32
      %dma_start3A_270 = tpu.memref_slice %arg4[%arg1, %dma_start3A_268, %dma_start3A_269] : memref<16x80x128xi32, #tpu.memory_space<hbm>> -> memref<1x80x128xi32, #tpu.memory_space<hbm>>
      %dma_start3A_271 = tpu.memref_squeeze %dma_start3A_270 : memref<1x80x128xi32, #tpu.memory_space<hbm>> -> memref<80x128xi32, #tpu.memory_space<hbm>>
      tpu.enqueue_dma source(%dma_start3A_271 : memref<80x128xi32, #tpu.memory_space<hbm>>) target(%arg7 : memref<80x128xi32, #tpu.memory_space<vmem>>) target_semaphore(%run_scoped3A : memref<!tpu.dma_semaphore, #tpu.memory_space<semaphore_mem>>)
      %dma_wait3A_272 = arith.constant 0 : i32
      %dma_wait3A_273 = arith.constant 0 : i32
      %dma_wait3A_274 = tpu.memref_slice %arg4[%arg1, %dma_wait3A_272, %dma_wait3A_273] : memref<16x80x128xi32, #tpu.memory_space<hbm>> -> memref<1x80x128xi32, #tpu.memory_space<hbm>>
      %dma_wait3A_275 = tpu.memref_squeeze %dma_wait3A_274 : memref<1x80x128xi32, #tpu.memory_space<hbm>> -> memref<80x128xi32, #tpu.memory_space<hbm>>
      %dma_wait3A_276 = arith.constant 0 : i32
      %dma_wait3A_277 = arith.constant 0 : i32
      %dma_wait3A_278 = tpu.memref_slice %arg4[%arg1, %dma_wait3A_276, %dma_wait3A_277] : memref<16x80x128xi32, #tpu.memory_space<hbm>> -> memref<1x80x128xi32, #tpu.memory_space<hbm>>
      %dma_wait3A_279 = tpu.memref_squeeze %dma_wait3A_278 : memref<1x80x128xi32, #tpu.memory_space<hbm>> -> memref<80x128xi32, #tpu.memory_space<hbm>>
      tpu.wait_dma2 semaphore(%run_scoped3A : memref<!tpu.dma_semaphore, #tpu.memory_space<semaphore_mem>>) src(%dma_wait3A_279 : memref<80x128xi32, #tpu.memory_space<hbm>>) dst(%arg7 : memref<80x128xi32, #tpu.memory_space<vmem>>)
      tpu.yield
    }) : () -> ()
    %barrier3A_140 = arith.constant 0 : index
    tpu.barrier barrier_id(%barrier3A_140)
    %add3A_141 = arith.constant 0 : i32
    %add3A_142 = arith.addi %mul3A_10, %add3A_141 : i32
    %dma_start3A_143 = arith.constant 0 : i32
    %dma_start3A_144 = arith.constant 0 : i32
    %dma_start3A_145 = arith.constant 0 : i32
    %dma_start3A_146 = tpu.memref_slice %arg8[%dma_start3A_143, %dma_start3A_144, %dma_start3A_145] : memref<2x128x128xf32, #tpu.memory_space<vmem>> -> memref<1x128x128xf32, #tpu.memory_space<vmem>>
    %dma_start3A_147 = tpu.memref_squeeze %dma_start3A_146 : memref<1x128x128xf32, #tpu.memory_space<vmem>> -> memref<128x128xf32, #tpu.memory_space<vmem>>
    %dma_start3A_148 = arith.constant 0 : i32
    %dma_start3A_149 = tpu.memref_slice %arg6[%arg0, %add3A_142, %dma_start3A_148] : memref<2x163840x128xf32, #tpu.memory_space<hbm>> -> memref<1x128x128xf32, #tpu.memory_space<hbm>>
    %dma_start3A_150 = tpu.memref_squeeze %dma_start3A_149 : memref<1x128x128xf32, #tpu.memory_space<hbm>> -> memref<128x128xf32, #tpu.memory_space<hbm>>
    %dma_start3A_151 = arith.constant 0 : i32
    %dma_start3A_152 = arith.constant 0 : i32
    %dma_start3A_153 = tpu.memref_slice %arg8[%dma_start3A_143, %dma_start3A_151, %dma_start3A_152] : memref<2x128x128xf32, #tpu.memory_space<vmem>> -> memref<1x128x128xf32, #tpu.memory_space<vmem>>
    %dma_start3A_154 = tpu.memref_squeeze %dma_start3A_153 : memref<1x128x128xf32, #tpu.memory_space<vmem>> -> memref<128x128xf32, #tpu.memory_space<vmem>>
    %dma_start3A_155 = arith.constant 0 : i32
    %dma_start3A_156 = tpu.memref_slice %arg6[%arg0, %add3A_142, %dma_start3A_155] : memref<2x163840x128xf32, #tpu.memory_space<hbm>> -> memref<1x128x128xf32, #tpu.memory_space<hbm>>
    %dma_start3A_157 = tpu.memref_squeeze %dma_start3A_156 : memref<1x128x128xf32, #tpu.memory_space<hbm>> -> memref<128x128xf32, #tpu.memory_space<hbm>>
    tpu.enqueue_dma source(%dma_start3A_157 : memref<128x128xf32, #tpu.memory_space<hbm>>) target(%dma_start3A_154 : memref<128x128xf32, #tpu.memory_space<vmem>>) target_semaphore(%arg13 : memref<!tpu.dma_semaphore, #tpu.memory_space<semaphore_mem>>)
    %add3A_158 = arith.constant 128 : i32
    %add3A_159 = arith.addi %mul3A_10, %add3A_158 : i32
    %dma_start3A_160 = arith.constant 1 : i32
    %dma_start3A_161 = arith.constant 0 : i32
    %dma_start3A_162 = arith.constant 0 : i32
    %dma_start3A_163 = tpu.memref_slice %arg8[%dma_start3A_160, %dma_start3A_161, %dma_start3A_162] : memref<2x128x128xf32, #tpu.memory_space<vmem>> -> memref<1x128x128xf32, #tpu.memory_space<vmem>>
    %dma_start3A_164 = tpu.memref_squeeze %dma_start3A_163 : memref<1x128x128xf32, #tpu.memory_space<vmem>> -> memref<128x128xf32, #tpu.memory_space<vmem>>
    %dma_start3A_165 = arith.constant 0 : i32
    %dma_start3A_166 = tpu.memref_slice %arg6[%arg0, %add3A_159, %dma_start3A_165] : memref<2x163840x128xf32, #tpu.memory_space<hbm>> -> memref<1x128x128xf32, #tpu.memory_space<hbm>>
    %dma_start3A_167 = tpu.memref_squeeze %dma_start3A_166 : memref<1x128x128xf32, #tpu.memory_space<hbm>> -> memref<128x128xf32, #tpu.memory_space<hbm>>
    %dma_start3A_168 = arith.constant 0 : i32
    %dma_start3A_169 = arith.constant 0 : i32
    %dma_start3A_170 = tpu.memref_slice %arg8[%dma_start3A_160, %dma_start3A_168, %dma_start3A_169] : memref<2x128x128xf32, #tpu.memory_space<vmem>> -> memref<1x128x128xf32, #tpu.memory_space<vmem>>
    %dma_start3A_171 = tpu.memref_squeeze %dma_start3A_170 : memref<1x128x128xf32, #tpu.memory_space<vmem>> -> memref<128x128xf32, #tpu.memory_space<vmem>>
    %dma_start3A_172 = arith.constant 0 : i32
    %dma_start3A_173 = tpu.memref_slice %arg6[%arg0, %add3A_159, %dma_start3A_172] : memref<2x163840x128xf32, #tpu.memory_space<hbm>> -> memref<1x128x128xf32, #tpu.memory_space<hbm>>
    %dma_start3A_174 = tpu.memref_squeeze %dma_start3A_173 : memref<1x128x128xf32, #tpu.memory_space<hbm>> -> memref<128x128xf32, #tpu.memory_space<hbm>>
    tpu.enqueue_dma source(%dma_start3A_174 : memref<128x128xf32, #tpu.memory_space<hbm>>) target(%dma_start3A_171 : memref<128x128xf32, #tpu.memory_space<vmem>>) target_semaphore(%arg14 : memref<!tpu.dma_semaphore, #tpu.memory_space<semaphore_mem>>)
    %add3A_175 = arith.constant 0 : i32
    %add3A_176 = arith.addi %mul3A_10, %add3A_175 : i32
    %dma_wait3A_177 = arith.constant 0 : i32
    %dma_wait3A_178 = arith.constant 0 : i32
    %dma_wait3A_179 = arith.constant 0 : i32
    %dma_wait3A_180 = tpu.memref_slice %arg8[%dma_wait3A_177, %dma_wait3A_178, %dma_wait3A_179] : memref<2x128x128xf32, #tpu.memory_space<vmem>> -> memref<1x128x128xf32, #tpu.memory_space<vmem>>
    %dma_wait3A_181 = tpu.memref_squeeze %dma_wait3A_180 : memref<1x128x128xf32, #tpu.memory_space<vmem>> -> memref<128x128xf32, #tpu.memory_space<vmem>>
    %dma_wait3A_182 = arith.constant 0 : i32
    %dma_wait3A_183 = tpu.memref_slice %arg6[%arg0, %add3A_176, %dma_wait3A_182] : memref<2x163840x128xf32, #tpu.memory_space<hbm>> -> memref<1x128x128xf32, #tpu.memory_space<hbm>>
    %dma_wait3A_184 = tpu.memref_squeeze %dma_wait3A_183 : memref<1x128x128xf32, #tpu.memory_space<hbm>> -> memref<128x128xf32, #tpu.memory_space<hbm>>
    %dma_wait3A_185 = arith.constant 0 : i32
    %dma_wait3A_186 = arith.constant 0 : i32
    %dma_wait3A_187 = tpu.memref_slice %arg8[%dma_wait3A_177, %dma_wait3A_185, %dma_wait3A_186] : memref<2x128x128xf32, #tpu.memory_space<vmem>> -> memref<1x128x128xf32, #tpu.memory_space<vmem>>
    %dma_wait3A_188 = tpu.memref_squeeze %dma_wait3A_187 : memref<1x128x128xf32, #tpu.memory_space<vmem>> -> memref<128x128xf32, #tpu.memory_space<vmem>>
    %dma_wait3A_189 = arith.constant 0 : i32
    %dma_wait3A_190 = tpu.memref_slice %arg6[%arg0, %add3A_176, %dma_wait3A_189] : memref<2x163840x128xf32, #tpu.memory_space<hbm>> -> memref<1x128x128xf32, #tpu.memory_space<hbm>>
    %dma_wait3A_191 = tpu.memref_squeeze %dma_wait3A_190 : memref<1x128x128xf32, #tpu.memory_space<hbm>> -> memref<128x128xf32, #tpu.memory_space<hbm>>
    tpu.wait_dma2 semaphore(%arg13 : memref<!tpu.dma_semaphore, #tpu.memory_space<semaphore_mem>>) src(%dma_wait3A_191 : memref<128x128xf32, #tpu.memory_space<hbm>>) dst(%dma_wait3A_188 : memref<128x128xf32, #tpu.memory_space<vmem>>)
    %dma_start3A_192 = arith.constant 0 : i32
    %dma_start3A_193 = arith.constant 0 : i32
    %dma_start3A_194 = arith.constant 0 : i32
    %dma_start3A_195 = arith.constant 0 : i32
    %dma_start3A_196 = tpu.memref_slice %arg8[%dma_start3A_192, %dma_start3A_194, %dma_start3A_195] : memref<2x128x128xf32, #tpu.memory_space<vmem>> -> memref<1x128x128xf32, #tpu.memory_space<vmem>>
    %dma_start3A_197 = tpu.memref_squeeze %dma_start3A_196 : memref<1x128x128xf32, #tpu.memory_space<vmem>> -> memref<128x128xf32, #tpu.memory_space<vmem>>
    %dma_start3A_198 = arith.constant 0 : i32
    %dma_start3A_199 = tpu.memref_slice %arg7[%dma_start3A_193, %dma_start3A_198] : memref<80x128xi32, #tpu.memory_space<vmem>> -> memref<1x128xi32, #tpu.memory_space<vmem>>
    %dma_start3A_200 = tpu.memref_squeeze %dma_start3A_199 : memref<1x128xi32, #tpu.memory_space<vmem>> -> memref<128xi32, #tpu.memory_space<vmem>>
    %dma_start3A_201 = arith.constant 0 : i32
    %dma_start3A_202 = arith.constant 0 : i32
    %dma_start3A_203 = tpu.memref_slice %arg10[%dma_start3A_201, %dma_start3A_202] : memref<10240x128xf32, #tpu.memory_space<vmem_shared>> -> memref<10240x128xf32, #tpu.memory_space<vmem_shared>>
    tpu.enqueue_indirect_dma source(%dma_start3A_197 : memref<128x128xf32, #tpu.memory_space<vmem>>) target(%dma_start3A_203 : memref<10240x128xf32, #tpu.memory_space<vmem_shared>>) offsets(%dma_start3A_200 : memref<128xi32, #tpu.memory_space<vmem>>) semaphore(%arg11 : memref<!tpu.dma_semaphore, #tpu.memory_space<semaphore_mem>>) {add = true}
    %scan3A_204 = arith.constant 0 : i32
    %scan3A_205 = arith.constant 0 : i32
    %scan3A_206 = arith.constant 39 : i32
    %scan3A_207 = arith.addi %scan3A_205, %scan3A_206 : i32
    %scan3A_208 = arith.constant 1 : i32
    scf.for %scan3A_264 = %scan3A_205 to %scan3A_207 step %scan3A_208  : i32 {
      %mul3A_265 = arith.constant 2 : i32
      %mul3A_266 = arith.muli %mul3A_265, %scan3A_264 : i32
      %add3A_267 = arith.constant 2 : i32
      %add3A_268 = arith.addi %mul3A_266, %add3A_267 : i32
      %add3A_269 = arith.constant 0 : i32
      %add3A_270 = arith.addi %add3A_268, %add3A_269 : i32
      %sub3A = arith.constant 2 : i32
      %sub3A_271 = arith.subi %add3A_270, %sub3A : i32
      %dma_wait3A_272 = arith.constant 0 : i32
      %dma_wait3A_273 = arith.constant 0 : i32
      %dma_wait3A_274 = arith.constant 0 : i32
      %dma_wait3A_275 = tpu.memref_slice %arg8[%dma_wait3A_272, %dma_wait3A_273, %dma_wait3A_274] : memref<2x128x128xf32, #tpu.memory_space<vmem>> -> memref<1x128x128xf32, #tpu.memory_space<vmem>>
      %dma_wait3A_276 = tpu.memref_squeeze %dma_wait3A_275 : memref<1x128x128xf32, #tpu.memory_space<vmem>> -> memref<128x128xf32, #tpu.memory_space<vmem>>
      %dma_wait3A_277 = arith.constant 0 : i32
      %dma_wait3A_278 = tpu.memref_slice %arg7[%sub3A_271, %dma_wait3A_277] : memref<80x128xi32, #tpu.memory_space<vmem>> -> memref<1x128xi32, #tpu.memory_space<vmem>>
      %dma_wait3A_279 = tpu.memref_squeeze %dma_wait3A_278 : memref<1x128xi32, #tpu.memory_space<vmem>> -> memref<128xi32, #tpu.memory_space<vmem>>
      %dma_wait3A_280 = arith.constant 0 : i32
      %dma_wait3A_281 = arith.constant 0 : i32
      %dma_wait3A_282 = tpu.memref_slice %arg10[%dma_wait3A_280, %dma_wait3A_281] : memref<10240x128xf32, #tpu.memory_space<vmem_shared>> -> memref<10240x128xf32, #tpu.memory_space<vmem_shared>>
      tpu.wait_indirect_dma semaphore(%arg11 : memref<!tpu.dma_semaphore, #tpu.memory_space<semaphore_mem>>) src(%dma_wait3A_276 : memref<128x128xf32, #tpu.memory_space<vmem>>) dst(%dma_wait3A_282 : memref<10240x128xf32, #tpu.memory_space<vmem_shared>>)
      %mul3A_283 = arith.constant 128 : i32
      %mul3A_284 = arith.muli %add3A_270, %mul3A_283 : i32
      %add3A_285 = arith.addi %mul3A_10, %mul3A_284 : i32
      %dma_start3A_286 = arith.constant 0 : i32
      %dma_start3A_287 = arith.constant 0 : i32
      %dma_start3A_288 = arith.constant 0 : i32
      %dma_start3A_289 = tpu.memref_slice %arg8[%dma_start3A_286, %dma_start3A_287, %dma_start3A_288] : memref<2x128x128xf32, #tpu.memory_space<vmem>> -> memref<1x128x128xf32, #tpu.memory_space<vmem>>
      %dma_start3A_290 = tpu.memref_squeeze %dma_start3A_289 : memref<1x128x128xf32, #tpu.memory_space<vmem>> -> memref<128x128xf32, #tpu.memory_space<vmem>>
      %dma_start3A_291 = arith.constant 0 : i32
      %dma_start3A_292 = tpu.memref_slice %arg6[%arg0, %add3A_285, %dma_start3A_291] : memref<2x163840x128xf32, #tpu.memory_space<hbm>> -> memref<1x128x128xf32, #tpu.memory_space<hbm>>
      %dma_start3A_293 = tpu.memref_squeeze %dma_start3A_292 : memref<1x128x128xf32, #tpu.memory_space<hbm>> -> memref<128x128xf32, #tpu.memory_space<hbm>>
      %dma_start3A_294 = arith.constant 0 : i32
      %dma_start3A_295 = arith.constant 0 : i32
      %dma_start3A_296 = tpu.memref_slice %arg8[%dma_start3A_286, %dma_start3A_294, %dma_start3A_295] : memref<2x128x128xf32, #tpu.memory_space<vmem>> -> memref<1x128x128xf32, #tpu.memory_space<vmem>>
      %dma_start3A_297 = tpu.memref_squeeze %dma_start3A_296 : memref<1x128x128xf32, #tpu.memory_space<vmem>> -> memref<128x128xf32, #tpu.memory_space<vmem>>
      %dma_start3A_298 = arith.constant 0 : i32
      %dma_start3A_299 = tpu.memref_slice %arg6[%arg0, %add3A_285, %dma_start3A_298] : memref<2x163840x128xf32, #tpu.memory_space<hbm>> -> memref<1x128x128xf32, #tpu.memory_space<hbm>>
      %dma_start3A_300 = tpu.memref_squeeze %dma_start3A_299 : memref<1x128x128xf32, #tpu.memory_space<hbm>> -> memref<128x128xf32, #tpu.memory_space<hbm>>
      tpu.enqueue_dma source(%dma_start3A_300 : memref<128x128xf32, #tpu.memory_space<hbm>>) target(%dma_start3A_297 : memref<128x128xf32, #tpu.memory_space<vmem>>) target_semaphore(%arg13 : memref<!tpu.dma_semaphore, #tpu.memory_space<semaphore_mem>>)
      %sub3A_301 = arith.constant 1 : i32
      %sub3A_302 = arith.subi %add3A_270, %sub3A_301 : i32
      %mul3A_303 = arith.constant 128 : i32
      %mul3A_304 = arith.muli %sub3A_302, %mul3A_303 : i32
      %add3A_305 = arith.addi %mul3A_10, %mul3A_304 : i32
      %dma_wait3A_306 = arith.constant 1 : i32
      %dma_wait3A_307 = arith.constant 0 : i32
      %dma_wait3A_308 = arith.constant 0 : i32
      %dma_wait3A_309 = tpu.memref_slice %arg8[%dma_wait3A_306, %dma_wait3A_307, %dma_wait3A_308] : memref<2x128x128xf32, #tpu.memory_space<vmem>> -> memref<1x128x128xf32, #tpu.memory_space<vmem>>
      %dma_wait3A_310 = tpu.memref_squeeze %dma_wait3A_309 : memref<1x128x128xf32, #tpu.memory_space<vmem>> -> memref<128x128xf32, #tpu.memory_space<vmem>>
      %dma_wait3A_311 = arith.constant 0 : i32
      %dma_wait3A_312 = tpu.memref_slice %arg6[%arg0, %add3A_305, %dma_wait3A_311] : memref<2x163840x128xf32, #tpu.memory_space<hbm>> -> memref<1x128x128xf32, #tpu.memory_space<hbm>>
      %dma_wait3A_313 = tpu.memref_squeeze %dma_wait3A_312 : memref<1x128x128xf32, #tpu.memory_space<hbm>> -> memref<128x128xf32, #tpu.memory_space<hbm>>
      %dma_wait3A_314 = arith.constant 0 : i32
      %dma_wait3A_315 = arith.constant 0 : i32
      %dma_wait3A_316 = tpu.memref_slice %arg8[%dma_wait3A_306, %dma_wait3A_314, %dma_wait3A_315] : memref<2x128x128xf32, #tpu.memory_space<vmem>> -> memref<1x128x128xf32, #tpu.memory_space<vmem>>
      %dma_wait3A_317 = tpu.memref_squeeze %dma_wait3A_316 : memref<1x128x128xf32, #tpu.memory_space<vmem>> -> memref<128x128xf32, #tpu.memory_space<vmem>>
      %dma_wait3A_318 = arith.constant 0 : i32
      %dma_wait3A_319 = tpu.memref_slice %arg6[%arg0, %add3A_305, %dma_wait3A_318] : memref<2x163840x128xf32, #tpu.memory_space<hbm>> -> memref<1x128x128xf32, #tpu.memory_space<hbm>>
      %dma_wait3A_320 = tpu.memref_squeeze %dma_wait3A_319 : memref<1x128x128xf32, #tpu.memory_space<hbm>> -> memref<128x128xf32, #tpu.memory_space<hbm>>
      tpu.wait_dma2 semaphore(%arg14 : memref<!tpu.dma_semaphore, #tpu.memory_space<semaphore_mem>>) src(%dma_wait3A_320 : memref<128x128xf32, #tpu.memory_space<hbm>>) dst(%dma_wait3A_317 : memref<128x128xf32, #tpu.memory_space<vmem>>)
      %sub3A_321 = arith.constant 1 : i32
      %sub3A_322 = arith.subi %add3A_270, %sub3A_321 : i32
      %dma_start3A_323 = arith.constant 1 : i32
      %dma_start3A_324 = arith.constant 0 : i32
      %dma_start3A_325 = arith.constant 0 : i32
      %dma_start3A_326 = tpu.memref_slice %arg8[%dma_start3A_323, %dma_start3A_324, %dma_start3A_325] : memref<2x128x128xf32, #tpu.memory_space<vmem>> -> memref<1x128x128xf32, #tpu.memory_space<vmem>>
      %dma_start3A_327 = tpu.memref_squeeze %dma_start3A_326 : memref<1x128x128xf32, #tpu.memory_space<vmem>> -> memref<128x128xf32, #tpu.memory_space<vmem>>
      %dma_start3A_328 = arith.constant 0 : i32
      %dma_start3A_329 = tpu.memref_slice %arg7[%sub3A_322, %dma_start3A_328] : memref<80x128xi32, #tpu.memory_space<vmem>> -> memref<1x128xi32, #tpu.memory_space<vmem>>
      %dma_start3A_330 = tpu.memref_squeeze %dma_start3A_329 : memref<1x128xi32, #tpu.memory_space<vmem>> -> memref<128xi32, #tpu.memory_space<vmem>>
      %dma_start3A_331 = arith.constant 0 : i32
      %dma_start3A_332 = arith.constant 0 : i32
      %dma_start3A_333 = tpu.memref_slice %arg10[%dma_start3A_331, %dma_start3A_332] : memref<10240x128xf32, #tpu.memory_space<vmem_shared>> -> memref<10240x128xf32, #tpu.memory_space<vmem_shared>>
      tpu.enqueue_indirect_dma source(%dma_start3A_327 : memref<128x128xf32, #tpu.memory_space<vmem>>) target(%dma_start3A_333 : memref<10240x128xf32, #tpu.memory_space<vmem_shared>>) offsets(%dma_start3A_330 : memref<128xi32, #tpu.memory_space<vmem>>) semaphore(%arg12 : memref<!tpu.dma_semaphore, #tpu.memory_space<semaphore_mem>>) {add = true}
      %mul3A_334 = arith.constant 2 : i32
      %mul3A_335 = arith.muli %mul3A_334, %scan3A_264 : i32
      %add3A_336 = arith.constant 2 : i32
      %add3A_337 = arith.addi %mul3A_335, %add3A_336 : i32
      %add3A_338 = arith.constant 1 : i32
      %add3A_339 = arith.addi %add3A_337, %add3A_338 : i32
      %sub3A_340 = arith.constant 2 : i32
      %sub3A_341 = arith.subi %add3A_339, %sub3A_340 : i32
      %dma_wait3A_342 = arith.constant 1 : i32
      %dma_wait3A_343 = arith.constant 0 : i32
      %dma_wait3A_344 = arith.constant 0 : i32
      %dma_wait3A_345 = tpu.memref_slice %arg8[%dma_wait3A_342, %dma_wait3A_343, %dma_wait3A_344] : memref<2x128x128xf32, #tpu.memory_space<vmem>> -> memref<1x128x128xf32, #tpu.memory_space<vmem>>
      %dma_wait3A_346 = tpu.memref_squeeze %dma_wait3A_345 : memref<1x128x128xf32, #tpu.memory_space<vmem>> -> memref<128x128xf32, #tpu.memory_space<vmem>>
      %dma_wait3A_347 = arith.constant 0 : i32
      %dma_wait3A_348 = tpu.memref_slice %arg7[%sub3A_341, %dma_wait3A_347] : memref<80x128xi32, #tpu.memory_space<vmem>> -> memref<1x128xi32, #tpu.memory_space<vmem>>
      %dma_wait3A_349 = tpu.memref_squeeze %dma_wait3A_348 : memref<1x128xi32, #tpu.memory_space<vmem>> -> memref<128xi32, #tpu.memory_space<vmem>>
      %dma_wait3A_350 = arith.constant 0 : i32
      %dma_wait3A_351 = arith.constant 0 : i32
      %dma_wait3A_352 = tpu.memref_slice %arg10[%dma_wait3A_350, %dma_wait3A_351] : memref<10240x128xf32, #tpu.memory_space<vmem_shared>> -> memref<10240x128xf32, #tpu.memory_space<vmem_shared>>
      tpu.wait_indirect_dma semaphore(%arg12 : memref<!tpu.dma_semaphore, #tpu.memory_space<semaphore_mem>>) src(%dma_wait3A_346 : memref<128x128xf32, #tpu.memory_space<vmem>>) dst(%dma_wait3A_352 : memref<10240x128xf32, #tpu.memory_space<vmem_shared>>)
      %mul3A_353 = arith.constant 128 : i32
      %mul3A_354 = arith.muli %add3A_339, %mul3A_353 : i32
      %add3A_355 = arith.addi %mul3A_10, %mul3A_354 : i32
      %dma_start3A_356 = arith.constant 1 : i32
      %dma_start3A_357 = arith.constant 0 : i32
      %dma_start3A_358 = arith.constant 0 : i32
      %dma_start3A_359 = tpu.memref_slice %arg8[%dma_start3A_356, %dma_start3A_357, %dma_start3A_358] : memref<2x128x128xf32, #tpu.memory_space<vmem>> -> memref<1x128x128xf32, #tpu.memory_space<vmem>>
      %dma_start3A_360 = tpu.memref_squeeze %dma_start3A_359 : memref<1x128x128xf32, #tpu.memory_space<vmem>> -> memref<128x128xf32, #tpu.memory_space<vmem>>
      %dma_start3A_361 = arith.constant 0 : i32
      %dma_start3A_362 = tpu.memref_slice %arg6[%arg0, %add3A_355, %dma_start3A_361] : memref<2x163840x128xf32, #tpu.memory_space<hbm>> -> memref<1x128x128xf32, #tpu.memory_space<hbm>>
      %dma_start3A_363 = tpu.memref_squeeze %dma_start3A_362 : memref<1x128x128xf32, #tpu.memory_space<hbm>> -> memref<128x128xf32, #tpu.memory_space<hbm>>
      %dma_start3A_364 = arith.constant 0 : i32
      %dma_start3A_365 = arith.constant 0 : i32
      %dma_start3A_366 = tpu.memref_slice %arg8[%dma_start3A_356, %dma_start3A_364, %dma_start3A_365] : memref<2x128x128xf32, #tpu.memory_space<vmem>> -> memref<1x128x128xf32, #tpu.memory_space<vmem>>
      %dma_start3A_367 = tpu.memref_squeeze %dma_start3A_366 : memref<1x128x128xf32, #tpu.memory_space<vmem>> -> memref<128x128xf32, #tpu.memory_space<vmem>>
      %dma_start3A_368 = arith.constant 0 : i32
      %dma_start3A_369 = tpu.memref_slice %arg6[%arg0, %add3A_355, %dma_start3A_368] : memref<2x163840x128xf32, #tpu.memory_space<hbm>> -> memref<1x128x128xf32, #tpu.memory_space<hbm>>
      %dma_start3A_370 = tpu.memref_squeeze %dma_start3A_369 : memref<1x128x128xf32, #tpu.memory_space<hbm>> -> memref<128x128xf32, #tpu.memory_space<hbm>>
      tpu.enqueue_dma source(%dma_start3A_370 : memref<128x128xf32, #tpu.memory_space<hbm>>) target(%dma_start3A_367 : memref<128x128xf32, #tpu.memory_space<vmem>>) target_semaphore(%arg14 : memref<!tpu.dma_semaphore, #tpu.memory_space<semaphore_mem>>)
      %sub3A_371 = arith.constant 1 : i32
      %sub3A_372 = arith.subi %add3A_339, %sub3A_371 : i32
      %mul3A_373 = arith.constant 128 : i32
      %mul3A_374 = arith.muli %sub3A_372, %mul3A_373 : i32
      %add3A_375 = arith.addi %mul3A_10, %mul3A_374 : i32
      %dma_wait3A_376 = arith.constant 0 : i32
      %dma_wait3A_377 = arith.constant 0 : i32
      %dma_wait3A_378 = arith.constant 0 : i32
      %dma_wait3A_379 = tpu.memref_slice %arg8[%dma_wait3A_376, %dma_wait3A_377, %dma_wait3A_378] : memref<2x128x128xf32, #tpu.memory_space<vmem>> -> memref<1x128x128xf32, #tpu.memory_space<vmem>>
      %dma_wait3A_380 = tpu.memref_squeeze %dma_wait3A_379 : memref<1x128x128xf32, #tpu.memory_space<vmem>> -> memref<128x128xf32, #tpu.memory_space<vmem>>
      %dma_wait3A_381 = arith.constant 0 : i32
      %dma_wait3A_382 = tpu.memref_slice %arg6[%arg0, %add3A_375, %dma_wait3A_381] : memref<2x163840x128xf32, #tpu.memory_space<hbm>> -> memref<1x128x128xf32, #tpu.memory_space<hbm>>
      %dma_wait3A_383 = tpu.memref_squeeze %dma_wait3A_382 : memref<1x128x128xf32, #tpu.memory_space<hbm>> -> memref<128x128xf32, #tpu.memory_space<hbm>>
      %dma_wait3A_384 = arith.constant 0 : i32
      %dma_wait3A_385 = arith.constant 0 : i32
      %dma_wait3A_386 = tpu.memref_slice %arg8[%dma_wait3A_376, %dma_wait3A_384, %dma_wait3A_385] : memref<2x128x128xf32, #tpu.memory_space<vmem>> -> memref<1x128x128xf32, #tpu.memory_space<vmem>>
      %dma_wait3A_387 = tpu.memref_squeeze %dma_wait3A_386 : memref<1x128x128xf32, #tpu.memory_space<vmem>> -> memref<128x128xf32, #tpu.memory_space<vmem>>
      %dma_wait3A_388 = arith.constant 0 : i32
      %dma_wait3A_389 = tpu.memref_slice %arg6[%arg0, %add3A_375, %dma_wait3A_388] : memref<2x163840x128xf32, #tpu.memory_space<hbm>> -> memref<1x128x128xf32, #tpu.memory_space<hbm>>
      %dma_wait3A_390 = tpu.memref_squeeze %dma_wait3A_389 : memref<1x128x128xf32, #tpu.memory_space<hbm>> -> memref<128x128xf32, #tpu.memory_space<hbm>>
      tpu.wait_dma2 semaphore(%arg13 : memref<!tpu.dma_semaphore, #tpu.memory_space<semaphore_mem>>) src(%dma_wait3A_390 : memref<128x128xf32, #tpu.memory_space<hbm>>) dst(%dma_wait3A_387 : memref<128x128xf32, #tpu.memory_space<vmem>>)
      %sub3A_391 = arith.constant 1 : i32
      %sub3A_392 = arith.subi %add3A_339, %sub3A_391 : i32
      %dma_start3A_393 = arith.constant 0 : i32
      %dma_start3A_394 = arith.constant 0 : i32
      %dma_start3A_395 = arith.constant 0 : i32
      %dma_start3A_396 = tpu.memref_slice %arg8[%dma_start3A_393, %dma_start3A_394, %dma_start3A_395] : memref<2x128x128xf32, #tpu.memory_space<vmem>> -> memref<1x128x128xf32, #tpu.memory_space<vmem>>
      %dma_start3A_397 = tpu.memref_squeeze %dma_start3A_396 : memref<1x128x128xf32, #tpu.memory_space<vmem>> -> memref<128x128xf32, #tpu.memory_space<vmem>>
      %dma_start3A_398 = arith.constant 0 : i32
      %dma_start3A_399 = tpu.memref_slice %arg7[%sub3A_392, %dma_start3A_398] : memref<80x128xi32, #tpu.memory_space<vmem>> -> memref<1x128xi32, #tpu.memory_space<vmem>>
      %dma_start3A_400 = tpu.memref_squeeze %dma_start3A_399 : memref<1x128xi32, #tpu.memory_space<vmem>> -> memref<128xi32, #tpu.memory_space<vmem>>
      %dma_start3A_401 = arith.constant 0 : i32
      %dma_start3A_402 = arith.constant 0 : i32
      %dma_start3A_403 = tpu.memref_slice %arg10[%dma_start3A_401, %dma_start3A_402] : memref<10240x128xf32, #tpu.memory_space<vmem_shared>> -> memref<10240x128xf32, #tpu.memory_space<vmem_shared>>
      tpu.enqueue_indirect_dma source(%dma_start3A_397 : memref<128x128xf32, #tpu.memory_space<vmem>>) target(%dma_start3A_403 : memref<10240x128xf32, #tpu.memory_space<vmem_shared>>) offsets(%dma_start3A_400 : memref<128xi32, #tpu.memory_space<vmem>>) semaphore(%arg11 : memref<!tpu.dma_semaphore, #tpu.memory_space<semaphore_mem>>) {add = true}
    }
    %scan3A_209 = arith.constant 39 : i32
    %add3A_210 = arith.constant 10112 : i32
    %add3A_211 = arith.addi %mul3A_10, %add3A_210 : i32
    %dma_wait3A_212 = arith.constant 1 : i32
    %dma_wait3A_213 = arith.constant 0 : i32
    %dma_wait3A_214 = arith.constant 0 : i32
    %dma_wait3A_215 = tpu.memref_slice %arg8[%dma_wait3A_212, %dma_wait3A_213, %dma_wait3A_214] : memref<2x128x128xf32, #tpu.memory_space<vmem>> -> memref<1x128x128xf32, #tpu.memory_space<vmem>>
    %dma_wait3A_216 = tpu.memref_squeeze %dma_wait3A_215 : memref<1x128x128xf32, #tpu.memory_space<vmem>> -> memref<128x128xf32, #tpu.memory_space<vmem>>
    %dma_wait3A_217 = arith.constant 0 : i32
    %dma_wait3A_218 = tpu.memref_slice %arg6[%arg0, %add3A_211, %dma_wait3A_217] : memref<2x163840x128xf32, #tpu.memory_space<hbm>> -> memref<1x128x128xf32, #tpu.memory_space<hbm>>
    %dma_wait3A_219 = tpu.memref_squeeze %dma_wait3A_218 : memref<1x128x128xf32, #tpu.memory_space<hbm>> -> memref<128x128xf32, #tpu.memory_space<hbm>>
    %dma_wait3A_220 = arith.constant 0 : i32
    %dma_wait3A_221 = arith.constant 0 : i32
    %dma_wait3A_222 = tpu.memref_slice %arg8[%dma_wait3A_212, %dma_wait3A_220, %dma_wait3A_221] : memref<2x128x128xf32, #tpu.memory_space<vmem>> -> memref<1x128x128xf32, #tpu.memory_space<vmem>>
    %dma_wait3A_223 = tpu.memref_squeeze %dma_wait3A_222 : memref<1x128x128xf32, #tpu.memory_space<vmem>> -> memref<128x128xf32, #tpu.memory_space<vmem>>
    %dma_wait3A_224 = arith.constant 0 : i32
    %dma_wait3A_225 = tpu.memref_slice %arg6[%arg0, %add3A_211, %dma_wait3A_224] : memref<2x163840x128xf32, #tpu.memory_space<hbm>> -> memref<1x128x128xf32, #tpu.memory_space<hbm>>
    %dma_wait3A_226 = tpu.memref_squeeze %dma_wait3A_225 : memref<1x128x128xf32, #tpu.memory_space<hbm>> -> memref<128x128xf32, #tpu.memory_space<hbm>>
    tpu.wait_dma2 semaphore(%arg14 : memref<!tpu.dma_semaphore, #tpu.memory_space<semaphore_mem>>) src(%dma_wait3A_226 : memref<128x128xf32, #tpu.memory_space<hbm>>) dst(%dma_wait3A_223 : memref<128x128xf32, #tpu.memory_space<vmem>>)
    %dma_start3A_227 = arith.constant 1 : i32
    %dma_start3A_228 = arith.constant 79 : i32
    %dma_start3A_229 = arith.constant 0 : i32
    %dma_start3A_230 = arith.constant 0 : i32
    %dma_start3A_231 = tpu.memref_slice %arg8[%dma_start3A_227, %dma_start3A_229, %dma_start3A_230] : memref<2x128x128xf32, #tpu.memory_space<vmem>> -> memref<1x128x128xf32, #tpu.memory_space<vmem>>
    %dma_start3A_232 = tpu.memref_squeeze %dma_start3A_231 : memref<1x128x128xf32, #tpu.memory_space<vmem>> -> memref<128x128xf32, #tpu.memory_space<vmem>>
    %dma_start3A_233 = arith.constant 0 : i32
    %dma_start3A_234 = tpu.memref_slice %arg7[%dma_start3A_228, %dma_start3A_233] : memref<80x128xi32, #tpu.memory_space<vmem>> -> memref<1x128xi32, #tpu.memory_space<vmem>>
    %dma_start3A_235 = tpu.memref_squeeze %dma_start3A_234 : memref<1x128xi32, #tpu.memory_space<vmem>> -> memref<128xi32, #tpu.memory_space<vmem>>
    %dma_start3A_236 = arith.constant 0 : i32
    %dma_start3A_237 = arith.constant 0 : i32
    %dma_start3A_238 = tpu.memref_slice %arg10[%dma_start3A_236, %dma_start3A_237] : memref<10240x128xf32, #tpu.memory_space<vmem_shared>> -> memref<10240x128xf32, #tpu.memory_space<vmem_shared>>
    tpu.enqueue_indirect_dma source(%dma_start3A_232 : memref<128x128xf32, #tpu.memory_space<vmem>>) target(%dma_start3A_238 : memref<10240x128xf32, #tpu.memory_space<vmem_shared>>) offsets(%dma_start3A_235 : memref<128xi32, #tpu.memory_space<vmem>>) semaphore(%arg12 : memref<!tpu.dma_semaphore, #tpu.memory_space<semaphore_mem>>) {add = true}
    %dma_wait3A_239 = arith.constant 0 : i32
    %dma_wait3A_240 = arith.constant 78 : i32
    %dma_wait3A_241 = arith.constant 0 : i32
    %dma_wait3A_242 = arith.constant 0 : i32
    %dma_wait3A_243 = tpu.memref_slice %arg8[%dma_wait3A_239, %dma_wait3A_241, %dma_wait3A_242] : memref<2x128x128xf32, #tpu.memory_space<vmem>> -> memref<1x128x128xf32, #tpu.memory_space<vmem>>
    %dma_wait3A_244 = tpu.memref_squeeze %dma_wait3A_243 : memref<1x128x128xf32, #tpu.memory_space<vmem>> -> memref<128x128xf32, #tpu.memory_space<vmem>>
    %dma_wait3A_245 = arith.constant 0 : i32
    %dma_wait3A_246 = tpu.memref_slice %arg7[%dma_wait3A_240, %dma_wait3A_245] : memref<80x128xi32, #tpu.memory_space<vmem>> -> memref<1x128xi32, #tpu.memory_space<vmem>>
    %dma_wait3A_247 = tpu.memref_squeeze %dma_wait3A_246 : memref<1x128xi32, #tpu.memory_space<vmem>> -> memref<128xi32, #tpu.memory_space<vmem>>
    %dma_wait3A_248 = arith.constant 0 : i32
    %dma_wait3A_249 = arith.constant 0 : i32
    %dma_wait3A_250 = tpu.memref_slice %arg10[%dma_wait3A_248, %dma_wait3A_249] : memref<10240x128xf32, #tpu.memory_space<vmem_shared>> -> memref<10240x128xf32, #tpu.memory_space<vmem_shared>>
    tpu.wait_indirect_dma semaphore(%arg11 : memref<!tpu.dma_semaphore, #tpu.memory_space<semaphore_mem>>) src(%dma_wait3A_244 : memref<128x128xf32, #tpu.memory_space<vmem>>) dst(%dma_wait3A_250 : memref<10240x128xf32, #tpu.memory_space<vmem_shared>>)
    %dma_wait3A_251 = arith.constant 1 : i32
    %dma_wait3A_252 = arith.constant 79 : i32
    %dma_wait3A_253 = arith.constant 0 : i32
    %dma_wait3A_254 = arith.constant 0 : i32
    %dma_wait3A_255 = tpu.memref_slice %arg8[%dma_wait3A_251, %dma_wait3A_253, %dma_wait3A_254] : memref<2x128x128xf32, #tpu.memory_space<vmem>> -> memref<1x128x128xf32, #tpu.memory_space<vmem>>
    %dma_wait3A_256 = tpu.memref_squeeze %dma_wait3A_255 : memref<1x128x128xf32, #tpu.memory_space<vmem>> -> memref<128x128xf32, #tpu.memory_space<vmem>>
    %dma_wait3A_257 = arith.constant 0 : i32
    %dma_wait3A_258 = tpu.memref_slice %arg7[%dma_wait3A_252, %dma_wait3A_257] : memref<80x128xi32, #tpu.memory_space<vmem>> -> memref<1x128xi32, #tpu.memory_space<vmem>>
    %dma_wait3A_259 = tpu.memref_squeeze %dma_wait3A_258 : memref<1x128xi32, #tpu.memory_space<vmem>> -> memref<128xi32, #tpu.memory_space<vmem>>
    %dma_wait3A_260 = arith.constant 0 : i32
    %dma_wait3A_261 = arith.constant 0 : i32
    %dma_wait3A_262 = tpu.memref_slice %arg10[%dma_wait3A_260, %dma_wait3A_261] : memref<10240x128xf32, #tpu.memory_space<vmem_shared>> -> memref<10240x128xf32, #tpu.memory_space<vmem_shared>>
    tpu.wait_indirect_dma semaphore(%arg12 : memref<!tpu.dma_semaphore, #tpu.memory_space<semaphore_mem>>) src(%dma_wait3A_256 : memref<128x128xf32, #tpu.memory_space<vmem>>) dst(%dma_wait3A_262 : memref<10240x128xf32, #tpu.memory_space<vmem_shared>>)
    %barrier3A_263 = arith.constant 0 : index
    tpu.barrier barrier_id(%barrier3A_263)
    "tpu.region"() ({
      %run_scoped3A = tpu.sem_alloc : memref<!tpu.dma_semaphore, #tpu.memory_space<semaphore_mem>>
      %dma_start3A_264 = arith.constant 0 : i32
      %dma_start3A_265 = tpu.memref_slice %arg5[%arg0, %mul3A_133, %dma_start3A_264] : memref<2x10240x128xf32, #tpu.memory_space<hbm>> -> memref<1x640x128xf32, #tpu.memory_space<hbm>>
      %dma_start3A_266 = tpu.memref_squeeze %dma_start3A_265 : memref<1x640x128xf32, #tpu.memory_space<hbm>> -> memref<640x128xf32, #tpu.memory_space<hbm>>
      %dma_start3A_267 = arith.constant 0 : i32
      %dma_start3A_268 = tpu.memref_slice %arg10[%mul3A_133, %dma_start3A_267] : memref<10240x128xf32, #tpu.memory_space<vmem_shared>> -> memref<640x128xf32, #tpu.memory_space<vmem_shared>>
      tpu.enqueue_dma source(%dma_start3A_268 : memref<640x128xf32, #tpu.memory_space<vmem_shared>>) target(%dma_start3A_266 : memref<640x128xf32, #tpu.memory_space<hbm>>) target_semaphore(%run_scoped3A : memref<!tpu.dma_semaphore, #tpu.memory_space<semaphore_mem>>)
      %dma_wait3A_269 = arith.constant 0 : i32
      %dma_wait3A_270 = tpu.memref_slice %arg5[%arg0, %mul3A_133, %dma_wait3A_269] : memref<2x10240x128xf32, #tpu.memory_space<hbm>> -> memref<1x640x128xf32, #tpu.memory_space<hbm>>
      %dma_wait3A_271 = tpu.memref_squeeze %dma_wait3A_270 : memref<1x640x128xf32, #tpu.memory_space<hbm>> -> memref<640x128xf32, #tpu.memory_space<hbm>>
      %dma_wait3A_272 = arith.constant 0 : i32
      %dma_wait3A_273 = tpu.memref_slice %arg10[%mul3A_133, %dma_wait3A_272] : memref<10240x128xf32, #tpu.memory_space<vmem_shared>> -> memref<640x128xf32, #tpu.memory_space<vmem_shared>>
      tpu.wait_dma2 semaphore(%run_scoped3A : memref<!tpu.dma_semaphore, #tpu.memory_space<semaphore_mem>>) src(%dma_wait3A_273 : memref<640x128xf32, #tpu.memory_space<vmem_shared>>) dst(%dma_wait3A_271 : memref<640x128xf32, #tpu.memory_space<hbm>>)
      tpu.yield
    }) : () -> ()
    return
  }
}

module attributes {stable_mosaic.version = 14 : i64} {
  func.func @body(%arg0: i32, %arg1: memref<1000x256xf32, #tpu.memory_space<vmem>>, %arg2: memref<256x256xf32, #tpu.memory_space<vmem>>, %arg3: memref<1x256xf32, #tpu.memory_space<vmem>>, %arg4: memref<1000x64xf32, #tpu.memory_space<vmem>>, %arg5: memref<1000x256xf32, #tpu.memory_space<vmem>>, %arg6: memref<2x1000x128xf32, #tpu.memory_space<vmem>>, %arg7: memref<64x256xf32, #tpu.memory_space<vmem>>) attributes {dimension_semantics = [#tpu.dimension_semantics<arbitrary>], iteration_bounds = array<i64: 10>, scalar_prefetch = 0 : i64, scratch_operands = 0 : i64, tpu.core_type = #tpu.core_type<tc>, window_params = [{transform_indices = @transform_0, window_bounds = array<i64: 1000, 256>}, {pipeline_mode = #tpu.pipeline_mode<synchronous>, transform_indices = @transform_1, window_bounds = array<i64: 256, 256>}, {pipeline_mode = #tpu.pipeline_mode<synchronous>, transform_indices = @transform_2, window_bounds = array<i64: 1, 256>}, {transform_indices = @transform_3, window_bounds = array<i64: 1000, 64>}, {transform_indices = @transform_4, window_bounds = array<i64: 1000, 256>}, {transform_indices = @transform_5, window_bounds = array<i64: 2, 1000, 128>}, {pipeline_mode = #tpu.pipeline_mode<synchronous>, transform_indices = @transform_6, window_bounds = array<i64: 64, 256>}]} {
    %get3A = arith.constant 0 : index
    %get3A_0 = arith.constant 0 : index
    %get3A_1 = vector.load %arg1[%get3A, %get3A_0] : memref<1000x256xf32, #tpu.memory_space<vmem>>, vector<1000x256xf32>
    %get3A_2 = arith.constant 0 : index
    %get3A_3 = arith.constant 0 : index
    %get3A_4 = vector.load %arg2[%get3A_2, %get3A_3] : memref<256x256xf32, #tpu.memory_space<vmem>>, vector<256x256xf32>
    %dot_general3A = arith.constant dense<0.000000e+00> : vector<1000x256xf32>
    %dot_general3A_5 = tpu.matmul %get3A_1, %get3A_4, %dot_general3A {dimension_numbers = #tpu.dot_dimension_numbers<[1], [0], [0], [1], [0, 0, 1, 1], [], []>, transpose_lhs_hint = false} : vector<1000x256xf32>, vector<256x256xf32>, vector<1000x256xf32> -> vector<1000x256xf32>
    %get3A_6 = arith.constant 0 : index
    %get3A_7 = arith.constant 0 : index
    %get3A_8 = vector.load %arg3[%get3A_6, %get3A_7] : memref<1x256xf32, #tpu.memory_space<vmem>>, vector<1x256xf32>
    %add3A = vector.broadcast %get3A_8 : vector<1x256xf32> to vector<1000x256xf32>
    %add3A_9 = arith.addf %dot_general3A_5, %add3A : vector<1000x256xf32>
    %swap3A = arith.constant 0 : index
    %swap3A_10 = arith.constant 0 : index
    %swap3A_11 = vector.load %arg5[%swap3A, %swap3A_10] : memref<1000x256xf32, #tpu.memory_space<vmem>>, vector<1000x256xf32>
    tpu.vector_store %arg5[%swap3A, %swap3A_10], %add3A_9 {strides = array<i32>} : memref<1000x256xf32, #tpu.memory_space<vmem>>, vector<1000x256xf32>,
    %max3A = arith.constant 0.000000e+00 : f32
    %max3A_12 = vector.broadcast %max3A : f32 to vector<1000x256xf32>
    %max3A_13 = arith.maximumf %add3A_9, %max3A_12 : vector<1000x256xf32>
    %slice3A = vector.extract_strided_slice %max3A_13 {offsets = [0, 0], sizes = [1000, 128], strides = [1, 1]} : vector<1000x256xf32> to vector<1000x128xf32>
    %swap3A_14 = arith.constant 0 : index
    %swap3A_15 = arith.constant 0 : index
    %swap3A_16 = arith.constant 0 : index
    %swap3A_17 = vector.load %arg6[%swap3A_14, %swap3A_15, %swap3A_16] : memref<2x1000x128xf32, #tpu.memory_space<vmem>>, vector<1x1000x128xf32>
    %swap3A_18 = vector.shape_cast %swap3A_17 : vector<1x1000x128xf32> to vector<1000x128xf32>
    %swap3A_19 = vector.shape_cast %slice3A : vector<1000x128xf32> to vector<1x1000x128xf32>
    tpu.vector_store %arg6[%swap3A_14, %swap3A_15, %swap3A_16], %swap3A_19 {strides = array<i32>} : memref<2x1000x128xf32, #tpu.memory_space<vmem>>, vector<1x1000x128xf32>,
    %slice3A_20 = vector.extract_strided_slice %max3A_13 {offsets = [0, 128], sizes = [1000, 128], strides = [1, 1]} : vector<1000x256xf32> to vector<1000x128xf32>
    %swap3A_21 = arith.constant 1 : index
    %swap3A_22 = arith.constant 0 : index
    %swap3A_23 = arith.constant 0 : index
    %swap3A_24 = vector.load %arg6[%swap3A_21, %swap3A_22, %swap3A_23] : memref<2x1000x128xf32, #tpu.memory_space<vmem>>, vector<1x1000x128xf32>
    %swap3A_25 = vector.shape_cast %swap3A_24 : vector<1x1000x128xf32> to vector<1000x128xf32>
    %swap3A_26 = vector.shape_cast %slice3A_20 : vector<1000x128xf32> to vector<1x1000x128xf32>
    tpu.vector_store %arg6[%swap3A_21, %swap3A_22, %swap3A_23], %swap3A_26 {strides = array<i32>} : memref<2x1000x128xf32, #tpu.memory_space<vmem>>, vector<1x1000x128xf32>,
    %get3A_27 = arith.constant 0 : index
    %get3A_28 = arith.constant 0 : index
    %get3A_29 = vector.load %arg4[%get3A_27, %get3A_28] : memref<1000x64xf32, #tpu.memory_space<vmem>>, vector<1000x64xf32>
    %dot_general3A_30 = arith.constant dense<0.000000e+00> : vector<64x256xf32>
    %dot_general3A_31 = tpu.matmul %get3A_29, %add3A_9, %dot_general3A_30 {dimension_numbers = #tpu.dot_dimension_numbers<[0], [0], [1], [1], [0, 1, 1, 1], [], []>, transpose_lhs_hint = false} : vector<1000x64xf32>, vector<1000x256xf32>, vector<64x256xf32> -> vector<64x256xf32>
    %eq3A = arith.constant 0 : i32
    %eq3A_32 = arith.cmpi eq, %arg0, %eq3A : i32
    %convert_element_type3A = arith.extui %eq3A_32 : i1 to i32
    %cond3A = arith.constant 0 : i32
    %cond3A_33 = arith.cmpi ne, %convert_element_type3A, %cond3A : i32
    scf.if %cond3A_33 {
      %swap3A_38 = arith.constant 0 : index
      %swap3A_39 = arith.constant 0 : index
      %swap3A_40 = vector.load %arg7[%swap3A_38, %swap3A_39] : memref<64x256xf32, #tpu.memory_space<vmem>>, vector<64x256xf32>
      tpu.vector_store %arg7[%swap3A_38, %swap3A_39], %dot_general3A_31 {strides = array<i32>} : memref<64x256xf32, #tpu.memory_space<vmem>>, vector<64x256xf32>,
    } else {
    }
    %gt3A = arith.constant 0 : i32
    %gt3A_34 = arith.cmpi sgt, %arg0, %gt3A : i32
    %convert_element_type3A_35 = arith.extui %gt3A_34 : i1 to i32
    %cond3A_36 = arith.constant 0 : i32
    %cond3A_37 = arith.cmpi ne, %convert_element_type3A_35, %cond3A_36 : i32
    scf.if %cond3A_37 {
      %get3A_38 = arith.constant 0 : index
      %get3A_39 = arith.constant 0 : index
      %get3A_40 = vector.load %arg7[%get3A_38, %get3A_39] : memref<64x256xf32, #tpu.memory_space<vmem>>, vector<64x256xf32>
      %add3A_41 = arith.addf %get3A_40, %dot_general3A_31 : vector<64x256xf32>
      %swap3A_42 = arith.constant 0 : index
      %swap3A_43 = arith.constant 0 : index
      %swap3A_44 = vector.load %arg7[%swap3A_42, %swap3A_43] : memref<64x256xf32, #tpu.memory_space<vmem>>, vector<64x256xf32>
      tpu.vector_store %arg7[%swap3A_42, %swap3A_43], %add3A_41 {strides = array<i32>} : memref<64x256xf32, #tpu.memory_space<vmem>>, vector<64x256xf32>,
    } else {
    }
    return
  }
  func.func @transform_0(%arg0: i32) -> (i32, i32) {
    %c0_i32 = arith.constant 0 : i32
    %c0_i32_0 = arith.constant 0 : i32
    return %arg0, %c0_i32 : i32, i32
  }
  func.func @transform_1(%arg0: i32) -> (i32, i32) {
    %c0_i32 = arith.constant 0 : i32
    %c0_i32_0 = arith.constant 0 : i32
    %c0_i32_1 = arith.constant 0 : i32
    return %c0_i32, %c0_i32_0 : i32, i32
  }
  func.func @transform_2(%arg0: i32) -> (i32, i32) {
    %c0_i32 = arith.constant 0 : i32
    %c0_i32_0 = arith.constant 0 : i32
    %c0_i32_1 = arith.constant 0 : i32
    return %c0_i32, %c0_i32_0 : i32, i32
  }
  func.func @transform_3(%arg0: i32) -> (i32, i32) {
    %c0_i32 = arith.constant 0 : i32
    %c0_i32_0 = arith.constant 0 : i32
    return %arg0, %c0_i32 : i32, i32
  }
  func.func @transform_4(%arg0: i32) -> (i32, i32) {
    %c0_i32 = arith.constant 0 : i32
    %c0_i32_0 = arith.constant 0 : i32
    return %arg0, %c0_i32 : i32, i32
  }
  func.func @transform_5(%arg0: i32) -> (i32, i32, i32) {
    %c0_i32 = arith.constant 0 : i32
    %c0_i32_0 = arith.constant 0 : i32
    %c0_i32_1 = arith.constant 0 : i32
    return %c0_i32, %arg0, %c0_i32_0 : i32, i32, i32
  }
  func.func @transform_6(%arg0: i32) -> (i32, i32) {
    %c0_i32 = arith.constant 0 : i32
    %c0_i32_0 = arith.constant 0 : i32
    %c0_i32_1 = arith.constant 0 : i32
    return %c0_i32, %c0_i32_0 : i32, i32
  }
}

module attributes {stable_mosaic.version = 14 : i64} {
  func.func @body(%arg0: memref<64x256xf32, #tpu.memory_space<vmem>>, %arg1: memref<64x256xf32, #tpu.memory_space<vmem>>, %arg2: memref<256x256xf32, #tpu.memory_space<vmem>>, %arg3: memref<1x256xf32, #tpu.memory_space<vmem>>, %arg4: memref<256x256xf32, #tpu.memory_space<vmem>>, %arg5: memref<1x256xf32, #tpu.memory_space<vmem>>, %arg6: memref<64x256xf32, #tpu.memory_space<vmem>>) attributes {dimension_semantics = [], scalar_prefetch = 0 : i64, scratch_operands = 0 : i64, tpu.core_type = #tpu.core_type<tc>} {
    %get3A = arith.constant 0 : index
    %get3A_0 = arith.constant 0 : index
    %get3A_1 = vector.load %arg0[%get3A, %get3A_0] : memref<64x256xf32, #tpu.memory_space<vmem>>, vector<64x256xf32>
    %get3A_2 = arith.constant 0 : index
    %get3A_3 = arith.constant 0 : index
    %get3A_4 = vector.load %arg1[%get3A_2, %get3A_3] : memref<64x256xf32, #tpu.memory_space<vmem>>, vector<64x256xf32>
    %add3A = arith.addf %get3A_1, %get3A_4 : vector<64x256xf32>
    %get3A_5 = arith.constant 0 : index
    %get3A_6 = arith.constant 0 : index
    %get3A_7 = vector.load %arg2[%get3A_5, %get3A_6] : memref<256x256xf32, #tpu.memory_space<vmem>>, vector<256x256xf32>
    %dot_general3A = arith.constant dense<0.000000e+00> : vector<64x256xf32>
    %dot_general3A_8 = tpu.matmul %add3A, %get3A_7, %dot_general3A {dimension_numbers = #tpu.dot_dimension_numbers<[1], [0], [0], [1], [0, 0, 1, 1], [], []>, transpose_lhs_hint = false} : vector<64x256xf32>, vector<256x256xf32>, vector<64x256xf32> -> vector<64x256xf32>
    %get3A_9 = arith.constant 0 : index
    %get3A_10 = arith.constant 0 : index
    %get3A_11 = vector.load %arg3[%get3A_9, %get3A_10] : memref<1x256xf32, #tpu.memory_space<vmem>>, vector<1x256xf32>
    %add3A_12 = vector.broadcast %get3A_11 : vector<1x256xf32> to vector<64x256xf32>
    %add3A_13 = arith.addf %dot_general3A_8, %add3A_12 : vector<64x256xf32>
    %max3A = arith.constant 0.000000e+00 : f32
    %max3A_14 = vector.broadcast %max3A : f32 to vector<64x256xf32>
    %max3A_15 = arith.maximumf %add3A_13, %max3A_14 : vector<64x256xf32>
    %get3A_16 = arith.constant 0 : index
    %get3A_17 = arith.constant 0 : index
    %get3A_18 = vector.load %arg4[%get3A_16, %get3A_17] : memref<256x256xf32, #tpu.memory_space<vmem>>, vector<256x256xf32>
    %dot_general3A_19 = arith.constant dense<0.000000e+00> : vector<64x256xf32>
    %dot_general3A_20 = tpu.matmul %max3A_15, %get3A_18, %dot_general3A_19 {dimension_numbers = #tpu.dot_dimension_numbers<[1], [0], [0], [1], [0, 0, 1, 1], [], []>, transpose_lhs_hint = false} : vector<64x256xf32>, vector<256x256xf32>, vector<64x256xf32> -> vector<64x256xf32>
    %get3A_21 = arith.constant 0 : index
    %get3A_22 = arith.constant 0 : index
    %get3A_23 = vector.load %arg5[%get3A_21, %get3A_22] : memref<1x256xf32, #tpu.memory_space<vmem>>, vector<1x256xf32>
    %add3A_24 = vector.broadcast %get3A_23 : vector<1x256xf32> to vector<64x256xf32>
    %add3A_25 = arith.addf %dot_general3A_20, %add3A_24 : vector<64x256xf32>
    %max3A_26 = arith.constant 0.000000e+00 : f32
    %max3A_27 = vector.broadcast %max3A_26 : f32 to vector<64x256xf32>
    %max3A_28 = arith.maximumf %add3A_25, %max3A_27 : vector<64x256xf32>
    %swap3A = arith.constant 0 : index
    %swap3A_29 = arith.constant 0 : index
    %swap3A_30 = vector.load %arg6[%swap3A, %swap3A_29] : memref<64x256xf32, #tpu.memory_space<vmem>>, vector<64x256xf32>
    tpu.vector_store %arg6[%swap3A, %swap3A_29], %max3A_28 {strides = array<i32>} : memref<64x256xf32, #tpu.memory_space<vmem>>, vector<64x256xf32>,
    return
  }
}

module attributes {stable_mosaic.version = 14 : i64} {
  func.func @body(%arg0: i32, %arg1: memref<1x1xf32, #tpu.memory_space<vmem>>, %arg2: memref<1000x256xf32, #tpu.memory_space<vmem>>, %arg3: memref<2x1000x128xf32, #tpu.memory_space<vmem>>, %arg4: memref<256x256xf32, #tpu.memory_space<vmem>>, %arg5: memref<1x256xf32, #tpu.memory_space<vmem>>, %arg6: memref<256x256xf32, #tpu.memory_space<vmem>>, %arg7: memref<1x256xf32, #tpu.memory_space<vmem>>, %arg8: memref<1000x64xf32, #tpu.memory_space<vmem>>, %arg9: memref<64x256xf32, #tpu.memory_space<vmem>>, %arg10: memref<1000x256xf32, #tpu.memory_space<vmem>>, %arg11: memref<2x1000x128xf32, #tpu.memory_space<vmem>>, %arg12: memref<64x256xf32, #tpu.memory_space<vmem>>) attributes {dimension_semantics = [#tpu.dimension_semantics<arbitrary>], iteration_bounds = array<i64: 10>, scalar_prefetch = 0 : i64, scratch_operands = 0 : i64, tpu.core_type = #tpu.core_type<tc>, window_params = [{pipeline_mode = #tpu.pipeline_mode<synchronous>, transform_indices = @transform_0, window_bounds = array<i64: 1, 1>}, {transform_indices = @transform_1, window_bounds = array<i64: 1000, 256>}, {transform_indices = @transform_2, window_bounds = array<i64: 2, 1000, 128>}, {pipeline_mode = #tpu.pipeline_mode<synchronous>, transform_indices = @transform_3, window_bounds = array<i64: 256, 256>}, {pipeline_mode = #tpu.pipeline_mode<synchronous>, transform_indices = @transform_4, window_bounds = array<i64: 1, 256>}, {pipeline_mode = #tpu.pipeline_mode<synchronous>, transform_indices = @transform_5, window_bounds = array<i64: 256, 256>}, {pipeline_mode = #tpu.pipeline_mode<synchronous>, transform_indices = @transform_6, window_bounds = array<i64: 1, 256>}, {transform_indices = @transform_7, window_bounds = array<i64: 1000, 64>}, {pipeline_mode = #tpu.pipeline_mode<synchronous>, transform_indices = @transform_8, window_bounds = array<i64: 64, 256>}, {transform_indices = @transform_9, window_bounds = array<i64: 1000, 256>}, {transform_indices = @transform_10, window_bounds = array<i64: 2, 1000, 128>}, {pipeline_mode = #tpu.pipeline_mode<synchronous>, transform_indices = @transform_11, window_bounds = array<i64: 64, 256>}]} {
    %get3A = arith.constant 0 : index
    %get3A_0 = arith.constant 0 : index
    %get3A_1 = arith.constant 0 : index
    %get3A_2 = vector.load %arg3[%get3A, %get3A_0, %get3A_1] : memref<2x1000x128xf32, #tpu.memory_space<vmem>>, vector<1x1000x128xf32>
    %get3A_3 = vector.shape_cast %get3A_2 : vector<1x1000x128xf32> to vector<1000x128xf32>
    %get3A_4 = arith.constant 1 : index
    %get3A_5 = arith.constant 0 : index
    %get3A_6 = arith.constant 0 : index
    %get3A_7 = vector.load %arg3[%get3A_4, %get3A_5, %get3A_6] : memref<2x1000x128xf32, #tpu.memory_space<vmem>>, vector<1x1000x128xf32>
    %get3A_8 = vector.shape_cast %get3A_7 : vector<1x1000x128xf32> to vector<1000x128xf32>
    %concatenate3A = tpu.concatenate %get3A_3, %get3A_8 in 1 : vector<1000x128xf32>, vector<1000x128xf32> -> vector<1000x256xf32>
    %get3A_9 = arith.constant 0 : index
    %get3A_10 = arith.constant 0 : index
    %get3A_11 = vector.load %arg1[%get3A_9, %get3A_10] : memref<1x1xf32, #tpu.memory_space<vmem>>, vector<1x1xf32>
    %get3A_12 = vector.extract %get3A_11[0, 0] : f32 from vector<1x1xf32>
    %get3A_13 = arith.constant 0 : index
    %get3A_14 = arith.constant 0 : index
    %get3A_15 = vector.load %arg2[%get3A_13, %get3A_14] : memref<1000x256xf32, #tpu.memory_space<vmem>>, vector<1000x256xf32>
    %mul3A = vector.broadcast %get3A_12 : f32 to vector<1000x256xf32>
    %mul3A_16 = arith.mulf %mul3A, %get3A_15 : vector<1000x256xf32>
    %add3A = arith.addf %mul3A_16, %concatenate3A : vector<1000x256xf32>
    %get3A_17 = arith.constant 0 : index
    %get3A_18 = arith.constant 0 : index
    %get3A_19 = vector.load %arg4[%get3A_17, %get3A_18] : memref<256x256xf32, #tpu.memory_space<vmem>>, vector<256x256xf32>
    %dot_general3A = arith.constant dense<0.000000e+00> : vector<1000x256xf32>
    %dot_general3A_20 = tpu.matmul %add3A, %get3A_19, %dot_general3A {dimension_numbers = #tpu.dot_dimension_numbers<[1], [0], [0], [1], [0, 0, 1, 1], [], []>, transpose_lhs_hint = false} : vector<1000x256xf32>, vector<256x256xf32>, vector<1000x256xf32> -> vector<1000x256xf32>
    %get3A_21 = arith.constant 0 : index
    %get3A_22 = arith.constant 0 : index
    %get3A_23 = vector.load %arg5[%get3A_21, %get3A_22] : memref<1x256xf32, #tpu.memory_space<vmem>>, vector<1x256xf32>
    %add3A_24 = vector.broadcast %get3A_23 : vector<1x256xf32> to vector<1000x256xf32>
    %add3A_25 = arith.addf %dot_general3A_20, %add3A_24 : vector<1000x256xf32>
    %max3A = arith.constant 0.000000e+00 : f32
    %max3A_26 = vector.broadcast %max3A : f32 to vector<1000x256xf32>
    %max3A_27 = arith.maximumf %add3A_25, %max3A_26 : vector<1000x256xf32>
    %get3A_28 = arith.constant 0 : index
    %get3A_29 = arith.constant 0 : index
    %get3A_30 = vector.load %arg6[%get3A_28, %get3A_29] : memref<256x256xf32, #tpu.memory_space<vmem>>, vector<256x256xf32>
    %dot_general3A_31 = arith.constant dense<0.000000e+00> : vector<1000x256xf32>
    %dot_general3A_32 = tpu.matmul %max3A_27, %get3A_30, %dot_general3A_31 {dimension_numbers = #tpu.dot_dimension_numbers<[1], [0], [0], [1], [0, 0, 1, 1], [], []>, transpose_lhs_hint = false} : vector<1000x256xf32>, vector<256x256xf32>, vector<1000x256xf32> -> vector<1000x256xf32>
    %get3A_33 = arith.constant 0 : index
    %get3A_34 = arith.constant 0 : index
    %get3A_35 = vector.load %arg7[%get3A_33, %get3A_34] : memref<1x256xf32, #tpu.memory_space<vmem>>, vector<1x256xf32>
    %add3A_36 = vector.broadcast %get3A_35 : vector<1x256xf32> to vector<1000x256xf32>
    %add3A_37 = arith.addf %dot_general3A_32, %add3A_36 : vector<1000x256xf32>
    %max3A_38 = arith.constant 0.000000e+00 : f32
    %max3A_39 = vector.broadcast %max3A_38 : f32 to vector<1000x256xf32>
    %max3A_40 = arith.maximumf %add3A_37, %max3A_39 : vector<1000x256xf32>
    %get3A_41 = arith.constant 0 : index
    %get3A_42 = arith.constant 0 : index
    %get3A_43 = vector.load %arg8[%get3A_41, %get3A_42] : memref<1000x64xf32, #tpu.memory_space<vmem>>, vector<1000x64xf32>
    %get3A_44 = arith.constant 0 : index
    %get3A_45 = arith.constant 0 : index
    %get3A_46 = vector.load %arg9[%get3A_44, %get3A_45] : memref<64x256xf32, #tpu.memory_space<vmem>>, vector<64x256xf32>
    %dot_general3A_47 = arith.constant dense<0.000000e+00> : vector<1000x256xf32>
    %dot_general3A_48 = tpu.matmul %get3A_43, %get3A_46, %dot_general3A_47 {dimension_numbers = #tpu.dot_dimension_numbers<[1], [0], [0], [1], [0, 0, 1, 1], [], []>, transpose_lhs_hint = false} : vector<1000x64xf32>, vector<64x256xf32>, vector<1000x256xf32> -> vector<1000x256xf32>
    %add3A_49 = arith.addf %max3A_40, %dot_general3A_48 : vector<1000x256xf32>
    %swap3A = arith.constant 0 : index
    %swap3A_50 = arith.constant 0 : index
    %swap3A_51 = vector.load %arg10[%swap3A, %swap3A_50] : memref<1000x256xf32, #tpu.memory_space<vmem>>, vector<1000x256xf32>
    tpu.vector_store %arg10[%swap3A, %swap3A_50], %add3A_49 {strides = array<i32>} : memref<1000x256xf32, #tpu.memory_space<vmem>>, vector<1000x256xf32>,
    %max3A_52 = arith.constant 0.000000e+00 : f32
    %max3A_53 = vector.broadcast %max3A_52 : f32 to vector<1000x256xf32>
    %max3A_54 = arith.maximumf %add3A_49, %max3A_53 : vector<1000x256xf32>
    %slice3A = vector.extract_strided_slice %max3A_54 {offsets = [0, 0], sizes = [1000, 128], strides = [1, 1]} : vector<1000x256xf32> to vector<1000x128xf32>
    %swap3A_55 = arith.constant 0 : index
    %swap3A_56 = arith.constant 0 : index
    %swap3A_57 = arith.constant 0 : index
    %swap3A_58 = vector.load %arg11[%swap3A_55, %swap3A_56, %swap3A_57] : memref<2x1000x128xf32, #tpu.memory_space<vmem>>, vector<1x1000x128xf32>
    %swap3A_59 = vector.shape_cast %swap3A_58 : vector<1x1000x128xf32> to vector<1000x128xf32>
    %swap3A_60 = vector.shape_cast %slice3A : vector<1000x128xf32> to vector<1x1000x128xf32>
    tpu.vector_store %arg11[%swap3A_55, %swap3A_56, %swap3A_57], %swap3A_60 {strides = array<i32>} : memref<2x1000x128xf32, #tpu.memory_space<vmem>>, vector<1x1000x128xf32>,
    %slice3A_61 = vector.extract_strided_slice %max3A_54 {offsets = [0, 128], sizes = [1000, 128], strides = [1, 1]} : vector<1000x256xf32> to vector<1000x128xf32>
    %swap3A_62 = arith.constant 1 : index
    %swap3A_63 = arith.constant 0 : index
    %swap3A_64 = arith.constant 0 : index
    %swap3A_65 = vector.load %arg11[%swap3A_62, %swap3A_63, %swap3A_64] : memref<2x1000x128xf32, #tpu.memory_space<vmem>>, vector<1x1000x128xf32>
    %swap3A_66 = vector.shape_cast %swap3A_65 : vector<1x1000x128xf32> to vector<1000x128xf32>
    %swap3A_67 = vector.shape_cast %slice3A_61 : vector<1000x128xf32> to vector<1x1000x128xf32>
    tpu.vector_store %arg11[%swap3A_62, %swap3A_63, %swap3A_64], %swap3A_67 {strides = array<i32>} : memref<2x1000x128xf32, #tpu.memory_space<vmem>>, vector<1x1000x128xf32>,
    %get3A_68 = arith.constant 0 : index
    %get3A_69 = arith.constant 0 : index
    %get3A_70 = vector.load %arg8[%get3A_68, %get3A_69] : memref<1000x64xf32, #tpu.memory_space<vmem>>, vector<1000x64xf32>
    %dot_general3A_71 = arith.constant dense<0.000000e+00> : vector<64x256xf32>
    %dot_general3A_72 = tpu.matmul %get3A_70, %add3A_49, %dot_general3A_71 {dimension_numbers = #tpu.dot_dimension_numbers<[0], [0], [1], [1], [0, 1, 1, 1], [], []>, transpose_lhs_hint = false} : vector<1000x64xf32>, vector<1000x256xf32>, vector<64x256xf32> -> vector<64x256xf32>
    %eq3A = arith.constant 0 : i32
    %eq3A_73 = arith.cmpi eq, %arg0, %eq3A : i32
    %convert_element_type3A = arith.extui %eq3A_73 : i1 to i32
    %cond3A = arith.constant 0 : i32
    %cond3A_74 = arith.cmpi ne, %convert_element_type3A, %cond3A : i32
    scf.if %cond3A_74 {
      %swap3A_79 = arith.constant 0 : index
      %swap3A_80 = arith.constant 0 : index
      %swap3A_81 = vector.load %arg12[%swap3A_79, %swap3A_80] : memref<64x256xf32, #tpu.memory_space<vmem>>, vector<64x256xf32>
      tpu.vector_store %arg12[%swap3A_79, %swap3A_80], %dot_general3A_72 {strides = array<i32>} : memref<64x256xf32, #tpu.memory_space<vmem>>, vector<64x256xf32>,
    } else {
    }
    %gt3A = arith.constant 0 : i32
    %gt3A_75 = arith.cmpi sgt, %arg0, %gt3A : i32
    %convert_element_type3A_76 = arith.extui %gt3A_75 : i1 to i32
    %cond3A_77 = arith.constant 0 : i32
    %cond3A_78 = arith.cmpi ne, %convert_element_type3A_76, %cond3A_77 : i32
    scf.if %cond3A_78 {
      %get3A_79 = arith.constant 0 : index
      %get3A_80 = arith.constant 0 : index
      %get3A_81 = vector.load %arg12[%get3A_79, %get3A_80] : memref<64x256xf32, #tpu.memory_space<vmem>>, vector<64x256xf32>
      %add3A_82 = arith.addf %get3A_81, %dot_general3A_72 : vector<64x256xf32>
      %swap3A_83 = arith.constant 0 : index
      %swap3A_84 = arith.constant 0 : index
      %swap3A_85 = vector.load %arg12[%swap3A_83, %swap3A_84] : memref<64x256xf32, #tpu.memory_space<vmem>>, vector<64x256xf32>
      tpu.vector_store %arg12[%swap3A_83, %swap3A_84], %add3A_82 {strides = array<i32>} : memref<64x256xf32, #tpu.memory_space<vmem>>, vector<64x256xf32>,
    } else {
    }
    return
  }
  func.func @transform_0(%arg0: i32) -> (i32, i32) {
    %c0_i32 = arith.constant 0 : i32
    %c0_i32_0 = arith.constant 0 : i32
    %c0_i32_1 = arith.constant 0 : i32
    return %c0_i32, %c0_i32_0 : i32, i32
  }
  func.func @transform_1(%arg0: i32) -> (i32, i32) {
    %c0_i32 = arith.constant 0 : i32
    %c0_i32_0 = arith.constant 0 : i32
    return %arg0, %c0_i32 : i32, i32
  }
  func.func @transform_2(%arg0: i32) -> (i32, i32, i32) {
    %c0_i32 = arith.constant 0 : i32
    %c0_i32_0 = arith.constant 0 : i32
    %c0_i32_1 = arith.constant 0 : i32
    return %c0_i32, %arg0, %c0_i32_0 : i32, i32, i32
  }
  func.func @transform_3(%arg0: i32) -> (i32, i32) {
    %c0_i32 = arith.constant 0 : i32
    %c0_i32_0 = arith.constant 0 : i32
    %c0_i32_1 = arith.constant 0 : i32
    return %c0_i32, %c0_i32_0 : i32, i32
  }
  func.func @transform_4(%arg0: i32) -> (i32, i32) {
    %c0_i32 = arith.constant 0 : i32
    %c0_i32_0 = arith.constant 0 : i32
    %c0_i32_1 = arith.constant 0 : i32
    return %c0_i32, %c0_i32_0 : i32, i32
  }
  func.func @transform_5(%arg0: i32) -> (i32, i32) {
    %c0_i32 = arith.constant 0 : i32
    %c0_i32_0 = arith.constant 0 : i32
    %c0_i32_1 = arith.constant 0 : i32
    return %c0_i32, %c0_i32_0 : i32, i32
  }
  func.func @transform_6(%arg0: i32) -> (i32, i32) {
    %c0_i32 = arith.constant 0 : i32
    %c0_i32_0 = arith.constant 0 : i32
    %c0_i32_1 = arith.constant 0 : i32
    return %c0_i32, %c0_i32_0 : i32, i32
  }
  func.func @transform_7(%arg0: i32) -> (i32, i32) {
    %c0_i32 = arith.constant 0 : i32
    %c0_i32_0 = arith.constant 0 : i32
    return %arg0, %c0_i32 : i32, i32
  }
  func.func @transform_8(%arg0: i32) -> (i32, i32) {
    %c0_i32 = arith.constant 0 : i32
    %c0_i32_0 = arith.constant 0 : i32
    %c0_i32_1 = arith.constant 0 : i32
    return %c0_i32, %c0_i32_0 : i32, i32
  }
  func.func @transform_9(%arg0: i32) -> (i32, i32) {
    %c0_i32 = arith.constant 0 : i32
    %c0_i32_0 = arith.constant 0 : i32
    return %arg0, %c0_i32 : i32, i32
  }
  func.func @transform_10(%arg0: i32) -> (i32, i32, i32) {
    %c0_i32 = arith.constant 0 : i32
    %c0_i32_0 = arith.constant 0 : i32
    %c0_i32_1 = arith.constant 0 : i32
    return %c0_i32, %arg0, %c0_i32_0 : i32, i32, i32
  }
  func.func @transform_11(%arg0: i32) -> (i32, i32) {
    %c0_i32 = arith.constant 0 : i32
    %c0_i32_0 = arith.constant 0 : i32
    %c0_i32_1 = arith.constant 0 : i32
    return %c0_i32, %c0_i32_0 : i32, i32
  }
}

module attributes {stable_mosaic.version = 14 : i64} {
  func.func @body(%arg0: i32, %arg1: memref<1x1xf32, #tpu.memory_space<vmem>>, %arg2: memref<1000x256xf32, #tpu.memory_space<vmem>>, %arg3: memref<2x1000x128xf32, #tpu.memory_space<vmem>>, %arg4: memref<256x256xf32, #tpu.memory_space<vmem>>, %arg5: memref<1x256xf32, #tpu.memory_space<vmem>>, %arg6: memref<256x256xf32, #tpu.memory_space<vmem>>, %arg7: memref<1x256xf32, #tpu.memory_space<vmem>>, %arg8: memref<1000x64xf32, #tpu.memory_space<vmem>>, %arg9: memref<64x256xf32, #tpu.memory_space<vmem>>, %arg10: memref<1000x256xf32, #tpu.memory_space<vmem>>, %arg11: memref<2x1000x128xf32, #tpu.memory_space<vmem>>, %arg12: memref<64x256xf32, #tpu.memory_space<vmem>>) attributes {dimension_semantics = [#tpu.dimension_semantics<arbitrary>], iteration_bounds = array<i64: 10>, scalar_prefetch = 0 : i64, scratch_operands = 0 : i64, tpu.core_type = #tpu.core_type<tc>, window_params = [{pipeline_mode = #tpu.pipeline_mode<synchronous>, transform_indices = @transform_0, window_bounds = array<i64: 1, 1>}, {transform_indices = @transform_1, window_bounds = array<i64: 1000, 256>}, {transform_indices = @transform_2, window_bounds = array<i64: 2, 1000, 128>}, {pipeline_mode = #tpu.pipeline_mode<synchronous>, transform_indices = @transform_3, window_bounds = array<i64: 256, 256>}, {pipeline_mode = #tpu.pipeline_mode<synchronous>, transform_indices = @transform_4, window_bounds = array<i64: 1, 256>}, {pipeline_mode = #tpu.pipeline_mode<synchronous>, transform_indices = @transform_5, window_bounds = array<i64: 256, 256>}, {pipeline_mode = #tpu.pipeline_mode<synchronous>, transform_indices = @transform_6, window_bounds = array<i64: 1, 256>}, {transform_indices = @transform_7, window_bounds = array<i64: 1000, 64>}, {pipeline_mode = #tpu.pipeline_mode<synchronous>, transform_indices = @transform_8, window_bounds = array<i64: 64, 256>}, {transform_indices = @transform_9, window_bounds = array<i64: 1000, 256>}, {transform_indices = @transform_10, window_bounds = array<i64: 2, 1000, 128>}, {pipeline_mode = #tpu.pipeline_mode<synchronous>, transform_indices = @transform_11, window_bounds = array<i64: 64, 256>}]} {
    %get3A = arith.constant 0 : index
    %get3A_0 = arith.constant 0 : index
    %get3A_1 = arith.constant 0 : index
    %get3A_2 = vector.load %arg3[%get3A, %get3A_0, %get3A_1] : memref<2x1000x128xf32, #tpu.memory_space<vmem>>, vector<1x1000x128xf32>
    %get3A_3 = vector.shape_cast %get3A_2 : vector<1x1000x128xf32> to vector<1000x128xf32>
    %get3A_4 = arith.constant 1 : index
    %get3A_5 = arith.constant 0 : index
    %get3A_6 = arith.constant 0 : index
    %get3A_7 = vector.load %arg3[%get3A_4, %get3A_5, %get3A_6] : memref<2x1000x128xf32, #tpu.memory_space<vmem>>, vector<1x1000x128xf32>
    %get3A_8 = vector.shape_cast %get3A_7 : vector<1x1000x128xf32> to vector<1000x128xf32>
    %concatenate3A = tpu.concatenate %get3A_3, %get3A_8 in 1 : vector<1000x128xf32>, vector<1000x128xf32> -> vector<1000x256xf32>
    %get3A_9 = arith.constant 0 : index
    %get3A_10 = arith.constant 0 : index
    %get3A_11 = vector.load %arg1[%get3A_9, %get3A_10] : memref<1x1xf32, #tpu.memory_space<vmem>>, vector<1x1xf32>
    %get3A_12 = vector.extract %get3A_11[0, 0] : f32 from vector<1x1xf32>
    %get3A_13 = arith.constant 0 : index
    %get3A_14 = arith.constant 0 : index
    %get3A_15 = vector.load %arg2[%get3A_13, %get3A_14] : memref<1000x256xf32, #tpu.memory_space<vmem>>, vector<1000x256xf32>
    %mul3A = vector.broadcast %get3A_12 : f32 to vector<1000x256xf32>
    %mul3A_16 = arith.mulf %mul3A, %get3A_15 : vector<1000x256xf32>
    %add3A = arith.addf %mul3A_16, %concatenate3A : vector<1000x256xf32>
    %get3A_17 = arith.constant 0 : index
    %get3A_18 = arith.constant 0 : index
    %get3A_19 = vector.load %arg4[%get3A_17, %get3A_18] : memref<256x256xf32, #tpu.memory_space<vmem>>, vector<256x256xf32>
    %dot_general3A = arith.constant dense<0.000000e+00> : vector<1000x256xf32>
    %dot_general3A_20 = tpu.matmul %add3A, %get3A_19, %dot_general3A {dimension_numbers = #tpu.dot_dimension_numbers<[1], [0], [0], [1], [0, 0, 1, 1], [], []>, transpose_lhs_hint = false} : vector<1000x256xf32>, vector<256x256xf32>, vector<1000x256xf32> -> vector<1000x256xf32>
    %get3A_21 = arith.constant 0 : index
    %get3A_22 = arith.constant 0 : index
    %get3A_23 = vector.load %arg5[%get3A_21, %get3A_22] : memref<1x256xf32, #tpu.memory_space<vmem>>, vector<1x256xf32>
    %add3A_24 = vector.broadcast %get3A_23 : vector<1x256xf32> to vector<1000x256xf32>
    %add3A_25 = arith.addf %dot_general3A_20, %add3A_24 : vector<1000x256xf32>
    %max3A = arith.constant 0.000000e+00 : f32
    %max3A_26 = vector.broadcast %max3A : f32 to vector<1000x256xf32>
    %max3A_27 = arith.maximumf %add3A_25, %max3A_26 : vector<1000x256xf32>
    %get3A_28 = arith.constant 0 : index
    %get3A_29 = arith.constant 0 : index
    %get3A_30 = vector.load %arg6[%get3A_28, %get3A_29] : memref<256x256xf32, #tpu.memory_space<vmem>>, vector<256x256xf32>
    %dot_general3A_31 = arith.constant dense<0.000000e+00> : vector<1000x256xf32>
    %dot_general3A_32 = tpu.matmul %max3A_27, %get3A_30, %dot_general3A_31 {dimension_numbers = #tpu.dot_dimension_numbers<[1], [0], [0], [1], [0, 0, 1, 1], [], []>, transpose_lhs_hint = false} : vector<1000x256xf32>, vector<256x256xf32>, vector<1000x256xf32> -> vector<1000x256xf32>
    %get3A_33 = arith.constant 0 : index
    %get3A_34 = arith.constant 0 : index
    %get3A_35 = vector.load %arg7[%get3A_33, %get3A_34] : memref<1x256xf32, #tpu.memory_space<vmem>>, vector<1x256xf32>
    %add3A_36 = vector.broadcast %get3A_35 : vector<1x256xf32> to vector<1000x256xf32>
    %add3A_37 = arith.addf %dot_general3A_32, %add3A_36 : vector<1000x256xf32>
    %max3A_38 = arith.constant 0.000000e+00 : f32
    %max3A_39 = vector.broadcast %max3A_38 : f32 to vector<1000x256xf32>
    %max3A_40 = arith.maximumf %add3A_37, %max3A_39 : vector<1000x256xf32>
    %get3A_41 = arith.constant 0 : index
    %get3A_42 = arith.constant 0 : index
    %get3A_43 = vector.load %arg8[%get3A_41, %get3A_42] : memref<1000x64xf32, #tpu.memory_space<vmem>>, vector<1000x64xf32>
    %get3A_44 = arith.constant 0 : index
    %get3A_45 = arith.constant 0 : index
    %get3A_46 = vector.load %arg9[%get3A_44, %get3A_45] : memref<64x256xf32, #tpu.memory_space<vmem>>, vector<64x256xf32>
    %dot_general3A_47 = arith.constant dense<0.000000e+00> : vector<1000x256xf32>
    %dot_general3A_48 = tpu.matmul %get3A_43, %get3A_46, %dot_general3A_47 {dimension_numbers = #tpu.dot_dimension_numbers<[1], [0], [0], [1], [0, 0, 1, 1], [], []>, transpose_lhs_hint = false} : vector<1000x64xf32>, vector<64x256xf32>, vector<1000x256xf32> -> vector<1000x256xf32>
    %add3A_49 = arith.addf %max3A_40, %dot_general3A_48 : vector<1000x256xf32>
    %swap3A = arith.constant 0 : index
    %swap3A_50 = arith.constant 0 : index
    %swap3A_51 = vector.load %arg10[%swap3A, %swap3A_50] : memref<1000x256xf32, #tpu.memory_space<vmem>>, vector<1000x256xf32>
    tpu.vector_store %arg10[%swap3A, %swap3A_50], %add3A_49 {strides = array<i32>} : memref<1000x256xf32, #tpu.memory_space<vmem>>, vector<1000x256xf32>,
    %max3A_52 = arith.constant 0.000000e+00 : f32
    %max3A_53 = vector.broadcast %max3A_52 : f32 to vector<1000x256xf32>
    %max3A_54 = arith.maximumf %add3A_49, %max3A_53 : vector<1000x256xf32>
    %slice3A = vector.extract_strided_slice %max3A_54 {offsets = [0, 0], sizes = [1000, 128], strides = [1, 1]} : vector<1000x256xf32> to vector<1000x128xf32>
    %swap3A_55 = arith.constant 0 : index
    %swap3A_56 = arith.constant 0 : index
    %swap3A_57 = arith.constant 0 : index
    %swap3A_58 = vector.load %arg11[%swap3A_55, %swap3A_56, %swap3A_57] : memref<2x1000x128xf32, #tpu.memory_space<vmem>>, vector<1x1000x128xf32>
    %swap3A_59 = vector.shape_cast %swap3A_58 : vector<1x1000x128xf32> to vector<1000x128xf32>
    %swap3A_60 = vector.shape_cast %slice3A : vector<1000x128xf32> to vector<1x1000x128xf32>
    tpu.vector_store %arg11[%swap3A_55, %swap3A_56, %swap3A_57], %swap3A_60 {strides = array<i32>} : memref<2x1000x128xf32, #tpu.memory_space<vmem>>, vector<1x1000x128xf32>,
    %slice3A_61 = vector.extract_strided_slice %max3A_54 {offsets = [0, 128], sizes = [1000, 128], strides = [1, 1]} : vector<1000x256xf32> to vector<1000x128xf32>
    %swap3A_62 = arith.constant 1 : index
    %swap3A_63 = arith.constant 0 : index
    %swap3A_64 = arith.constant 0 : index
    %swap3A_65 = vector.load %arg11[%swap3A_62, %swap3A_63, %swap3A_64] : memref<2x1000x128xf32, #tpu.memory_space<vmem>>, vector<1x1000x128xf32>
    %swap3A_66 = vector.shape_cast %swap3A_65 : vector<1x1000x128xf32> to vector<1000x128xf32>
    %swap3A_67 = vector.shape_cast %slice3A_61 : vector<1000x128xf32> to vector<1x1000x128xf32>
    tpu.vector_store %arg11[%swap3A_62, %swap3A_63, %swap3A_64], %swap3A_67 {strides = array<i32>} : memref<2x1000x128xf32, #tpu.memory_space<vmem>>, vector<1x1000x128xf32>,
    %get3A_68 = arith.constant 0 : index
    %get3A_69 = arith.constant 0 : index
    %get3A_70 = vector.load %arg8[%get3A_68, %get3A_69] : memref<1000x64xf32, #tpu.memory_space<vmem>>, vector<1000x64xf32>
    %dot_general3A_71 = arith.constant dense<0.000000e+00> : vector<64x256xf32>
    %dot_general3A_72 = tpu.matmul %get3A_70, %add3A_49, %dot_general3A_71 {dimension_numbers = #tpu.dot_dimension_numbers<[0], [0], [1], [1], [0, 1, 1, 1], [], []>, transpose_lhs_hint = false} : vector<1000x64xf32>, vector<1000x256xf32>, vector<64x256xf32> -> vector<64x256xf32>
    %eq3A = arith.constant 0 : i32
    %eq3A_73 = arith.cmpi eq, %arg0, %eq3A : i32
    %convert_element_type3A = arith.extui %eq3A_73 : i1 to i32
    %cond3A = arith.constant 0 : i32
    %cond3A_74 = arith.cmpi ne, %convert_element_type3A, %cond3A : i32
    scf.if %cond3A_74 {
      %swap3A_79 = arith.constant 0 : index
      %swap3A_80 = arith.constant 0 : index
      %swap3A_81 = vector.load %arg12[%swap3A_79, %swap3A_80] : memref<64x256xf32, #tpu.memory_space<vmem>>, vector<64x256xf32>
      tpu.vector_store %arg12[%swap3A_79, %swap3A_80], %dot_general3A_72 {strides = array<i32>} : memref<64x256xf32, #tpu.memory_space<vmem>>, vector<64x256xf32>,
    } else {
    }
    %gt3A = arith.constant 0 : i32
    %gt3A_75 = arith.cmpi sgt, %arg0, %gt3A : i32
    %convert_element_type3A_76 = arith.extui %gt3A_75 : i1 to i32
    %cond3A_77 = arith.constant 0 : i32
    %cond3A_78 = arith.cmpi ne, %convert_element_type3A_76, %cond3A_77 : i32
    scf.if %cond3A_78 {
      %get3A_79 = arith.constant 0 : index
      %get3A_80 = arith.constant 0 : index
      %get3A_81 = vector.load %arg12[%get3A_79, %get3A_80] : memref<64x256xf32, #tpu.memory_space<vmem>>, vector<64x256xf32>
      %add3A_82 = arith.addf %get3A_81, %dot_general3A_72 : vector<64x256xf32>
      %swap3A_83 = arith.constant 0 : index
      %swap3A_84 = arith.constant 0 : index
      %swap3A_85 = vector.load %arg12[%swap3A_83, %swap3A_84] : memref<64x256xf32, #tpu.memory_space<vmem>>, vector<64x256xf32>
      tpu.vector_store %arg12[%swap3A_83, %swap3A_84], %add3A_82 {strides = array<i32>} : memref<64x256xf32, #tpu.memory_space<vmem>>, vector<64x256xf32>,
    } else {
    }
    return
  }
  func.func @transform_0(%arg0: i32) -> (i32, i32) {
    %c0_i32 = arith.constant 0 : i32
    %c0_i32_0 = arith.constant 0 : i32
    %c0_i32_1 = arith.constant 0 : i32
    return %c0_i32, %c0_i32_0 : i32, i32
  }
  func.func @transform_1(%arg0: i32) -> (i32, i32) {
    %c0_i32 = arith.constant 0 : i32
    %c0_i32_0 = arith.constant 0 : i32
    return %arg0, %c0_i32 : i32, i32
  }
  func.func @transform_2(%arg0: i32) -> (i32, i32, i32) {
    %c0_i32 = arith.constant 0 : i32
    %c0_i32_0 = arith.constant 0 : i32
    %c0_i32_1 = arith.constant 0 : i32
    return %c0_i32, %arg0, %c0_i32_0 : i32, i32, i32
  }
  func.func @transform_3(%arg0: i32) -> (i32, i32) {
    %c0_i32 = arith.constant 0 : i32
    %c0_i32_0 = arith.constant 0 : i32
    %c0_i32_1 = arith.constant 0 : i32
    return %c0_i32, %c0_i32_0 : i32, i32
  }
  func.func @transform_4(%arg0: i32) -> (i32, i32) {
    %c0_i32 = arith.constant 0 : i32
    %c0_i32_0 = arith.constant 0 : i32
    %c0_i32_1 = arith.constant 0 : i32
    return %c0_i32, %c0_i32_0 : i32, i32
  }
  func.func @transform_5(%arg0: i32) -> (i32, i32) {
    %c0_i32 = arith.constant 0 : i32
    %c0_i32_0 = arith.constant 0 : i32
    %c0_i32_1 = arith.constant 0 : i32
    return %c0_i32, %c0_i32_0 : i32, i32
  }
  func.func @transform_6(%arg0: i32) -> (i32, i32) {
    %c0_i32 = arith.constant 0 : i32
    %c0_i32_0 = arith.constant 0 : i32
    %c0_i32_1 = arith.constant 0 : i32
    return %c0_i32, %c0_i32_0 : i32, i32
  }
  func.func @transform_7(%arg0: i32) -> (i32, i32) {
    %c0_i32 = arith.constant 0 : i32
    %c0_i32_0 = arith.constant 0 : i32
    return %arg0, %c0_i32 : i32, i32
  }
  func.func @transform_8(%arg0: i32) -> (i32, i32) {
    %c0_i32 = arith.constant 0 : i32
    %c0_i32_0 = arith.constant 0 : i32
    %c0_i32_1 = arith.constant 0 : i32
    return %c0_i32, %c0_i32_0 : i32, i32
  }
  func.func @transform_9(%arg0: i32) -> (i32, i32) {
    %c0_i32 = arith.constant 0 : i32
    %c0_i32_0 = arith.constant 0 : i32
    return %arg0, %c0_i32 : i32, i32
  }
  func.func @transform_10(%arg0: i32) -> (i32, i32, i32) {
    %c0_i32 = arith.constant 0 : i32
    %c0_i32_0 = arith.constant 0 : i32
    %c0_i32_1 = arith.constant 0 : i32
    return %c0_i32, %arg0, %c0_i32_0 : i32, i32, i32
  }
  func.func @transform_11(%arg0: i32) -> (i32, i32) {
    %c0_i32 = arith.constant 0 : i32
    %c0_i32_0 = arith.constant 0 : i32
    %c0_i32_1 = arith.constant 0 : i32
    return %c0_i32, %c0_i32_0 : i32, i32
  }
}

module attributes {stable_mosaic.version = 14 : i64} {
  func.func @body(%arg0: i32, %arg1: memref<1x1xf32, #tpu.memory_space<vmem>>, %arg2: memref<1000x256xf32, #tpu.memory_space<vmem>>, %arg3: memref<2x1000x128xf32, #tpu.memory_space<vmem>>, %arg4: memref<256x256xf32, #tpu.memory_space<vmem>>, %arg5: memref<1x256xf32, #tpu.memory_space<vmem>>, %arg6: memref<256x256xf32, #tpu.memory_space<vmem>>, %arg7: memref<1x256xf32, #tpu.memory_space<vmem>>, %arg8: memref<1000x256xf32, #tpu.memory_space<vmem>>) attributes {dimension_semantics = [#tpu.dimension_semantics<arbitrary>], iteration_bounds = array<i64: 10>, scalar_prefetch = 0 : i64, scratch_operands = 0 : i64, tpu.core_type = #tpu.core_type<tc>, window_params = [{pipeline_mode = #tpu.pipeline_mode<synchronous>, transform_indices = @transform_0, window_bounds = array<i64: 1, 1>}, {transform_indices = @transform_1, window_bounds = array<i64: 1000, 256>}, {transform_indices = @transform_2, window_bounds = array<i64: 2, 1000, 128>}, {pipeline_mode = #tpu.pipeline_mode<synchronous>, transform_indices = @transform_3, window_bounds = array<i64: 256, 256>}, {pipeline_mode = #tpu.pipeline_mode<synchronous>, transform_indices = @transform_4, window_bounds = array<i64: 1, 256>}, {pipeline_mode = #tpu.pipeline_mode<synchronous>, transform_indices = @transform_5, window_bounds = array<i64: 256, 256>}, {pipeline_mode = #tpu.pipeline_mode<synchronous>, transform_indices = @transform_6, window_bounds = array<i64: 1, 256>}, {transform_indices = @transform_7, window_bounds = array<i64: 1000, 256>}]} {
    %get3A = arith.constant 0 : index
    %get3A_0 = arith.constant 0 : index
    %get3A_1 = arith.constant 0 : index
    %get3A_2 = vector.load %arg3[%get3A, %get3A_0, %get3A_1] : memref<2x1000x128xf32, #tpu.memory_space<vmem>>, vector<1x1000x128xf32>
    %get3A_3 = vector.shape_cast %get3A_2 : vector<1x1000x128xf32> to vector<1000x128xf32>
    %get3A_4 = arith.constant 1 : index
    %get3A_5 = arith.constant 0 : index
    %get3A_6 = arith.constant 0 : index
    %get3A_7 = vector.load %arg3[%get3A_4, %get3A_5, %get3A_6] : memref<2x1000x128xf32, #tpu.memory_space<vmem>>, vector<1x1000x128xf32>
    %get3A_8 = vector.shape_cast %get3A_7 : vector<1x1000x128xf32> to vector<1000x128xf32>
    %concatenate3A = tpu.concatenate %get3A_3, %get3A_8 in 1 : vector<1000x128xf32>, vector<1000x128xf32> -> vector<1000x256xf32>
    %get3A_9 = arith.constant 0 : index
    %get3A_10 = arith.constant 0 : index
    %get3A_11 = vector.load %arg1[%get3A_9, %get3A_10] : memref<1x1xf32, #tpu.memory_space<vmem>>, vector<1x1xf32>
    %get3A_12 = vector.extract %get3A_11[0, 0] : f32 from vector<1x1xf32>
    %get3A_13 = arith.constant 0 : index
    %get3A_14 = arith.constant 0 : index
    %get3A_15 = vector.load %arg2[%get3A_13, %get3A_14] : memref<1000x256xf32, #tpu.memory_space<vmem>>, vector<1000x256xf32>
    %mul3A = vector.broadcast %get3A_12 : f32 to vector<1000x256xf32>
    %mul3A_16 = arith.mulf %mul3A, %get3A_15 : vector<1000x256xf32>
    %add3A = arith.addf %mul3A_16, %concatenate3A : vector<1000x256xf32>
    %get3A_17 = arith.constant 0 : index
    %get3A_18 = arith.constant 0 : index
    %get3A_19 = vector.load %arg4[%get3A_17, %get3A_18] : memref<256x256xf32, #tpu.memory_space<vmem>>, vector<256x256xf32>
    %dot_general3A = arith.constant dense<0.000000e+00> : vector<1000x256xf32>
    %dot_general3A_20 = tpu.matmul %add3A, %get3A_19, %dot_general3A {dimension_numbers = #tpu.dot_dimension_numbers<[1], [0], [0], [1], [0, 0, 1, 1], [], []>, transpose_lhs_hint = false} : vector<1000x256xf32>, vector<256x256xf32>, vector<1000x256xf32> -> vector<1000x256xf32>
    %get3A_21 = arith.constant 0 : index
    %get3A_22 = arith.constant 0 : index
    %get3A_23 = vector.load %arg5[%get3A_21, %get3A_22] : memref<1x256xf32, #tpu.memory_space<vmem>>, vector<1x256xf32>
    %add3A_24 = vector.broadcast %get3A_23 : vector<1x256xf32> to vector<1000x256xf32>
    %add3A_25 = arith.addf %dot_general3A_20, %add3A_24 : vector<1000x256xf32>
    %max3A = arith.constant 0.000000e+00 : f32
    %max3A_26 = vector.broadcast %max3A : f32 to vector<1000x256xf32>
    %max3A_27 = arith.maximumf %add3A_25, %max3A_26 : vector<1000x256xf32>
    %get3A_28 = arith.constant 0 : index
    %get3A_29 = arith.constant 0 : index
    %get3A_30 = vector.load %arg6[%get3A_28, %get3A_29] : memref<256x256xf32, #tpu.memory_space<vmem>>, vector<256x256xf32>
    %dot_general3A_31 = arith.constant dense<0.000000e+00> : vector<1000x256xf32>
    %dot_general3A_32 = tpu.matmul %max3A_27, %get3A_30, %dot_general3A_31 {dimension_numbers = #tpu.dot_dimension_numbers<[1], [0], [0], [1], [0, 0, 1, 1], [], []>, transpose_lhs_hint = false} : vector<1000x256xf32>, vector<256x256xf32>, vector<1000x256xf32> -> vector<1000x256xf32>
    %get3A_33 = arith.constant 0 : index
    %get3A_34 = arith.constant 0 : index
    %get3A_35 = vector.load %arg7[%get3A_33, %get3A_34] : memref<1x256xf32, #tpu.memory_space<vmem>>, vector<1x256xf32>
    %add3A_36 = vector.broadcast %get3A_35 : vector<1x256xf32> to vector<1000x256xf32>
    %add3A_37 = arith.addf %dot_general3A_32, %add3A_36 : vector<1000x256xf32>
    %swap3A = arith.constant 0 : index
    %swap3A_38 = arith.constant 0 : index
    %swap3A_39 = vector.load %arg8[%swap3A, %swap3A_38] : memref<1000x256xf32, #tpu.memory_space<vmem>>, vector<1000x256xf32>
    tpu.vector_store %arg8[%swap3A, %swap3A_38], %add3A_37 {strides = array<i32>} : memref<1000x256xf32, #tpu.memory_space<vmem>>, vector<1000x256xf32>,
    return
  }
  func.func @transform_0(%arg0: i32) -> (i32, i32) {
    %c0_i32 = arith.constant 0 : i32
    %c0_i32_0 = arith.constant 0 : i32
    %c0_i32_1 = arith.constant 0 : i32
    return %c0_i32, %c0_i32_0 : i32, i32
  }
  func.func @transform_1(%arg0: i32) -> (i32, i32) {
    %c0_i32 = arith.constant 0 : i32
    %c0_i32_0 = arith.constant 0 : i32
    return %arg0, %c0_i32 : i32, i32
  }
  func.func @transform_2(%arg0: i32) -> (i32, i32, i32) {
    %c0_i32 = arith.constant 0 : i32
    %c0_i32_0 = arith.constant 0 : i32
    %c0_i32_1 = arith.constant 0 : i32
    return %c0_i32, %arg0, %c0_i32_0 : i32, i32, i32
  }
  func.func @transform_3(%arg0: i32) -> (i32, i32) {
    %c0_i32 = arith.constant 0 : i32
    %c0_i32_0 = arith.constant 0 : i32
    %c0_i32_1 = arith.constant 0 : i32
    return %c0_i32, %c0_i32_0 : i32, i32
  }
  func.func @transform_4(%arg0: i32) -> (i32, i32) {
    %c0_i32 = arith.constant 0 : i32
    %c0_i32_0 = arith.constant 0 : i32
    %c0_i32_1 = arith.constant 0 : i32
    return %c0_i32, %c0_i32_0 : i32, i32
  }
  func.func @transform_5(%arg0: i32) -> (i32, i32) {
    %c0_i32 = arith.constant 0 : i32
    %c0_i32_0 = arith.constant 0 : i32
    %c0_i32_1 = arith.constant 0 : i32
    return %c0_i32, %c0_i32_0 : i32, i32
  }
  func.func @transform_6(%arg0: i32) -> (i32, i32) {
    %c0_i32 = arith.constant 0 : i32
    %c0_i32_0 = arith.constant 0 : i32
    %c0_i32_1 = arith.constant 0 : i32
    return %c0_i32, %c0_i32_0 : i32, i32
  }
  func.func @transform_7(%arg0: i32) -> (i32, i32) {
    %c0_i32 = arith.constant 0 : i32
    %c0_i32_0 = arith.constant 0 : i32
    return %arg0, %c0_i32 : i32, i32
  }
}

</mosaic_0001>

<sc_bundles>
// kernel: kernel.11.cloned.1.call-start
scs
__scs_entry_jumppad:
0x0: {  	(pc) =	sbr.rel $0x88, $3  }
0x1: {  	(tag) =	ssettag $0x0;
	lr =	simm.s32 $0x1  }
0x2: {  	[smem:$0x3F5C] =	sst lr;
	_ =	strace $0xD0000000  }
0x3: {  	_ = 	snop  }
0x4: {  	_ = 	snop  }
0x5: {  	_ = 	snop  }
0x6: {  	_ = 	snop  }
0x7: {  	_ = 	snop  }
__scs_overlays_trampoline_lowered:
0x8: {  	[smem:$0x3F6B] =	sst s0  }
0x9: {  	[smem:$0x3F6C] =	sst s1  }
0xa: {  	[smem:$0x3F6D] =	sst s2  }
0xb: {  	[smem:$0x3F6E] =	sst s3  }
0xc: {  	[smem:$0x3F6F] =	sst s4  }
0xd: {  	[smem:$0x3F70] =	sst s5  }
0xe: {  	[smem:$0x3F71] =	sst s6  }
0xf: {  	[smem:$0x3F72] =	sst s7  }
0x10: {  	[smem:$0x3F73] =	sst s8  }
0x11: {  	[smem:$0x3F74] =	sst s9;
	s0 =	simm.s32 @!p0 $0x0  }
0x12: {  	s1 =	sld [smem:$0x3F5A];
	s0 =	simm.s32 @p0 $0x1  }
0x13: {  	[smem:$0x3F75] =	sst s0;
	s0 =	simm.s32 @!p1 $0x0  }
0x14: {  	s2 =	sld [smem:$0x3F59];
	s0 =	simm.s32 @p1 $0x1  }
0x15: {  	[smem:$0x3F76] =	sst s0;
	s0 =	simm.s32 @!p2 $0x0  }
0x16: {  	s3 =	sld [smem:$0x3FDB];
	s0 =	simm.s32 @p2 $0x1  }
0x17: {  	s4 =	simm.s32 $0x1BF5;
	[smem:$0x3F78] =	sst s0  }
0x18: {  	s0 =	sld [smem:$0x3F5B];
	_ =	swait.ge [sflag:s4], $0x0  }
0x19: {  	s7 =	sld [smem:$0x3F5C]  }
0x1a: {  	s8 =	sadd.s32 $0xFFFFE003, lr  }
0x1b: {  	s9 =	sadd.s32 $0xFFFFFEF7, lr;
	s5 =	simm.s32 $0xFFFFFFFF;
	p2 =	slt.u32 s8, $0xFFFFF086  }
0x1c: {  	p1 =	slt.u32 s9, $0xF7A;
	s5 =	simm.s32 @!p2 $0x0  }
0x1d: {  	s5 =	simm.s32 @p1 $0x1;
	p0 =	seq.s32 s7, s2  }
0x1e: {  	s7 =	smul.u32 @!p0 $0xF7A, s2;
	p2 =	seq.s32 @!p0 s5, $0x0  }
0x1f: {  	s9 =	smul.u32 $0xF7A, s1;
	s8 =	simm.s32 @!p0 $0x1BF5;
	p2 =	por !p2, p0  }
0x20: {  	[sflag:s8] =	ssyncset.s32 @!p0 $0xFFFFF086;
	s6 =	sadd.s32 @!p0 s3, s7;
	s7 =	simm.s32 @!p0 $0x108  }
0x21: {  	s3 =	sadd.s32 s3, s9;
	s6 =	sadd.s32 @!p0 $0x88, s6;
	s7 =	simm.s32 @p2 $0x1082  }
0x22: {  	[simem:s7], [sflag:s8] =	dma.local @!p0 [hbm:s6], $0xF7A  }
0x23: {  	s9 =	sor.u32 $0xD0000000, s2;
	s6 =	simm.s32 $0x108;
	_ =	swait.ge @!p0 [sflag:s8], $0x0  }
0x24: {  	s3 =	sadd.s32 $0x88, s3;
	s6 =	simm.s32 @!p1 $0x1082;
	[sflag:s4] =	ssyncset.s32 $0xFFFFF086  }
0x25: {  	[simem:s6], [sflag:s4] =	dma.local [hbm:s3], $0xF7A  }
0x26: {  	[smem:$0x3F5C] =	sst s1;
	(tag) =	ssettag s2;
	_ =	strace s9  }
0x27: {  	s1 =	sld [smem:$0x3F6C]  }
0x28: {  	s2 =	sld [smem:$0x3F6D]  }
0x29: {  	s4 =	sld [smem:$0x3F6F]  }
0x2a: {  	p0 =	seq.s32 s5, $0x0;
	s5 =	sld [smem:$0x3F70]  }
0x2b: {  	s6 =	sld [smem:$0x3F71]  }
0x2c: {  	s7 =	sld [smem:$0x3F72]  }
0x2d: {  	s3 =	simm.s32 $0x108;
	s8 =	sld [smem:$0x3F73]  }
0x2e: {  	s3 =	simm.s32 @!p0 $0x1082;
	s9 =	sld [smem:$0x3F74]  }
0x2f: {  	lr =	sadd.s32 s0, s3;
	s0 =	sld [smem:$0x3F6B]  }
0x30: {  	s3 =	sld [smem:$0x3F6E]  }
0x31: {  	[smem:$0x3F77] =	sst s10  }
0x32: {  	s10 =	sld [smem:$0x3F75];
	_ =	sdelay $0x3  }
0x33: {  	p0 =	seq.s32 s10, $0x1;
	s10 =	sld [smem:$0x3F77];
	_ =	sdelay $0x3  }
0x34: {  	[smem:$0x3F77] =	sst s10  }
0x35: {  	s10 =	sld [smem:$0x3F76];
	_ =	sdelay $0x3  }
0x36: {  	p1 =	seq.s32 s10, $0x1;
	s10 =	sld [smem:$0x3F77];
	_ =	sdelay $0x3  }
0x37: {  	[smem:$0x3F77] =	sst s10  }
0x38: {  	s10 =	sld [smem:$0x3F78]  }
0x39: {  	_ = 	snop;
	(pc) =	sbr.ind lr, $3  }
0x3a: {  	_ = 	snop  }
0x3b: {  	_ = 	snop  }
0x3c: {  	p2 =	seq.s32 s10, $0x1;
	s10 =	sld [smem:$0x3F77]  }
0x3d: {  	_ =	shalt  }
0x3e: {  	_ =	shalt  }
0x3f: {  	_ =	shalt  }
0x40: {  	_ =	shalt  }
0x41: {  	_ =	shalt  }
0x42: {  	_ =	shalt  }
0x43: {  	_ =	shalt  }
0x44: {  	_ =	shalt  }
0x45: {  	_ =	shalt  }
0x46: {  	_ =	shalt  }
0x47: {  	_ =	shalt  }
0x48: {  	_ =	shalt  }
0x49: {  	_ =	shalt  }
0x4a: {  	_ =	shalt  }
0x4b: {  	_ =	shalt  }
0x4c: {  	_ =	shalt  }
0x4d: {  	_ =	shalt  }
0x4e: {  	_ =	shalt  }
0x4f: {  	_ =	shalt  }
0x50: {  	_ =	shalt  }
0x51: {  	_ =	shalt  }
0x52: {  	_ =	shalt  }
0x53: {  	_ =	shalt  }
0x54: {  	_ =	shalt  }
0x55: {  	_ =	shalt  }
0x56: {  	_ =	shalt  }
0x57: {  	_ =	shalt  }
0x58: {  	_ =	shalt  }
0x59: {  	_ =	shalt  }
0x5a: {  	_ =	shalt  }
0x5b: {  	_ =	shalt  }
0x5c: {  	_ =	shalt  }
0x5d: {  	_ =	shalt  }
0x5e: {  	_ =	shalt  }
0x5f: {  	_ =	shalt  }
0x60: {  	_ =	shalt  }
0x61: {  	_ =	shalt  }
0x62: {  	_ =	shalt  }
0x63: {  	_ =	shalt  }
0x64: {  	_ =	shalt  }
0x65: {  	_ =	shalt  }
0x66: {  	_ =	shalt  }
0x67: {  	_ =	shalt  }
0x68: {  	_ =	shalt  }
0x69: {  	_ =	shalt  }
0x6a: {  	_ =	shalt  }
0x6b: {  	_ =	shalt  }
0x6c: {  	_ =	shalt  }
0x6d: {  	_ =	shalt  }
0x6e: {  	_ =	shalt  }
0x6f: {  	_ =	shalt  }
0x70: {  	_ =	shalt  }
0x71: {  	_ =	shalt  }
0x72: {  	_ =	shalt  }
0x73: {  	_ =	shalt  }
0x74: {  	_ =	shalt  }
0x75: {  	_ =	shalt  }
0x76: {  	_ =	shalt  }
0x77: {  	_ =	shalt  }
0x78: {  	_ =	shalt  }
0x79: {  	_ =	shalt  }
0x7a: {  	_ =	shalt  }
0x7b: {  	_ =	shalt  }
0x7c: {  	_ =	shalt  }
0x7d: {  	_ =	shalt  }
0x7e: {  	_ =	shalt  }
0x7f: {  	_ =	shalt  }
0x80: {  	_ =	shalt  }
0x81: {  	_ =	shalt  }
0x82: {  	_ =	shalt  }
0x83: {  	_ =	shalt  }
0x84: {  	_ =	shalt  }
0x85: {  	_ =	shalt  }
0x86: {  	_ =	shalt  }
0x87: {  	_ =	shalt  }
.Lfunc_end0:
.L_simem_size_0:
called_computation_lowered:
.L_overlay_start_0:
0x88: {  	s2 =	sld [smem:$0x3FD9]  }
0x89: {  	s3 =	sld [smem:$0x3FFE];
	_ =	sdelay $0x1  }
0x8a: {  	s1 =	srdreg.scid  }
0x8b: {  	s0 =	sand.u32 $0x1, s1  }
0x8c: {  	s16 =	sshll.u32 s0, $0xA;
	s2 =	sadd.s32 s3, s2  }
0x8d: {  	s2 =	sadd.s32 s2, s16  }
0x8e: {  	[smem:$0x3F83] =	sst s2  }
0x8f: {  	_ = 	snop  }
0x90: {  	(tm) =	ssettm $0x1  }
0x91: {  	s17 =	sld [smem:$0x3FFB];
	_ =	sdelay $0x3  }
0x92: {  	_ =	strace s17  }
0x93: {  	s2 =	sld [smem:$0x3FFC];
	_ =	sdelay $0x3  }
0x94: {  	_ =	strace s2  }
0x95: {  	s2 =	sld [smem:$0x3FFD];
	_ =	sdelay $0x3  }
0x96: {  	_ =	strace s2  }
0x97: {  	_ =	strace $0x8FFFFFFF  }
0x98: {  	s18 =	sld [smem:$0x3FDB];
	_ =	sdelay $0x1  }
0x99: {  	s19 =	simm.s32 $_scs_section_size  }
0x9a: {  	s4 =	simm.s32 $_size__tile_overlayer_lowered;
	s5 =	simm.s32 $_tile_overlayer_lowered  }
0x9b: {  	s22 =	simm.s32 $0x1BFF;
	s21 =	sshll.u32 s5, $0x1;
	s2 =	sadd.s32 s19, s18  }
0x9c: {  	s6 =	simm.s32 $0x0;
	s20 =	sshll.u32 s4, $0x1;
	s4 =	sadd.s32 s21, s2  }
0x9d: {  	[timem:s6], [sflag:s22] =	dma.local [hbm:s4], s20  }
0x9e: {  	_ =	swait.ge [sflag:s22], s20  }
0x9f: {  	s3 =	ssub.s32 $0x0, s20;
	[sflag:s22] =	ssyncset.done $0x0  }
0xa0: {  	[sflag:s22] =	ssyncadd.s32 s3;
	_ =	sdelay $0x1  }
0xa1: {  	s23 =	simm.s32 $0x1B8B  }
0xa2: {  	_ =	swait.ge [sflag:s23], $0x1  }
0xa3: {  	[sflag:s23] =	ssyncset.done $0x0  }
0xa4: {  	s25 =	simm.s32 $0x1B8E;
	s24 =	sld [smem:$0x3FFE];
	[sflag:s23] =	ssyncadd.s32 $0xFFFFFFFF  }
0xa5: {  	s26 =	simm.s32 $execute0_lowered;
	[smem:$0x3FD2] =	sst s25  }
0xa6: {  	s4 =	sshll.u32 s26, $0x1;
	_ =	strace $0x80000046;
	[dreg:$0x1] =	wrdreg $0xFFFFFFFF  }
0xa7: {  	s28 =	simm.s32 $_size_execute0_lowered;
	s2 =	sadd.s32 s2, s4;
	[dreg:$0x0] =	wrdreg $0x0  }
0xa8: {  	s4 =	sshll.u32 s28, $0x1;
	[dreg:$0x2] =	wrdreg s2  }
0xa9: {  	[dreg:$0x3] =	wrdreg s4  }
0xaa: {  	[dreg:$0x4] =	wrdreg $0xC0  }
0xab: {  	_ =	task [dreg:s6], $0x5FFFF  }
0xac: {  	[dreg:$0x1] =	wrdreg $0xFFFFFFFF  }
0xad: {  	[dreg:$0x0] =	wrdreg $0x60  }
0xae: {  	[dreg:$0x2] =	wrdreg s24  }
0xaf: {  	[dreg:$0x3] =	wrdreg $0xB8000  }
0xb0: {  	[dreg:$0x4] =	wrdreg $0x9  }
0xb1: {  	_ =	task.clear_ibuf [dreg:s6], $0x5FFFF;
	_ =	strace $0x90000046  }
0xb2: {  	s29 =	simm.s32 $0x9;
	_ =	strace $0x80000048  }
0xb3: {  	_ =	swait.ge [sflag:s29], $0x1  }
0xb4: {  	[sflag:s29] =	ssyncadd.s32 $0xFFFFFFFF  }
0xb5: {  	_ =	strace $0x90000048  }
0xb6: {  	_ =	sfence  }
0xb7: {  	s30 =	sld [smem:$0x0];
	_ =	sdelay $0x2  }
0xb8: {  	s31 =	sshll.u32 s1, $0xD;
	s1 =	sshrl.u32 s1, $0x2  }
0xb9: {  	s3 =	sand.u32 $0x4000, s31;
	s1 =	sadd.s32 s1, s30  }
0xba: {  	s0 =	sor.u32 s3, s0;
	s1 =	sshll.u32 s1, $0x11  }
0xbb: {  	s0 =	sor.u32 s1, s0  }
0xbc: {  	s0 =	sadd.s32 $0x8F2B, s0  }
0xbd: {  	[sflag:s0] =	ssyncadd.remote.s32 $0x1  }
0xbe: {  	_ =	sfence.sel $0xFFFF  }
0xbf: {  	[dreg:$0x0] =	wrdreg $0xFFFFFFFF;
	(pc) =	sbr.abs _section_cstart, $3  }
0xc0: {  	[dreg:$0x1] =	wrdreg $0xFFFFFFFF  }
0xc1: {  	_ =	task.clear_ibuf [dreg:s6], $0x2FFFF;
	_ =	strace $0x9FFFFFFF  }
0xc2: {  	(tm) =	ssettm $0x7FFFFFFF  }
0xc3: {  	_ =	shalt  }
tec
execute0_lowered:
.L_overlay_start_1:
0x0: {  	(tag) =	ssettag $0x1  }
0x1: {  	s11 =	stileid.u32  }
0x2: {  	s0 =	rddreg [dreg:$0x0];
	s5 =	smul.u32 $0x2800, s11  }
0x3: {  	s1 =	srdreg.scid;
	s7 =	smul.u32 $0x14000, s11  }
0x4: {  	s2 =	rddreg [dreg:$0x1];
	s18 =	smul.u32 $0x50000, s11  }
0x5: {  	s3 =	simm.s32 $0x0;
	s1 =	sand.u32 $0x1, s1;
	s21 =	smul.u32 $0x140000, s11  }
0x6: {  	[smem:$0x7FF] =	sst s3;
	s4 =	smul.u32 $0x28000, s1  }
0x7: {  	s25 =	sshll.u32 s11, $0x6;
	s6 =	smul.u32 $0x140000, s1;
	_ =	strace $0x80000047  }
0x8: {  	s20 =	smul.u32 $0x1400000, s1;
	s1 =	ssub.s32 $0x2, s1;
	s17 =	sshrl.u32 s5, $0x3  }
0x9: {  	s22 =	sshrl.u32 s1, $0x1;
	s23 =	sshrl.u32 s18, $0x2;
	s4 =	sadd.s32 s5, s4  }
0xa: {  	s9 =	sadd.s32 s17, s0;
	s19 =	sadd.s32 s7, s6;
	s1 =	ssub.s32 s1, s22  }
0xb: {  	s24 =	sadd.s32 s21, s20;
	s6 =	sor.u32 $0x1C05, s25;
	s8 =	sadd.s32 s4, s0  }
0xc: {  	s4 =	sshrl.u32 s19, $0x3;
	s7 =	sshrl.u32 s24, $0x3;
	s26 =	sadd.s32 $0xB600, s9  }
0xd: {  	s11 =	sadd.s32 $0x10600, s9;
	s1 =	smax.u32 s1, $0x1;
	s22 =	sor.u32 $0x4000, s24  }
0xe: {  	s5 =	sor.u32 $0xC000, s24;
	s10 =	sadd.s32 s4, s0;
	[dreg:$0x4] =	wrdreg s26  }
0xf: {  	s0 =	sadd.s32 $0x65600, s0;
	s4 =	sadd.s32 s23, s2;
	[dreg:$0x6] =	wrdreg s11  }
0x10: {  	s8 =	sadd.s32 $0x15600, s8;
	[dreg:$0x9] =	wrdreg s1;
	s1 =	sshrl.u32 s22, $0x3  }
0x11: {  	s23 =	sor.u32 $0x8000, s24;
	s5 =	sshrl.u32 s5, $0x3;
	s11 =	simm.s32 $0x80  }
0x12: {  	[dreg:$0x3] =	wrdreg s8;
	s7 =	sadd.s32 s0, s7;
	s13 =	sadd.s32 $0x565600, s10  }
0x13: {  	s14 =	sadd.s32 $0x1000, s4;
	s15 =	sadd.s32 $0x2000, s4;
	s16 =	sadd.s32 $0x3000, s4  }
0x14: {  	s17 =	sadd.s32 $0x4000, s4;
	s18 =	sadd.s32 $0x5000, s4;
	[dreg:$0x8] =	wrdreg s13  }
0x15: {  	s19 =	sadd.s32 $0x6000, s4;
	s20 =	sadd.s32 $0x7000, s4;
	[dreg:$0xa] =	wrdreg s14  }
0x16: {  	s21 =	sadd.s32 $0x8000, s4;
	s22 =	sadd.s32 s1, s0;
	[dreg:$0xb] =	wrdreg s15  }
0x17: {  	s24 =	sshrl.u32 s23, $0x3;
	s25 =	sadd.s32 $0x9000, s4;
	[dreg:$0xc] =	wrdreg s16  }
0x18: {  	s26 =	sadd.s32 $0xA000, s4;
	s29 =	sadd.s32 $0xC000, s4;
	[dreg:$0xd] =	wrdreg s17  }
0x19: {  	s30 =	sadd.s32 $0xD000, s4;
	s31 =	sadd.s32 $0xE000, s4;
	[dreg:$0xe] =	wrdreg s18  }
0x1a: {  	s1 =	sadd.s32 $0x10000, s4;
	s8 =	sadd.s32 $0x12000, s4;
	[dreg:$0xf] =	wrdreg s19  }
0x1b: {  	s9 =	sadd.s32 $0x13000, s4;
	s10 =	simm.s32 $0x5;
	[dreg:$0x10] =	wrdreg s20  }
0x1c: {  	s28 =	sadd.s32 $0x27800, s7;
	s12 =	sadd.s32 $0x800, s7;
	[dreg:$0x11] =	wrdreg s21  }
0x1d: {  	s23 =	sadd.s32 s24, s0;
	s24 =	sadd.s32 s5, s0;
	[dreg:$0x12] =	wrdreg s25  }
0x1e: {  	[dreg:$0x13] =	wrdreg s26;
	s0 =	sadd.s32 $0xF000, s4;
	s5 =	sadd.s32 $0x11000, s4  }
0x1f: {  	s13 =	simm.s32 $0x6800;
	s14 =	simm.s32 $0x1;
	s15 =	simm.s32 $0x3  }
0x20: {  	s16 =	simm.s32 $0x2;
	s17 =	simm.s32 $0x4;
	[dreg:$0x5] =	wrdreg s28  }
0x21: {  	s18 =	simm.s32 $0xA800;
	[dreg:$0x7] =	wrdreg s12;
	s28 =	sadd.s32 $0xB000, s4  }
0x22: {  	v0 =	vimm.f32 $0.0e+00;
	s19 =	simm.s32 $0x0;
	s12 =	simm.s32 $0x2800;
	[dreg:$0x14] =	wrdreg s28  }
.LBB2_1:
0x23: {  	s20 =	sshrl.u32 s4, $0x3;
	s21 =	rddreg [dreg:$0x3]  }
0x24: {  	[spmem:s20], [sflag:s6] =	dma.local [hbm:s21], $0x2800  }
0x25: {  	_ =	swait.ge [sflag:s10], $0x2800  }
0x26: {  	[sflag:s10] =	ssyncset.done $0x0  }
0x27: {  	s28 =	rddreg [dreg:$0x4];
	[sflag:s10] =	ssyncadd.s32 $0xFFFFD800  }
0x28: {  	[tilespmem:s3], [sflag:$0x5] =	stream.linear.gather [hbm4b:s28+s3], $0x2800, $0x38;
	[tilespmem:$0x1F800] =	vst v63  }
0x29: {  	_ =	swait.ge [sflag:s10], $0x2800  }
0x2a: {  	[sflag:s10] =	ssyncset.done $0x0  }
0x2b: {  	s25 =	simm.s32 $0x200;
	s21 =	simm.s32 $0x0;
	[sflag:s10] =	ssyncadd.s32 $0xFFFFD800  }
.LBB2_2:
0x2c: {  	p0 =	sne.s32 s25, $0x3E00;
	[tilespmem:s21+$0xA870] =	vst v0  }
0x2d: {  	[tilespmem:s21+$0xA800] =	vst v0  }
0x2e: {  	[tilespmem:s21+$0xA810] =	vst v0  }
.Ltmp0:
0x2f: {  	[tilespmem:s21+$0xA820] =	vst v0;
	(pc) =	sbr.rel @p0 .LBB2_2-.Ltmp0, $4  }
0x30: {  	[tilespmem:s21+$0xA830] =	vst v0  }
0x31: {  	[tilespmem:s21+$0xA840] =	vst v0  }
0x32: {  	[tilespmem:s21+$0xA850] =	vst v0  }
0x33: {  	[tilespmem:s21+$0xA860] =	vst v0;
	s21 =	sshra.s32 s25, $0x2;
	s25 =	sadd.s32 $0x200, s25  }
0x34: {  	[tilespmem:s21+$0xA870] =	vst v0  }
0x35: {  	[tilespmem:s21+$0xA800] =	vst v0  }
0x36: {  	[tilespmem:s21+$0xA810] =	vst v0  }
0x37: {  	[tilespmem:s21+$0xA820] =	vst v0  }
0x38: {  	[tilespmem:s21+$0xA830] =	vst v0  }
0x39: {  	[tilespmem:s21+$0xA840] =	vst v0  }
0x3a: {  	[tilespmem:s21+$0xA850] =	vst v0  }
0x3b: {  	[tilespmem:s21+$0xA860] =	vst v0  }
0x3c: {  	s28 =	simm.s32 $0x0;
	[bflag:$0x0] =	sbarrier.arrive $0xFFFF  }
0x3d: {  	[tilespmem:s12], [sflag:$0x1] =	stream.indirect.gather [spmem:s2], $0x80, s28, s11, $0xb8;
	[tilespmem:$0x1F800] =	vst v63  }
0x3e: {  	_ = 	snop  }
0x3f: {  	[tilespmem:s13], [sflag:$0x2] =	stream.indirect.gather [spmem:s2], $0x80, s11, s11, $0xb8;
	[tilespmem:$0x1F800] =	vst v63  }
0x40: {  	_ =	swait.ge [sflag:s14], $0x4000  }
0x41: {  	[sflag:s14] =	ssyncset.done $0x0  }
0x42: {  	[sflag:s14] =	ssyncadd.s32 $0xFFFFC000  }
0x43: {  	[hbm4b:s7+s28] =	stream.linear.scatter [tilespmem:s12], [sflag:$0x3], $0x4000, $0x38;
	[tilespmem:$0x1F800] =	vst v63  }
0x44: {  	_ =	swait.ge [sflag:s15], $0x4000  }
0x45: {  	[sflag:s15] =	ssyncset.done $0x0  }
0x46: {  	s25 =	simm.s32 $0x100;
	[sflag:s15] =	ssyncadd.s32 $0xFFFFC000  }
0x47: {  	[tilespmem:s12], [sflag:$0x1] =	stream.indirect.gather [spmem:s2], $0x80, s25, s11, $0xb8;
	[tilespmem:$0x1F800] =	vst v63  }
0x48: {  	_ =	swait.ge [sflag:s16], $0x4000  }
0x49: {  	[sflag:s16] =	ssyncset.done $0x0  }
0x4a: {  	s26 =	sadd.s32 $0x0, s22;
	[sflag:s16] =	ssyncadd.s32 $0xFFFFC000  }
0x4b: {  	[hbm4b:s26+s3] =	stream.linear.scatter [tilespmem:s13], [sflag:$0x4], $0x4000, $0x38;
	[tilespmem:$0x1F800] =	vst v63  }
0x4c: {  	_ =	swait.ge [sflag:s17], $0x4000  }
0x4d: {  	[sflag:s17] =	ssyncset.done $0x0  }
0x4e: {  	s28 =	simm.s32 $0x180;
	[sflag:s17] =	ssyncadd.s32 $0xFFFFC000  }
0x4f: {  	[tilespmem:s13], [sflag:$0x2] =	stream.indirect.gather [spmem:s2], $0x80, s28, s11, $0xb8;
	[tilespmem:$0x1F800] =	vst v63  }
0x50: {  	_ =	swait.ge [sflag:s14], $0x4000  }
0x51: {  	s21 =	simm.s32 $0x1000;
	[sflag:s14] =	ssyncset.done $0x0  }
0x52: {  	s25 =	simm.s32 $0x280;
	s26 =	sadd.s32 $0x0, s23;
	[sflag:s14] =	ssyncadd.s32 $0xFFFFC000  }
.LBB2_4:
0x53: {  	[hbm4b:s26+s3] =	stream.linear.scatter [tilespmem:s12], [sflag:$0x3], $0x4000, $0x38;
	[tilespmem:$0x1F800] =	vst v63  }
0x54: {  	s26 =	smov.u32 s21  }
0x55: {  	p0 =	sne.s32 s21, $0x26000;
	s21 =	sadd.s32 $0x1000, s21;
	_ =	swait.ge [sflag:s15], $0x4000  }
0x56: {  	[sflag:s15] =	ssyncset.done $0x0  }
0x57: {  	s28 =	sadd.s32 $0xFFFFFF80, s25;
	[sflag:s15] =	ssyncadd.s32 $0xFFFFC000  }
0x58: {  	[tilespmem:s12], [sflag:$0x1] =	stream.indirect.gather [spmem:s2], $0x80, s28, s11, $0xb8;
	[tilespmem:$0x1F800] =	vst v63  }
0x59: {  	_ =	swait.ge [sflag:s16], $0x4000  }
0x5a: {  	[sflag:s16] =	ssyncset.done $0x0  }
0x5b: {  	s28 =	sadd.s32 s26, s22;
	[sflag:s16] =	ssyncadd.s32 $0xFFFFC000  }
0x5c: {  	[hbm4b:s28+s3] =	stream.linear.scatter [tilespmem:s13], [sflag:$0x4], $0x4000, $0x38;
	[tilespmem:$0x1F800] =	vst v63  }
0x5d: {  	_ =	swait.ge [sflag:s17], $0x4000  }
0x5e: {  	[sflag:s17] =	ssyncset.done $0x0  }
.Ltmp1:
0x5f: {  	[sflag:s17] =	ssyncadd.s32 $0xFFFFC000;
	(pc) =	sbr.rel @p0 .LBB2_4-.Ltmp1, $4  }
0x60: {  	[tilespmem:s13], [sflag:$0x2] =	stream.indirect.gather [spmem:s2], $0x80, s25, s11, $0xb8;
	[tilespmem:$0x1F800] =	vst v63  }
0x61: {  	_ =	swait.ge [sflag:s14], $0x4000  }
0x62: {  	[sflag:s14] =	ssyncset.done $0x0  }
0x63: {  	s26 =	sadd.s32 s26, s23;
	s25 =	sadd.s32 $0x100, s25;
	[sflag:s14] =	ssyncadd.s32 $0xFFFFC000  }
0x64: {  	[hbm4b:s26+s3] =	stream.linear.scatter [tilespmem:s12], [sflag:$0x3], $0x4000, $0x38;
	[tilespmem:$0x1F800] =	vst v63  }
0x65: {  	_ =	swait.ge [sflag:s16], $0x4000  }
0x66: {  	[sflag:s16] =	ssyncset.done $0x0  }
0x67: {  	s21 =	simm.s32 $0x0;
	s25 =	rddreg [dreg:$0x5];
	[sflag:s16] =	ssyncadd.s32 $0xFFFFC000  }
0x68: {  	[hbm4b:s25+s21] =	stream.linear.scatter [tilespmem:s13], [sflag:$0x4], $0x4000, $0x38;
	[tilespmem:$0x1F800] =	vst v63  }
0x69: {  	_ =	swait.ge [sflag:s15], $0x4000  }
0x6a: {  	[sflag:s15] =	ssyncset.done $0x0  }
0x6b: {  	[sflag:s15] =	ssyncadd.s32 $0xFFFFC000  }
0x6c: {  	_ =	swait.ge [sflag:s17], $0x4000  }
0x6d: {  	[sflag:s17] =	ssyncset.done $0x0  }
0x6e: {  	[sflag:s17] =	ssyncadd.s32 $0xFFFFC000  }
0x6f: {  	[bflag:$0x0] =	sbarrier.arrive $0xFFFF  }
0x70: {  	[spmem:s4] =	stream.linear.scatter [tilespmem:s18], [sflag:$0x5], $0x1000, $0x38;
	[tilespmem:$0x1F800] =	vst v63  }
0x71: {  	_ =	swait.ge [sflag:s10], $0x1000  }
0x72: {  	[sflag:s10] =	ssyncset.done $0x0  }
0x73: {  	s26 =	rddreg [dreg:$0xa];
	[sflag:s10] =	ssyncadd.s32 $0xFFFFF000  }
0x74: {  	[spmem:s26] =	stream.linear.scatter [tilespmem:s18], [sflag:$0x5], $0x1000, $0x38;
	[tilespmem:$0x1F800] =	vst v63  }
0x75: {  	_ =	swait.ge [sflag:s10], $0x1000  }
0x76: {  	[sflag:s10] =	ssyncset.done $0x0  }
0x77: {  	s28 =	rddreg [dreg:$0xb];
	[sflag:s10] =	ssyncadd.s32 $0xFFFFF000  }
0x78: {  	[spmem:s28] =	stream.linear.scatter [tilespmem:s18], [sflag:$0x5], $0x1000, $0x38;
	[tilespmem:$0x1F800] =	vst v63  }
0x79: {  	_ =	swait.ge [sflag:s10], $0x1000  }
0x7a: {  	[sflag:s10] =	ssyncset.done $0x0  }
0x7b: {  	s26 =	rddreg [dreg:$0xc];
	[sflag:s10] =	ssyncadd.s32 $0xFFFFF000  }
0x7c: {  	[spmem:s26] =	stream.linear.scatter [tilespmem:s18], [sflag:$0x5], $0x1000, $0x38;
	[tilespmem:$0x1F800] =	vst v63  }
0x7d: {  	_ =	swait.ge [sflag:s10], $0x1000  }
0x7e: {  	[sflag:s10] =	ssyncset.done $0x0  }
0x7f: {  	s28 =	rddreg [dreg:$0xd];
	[sflag:s10] =	ssyncadd.s32 $0xFFFFF000  }
0x80: {  	[spmem:s28] =	stream.linear.scatter [tilespmem:s18], [sflag:$0x5], $0x1000, $0x38;
	[tilespmem:$0x1F800] =	vst v63  }
0x81: {  	_ =	swait.ge [sflag:s10], $0x1000  }
0x82: {  	[sflag:s10] =	ssyncset.done $0x0  }
0x83: {  	s26 =	rddreg [dreg:$0xe];
	[sflag:s10] =	ssyncadd.s32 $0xFFFFF000  }
0x84: {  	[spmem:s26] =	stream.linear.scatter [tilespmem:s18], [sflag:$0x5], $0x1000, $0x38;
	[tilespmem:$0x1F800] =	vst v63  }
0x85: {  	_ =	swait.ge [sflag:s10], $0x1000  }
0x86: {  	[sflag:s10] =	ssyncset.done $0x0  }
0x87: {  	s28 =	rddreg [dreg:$0xf];
	[sflag:s10] =	ssyncadd.s32 $0xFFFFF000  }
0x88: {  	[spmem:s28] =	stream.linear.scatter [tilespmem:s18], [sflag:$0x5], $0x1000, $0x38;
	[tilespmem:$0x1F800] =	vst v63  }
0x89: {  	_ =	swait.ge [sflag:s10], $0x1000  }
0x8a: {  	[sflag:s10] =	ssyncset.done $0x0  }
0x8b: {  	s26 =	rddreg [dreg:$0x10];
	[sflag:s10] =	ssyncadd.s32 $0xFFFFF000  }
0x8c: {  	[spmem:s26] =	stream.linear.scatter [tilespmem:s18], [sflag:$0x5], $0x1000, $0x38;
	[tilespmem:$0x1F800] =	vst v63  }
0x8d: {  	_ =	swait.ge [sflag:s10], $0x1000  }
0x8e: {  	[sflag:s10] =	ssyncset.done $0x0  }
0x8f: {  	s28 =	rddreg [dreg:$0x11];
	[sflag:s10] =	ssyncadd.s32 $0xFFFFF000  }
0x90: {  	[spmem:s28] =	stream.linear.scatter [tilespmem:s18], [sflag:$0x5], $0x1000, $0x38;
	[tilespmem:$0x1F800] =	vst v63  }
0x91: {  	_ =	swait.ge [sflag:s10], $0x1000  }
0x92: {  	[sflag:s10] =	ssyncset.done $0x0  }
0x93: {  	s26 =	rddreg [dreg:$0x12];
	[sflag:s10] =	ssyncadd.s32 $0xFFFFF000  }
0x94: {  	[spmem:s26] =	stream.linear.scatter [tilespmem:s18], [sflag:$0x5], $0x1000, $0x38;
	[tilespmem:$0x1F800] =	vst v63  }
0x95: {  	_ =	swait.ge [sflag:s10], $0x1000  }
0x96: {  	[sflag:s10] =	ssyncset.done $0x0  }
0x97: {  	s28 =	rddreg [dreg:$0x13];
	[sflag:s10] =	ssyncadd.s32 $0xFFFFF000  }
0x98: {  	[spmem:s28] =	stream.linear.scatter [tilespmem:s18], [sflag:$0x5], $0x1000, $0x38;
	[tilespmem:$0x1F800] =	vst v63  }
0x99: {  	_ =	swait.ge [sflag:s10], $0x1000  }
0x9a: {  	[sflag:s10] =	ssyncset.done $0x0  }
0x9b: {  	s26 =	rddreg [dreg:$0x14];
	[sflag:s10] =	ssyncadd.s32 $0xFFFFF000  }
0x9c: {  	[spmem:s26] =	stream.linear.scatter [tilespmem:s18], [sflag:$0x5], $0x1000, $0x38;
	[tilespmem:$0x1F800] =	vst v63  }
0x9d: {  	_ =	swait.ge [sflag:s10], $0x1000  }
0x9e: {  	[sflag:s10] =	ssyncset.done $0x0  }
0x9f: {  	[sflag:s10] =	ssyncadd.s32 $0xFFFFF000  }
0xa0: {  	[spmem:s29] =	stream.linear.scatter [tilespmem:s18], [sflag:$0x5], $0x1000, $0x38;
	[tilespmem:$0x1F800] =	vst v63  }
0xa1: {  	_ =	swait.ge [sflag:s10], $0x1000  }
0xa2: {  	[sflag:s10] =	ssyncset.done $0x0  }
0xa3: {  	[sflag:s10] =	ssyncadd.s32 $0xFFFFF000  }
0xa4: {  	[spmem:s30] =	stream.linear.scatter [tilespmem:s18], [sflag:$0x5], $0x1000, $0x38;
	[tilespmem:$0x1F800] =	vst v63  }
0xa5: {  	_ =	swait.ge [sflag:s10], $0x1000  }
0xa6: {  	[sflag:s10] =	ssyncset.done $0x0  }
0xa7: {  	[sflag:s10] =	ssyncadd.s32 $0xFFFFF000  }
0xa8: {  	[spmem:s31] =	stream.linear.scatter [tilespmem:s18], [sflag:$0x5], $0x1000, $0x38;
	[tilespmem:$0x1F800] =	vst v63  }
0xa9: {  	_ =	swait.ge [sflag:s10], $0x1000  }
0xaa: {  	[sflag:s10] =	ssyncset.done $0x0  }
0xab: {  	[sflag:s10] =	ssyncadd.s32 $0xFFFFF000  }
0xac: {  	[spmem:s0] =	stream.linear.scatter [tilespmem:s18], [sflag:$0x5], $0x1000, $0x38;
	[tilespmem:$0x1F800] =	vst v63  }
0xad: {  	_ =	swait.ge [sflag:s10], $0x1000  }
0xae: {  	[sflag:s10] =	ssyncset.done $0x0  }
0xaf: {  	[sflag:s10] =	ssyncadd.s32 $0xFFFFF000  }
0xb0: {  	[spmem:s1] =	stream.linear.scatter [tilespmem:s18], [sflag:$0x5], $0x1000, $0x38;
	[tilespmem:$0x1F800] =	vst v63  }
0xb1: {  	_ =	swait.ge [sflag:s10], $0x1000  }
0xb2: {  	[sflag:s10] =	ssyncset.done $0x0  }
0xb3: {  	[sflag:s10] =	ssyncadd.s32 $0xFFFFF000  }
0xb4: {  	[spmem:s5] =	stream.linear.scatter [tilespmem:s18], [sflag:$0x5], $0x1000, $0x38;
	[tilespmem:$0x1F800] =	vst v63  }
0xb5: {  	_ =	swait.ge [sflag:s10], $0x1000  }
0xb6: {  	[sflag:s10] =	ssyncset.done $0x0  }
0xb7: {  	[sflag:s10] =	ssyncadd.s32 $0xFFFFF000  }
0xb8: {  	[spmem:s8] =	stream.linear.scatter [tilespmem:s18], [sflag:$0x5], $0x1000, $0x38;
	[tilespmem:$0x1F800] =	vst v63  }
0xb9: {  	_ =	swait.ge [sflag:s10], $0x1000  }
0xba: {  	[sflag:s10] =	ssyncset.done $0x0  }
0xbb: {  	[sflag:s10] =	ssyncadd.s32 $0xFFFFF000  }
0xbc: {  	[spmem:s9] =	stream.linear.scatter [tilespmem:s18], [sflag:$0x5], $0x1000, $0x38;
	[tilespmem:$0x1F800] =	vst v63  }
0xbd: {  	_ =	swait.ge [sflag:s10], $0x1000  }
0xbe: {  	[sflag:s10] =	ssyncset.done $0x0  }
0xbf: {  	s28 =	rddreg [dreg:$0x6];
	[sflag:s10] =	ssyncadd.s32 $0xFFFFF000  }
0xc0: {  	[tilespmem:s21], [sflag:$0x5] =	stream.linear.gather [hbm4b:s28+s21], $0x2800, $0x38;
	[tilespmem:$0x1F800] =	vst v63  }
0xc1: {  	_ =	swait.ge [sflag:s10], $0x2800  }
0xc2: {  	[sflag:s10] =	ssyncset.done $0x0  }
0xc3: {  	[sflag:s10] =	ssyncadd.s32 $0xFFFFD800  }
0xc4: {  	[bflag:$0x0] =	sbarrier.arrive $0xFFFF  }
0xc5: {  	[tilespmem:s12], [sflag:$0x3] =	stream.linear.gather [hbm4b:s7+s21], $0x4000, $0x38;
	[tilespmem:$0x1F800] =	vst v63  }
0xc6: {  	s26 =	rddreg [dreg:$0x7]  }
0xc7: {  	[tilespmem:s13], [sflag:$0x4] =	stream.linear.gather [hbm4b:s26+s21], $0x4000, $0x38;
	[tilespmem:$0x1F800] =	vst v63  }
0xc8: {  	_ =	swait.ge [sflag:s15], $0x4000  }
0xc9: {  	[sflag:s15] =	ssyncset.done $0x0  }
0xca: {  	s28 =	simm.s32 $0x80;
	[sflag:s15] =	ssyncadd.s32 $0xFFFFC000  }
0xcb: {  	[spmem:s2] =	stream.indirect.scatter.add.f32 [tilespmem:s12], [sflag:$0x1], $0x80, s21, s28, $0xb8;
	[tilespmem:$0x1F800] =	vst v63  }
0xcc: {  	_ =	swait.ge [sflag:s14], $0x4000  }
0xcd: {  	[sflag:s14] =	ssyncset.done $0x0  }
0xce: {  	s26 =	sadd.s32 $0x0, s23;
	[sflag:s14] =	ssyncadd.s32 $0xFFFFC000  }
0xcf: {  	[tilespmem:s12], [sflag:$0x3] =	stream.linear.gather [hbm4b:s26+s3], $0x4000, $0x38;
	[tilespmem:$0x1F800] =	vst v63  }
0xd0: {  	_ =	swait.ge [sflag:s17], $0x4000  }
0xd1: {  	[sflag:s17] =	ssyncset.done $0x0  }
0xd2: {  	[sflag:s17] =	ssyncadd.s32 $0xFFFFC000  }
0xd3: {  	[spmem:s2] =	stream.indirect.scatter.add.f32 [tilespmem:s13], [sflag:$0x2], $0x80, s28, s11, $0xb8;
	[tilespmem:$0x1F800] =	vst v63  }
0xd4: {  	_ =	swait.ge [sflag:s16], $0x4000  }
0xd5: {  	[sflag:s16] =	ssyncset.done $0x0  }
0xd6: {  	s28 =	sadd.s32 $0x0, s24;
	[sflag:s16] =	ssyncadd.s32 $0xFFFFC000  }
0xd7: {  	[tilespmem:s13], [sflag:$0x4] =	stream.linear.gather [hbm4b:s28+s3], $0x4000, $0x38;
	[tilespmem:$0x1F800] =	vst v63  }
0xd8: {  	_ =	swait.ge [sflag:s15], $0x4000  }
0xd9: {  	s25 =	simm.s32 $0x180;
	[sflag:s15] =	ssyncset.done $0x0  }
0xda: {  	s21 =	simm.s32 $0x1000;
	s26 =	simm.s32 $0x100;
	[sflag:s15] =	ssyncadd.s32 $0xFFFFC000  }
.LBB2_6:
0xdb: {  	[spmem:s2] =	stream.indirect.scatter.add.f32 [tilespmem:s12], [sflag:$0x1], $0x80, s26, s11, $0xb8;
	[tilespmem:$0x1F800] =	vst v63  }
0xdc: {  	s26 =	smov.u32 s21  }
0xdd: {  	p0 =	sne.s32 s21, $0x26000;
	s21 =	sadd.s32 $0x1000, s21;
	_ =	swait.ge [sflag:s14], $0x4000  }
0xde: {  	[sflag:s14] =	ssyncset.done $0x0  }
0xdf: {  	s28 =	sadd.s32 s26, s23;
	[sflag:s14] =	ssyncadd.s32 $0xFFFFC000  }
0xe0: {  	[tilespmem:s12], [sflag:$0x3] =	stream.linear.gather [hbm4b:s28+s3], $0x4000, $0x38;
	[tilespmem:$0x1F800] =	vst v63  }
0xe1: {  	_ =	swait.ge [sflag:s17], $0x4000  }
0xe2: {  	[sflag:s17] =	ssyncset.done $0x0  }
0xe3: {  	[sflag:s17] =	ssyncadd.s32 $0xFFFFC000  }
0xe4: {  	[spmem:s2] =	stream.indirect.scatter.add.f32 [tilespmem:s13], [sflag:$0x2], $0x80, s25, s11, $0xb8;
	[tilespmem:$0x1F800] =	vst v63  }
0xe5: {  	_ =	swait.ge [sflag:s16], $0x4000  }
0xe6: {  	[sflag:s16] =	ssyncset.done $0x0  }
.Ltmp2:
0xe7: {  	s26 =	sadd.s32 s26, s24;
	[sflag:s16] =	ssyncadd.s32 $0xFFFFC000;
	(pc) =	sbr.rel @p0 .LBB2_6-.Ltmp2, $4  }
0xe8: {  	[tilespmem:s13], [sflag:$0x4] =	stream.linear.gather [hbm4b:s26+s3], $0x4000, $0x38;
	[tilespmem:$0x1F800] =	vst v63  }
0xe9: {  	_ =	swait.ge [sflag:s15], $0x4000  }
0xea: {  	[sflag:s15] =	ssyncset.done $0x0  }
0xeb: {  	s26 =	sadd.s32 $0x80, s25;
	s25 =	sadd.s32 $0x100, s25;
	[sflag:s15] =	ssyncadd.s32 $0xFFFFC000  }
0xec: {  	[spmem:s2] =	stream.indirect.scatter.add.f32 [tilespmem:s12], [sflag:$0x1], $0x80, s26, s11, $0xb8;
	[tilespmem:$0x1F800] =	vst v63  }
0xed: {  	_ =	swait.ge [sflag:s17], $0x4000  }
0xee: {  	[sflag:s17] =	ssyncset.done $0x0  }
0xef: {  	s21 =	simm.s32 $0x2780;
	[sflag:s17] =	ssyncadd.s32 $0xFFFFC000  }
0xf0: {  	[spmem:s2] =	stream.indirect.scatter.add.f32 [tilespmem:s13], [sflag:$0x2], $0x80, s21, s11, $0xb8;
	[tilespmem:$0x1F800] =	vst v63  }
0xf1: {  	_ =	swait.ge [sflag:s14], $0x4000  }
0xf2: {  	[sflag:s14] =	ssyncset.done $0x0  }
0xf3: {  	[sflag:s14] =	ssyncadd.s32 $0xFFFFC000  }
0xf4: {  	_ =	swait.ge [sflag:s16], $0x4000  }
0xf5: {  	[sflag:s16] =	ssyncset.done $0x0  }
0xf6: {  	[sflag:s16] =	ssyncadd.s32 $0xFFFFC000  }
0xf7: {  	[bflag:$0x0] =	sbarrier.arrive $0xFFFF  }
0xf8: {  	s26 =	rddreg [dreg:$0x8]  }
0xf9: {  	[hbm:s26], [sflag:s6] =	dma.local [spmem:s20], $0x2800  }
0xfa: {  	_ =	swait.ge [sflag:s10], $0x2800  }
0xfb: {  	s19 =	sadd.s32 $0x1, s19;
	s28 =	rddreg [dreg:$0x9]  }
0xfc: {  	p0 =	sne.s32 s19, s28  }
.Ltmp3:
0xfd: {  	_ = 	snop;
	(pc) =	sbr.rel @p0 .LBB2_1-.Ltmp3, $3  }
0xfe: {  	_ =	sdelay $0x1  }
0xff: {  	[sflag:s10] =	ssyncset.done $0x0  }
0x100: {  	[sflag:s10] =	ssyncadd.s32 $0xFFFFD800  }
0x101: {  	_ =	sfence.sel $0x180000  }
0x102: {  	[bflag:$0x0] =	sbarrier.arrive $0xFFFF  }
0x103: {  	_ =	strace $0x90000047  }
0x104: {  	s0 =	stileid.u32;
	[bflag:$0x2] =	sbarrier.arrive $0xFFFF  }
0x105: {  	p0 =	sne.s32 s0, $0x0;
	s0 =	rddreg [dreg:$0x2]  }
0x106: {  	s0 =	sadd.s32 @!p0 $0x100000, s0  }
0x107: {  	[sflag:s0] =	ssyncadd.tile.s32 @!p0 $0x1;
	_ =	shalt  }
.Lfunc_end2:
_tile_overlayer_lowered:
.L_overlay_start_2:
0x108: {  	(tag) =	ssettag $0x2  }
0x109: {  	s0 =	rddreg [dreg:$0x0];
	s2 =	stileid.u32  }
0x10a: {  	s1 =	rddreg [dreg:$0x1];
	p0 =	sne.s32 s2, $0x0  }
0x10b: {  	s3 =	rddreg [dreg:$0x2];
	[bflag:$0x3] =	sbarrier.arrive $0xFFFF;
	s2 =	simm.s32 @!p0 $0x1C05  }
0x10c: {  	[timem:s3], [sflag:s2] =	dma.local @!p0 [hbm:s0], s1  }
0x10d: {  	s0 =	simm.s32 @!p0 $0x5  }
0x10e: {  	_ =	swait.ge @!p0 [sflag:s0], s1  }
0x10f: {  	s1 =	ssub.s32 @!p0 $0x0, s1;
	[sflag:s0] =	ssyncset.done @!p0 $0x0  }
0x110: {  	[sflag:s0] =	ssyncadd.s32 @!p0 s1  }
0x111: {  	[bflag:$0x3] =	sbarrier.arrive $0xFFFF  }
0x112: {  	_ =	shalt  }

// kernel: kernel.14.cloned.1.call-start
scs
__scs_entry_jumppad:
0x0: {  	(pc) =	sbr.rel $0x88, $3  }
0x1: {  	(tag) =	ssettag $0x0;
	lr =	simm.s32 $0x1  }
0x2: {  	[smem:$0x3F5C] =	sst lr;
	_ =	strace $0xD0000000  }
0x3: {  	_ = 	snop  }
0x4: {  	_ = 	snop  }
0x5: {  	_ = 	snop  }
0x6: {  	_ = 	snop  }
0x7: {  	_ = 	snop  }
__scs_overlays_trampoline_lowered:
0x8: {  	[smem:$0x3F6B] =	sst s0  }
0x9: {  	[smem:$0x3F6C] =	sst s1  }
0xa: {  	[smem:$0x3F6D] =	sst s2  }
0xb: {  	[smem:$0x3F6E] =	sst s3  }
0xc: {  	[smem:$0x3F6F] =	sst s4  }
0xd: {  	[smem:$0x3F70] =	sst s5  }
0xe: {  	[smem:$0x3F71] =	sst s6  }
0xf: {  	[smem:$0x3F72] =	sst s7  }
0x10: {  	[smem:$0x3F73] =	sst s8  }
0x11: {  	[smem:$0x3F74] =	sst s9;
	s0 =	simm.s32 @!p0 $0x0  }
0x12: {  	s1 =	sld [smem:$0x3F5A];
	s0 =	simm.s32 @p0 $0x1  }
0x13: {  	[smem:$0x3F75] =	sst s0;
	s0 =	simm.s32 @!p1 $0x0  }
0x14: {  	s2 =	sld [smem:$0x3F59];
	s0 =	simm.s32 @p1 $0x1  }
0x15: {  	[smem:$0x3F76] =	sst s0;
	s0 =	simm.s32 @!p2 $0x0  }
0x16: {  	s3 =	sld [smem:$0x3FDB];
	s0 =	simm.s32 @p2 $0x1  }
0x17: {  	s4 =	simm.s32 $0x1BF5;
	[smem:$0x3F78] =	sst s0  }
0x18: {  	s0 =	sld [smem:$0x3F5B];
	_ =	swait.ge [sflag:s4], $0x0  }
0x19: {  	s7 =	sld [smem:$0x3F5C]  }
0x1a: {  	s8 =	sadd.s32 $0xFFFFE003, lr  }
0x1b: {  	s9 =	sadd.s32 $0xFFFFFEF7, lr;
	s5 =	simm.s32 $0xFFFFFFFF;
	p2 =	slt.u32 s8, $0xFFFFF086  }
0x1c: {  	p1 =	slt.u32 s9, $0xF7A;
	s5 =	simm.s32 @!p2 $0x0  }
0x1d: {  	s5 =	simm.s32 @p1 $0x1;
	p0 =	seq.s32 s7, s2  }
0x1e: {  	s7 =	smul.u32 @!p0 $0xF7A, s2;
	p2 =	seq.s32 @!p0 s5, $0x0  }
0x1f: {  	s9 =	smul.u32 $0xF7A, s1;
	s8 =	simm.s32 @!p0 $0x1BF5;
	p2 =	por !p2, p0  }
0x20: {  	[sflag:s8] =	ssyncset.s32 @!p0 $0xFFFFF086;
	s6 =	sadd.s32 @!p0 s3, s7;
	s7 =	simm.s32 @!p0 $0x108  }
0x21: {  	s3 =	sadd.s32 s3, s9;
	s6 =	sadd.s32 @!p0 $0x88, s6;
	s7 =	simm.s32 @p2 $0x1082  }
0x22: {  	[simem:s7], [sflag:s8] =	dma.local @!p0 [hbm:s6], $0xF7A  }
0x23: {  	s9 =	sor.u32 $0xD0000000, s2;
	s6 =	simm.s32 $0x108;
	_ =	swait.ge @!p0 [sflag:s8], $0x0  }
0x24: {  	s3 =	sadd.s32 $0x88, s3;
	s6 =	simm.s32 @!p1 $0x1082;
	[sflag:s4] =	ssyncset.s32 $0xFFFFF086  }
0x25: {  	[simem:s6], [sflag:s4] =	dma.local [hbm:s3], $0xF7A  }
0x26: {  	[smem:$0x3F5C] =	sst s1;
	(tag) =	ssettag s2;
	_ =	strace s9  }
0x27: {  	s1 =	sld [smem:$0x3F6C]  }
0x28: {  	s2 =	sld [smem:$0x3F6D]  }
0x29: {  	s4 =	sld [smem:$0x3F6F]  }
0x2a: {  	p0 =	seq.s32 s5, $0x0;
	s5 =	sld [smem:$0x3F70]  }
0x2b: {  	s6 =	sld [smem:$0x3F71]  }
0x2c: {  	s7 =	sld [smem:$0x3F72]  }
0x2d: {  	s3 =	simm.s32 $0x108;
	s8 =	sld [smem:$0x3F73]  }
0x2e: {  	s3 =	simm.s32 @!p0 $0x1082;
	s9 =	sld [smem:$0x3F74]  }
0x2f: {  	lr =	sadd.s32 s0, s3;
	s0 =	sld [smem:$0x3F6B]  }
0x30: {  	s3 =	sld [smem:$0x3F6E]  }
0x31: {  	[smem:$0x3F77] =	sst s10  }
0x32: {  	s10 =	sld [smem:$0x3F75];
	_ =	sdelay $0x3  }
0x33: {  	p0 =	seq.s32 s10, $0x1;
	s10 =	sld [smem:$0x3F77];
	_ =	sdelay $0x3  }
0x34: {  	[smem:$0x3F77] =	sst s10  }
0x35: {  	s10 =	sld [smem:$0x3F76];
	_ =	sdelay $0x3  }
0x36: {  	p1 =	seq.s32 s10, $0x1;
	s10 =	sld [smem:$0x3F77];
	_ =	sdelay $0x3  }
0x37: {  	[smem:$0x3F77] =	sst s10  }
0x38: {  	s10 =	sld [smem:$0x3F78]  }
0x39: {  	_ = 	snop;
	(pc) =	sbr.ind lr, $3  }
0x3a: {  	_ = 	snop  }
0x3b: {  	_ = 	snop  }
0x3c: {  	p2 =	seq.s32 s10, $0x1;
	s10 =	sld [smem:$0x3F77]  }
0x3d: {  	_ =	shalt  }
0x3e: {  	_ =	shalt  }
0x3f: {  	_ =	shalt  }
0x40: {  	_ =	shalt  }
0x41: {  	_ =	shalt  }
0x42: {  	_ =	shalt  }
0x43: {  	_ =	shalt  }
0x44: {  	_ =	shalt  }
0x45: {  	_ =	shalt  }
0x46: {  	_ =	shalt  }
0x47: {  	_ =	shalt  }
0x48: {  	_ =	shalt  }
0x49: {  	_ =	shalt  }
0x4a: {  	_ =	shalt  }
0x4b: {  	_ =	shalt  }
0x4c: {  	_ =	shalt  }
0x4d: {  	_ =	shalt  }
0x4e: {  	_ =	shalt  }
0x4f: {  	_ =	shalt  }
0x50: {  	_ =	shalt  }
0x51: {  	_ =	shalt  }
0x52: {  	_ =	shalt  }
0x53: {  	_ =	shalt  }
0x54: {  	_ =	shalt  }
0x55: {  	_ =	shalt  }
0x56: {  	_ =	shalt  }
0x57: {  	_ =	shalt  }
0x58: {  	_ =	shalt  }
0x59: {  	_ =	shalt  }
0x5a: {  	_ =	shalt  }
0x5b: {  	_ =	shalt  }
0x5c: {  	_ =	shalt  }
0x5d: {  	_ =	shalt  }
0x5e: {  	_ =	shalt  }
0x5f: {  	_ =	shalt  }
0x60: {  	_ =	shalt  }
0x61: {  	_ =	shalt  }
0x62: {  	_ =	shalt  }
0x63: {  	_ =	shalt  }
0x64: {  	_ =	shalt  }
0x65: {  	_ =	shalt  }
0x66: {  	_ =	shalt  }
0x67: {  	_ =	shalt  }
0x68: {  	_ =	shalt  }
0x69: {  	_ =	shalt  }
0x6a: {  	_ =	shalt  }
0x6b: {  	_ =	shalt  }
0x6c: {  	_ =	shalt  }
0x6d: {  	_ =	shalt  }
0x6e: {  	_ =	shalt  }
0x6f: {  	_ =	shalt  }
0x70: {  	_ =	shalt  }
0x71: {  	_ =	shalt  }
0x72: {  	_ =	shalt  }
0x73: {  	_ =	shalt  }
0x74: {  	_ =	shalt  }
0x75: {  	_ =	shalt  }
0x76: {  	_ =	shalt  }
0x77: {  	_ =	shalt  }
0x78: {  	_ =	shalt  }
0x79: {  	_ =	shalt  }
0x7a: {  	_ =	shalt  }
0x7b: {  	_ =	shalt  }
0x7c: {  	_ =	shalt  }
0x7d: {  	_ =	shalt  }
0x7e: {  	_ =	shalt  }
0x7f: {  	_ =	shalt  }
0x80: {  	_ =	shalt  }
0x81: {  	_ =	shalt  }
0x82: {  	_ =	shalt  }
0x83: {  	_ =	shalt  }
0x84: {  	_ =	shalt  }
0x85: {  	_ =	shalt  }
0x86: {  	_ =	shalt  }
0x87: {  	_ =	shalt  }
.Lfunc_end0:
.L_simem_size_0:
called_computation.1_lowered:
.L_overlay_start_0:
0x88: {  	s2 =	sld [smem:$0x3FD9]  }
0x89: {  	s3 =	sld [smem:$0x3FFE];
	_ =	sdelay $0x1  }
0x8a: {  	s1 =	srdreg.scid  }
0x8b: {  	s0 =	sand.u32 $0x1, s1  }
0x8c: {  	s16 =	sshll.u32 s0, $0xA;
	s2 =	sadd.s32 s3, s2  }
0x8d: {  	s2 =	sadd.s32 s2, s16  }
0x8e: {  	[smem:$0x3F83] =	sst s2  }
0x8f: {  	_ = 	snop  }
0x90: {  	(tm) =	ssettm $0x1  }
0x91: {  	s17 =	sld [smem:$0x3FFB];
	_ =	sdelay $0x3  }
0x92: {  	_ =	strace s17  }
0x93: {  	s2 =	sld [smem:$0x3FFC];
	_ =	sdelay $0x3  }
0x94: {  	_ =	strace s2  }
0x95: {  	s2 =	sld [smem:$0x3FFD];
	_ =	sdelay $0x3  }
0x96: {  	_ =	strace s2  }
0x97: {  	_ =	strace $0x8FFFFFFF  }
0x98: {  	s18 =	sld [smem:$0x3FDB];
	_ =	sdelay $0x1  }
0x99: {  	s19 =	simm.s32 $_scs_section_size  }
0x9a: {  	s4 =	simm.s32 $_size__tile_overlayer_lowered;
	s5 =	simm.s32 $_tile_overlayer_lowered  }
0x9b: {  	s22 =	simm.s32 $0x1BFF;
	s21 =	sshll.u32 s5, $0x1;
	s2 =	sadd.s32 s19, s18  }
0x9c: {  	s6 =	simm.s32 $0x0;
	s20 =	sshll.u32 s4, $0x1;
	s4 =	sadd.s32 s21, s2  }
0x9d: {  	[timem:s6], [sflag:s22] =	dma.local [hbm:s4], s20  }
0x9e: {  	_ =	swait.ge [sflag:s22], s20  }
0x9f: {  	s3 =	ssub.s32 $0x0, s20;
	[sflag:s22] =	ssyncset.done $0x0  }
0xa0: {  	[sflag:s22] =	ssyncadd.s32 s3;
	_ =	sdelay $0x1  }
0xa1: {  	s23 =	simm.s32 $0x1B8B  }
0xa2: {  	_ =	swait.ge [sflag:s23], $0x1  }
0xa3: {  	[sflag:s23] =	ssyncset.done $0x0  }
0xa4: {  	s25 =	simm.s32 $0x1B8E;
	s24 =	sld [smem:$0x3FFE];
	[sflag:s23] =	ssyncadd.s32 $0xFFFFFFFF  }
0xa5: {  	s26 =	simm.s32 $execute0_lowered;
	[smem:$0x3FD2] =	sst s25  }
0xa6: {  	s4 =	sshll.u32 s26, $0x1;
	_ =	strace $0x80000049;
	[dreg:$0x1] =	wrdreg $0xFFFFFFFF  }
0xa7: {  	s28 =	simm.s32 $_size_execute0_lowered;
	s2 =	sadd.s32 s2, s4;
	[dreg:$0x0] =	wrdreg $0x0  }
0xa8: {  	s4 =	sshll.u32 s28, $0x1;
	[dreg:$0x2] =	wrdreg s2  }
0xa9: {  	[dreg:$0x3] =	wrdreg s4  }
0xaa: {  	[dreg:$0x4] =	wrdreg $0xC0  }
0xab: {  	_ =	task [dreg:s6], $0x5FFFF  }
0xac: {  	[dreg:$0x1] =	wrdreg $0xFFFFFFFF  }
0xad: {  	[dreg:$0x0] =	wrdreg $0x60  }
0xae: {  	[dreg:$0x2] =	wrdreg s24  }
0xaf: {  	[dreg:$0x3] =	wrdreg $0xB8000  }
0xb0: {  	[dreg:$0x4] =	wrdreg $0x9  }
0xb1: {  	_ =	task.clear_ibuf [dreg:s6], $0x5FFFF;
	_ =	strace $0x90000049  }
0xb2: {  	s29 =	simm.s32 $0x9;
	_ =	strace $0x8000004B  }
0xb3: {  	_ =	swait.ge [sflag:s29], $0x1  }
0xb4: {  	[sflag:s29] =	ssyncadd.s32 $0xFFFFFFFF  }
0xb5: {  	_ =	strace $0x9000004B  }
0xb6: {  	_ =	sfence  }
0xb7: {  	s30 =	sld [smem:$0x0];
	_ =	sdelay $0x2  }
0xb8: {  	s31 =	sshll.u32 s1, $0xD;
	s1 =	sshrl.u32 s1, $0x2  }
0xb9: {  	s3 =	sand.u32 $0x4000, s31;
	s1 =	sadd.s32 s1, s30  }
0xba: {  	s0 =	sor.u32 s3, s0;
	s1 =	sshll.u32 s1, $0x11  }
0xbb: {  	s0 =	sor.u32 s1, s0  }
0xbc: {  	s0 =	sadd.s32 $0x8F2B, s0  }
0xbd: {  	[sflag:s0] =	ssyncadd.remote.s32 $0x1  }
0xbe: {  	_ =	sfence.sel $0xFFFF  }
0xbf: {  	[dreg:$0x0] =	wrdreg $0xFFFFFFFF;
	(pc) =	sbr.abs _section_cstart, $3  }
0xc0: {  	[dreg:$0x1] =	wrdreg $0xFFFFFFFF  }
0xc1: {  	_ =	task.clear_ibuf [dreg:s6], $0x2FFFF;
	_ =	strace $0x9FFFFFFF  }
0xc2: {  	(tm) =	ssettm $0x7FFFFFFF  }
0xc3: {  	_ =	shalt  }
tec
execute0_lowered:
.L_overlay_start_1:
0x0: {  	(tag) =	ssettag $0x1  }
0x1: {  	s11 =	stileid.u32  }
0x2: {  	s0 =	rddreg [dreg:$0x0];
	s5 =	smul.u32 $0x2800, s11  }
0x3: {  	s1 =	srdreg.scid;
	s7 =	smul.u32 $0x14000, s11  }
0x4: {  	s2 =	rddreg [dreg:$0x1];
	s18 =	smul.u32 $0x50000, s11  }
0x5: {  	s3 =	simm.s32 $0x0;
	s1 =	sand.u32 $0x1, s1;
	s21 =	smul.u32 $0x140000, s11  }
0x6: {  	[smem:$0x7FF] =	sst s3;
	s4 =	smul.u32 $0x28000, s1  }
0x7: {  	s25 =	sshll.u32 s11, $0x6;
	s6 =	smul.u32 $0x140000, s1;
	_ =	strace $0x8000004A  }
0x8: {  	s20 =	smul.u32 $0x1400000, s1;
	s1 =	ssub.s32 $0x2, s1;
	s17 =	sshrl.u32 s5, $0x3  }
0x9: {  	s22 =	sshrl.u32 s1, $0x1;
	s23 =	sshrl.u32 s18, $0x2;
	s4 =	sadd.s32 s5, s4  }
0xa: {  	s9 =	sadd.s32 s17, s0;
	s19 =	sadd.s32 s7, s6;
	s1 =	ssub.s32 s1, s22  }
0xb: {  	s24 =	sadd.s32 s21, s20;
	s6 =	sor.u32 $0x1C05, s25;
	s8 =	sadd.s32 s4, s0  }
0xc: {  	s4 =	sshrl.u32 s19, $0x3;
	s7 =	sshrl.u32 s24, $0x3;
	s26 =	sadd.s32 $0xB600, s9  }
0xd: {  	s11 =	sadd.s32 $0x10600, s9;
	s1 =	smax.u32 s1, $0x1;
	s22 =	sor.u32 $0x4000, s24  }
0xe: {  	s5 =	sor.u32 $0xC000, s24;
	s10 =	sadd.s32 s4, s0;
	[dreg:$0x4] =	wrdreg s26  }
0xf: {  	s0 =	sadd.s32 $0x65600, s0;
	s4 =	sadd.s32 s23, s2;
	[dreg:$0x6] =	wrdreg s11  }
0x10: {  	s8 =	sadd.s32 $0x15600, s8;
	[dreg:$0x9] =	wrdreg s1;
	s1 =	sshrl.u32 s22, $0x3  }
0x11: {  	s23 =	sor.u32 $0x8000, s24;
	s5 =	sshrl.u32 s5, $0x3;
	s11 =	simm.s32 $0x80  }
0x12: {  	[dreg:$0x3] =	wrdreg s8;
	s7 =	sadd.s32 s0, s7;
	s13 =	sadd.s32 $0x565600, s10  }
0x13: {  	s14 =	sadd.s32 $0x1000, s4;
	s15 =	sadd.s32 $0x2000, s4;
	s16 =	sadd.s32 $0x3000, s4  }
0x14: {  	s17 =	sadd.s32 $0x4000, s4;
	s18 =	sadd.s32 $0x5000, s4;
	[dreg:$0x8] =	wrdreg s13  }
0x15: {  	s19 =	sadd.s32 $0x6000, s4;
	s20 =	sadd.s32 $0x7000, s4;
	[dreg:$0xa] =	wrdreg s14  }
0x16: {  	s21 =	sadd.s32 $0x8000, s4;
	s22 =	sadd.s32 s1, s0;
	[dreg:$0xb] =	wrdreg s15  }
0x17: {  	s24 =	sshrl.u32 s23, $0x3;
	s25 =	sadd.s32 $0x9000, s4;
	[dreg:$0xc] =	wrdreg s16  }
0x18: {  	s26 =	sadd.s32 $0xA000, s4;
	s29 =	sadd.s32 $0xC000, s4;
	[dreg:$0xd] =	wrdreg s17  }
0x19: {  	s30 =	sadd.s32 $0xD000, s4;
	s31 =	sadd.s32 $0xE000, s4;
	[dreg:$0xe] =	wrdreg s18  }
0x1a: {  	s1 =	sadd.s32 $0x10000, s4;
	s8 =	sadd.s32 $0x12000, s4;
	[dreg:$0xf] =	wrdreg s19  }
0x1b: {  	s9 =	sadd.s32 $0x13000, s4;
	s10 =	simm.s32 $0x5;
	[dreg:$0x10] =	wrdreg s20  }
0x1c: {  	s28 =	sadd.s32 $0x27800, s7;
	s12 =	sadd.s32 $0x800, s7;
	[dreg:$0x11] =	wrdreg s21  }
0x1d: {  	s23 =	sadd.s32 s24, s0;
	s24 =	sadd.s32 s5, s0;
	[dreg:$0x12] =	wrdreg s25  }
0x1e: {  	[dreg:$0x13] =	wrdreg s26;
	s0 =	sadd.s32 $0xF000, s4;
	s5 =	sadd.s32 $0x11000, s4  }
0x1f: {  	s13 =	simm.s32 $0x6800;
	s14 =	simm.s32 $0x1;
	s15 =	simm.s32 $0x3  }
0x20: {  	s16 =	simm.s32 $0x2;
	s17 =	simm.s32 $0x4;
	[dreg:$0x5] =	wrdreg s28  }
0x21: {  	s18 =	simm.s32 $0xA800;
	[dreg:$0x7] =	wrdreg s12;
	s28 =	sadd.s32 $0xB000, s4  }
0x22: {  	v0 =	vimm.f32 $0.0e+00;
	s19 =	simm.s32 $0x0;
	s12 =	simm.s32 $0x2800;
	[dreg:$0x14] =	wrdreg s28  }
.LBB2_1:
0x23: {  	s20 =	sshrl.u32 s4, $0x3;
	s21 =	rddreg [dreg:$0x3]  }
0x24: {  	[spmem:s20], [sflag:s6] =	dma.local [hbm:s21], $0x2800  }
0x25: {  	_ =	swait.ge [sflag:s10], $0x2800  }
0x26: {  	[sflag:s10] =	ssyncset.done $0x0  }
0x27: {  	s28 =	rddreg [dreg:$0x4];
	[sflag:s10] =	ssyncadd.s32 $0xFFFFD800  }
0x28: {  	[tilespmem:s3], [sflag:$0x5] =	stream.linear.gather [hbm4b:s28+s3], $0x2800, $0x38;
	[tilespmem:$0x1F800] =	vst v63  }
0x29: {  	_ =	swait.ge [sflag:s10], $0x2800  }
0x2a: {  	[sflag:s10] =	ssyncset.done $0x0  }
0x2b: {  	s25 =	simm.s32 $0x200;
	s21 =	simm.s32 $0x0;
	[sflag:s10] =	ssyncadd.s32 $0xFFFFD800  }
.LBB2_2:
0x2c: {  	p0 =	sne.s32 s25, $0x3E00;
	[tilespmem:s21+$0xA870] =	vst v0  }
0x2d: {  	[tilespmem:s21+$0xA800] =	vst v0  }
0x2e: {  	[tilespmem:s21+$0xA810] =	vst v0  }
.Ltmp0:
0x2f: {  	[tilespmem:s21+$0xA820] =	vst v0;
	(pc) =	sbr.rel @p0 .LBB2_2-.Ltmp0, $4  }
0x30: {  	[tilespmem:s21+$0xA830] =	vst v0  }
0x31: {  	[tilespmem:s21+$0xA840] =	vst v0  }
0x32: {  	[tilespmem:s21+$0xA850] =	vst v0  }
0x33: {  	[tilespmem:s21+$0xA860] =	vst v0;
	s21 =	sshra.s32 s25, $0x2;
	s25 =	sadd.s32 $0x200, s25  }
0x34: {  	[tilespmem:s21+$0xA870] =	vst v0  }
0x35: {  	[tilespmem:s21+$0xA800] =	vst v0  }
0x36: {  	[tilespmem:s21+$0xA810] =	vst v0  }
0x37: {  	[tilespmem:s21+$0xA820] =	vst v0  }
0x38: {  	[tilespmem:s21+$0xA830] =	vst v0  }
0x39: {  	[tilespmem:s21+$0xA840] =	vst v0  }
0x3a: {  	[tilespmem:s21+$0xA850] =	vst v0  }
0x3b: {  	[tilespmem:s21+$0xA860] =	vst v0  }
0x3c: {  	s28 =	simm.s32 $0x0;
	[bflag:$0x0] =	sbarrier.arrive $0xFFFF  }
0x3d: {  	[tilespmem:s12], [sflag:$0x1] =	stream.indirect.gather [spmem:s2], $0x80, s28, s11, $0xb8;
	[tilespmem:$0x1F800] =	vst v63  }
0x3e: {  	_ = 	snop  }
0x3f: {  	[tilespmem:s13], [sflag:$0x2] =	stream.indirect.gather [spmem:s2], $0x80, s11, s11, $0xb8;
	[tilespmem:$0x1F800] =	vst v63  }
0x40: {  	_ =	swait.ge [sflag:s14], $0x4000  }
0x41: {  	[sflag:s14] =	ssyncset.done $0x0  }
0x42: {  	[sflag:s14] =	ssyncadd.s32 $0xFFFFC000  }
0x43: {  	[hbm4b:s7+s28] =	stream.linear.scatter [tilespmem:s12], [sflag:$0x3], $0x4000, $0x38;
	[tilespmem:$0x1F800] =	vst v63  }
0x44: {  	_ =	swait.ge [sflag:s15], $0x4000  }
0x45: {  	[sflag:s15] =	ssyncset.done $0x0  }
0x46: {  	s25 =	simm.s32 $0x100;
	[sflag:s15] =	ssyncadd.s32 $0xFFFFC000  }
0x47: {  	[tilespmem:s12], [sflag:$0x1] =	stream.indirect.gather [spmem:s2], $0x80, s25, s11, $0xb8;
	[tilespmem:$0x1F800] =	vst v63  }
0x48: {  	_ =	swait.ge [sflag:s16], $0x4000  }
0x49: {  	[sflag:s16] =	ssyncset.done $0x0  }
0x4a: {  	s26 =	sadd.s32 $0x0, s22;
	[sflag:s16] =	ssyncadd.s32 $0xFFFFC000  }
0x4b: {  	[hbm4b:s26+s3] =	stream.linear.scatter [tilespmem:s13], [sflag:$0x4], $0x4000, $0x38;
	[tilespmem:$0x1F800] =	vst v63  }
0x4c: {  	_ =	swait.ge [sflag:s17], $0x4000  }
0x4d: {  	[sflag:s17] =	ssyncset.done $0x0  }
0x4e: {  	s28 =	simm.s32 $0x180;
	[sflag:s17] =	ssyncadd.s32 $0xFFFFC000  }
0x4f: {  	[tilespmem:s13], [sflag:$0x2] =	stream.indirect.gather [spmem:s2], $0x80, s28, s11, $0xb8;
	[tilespmem:$0x1F800] =	vst v63  }
0x50: {  	_ =	swait.ge [sflag:s14], $0x4000  }
0x51: {  	s21 =	simm.s32 $0x1000;
	[sflag:s14] =	ssyncset.done $0x0  }
0x52: {  	s25 =	simm.s32 $0x280;
	s26 =	sadd.s32 $0x0, s23;
	[sflag:s14] =	ssyncadd.s32 $0xFFFFC000  }
.LBB2_4:
0x53: {  	[hbm4b:s26+s3] =	stream.linear.scatter [tilespmem:s12], [sflag:$0x3], $0x4000, $0x38;
	[tilespmem:$0x1F800] =	vst v63  }
0x54: {  	s26 =	smov.u32 s21  }
0x55: {  	p0 =	sne.s32 s21, $0x26000;
	s21 =	sadd.s32 $0x1000, s21;
	_ =	swait.ge [sflag:s15], $0x4000  }
0x56: {  	[sflag:s15] =	ssyncset.done $0x0  }
0x57: {  	s28 =	sadd.s32 $0xFFFFFF80, s25;
	[sflag:s15] =	ssyncadd.s32 $0xFFFFC000  }
0x58: {  	[tilespmem:s12], [sflag:$0x1] =	stream.indirect.gather [spmem:s2], $0x80, s28, s11, $0xb8;
	[tilespmem:$0x1F800] =	vst v63  }
0x59: {  	_ =	swait.ge [sflag:s16], $0x4000  }
0x5a: {  	[sflag:s16] =	ssyncset.done $0x0  }
0x5b: {  	s28 =	sadd.s32 s26, s22;
	[sflag:s16] =	ssyncadd.s32 $0xFFFFC000  }
0x5c: {  	[hbm4b:s28+s3] =	stream.linear.scatter [tilespmem:s13], [sflag:$0x4], $0x4000, $0x38;
	[tilespmem:$0x1F800] =	vst v63  }
0x5d: {  	_ =	swait.ge [sflag:s17], $0x4000  }
0x5e: {  	[sflag:s17] =	ssyncset.done $0x0  }
.Ltmp1:
0x5f: {  	[sflag:s17] =	ssyncadd.s32 $0xFFFFC000;
	(pc) =	sbr.rel @p0 .LBB2_4-.Ltmp1, $4  }
0x60: {  	[tilespmem:s13], [sflag:$0x2] =	stream.indirect.gather [spmem:s2], $0x80, s25, s11, $0xb8;
	[tilespmem:$0x1F800] =	vst v63  }
0x61: {  	_ =	swait.ge [sflag:s14], $0x4000  }
0x62: {  	[sflag:s14] =	ssyncset.done $0x0  }
0x63: {  	s26 =	sadd.s32 s26, s23;
	s25 =	sadd.s32 $0x100, s25;
	[sflag:s14] =	ssyncadd.s32 $0xFFFFC000  }
0x64: {  	[hbm4b:s26+s3] =	stream.linear.scatter [tilespmem:s12], [sflag:$0x3], $0x4000, $0x38;
	[tilespmem:$0x1F800] =	vst v63  }
0x65: {  	_ =	swait.ge [sflag:s16], $0x4000  }
0x66: {  	[sflag:s16] =	ssyncset.done $0x0  }
0x67: {  	s21 =	simm.s32 $0x0;
	s25 =	rddreg [dreg:$0x5];
	[sflag:s16] =	ssyncadd.s32 $0xFFFFC000  }
0x68: {  	[hbm4b:s25+s21] =	stream.linear.scatter [tilespmem:s13], [sflag:$0x4], $0x4000, $0x38;
	[tilespmem:$0x1F800] =	vst v63  }
0x69: {  	_ =	swait.ge [sflag:s15], $0x4000  }
0x6a: {  	[sflag:s15] =	ssyncset.done $0x0  }
0x6b: {  	[sflag:s15] =	ssyncadd.s32 $0xFFFFC000  }
0x6c: {  	_ =	swait.ge [sflag:s17], $0x4000  }
0x6d: {  	[sflag:s17] =	ssyncset.done $0x0  }
0x6e: {  	[sflag:s17] =	ssyncadd.s32 $0xFFFFC000  }
0x6f: {  	[bflag:$0x0] =	sbarrier.arrive $0xFFFF  }
0x70: {  	[spmem:s4] =	stream.linear.scatter [tilespmem:s18], [sflag:$0x5], $0x1000, $0x38;
	[tilespmem:$0x1F800] =	vst v63  }
0x71: {  	_ =	swait.ge [sflag:s10], $0x1000  }
0x72: {  	[sflag:s10] =	ssyncset.done $0x0  }
0x73: {  	s26 =	rddreg [dreg:$0xa];
	[sflag:s10] =	ssyncadd.s32 $0xFFFFF000  }
0x74: {  	[spmem:s26] =	stream.linear.scatter [tilespmem:s18], [sflag:$0x5], $0x1000, $0x38;
	[tilespmem:$0x1F800] =	vst v63  }
0x75: {  	_ =	swait.ge [sflag:s10], $0x1000  }
0x76: {  	[sflag:s10] =	ssyncset.done $0x0  }
0x77: {  	s28 =	rddreg [dreg:$0xb];
	[sflag:s10] =	ssyncadd.s32 $0xFFFFF000  }
0x78: {  	[spmem:s28] =	stream.linear.scatter [tilespmem:s18], [sflag:$0x5], $0x1000, $0x38;
	[tilespmem:$0x1F800] =	vst v63  }
0x79: {  	_ =	swait.ge [sflag:s10], $0x1000  }
0x7a: {  	[sflag:s10] =	ssyncset.done $0x0  }
0x7b: {  	s26 =	rddreg [dreg:$0xc];
	[sflag:s10] =	ssyncadd.s32 $0xFFFFF000  }
0x7c: {  	[spmem:s26] =	stream.linear.scatter [tilespmem:s18], [sflag:$0x5], $0x1000, $0x38;
	[tilespmem:$0x1F800] =	vst v63  }
0x7d: {  	_ =	swait.ge [sflag:s10], $0x1000  }
0x7e: {  	[sflag:s10] =	ssyncset.done $0x0  }
0x7f: {  	s28 =	rddreg [dreg:$0xd];
	[sflag:s10] =	ssyncadd.s32 $0xFFFFF000  }
0x80: {  	[spmem:s28] =	stream.linear.scatter [tilespmem:s18], [sflag:$0x5], $0x1000, $0x38;
	[tilespmem:$0x1F800] =	vst v63  }
0x81: {  	_ =	swait.ge [sflag:s10], $0x1000  }
0x82: {  	[sflag:s10] =	ssyncset.done $0x0  }
0x83: {  	s26 =	rddreg [dreg:$0xe];
	[sflag:s10] =	ssyncadd.s32 $0xFFFFF000  }
0x84: {  	[spmem:s26] =	stream.linear.scatter [tilespmem:s18], [sflag:$0x5], $0x1000, $0x38;
	[tilespmem:$0x1F800] =	vst v63  }
0x85: {  	_ =	swait.ge [sflag:s10], $0x1000  }
0x86: {  	[sflag:s10] =	ssyncset.done $0x0  }
0x87: {  	s28 =	rddreg [dreg:$0xf];
	[sflag:s10] =	ssyncadd.s32 $0xFFFFF000  }
0x88: {  	[spmem:s28] =	stream.linear.scatter [tilespmem:s18], [sflag:$0x5], $0x1000, $0x38;
	[tilespmem:$0x1F800] =	vst v63  }
0x89: {  	_ =	swait.ge [sflag:s10], $0x1000  }
0x8a: {  	[sflag:s10] =	ssyncset.done $0x0  }
0x8b: {  	s26 =	rddreg [dreg:$0x10];
	[sflag:s10] =	ssyncadd.s32 $0xFFFFF000  }
0x8c: {  	[spmem:s26] =	stream.linear.scatter [tilespmem:s18], [sflag:$0x5], $0x1000, $0x38;
	[tilespmem:$0x1F800] =	vst v63  }
0x8d: {  	_ =	swait.ge [sflag:s10], $0x1000  }
0x8e: {  	[sflag:s10] =	ssyncset.done $0x0  }
0x8f: {  	s28 =	rddreg [dreg:$0x11];
	[sflag:s10] =	ssyncadd.s32 $0xFFFFF000  }
0x90: {  	[spmem:s28] =	stream.linear.scatter [tilespmem:s18], [sflag:$0x5], $0x1000, $0x38;
	[tilespmem:$0x1F800] =	vst v63  }
0x91: {  	_ =	swait.ge [sflag:s10], $0x1000  }
0x92: {  	[sflag:s10] =	ssyncset.done $0x0  }
0x93: {  	s26 =	rddreg [dreg:$0x12];
	[sflag:s10] =	ssyncadd.s32 $0xFFFFF000  }
0x94: {  	[spmem:s26] =	stream.linear.scatter [tilespmem:s18], [sflag:$0x5], $0x1000, $0x38;
	[tilespmem:$0x1F800] =	vst v63  }
0x95: {  	_ =	swait.ge [sflag:s10], $0x1000  }
0x96: {  	[sflag:s10] =	ssyncset.done $0x0  }
0x97: {  	s28 =	rddreg [dreg:$0x13];
	[sflag:s10] =	ssyncadd.s32 $0xFFFFF000  }
0x98: {  	[spmem:s28] =	stream.linear.scatter [tilespmem:s18], [sflag:$0x5], $0x1000, $0x38;
	[tilespmem:$0x1F800] =	vst v63  }
0x99: {  	_ =	swait.ge [sflag:s10], $0x1000  }
0x9a: {  	[sflag:s10] =	ssyncset.done $0x0  }
0x9b: {  	s26 =	rddreg [dreg:$0x14];
	[sflag:s10] =	ssyncadd.s32 $0xFFFFF000  }
0x9c: {  	[spmem:s26] =	stream.linear.scatter [tilespmem:s18], [sflag:$0x5], $0x1000, $0x38;
	[tilespmem:$0x1F800] =	vst v63  }
0x9d: {  	_ =	swait.ge [sflag:s10], $0x1000  }
0x9e: {  	[sflag:s10] =	ssyncset.done $0x0  }
0x9f: {  	[sflag:s10] =	ssyncadd.s32 $0xFFFFF000  }
0xa0: {  	[spmem:s29] =	stream.linear.scatter [tilespmem:s18], [sflag:$0x5], $0x1000, $0x38;
	[tilespmem:$0x1F800] =	vst v63  }
0xa1: {  	_ =	swait.ge [sflag:s10], $0x1000  }
0xa2: {  	[sflag:s10] =	ssyncset.done $0x0  }
0xa3: {  	[sflag:s10] =	ssyncadd.s32 $0xFFFFF000  }
0xa4: {  	[spmem:s30] =	stream.linear.scatter [tilespmem:s18], [sflag:$0x5], $0x1000, $0x38;
	[tilespmem:$0x1F800] =	vst v63  }
0xa5: {  	_ =	swait.ge [sflag:s10], $0x1000  }
0xa6: {  	[sflag:s10] =	ssyncset.done $0x0  }
0xa7: {  	[sflag:s10] =	ssyncadd.s32 $0xFFFFF000  }
0xa8: {  	[spmem:s31] =	stream.linear.scatter [tilespmem:s18], [sflag:$0x5], $0x1000, $0x38;
	[tilespmem:$0x1F800] =	vst v63  }
0xa9: {  	_ =	swait.ge [sflag:s10], $0x1000  }
0xaa: {  	[sflag:s10] =	ssyncset.done $0x0  }
0xab: {  	[sflag:s10] =	ssyncadd.s32 $0xFFFFF000  }
0xac: {  	[spmem:s0] =	stream.linear.scatter [tilespmem:s18], [sflag:$0x5], $0x1000, $0x38;
	[tilespmem:$0x1F800] =	vst v63  }
0xad: {  	_ =	swait.ge [sflag:s10], $0x1000  }
0xae: {  	[sflag:s10] =	ssyncset.done $0x0  }
0xaf: {  	[sflag:s10] =	ssyncadd.s32 $0xFFFFF000  }
0xb0: {  	[spmem:s1] =	stream.linear.scatter [tilespmem:s18], [sflag:$0x5], $0x1000, $0x38;
	[tilespmem:$0x1F800] =	vst v63  }
0xb1: {  	_ =	swait.ge [sflag:s10], $0x1000  }
0xb2: {  	[sflag:s10] =	ssyncset.done $0x0  }
0xb3: {  	[sflag:s10] =	ssyncadd.s32 $0xFFFFF000  }
0xb4: {  	[spmem:s5] =	stream.linear.scatter [tilespmem:s18], [sflag:$0x5], $0x1000, $0x38;
	[tilespmem:$0x1F800] =	vst v63  }
0xb5: {  	_ =	swait.ge [sflag:s10], $0x1000  }
0xb6: {  	[sflag:s10] =	ssyncset.done $0x0  }
0xb7: {  	[sflag:s10] =	ssyncadd.s32 $0xFFFFF000  }
0xb8: {  	[spmem:s8] =	stream.linear.scatter [tilespmem:s18], [sflag:$0x5], $0x1000, $0x38;
	[tilespmem:$0x1F800] =	vst v63  }
0xb9: {  	_ =	swait.ge [sflag:s10], $0x1000  }
0xba: {  	[sflag:s10] =	ssyncset.done $0x0  }
0xbb: {  	[sflag:s10] =	ssyncadd.s32 $0xFFFFF000  }
0xbc: {  	[spmem:s9] =	stream.linear.scatter [tilespmem:s18], [sflag:$0x5], $0x1000, $0x38;
	[tilespmem:$0x1F800] =	vst v63  }
0xbd: {  	_ =	swait.ge [sflag:s10], $0x1000  }
0xbe: {  	[sflag:s10] =	ssyncset.done $0x0  }
0xbf: {  	s28 =	rddreg [dreg:$0x6];
	[sflag:s10] =	ssyncadd.s32 $0xFFFFF000  }
0xc0: {  	[tilespmem:s21], [sflag:$0x5] =	stream.linear.gather [hbm4b:s28+s21], $0x2800, $0x38;
	[tilespmem:$0x1F800] =	vst v63  }
0xc1: {  	_ =	swait.ge [sflag:s10], $0x2800  }
0xc2: {  	[sflag:s10] =	ssyncset.done $0x0  }
0xc3: {  	[sflag:s10] =	ssyncadd.s32 $0xFFFFD800  }
0xc4: {  	[bflag:$0x0] =	sbarrier.arrive $0xFFFF  }
0xc5: {  	[tilespmem:s12], [sflag:$0x3] =	stream.linear.gather [hbm4b:s7+s21], $0x4000, $0x38;
	[tilespmem:$0x1F800] =	vst v63  }
0xc6: {  	s26 =	rddreg [dreg:$0x7]  }
0xc7: {  	[tilespmem:s13], [sflag:$0x4] =	stream.linear.gather [hbm4b:s26+s21], $0x4000, $0x38;
	[tilespmem:$0x1F800] =	vst v63  }
0xc8: {  	_ =	swait.ge [sflag:s15], $0x4000  }
0xc9: {  	[sflag:s15] =	ssyncset.done $0x0  }
0xca: {  	s28 =	simm.s32 $0x80;
	[sflag:s15] =	ssyncadd.s32 $0xFFFFC000  }
0xcb: {  	[spmem:s2] =	stream.indirect.scatter.add.f32 [tilespmem:s12], [sflag:$0x1], $0x80, s21, s28, $0xb8;
	[tilespmem:$0x1F800] =	vst v63  }
0xcc: {  	_ =	swait.ge [sflag:s14], $0x4000  }
0xcd: {  	[sflag:s14] =	ssyncset.done $0x0  }
0xce: {  	s26 =	sadd.s32 $0x0, s23;
	[sflag:s14] =	ssyncadd.s32 $0xFFFFC000  }
0xcf: {  	[tilespmem:s12], [sflag:$0x3] =	stream.linear.gather [hbm4b:s26+s3], $0x4000, $0x38;
	[tilespmem:$0x1F800] =	vst v63  }
0xd0: {  	_ =	swait.ge [sflag:s17], $0x4000  }
0xd1: {  	[sflag:s17] =	ssyncset.done $0x0  }
0xd2: {  	[sflag:s17] =	ssyncadd.s32 $0xFFFFC000  }
0xd3: {  	[spmem:s2] =	stream.indirect.scatter.add.f32 [tilespmem:s13], [sflag:$0x2], $0x80, s28, s11, $0xb8;
	[tilespmem:$0x1F800] =	vst v63  }
0xd4: {  	_ =	swait.ge [sflag:s16], $0x4000  }
0xd5: {  	[sflag:s16] =	ssyncset.done $0x0  }
0xd6: {  	s28 =	sadd.s32 $0x0, s24;
	[sflag:s16] =	ssyncadd.s32 $0xFFFFC000  }
0xd7: {  	[tilespmem:s13], [sflag:$0x4] =	stream.linear.gather [hbm4b:s28+s3], $0x4000, $0x38;
	[tilespmem:$0x1F800] =	vst v63  }
0xd8: {  	_ =	swait.ge [sflag:s15], $0x4000  }
0xd9: {  	s25 =	simm.s32 $0x180;
	[sflag:s15] =	ssyncset.done $0x0  }
0xda: {  	s21 =	simm.s32 $0x1000;
	s26 =	simm.s32 $0x100;
	[sflag:s15] =	ssyncadd.s32 $0xFFFFC000  }
.LBB2_6:
0xdb: {  	[spmem:s2] =	stream.indirect.scatter.add.f32 [tilespmem:s12], [sflag:$0x1], $0x80, s26, s11, $0xb8;
	[tilespmem:$0x1F800] =	vst v63  }
0xdc: {  	s26 =	smov.u32 s21  }
0xdd: {  	p0 =	sne.s32 s21, $0x26000;
	s21 =	sadd.s32 $0x1000, s21;
	_ =	swait.ge [sflag:s14], $0x4000  }
0xde: {  	[sflag:s14] =	ssyncset.done $0x0  }
0xdf: {  	s28 =	sadd.s32 s26, s23;
	[sflag:s14] =	ssyncadd.s32 $0xFFFFC000  }
0xe0: {  	[tilespmem:s12], [sflag:$0x3] =	stream.linear.gather [hbm4b:s28+s3], $0x4000, $0x38;
	[tilespmem:$0x1F800] =	vst v63  }
0xe1: {  	_ =	swait.ge [sflag:s17], $0x4000  }
0xe2: {  	[sflag:s17] =	ssyncset.done $0x0  }
0xe3: {  	[sflag:s17] =	ssyncadd.s32 $0xFFFFC000  }
0xe4: {  	[spmem:s2] =	stream.indirect.scatter.add.f32 [tilespmem:s13], [sflag:$0x2], $0x80, s25, s11, $0xb8;
	[tilespmem:$0x1F800] =	vst v63  }
0xe5: {  	_ =	swait.ge [sflag:s16], $0x4000  }
0xe6: {  	[sflag:s16] =	ssyncset.done $0x0  }
.Ltmp2:
0xe7: {  	s26 =	sadd.s32 s26, s24;
	[sflag:s16] =	ssyncadd.s32 $0xFFFFC000;
	(pc) =	sbr.rel @p0 .LBB2_6-.Ltmp2, $4  }
0xe8: {  	[tilespmem:s13], [sflag:$0x4] =	stream.linear.gather [hbm4b:s26+s3], $0x4000, $0x38;
	[tilespmem:$0x1F800] =	vst v63  }
0xe9: {  	_ =	swait.ge [sflag:s15], $0x4000  }
0xea: {  	[sflag:s15] =	ssyncset.done $0x0  }
0xeb: {  	s26 =	sadd.s32 $0x80, s25;
	s25 =	sadd.s32 $0x100, s25;
	[sflag:s15] =	ssyncadd.s32 $0xFFFFC000  }
0xec: {  	[spmem:s2] =	stream.indirect.scatter.add.f32 [tilespmem:s12], [sflag:$0x1], $0x80, s26, s11, $0xb8;
	[tilespmem:$0x1F800] =	vst v63  }
0xed: {  	_ =	swait.ge [sflag:s17], $0x4000  }
0xee: {  	[sflag:s17] =	ssyncset.done $0x0  }
0xef: {  	s21 =	simm.s32 $0x2780;
	[sflag:s17] =	ssyncadd.s32 $0xFFFFC000  }
0xf0: {  	[spmem:s2] =	stream.indirect.scatter.add.f32 [tilespmem:s13], [sflag:$0x2], $0x80, s21, s11, $0xb8;
	[tilespmem:$0x1F800] =	vst v63  }
0xf1: {  	_ =	swait.ge [sflag:s14], $0x4000  }
0xf2: {  	[sflag:s14] =	ssyncset.done $0x0  }
0xf3: {  	[sflag:s14] =	ssyncadd.s32 $0xFFFFC000  }
0xf4: {  	_ =	swait.ge [sflag:s16], $0x4000  }
0xf5: {  	[sflag:s16] =	ssyncset.done $0x0  }
0xf6: {  	[sflag:s16] =	ssyncadd.s32 $0xFFFFC000  }
0xf7: {  	[bflag:$0x0] =	sbarrier.arrive $0xFFFF  }
0xf8: {  	s26 =	rddreg [dreg:$0x8]  }
0xf9: {  	[hbm:s26], [sflag:s6] =	dma.local [spmem:s20], $0x2800  }
0xfa: {  	_ =	swait.ge [sflag:s10], $0x2800  }
0xfb: {  	s19 =	sadd.s32 $0x1, s19;
	s28 =	rddreg [dreg:$0x9]  }
0xfc: {  	p0 =	sne.s32 s19, s28  }
.Ltmp3:
0xfd: {  	_ = 	snop;
	(pc) =	sbr.rel @p0 .LBB2_1-.Ltmp3, $3  }
0xfe: {  	_ =	sdelay $0x1  }
0xff: {  	[sflag:s10] =	ssyncset.done $0x0  }
0x100: {  	[sflag:s10] =	ssyncadd.s32 $0xFFFFD800  }
0x101: {  	_ =	sfence.sel $0x180000  }
0x102: {  	[bflag:$0x0] =	sbarrier.arrive $0xFFFF  }
0x103: {  	_ =	strace $0x9000004A  }
0x104: {  	s0 =	stileid.u32;
	[bflag:$0x2] =	sbarrier.arrive $0xFFFF  }
0x105: {  	p0 =	sne.s32 s0, $0x0;
	s0 =	rddreg [dreg:$0x2]  }
0x106: {  	s0 =	sadd.s32 @!p0 $0x100000, s0  }
0x107: {  	[sflag:s0] =	ssyncadd.tile.s32 @!p0 $0x1;
	_ =	shalt  }
.Lfunc_end2:
_tile_overlayer_lowered:
.L_overlay_start_2:
0x108: {  	(tag) =	ssettag $0x2  }
0x109: {  	s0 =	rddreg [dreg:$0x0];
	s2 =	stileid.u32  }
0x10a: {  	s1 =	rddreg [dreg:$0x1];
	p0 =	sne.s32 s2, $0x0  }
0x10b: {  	s3 =	rddreg [dreg:$0x2];
	[bflag:$0x3] =	sbarrier.arrive $0xFFFF;
	s2 =	simm.s32 @!p0 $0x1C05  }
0x10c: {  	[timem:s3], [sflag:s2] =	dma.local @!p0 [hbm:s0], s1  }
0x10d: {  	s0 =	simm.s32 @!p0 $0x5  }
0x10e: {  	_ =	swait.ge @!p0 [sflag:s0], s1  }
0x10f: {  	s1 =	ssub.s32 @!p0 $0x0, s1;
	[sflag:s0] =	ssyncset.done @!p0 $0x0  }
0x110: {  	[sflag:s0] =	ssyncadd.s32 @!p0 s1  }
0x111: {  	[bflag:$0x3] =	sbarrier.arrive $0xFFFF  }
0x112: {  	_ =	shalt  }

// kernel: kernel.17.cloned.1.call-start
scs
__scs_entry_jumppad:
0x0: {  	(pc) =	sbr.rel $0x88, $3  }
0x1: {  	(tag) =	ssettag $0x0;
	lr =	simm.s32 $0x1  }
0x2: {  	[smem:$0x3F5C] =	sst lr;
	_ =	strace $0xD0000000  }
0x3: {  	_ = 	snop  }
0x4: {  	_ = 	snop  }
0x5: {  	_ = 	snop  }
0x6: {  	_ = 	snop  }
0x7: {  	_ = 	snop  }
__scs_overlays_trampoline_lowered:
0x8: {  	[smem:$0x3F6B] =	sst s0  }
0x9: {  	[smem:$0x3F6C] =	sst s1  }
0xa: {  	[smem:$0x3F6D] =	sst s2  }
0xb: {  	[smem:$0x3F6E] =	sst s3  }
0xc: {  	[smem:$0x3F6F] =	sst s4  }
0xd: {  	[smem:$0x3F70] =	sst s5  }
0xe: {  	[smem:$0x3F71] =	sst s6  }
0xf: {  	[smem:$0x3F72] =	sst s7  }
0x10: {  	[smem:$0x3F73] =	sst s8  }
0x11: {  	[smem:$0x3F74] =	sst s9;
	s0 =	simm.s32 @!p0 $0x0  }
0x12: {  	s1 =	sld [smem:$0x3F5A];
	s0 =	simm.s32 @p0 $0x1  }
0x13: {  	[smem:$0x3F75] =	sst s0;
	s0 =	simm.s32 @!p1 $0x0  }
0x14: {  	s2 =	sld [smem:$0x3F59];
	s0 =	simm.s32 @p1 $0x1  }
0x15: {  	[smem:$0x3F76] =	sst s0;
	s0 =	simm.s32 @!p2 $0x0  }
0x16: {  	s3 =	sld [smem:$0x3FDB];
	s0 =	simm.s32 @p2 $0x1  }
0x17: {  	s4 =	simm.s32 $0x1BF5;
	[smem:$0x3F78] =	sst s0  }
0x18: {  	s0 =	sld [smem:$0x3F5B];
	_ =	swait.ge [sflag:s4], $0x0  }
0x19: {  	s7 =	sld [smem:$0x3F5C]  }
0x1a: {  	s8 =	sadd.s32 $0xFFFFE003, lr  }
0x1b: {  	s9 =	sadd.s32 $0xFFFFFEF7, lr;
	s5 =	simm.s32 $0xFFFFFFFF;
	p2 =	slt.u32 s8, $0xFFFFF086  }
0x1c: {  	p1 =	slt.u32 s9, $0xF7A;
	s5 =	simm.s32 @!p2 $0x0  }
0x1d: {  	s5 =	simm.s32 @p1 $0x1;
	p0 =	seq.s32 s7, s2  }
0x1e: {  	s7 =	smul.u32 @!p0 $0xF7A, s2;
	p2 =	seq.s32 @!p0 s5, $0x0  }
0x1f: {  	s9 =	smul.u32 $0xF7A, s1;
	s8 =	simm.s32 @!p0 $0x1BF5;
	p2 =	por !p2, p0  }
0x20: {  	[sflag:s8] =	ssyncset.s32 @!p0 $0xFFFFF086;
	s6 =	sadd.s32 @!p0 s3, s7;
	s7 =	simm.s32 @!p0 $0x108  }
0x21: {  	s3 =	sadd.s32 s3, s9;
	s6 =	sadd.s32 @!p0 $0x88, s6;
	s7 =	simm.s32 @p2 $0x1082  }
0x22: {  	[simem:s7], [sflag:s8] =	dma.local @!p0 [hbm:s6], $0xF7A  }
0x23: {  	s9 =	sor.u32 $0xD0000000, s2;
	s6 =	simm.s32 $0x108;
	_ =	swait.ge @!p0 [sflag:s8], $0x0  }
0x24: {  	s3 =	sadd.s32 $0x88, s3;
	s6 =	simm.s32 @!p1 $0x1082;
	[sflag:s4] =	ssyncset.s32 $0xFFFFF086  }
0x25: {  	[simem:s6], [sflag:s4] =	dma.local [hbm:s3], $0xF7A  }
0x26: {  	[smem:$0x3F5C] =	sst s1;
	(tag) =	ssettag s2;
	_ =	strace s9  }
0x27: {  	s1 =	sld [smem:$0x3F6C]  }
0x28: {  	s2 =	sld [smem:$0x3F6D]  }
0x29: {  	s4 =	sld [smem:$0x3F6F]  }
0x2a: {  	p0 =	seq.s32 s5, $0x0;
	s5 =	sld [smem:$0x3F70]  }
0x2b: {  	s6 =	sld [smem:$0x3F71]  }
0x2c: {  	s7 =	sld [smem:$0x3F72]  }
0x2d: {  	s3 =	simm.s32 $0x108;
	s8 =	sld [smem:$0x3F73]  }
0x2e: {  	s3 =	simm.s32 @!p0 $0x1082;
	s9 =	sld [smem:$0x3F74]  }
0x2f: {  	lr =	sadd.s32 s0, s3;
	s0 =	sld [smem:$0x3F6B]  }
0x30: {  	s3 =	sld [smem:$0x3F6E]  }
0x31: {  	[smem:$0x3F77] =	sst s10  }
0x32: {  	s10 =	sld [smem:$0x3F75];
	_ =	sdelay $0x3  }
0x33: {  	p0 =	seq.s32 s10, $0x1;
	s10 =	sld [smem:$0x3F77];
	_ =	sdelay $0x3  }
0x34: {  	[smem:$0x3F77] =	sst s10  }
0x35: {  	s10 =	sld [smem:$0x3F76];
	_ =	sdelay $0x3  }
0x36: {  	p1 =	seq.s32 s10, $0x1;
	s10 =	sld [smem:$0x3F77];
	_ =	sdelay $0x3  }
0x37: {  	[smem:$0x3F77] =	sst s10  }
0x38: {  	s10 =	sld [smem:$0x3F78]  }
0x39: {  	_ = 	snop;
	(pc) =	sbr.ind lr, $3  }
0x3a: {  	_ = 	snop  }
0x3b: {  	_ = 	snop  }
0x3c: {  	p2 =	seq.s32 s10, $0x1;
	s10 =	sld [smem:$0x3F77]  }
0x3d: {  	_ =	shalt  }
0x3e: {  	_ =	shalt  }
0x3f: {  	_ =	shalt  }
0x40: {  	_ =	shalt  }
0x41: {  	_ =	shalt  }
0x42: {  	_ =	shalt  }
0x43: {  	_ =	shalt  }
0x44: {  	_ =	shalt  }
0x45: {  	_ =	shalt  }
0x46: {  	_ =	shalt  }
0x47: {  	_ =	shalt  }
0x48: {  	_ =	shalt  }
0x49: {  	_ =	shalt  }
0x4a: {  	_ =	shalt  }
0x4b: {  	_ =	shalt  }
0x4c: {  	_ =	shalt  }
0x4d: {  	_ =	shalt  }
0x4e: {  	_ =	shalt  }
0x4f: {  	_ =	shalt  }
0x50: {  	_ =	shalt  }
0x51: {  	_ =	shalt  }
0x52: {  	_ =	shalt  }
0x53: {  	_ =	shalt  }
0x54: {  	_ =	shalt  }
0x55: {  	_ =	shalt  }
0x56: {  	_ =	shalt  }
0x57: {  	_ =	shalt  }
0x58: {  	_ =	shalt  }
0x59: {  	_ =	shalt  }
0x5a: {  	_ =	shalt  }
0x5b: {  	_ =	shalt  }
0x5c: {  	_ =	shalt  }
0x5d: {  	_ =	shalt  }
0x5e: {  	_ =	shalt  }
0x5f: {  	_ =	shalt  }
0x60: {  	_ =	shalt  }
0x61: {  	_ =	shalt  }
0x62: {  	_ =	shalt  }
0x63: {  	_ =	shalt  }
0x64: {  	_ =	shalt  }
0x65: {  	_ =	shalt  }
0x66: {  	_ =	shalt  }
0x67: {  	_ =	shalt  }
0x68: {  	_ =	shalt  }
0x69: {  	_ =	shalt  }
0x6a: {  	_ =	shalt  }
0x6b: {  	_ =	shalt  }
0x6c: {  	_ =	shalt  }
0x6d: {  	_ =	shalt  }
0x6e: {  	_ =	shalt  }
0x6f: {  	_ =	shalt  }
0x70: {  	_ =	shalt  }
0x71: {  	_ =	shalt  }
0x72: {  	_ =	shalt  }
0x73: {  	_ =	shalt  }
0x74: {  	_ =	shalt  }
0x75: {  	_ =	shalt  }
0x76: {  	_ =	shalt  }
0x77: {  	_ =	shalt  }
0x78: {  	_ =	shalt  }
0x79: {  	_ =	shalt  }
0x7a: {  	_ =	shalt  }
0x7b: {  	_ =	shalt  }
0x7c: {  	_ =	shalt  }
0x7d: {  	_ =	shalt  }
0x7e: {  	_ =	shalt  }
0x7f: {  	_ =	shalt  }
0x80: {  	_ =	shalt  }
0x81: {  	_ =	shalt  }
0x82: {  	_ =	shalt  }
0x83: {  	_ =	shalt  }
0x84: {  	_ =	shalt  }
0x85: {  	_ =	shalt  }
0x86: {  	_ =	shalt  }
0x87: {  	_ =	shalt  }
.Lfunc_end0:
.L_simem_size_0:
called_computation.2_lowered:
.L_overlay_start_0:
0x88: {  	s2 =	sld [smem:$0x3FD9]  }
0x89: {  	s3 =	sld [smem:$0x3FFE];
	_ =	sdelay $0x1  }
0x8a: {  	s1 =	srdreg.scid  }
0x8b: {  	s0 =	sand.u32 $0x1, s1  }
0x8c: {  	s16 =	sshll.u32 s0, $0xA;
	s2 =	sadd.s32 s3, s2  }
0x8d: {  	s2 =	sadd.s32 s2, s16  }
0x8e: {  	[smem:$0x3F83] =	sst s2  }
0x8f: {  	_ = 	snop  }
0x90: {  	(tm) =	ssettm $0x1  }
0x91: {  	s17 =	sld [smem:$0x3FFB];
	_ =	sdelay $0x3  }
0x92: {  	_ =	strace s17  }
0x93: {  	s2 =	sld [smem:$0x3FFC];
	_ =	sdelay $0x3  }
0x94: {  	_ =	strace s2  }
0x95: {  	s2 =	sld [smem:$0x3FFD];
	_ =	sdelay $0x3  }
0x96: {  	_ =	strace s2  }
0x97: {  	_ =	strace $0x8FFFFFFF  }
0x98: {  	s18 =	sld [smem:$0x3FDB];
	_ =	sdelay $0x1  }
0x99: {  	s19 =	simm.s32 $_scs_section_size  }
0x9a: {  	s4 =	simm.s32 $_size__tile_overlayer_lowered;
	s5 =	simm.s32 $_tile_overlayer_lowered  }
0x9b: {  	s22 =	simm.s32 $0x1BFF;
	s21 =	sshll.u32 s5, $0x1;
	s2 =	sadd.s32 s19, s18  }
0x9c: {  	s6 =	simm.s32 $0x0;
	s20 =	sshll.u32 s4, $0x1;
	s4 =	sadd.s32 s21, s2  }
0x9d: {  	[timem:s6], [sflag:s22] =	dma.local [hbm:s4], s20  }
0x9e: {  	_ =	swait.ge [sflag:s22], s20  }
0x9f: {  	s3 =	ssub.s32 $0x0, s20;
	[sflag:s22] =	ssyncset.done $0x0  }
0xa0: {  	[sflag:s22] =	ssyncadd.s32 s3;
	_ =	sdelay $0x1  }
0xa1: {  	s23 =	simm.s32 $0x1B8B  }
0xa2: {  	_ =	swait.ge [sflag:s23], $0x1  }
0xa3: {  	[sflag:s23] =	ssyncset.done $0x0  }
0xa4: {  	s25 =	simm.s32 $0x1B8E;
	s24 =	sld [smem:$0x3FFE];
	[sflag:s23] =	ssyncadd.s32 $0xFFFFFFFF  }
0xa5: {  	s26 =	simm.s32 $execute0_lowered;
	[smem:$0x3FD2] =	sst s25  }
0xa6: {  	s4 =	sshll.u32 s26, $0x1;
	_ =	strace $0x8000004C;
	[dreg:$0x1] =	wrdreg $0xFFFFFFFF  }
0xa7: {  	s28 =	simm.s32 $_size_execute0_lowered;
	s2 =	sadd.s32 s2, s4;
	[dreg:$0x0] =	wrdreg $0x0  }
0xa8: {  	s4 =	sshll.u32 s28, $0x1;
	[dreg:$0x2] =	wrdreg s2  }
0xa9: {  	[dreg:$0x3] =	wrdreg s4  }
0xaa: {  	[dreg:$0x4] =	wrdreg $0xC0  }
0xab: {  	_ =	task [dreg:s6], $0x5FFFF  }
0xac: {  	[dreg:$0x1] =	wrdreg $0xFFFFFFFF  }
0xad: {  	[dreg:$0x0] =	wrdreg $0x60  }
0xae: {  	[dreg:$0x2] =	wrdreg s24  }
0xaf: {  	[dreg:$0x3] =	wrdreg $0xB8000  }
0xb0: {  	[dreg:$0x4] =	wrdreg $0x9  }
0xb1: {  	_ =	task.clear_ibuf [dreg:s6], $0x5FFFF;
	_ =	strace $0x9000004C  }
0xb2: {  	s29 =	simm.s32 $0x9;
	_ =	strace $0x8000004E  }
0xb3: {  	_ =	swait.ge [sflag:s29], $0x1  }
0xb4: {  	[sflag:s29] =	ssyncadd.s32 $0xFFFFFFFF  }
0xb5: {  	_ =	strace $0x9000004E  }
0xb6: {  	_ =	sfence  }
0xb7: {  	s30 =	sld [smem:$0x0];
	_ =	sdelay $0x2  }
0xb8: {  	s31 =	sshll.u32 s1, $0xD;
	s1 =	sshrl.u32 s1, $0x2  }
0xb9: {  	s3 =	sand.u32 $0x4000, s31;
	s1 =	sadd.s32 s1, s30  }
0xba: {  	s0 =	sor.u32 s3, s0;
	s1 =	sshll.u32 s1, $0x11  }
0xbb: {  	s0 =	sor.u32 s1, s0  }
0xbc: {  	s0 =	sadd.s32 $0x8F2B, s0  }
0xbd: {  	[sflag:s0] =	ssyncadd.remote.s32 $0x1  }
0xbe: {  	_ =	sfence.sel $0xFFFF  }
0xbf: {  	[dreg:$0x0] =	wrdreg $0xFFFFFFFF;
	(pc) =	sbr.abs _section_cstart, $3  }
0xc0: {  	[dreg:$0x1] =	wrdreg $0xFFFFFFFF  }
0xc1: {  	_ =	task.clear_ibuf [dreg:s6], $0x2FFFF;
	_ =	strace $0x9FFFFFFF  }
0xc2: {  	(tm) =	ssettm $0x7FFFFFFF  }
0xc3: {  	_ =	shalt  }
tec
execute0_lowered:
.L_overlay_start_1:
0x0: {  	(tag) =	ssettag $0x1  }
0x1: {  	s11 =	stileid.u32  }
0x2: {  	s0 =	rddreg [dreg:$0x0];
	s5 =	smul.u32 $0x2800, s11  }
0x3: {  	s1 =	srdreg.scid;
	s7 =	smul.u32 $0x14000, s11  }
0x4: {  	s2 =	rddreg [dreg:$0x1];
	s18 =	smul.u32 $0x50000, s11  }
0x5: {  	s3 =	simm.s32 $0x0;
	s1 =	sand.u32 $0x1, s1;
	s21 =	smul.u32 $0x140000, s11  }
0x6: {  	[smem:$0x7FF] =	sst s3;
	s4 =	smul.u32 $0x28000, s1  }
0x7: {  	s25 =	sshll.u32 s11, $0x6;
	s6 =	smul.u32 $0x140000, s1;
	_ =	strace $0x8000004D  }
0x8: {  	s20 =	smul.u32 $0x1400000, s1;
	s1 =	ssub.s32 $0x2, s1;
	s17 =	sshrl.u32 s5, $0x3  }
0x9: {  	s22 =	sshrl.u32 s1, $0x1;
	s23 =	sshrl.u32 s18, $0x2;
	s4 =	sadd.s32 s5, s4  }
0xa: {  	s9 =	sadd.s32 s17, s0;
	s19 =	sadd.s32 s7, s6;
	s1 =	ssub.s32 s1, s22  }
0xb: {  	s24 =	sadd.s32 s21, s20;
	s6 =	sor.u32 $0x1C05, s25;
	s8 =	sadd.s32 s4, s0  }
0xc: {  	s4 =	sshrl.u32 s19, $0x3;
	s7 =	sshrl.u32 s24, $0x3;
	s26 =	sadd.s32 $0xB600, s9  }
0xd: {  	s11 =	sadd.s32 $0x10600, s9;
	s1 =	smax.u32 s1, $0x1;
	s22 =	sor.u32 $0x4000, s24  }
0xe: {  	s5 =	sor.u32 $0xC000, s24;
	s10 =	sadd.s32 s4, s0;
	[dreg:$0x4] =	wrdreg s26  }
0xf: {  	s0 =	sadd.s32 $0x65E00, s0;
	s4 =	sadd.s32 s23, s2;
	[dreg:$0x6] =	wrdreg s11  }
0x10: {  	s8 =	sadd.s32 $0x15E00, s8;
	[dreg:$0x9] =	wrdreg s1;
	s1 =	sshrl.u32 s22, $0x3  }
0x11: {  	s23 =	sor.u32 $0x8000, s24;
	s5 =	sshrl.u32 s5, $0x3;
	s11 =	simm.s32 $0x80  }
0x12: {  	[dreg:$0x3] =	wrdreg s8;
	s7 =	sadd.s32 s0, s7;
	s13 =	sadd.s32 $0x565E00, s10  }
0x13: {  	s14 =	sadd.s32 $0x1000, s4;
	s15 =	sadd.s32 $0x2000, s4;
	s16 =	sadd.s32 $0x3000, s4  }
0x14: {  	s17 =	sadd.s32 $0x4000, s4;
	s18 =	sadd.s32 $0x5000, s4;
	[dreg:$0x8] =	wrdreg s13  }
0x15: {  	s19 =	sadd.s32 $0x6000, s4;
	s20 =	sadd.s32 $0x7000, s4;
	[dreg:$0xa] =	wrdreg s14  }
0x16: {  	s21 =	sadd.s32 $0x8000, s4;
	s22 =	sadd.s32 s1, s0;
	[dreg:$0xb] =	wrdreg s15  }
0x17: {  	s24 =	sshrl.u32 s23, $0x3;
	s25 =	sadd.s32 $0x9000, s4;
	[dreg:$0xc] =	wrdreg s16  }
0x18: {  	s26 =	sadd.s32 $0xA000, s4;
	s29 =	sadd.s32 $0xC000, s4;
	[dreg:$0xd] =	wrdreg s17  }
0x19: {  	s30 =	sadd.s32 $0xD000, s4;
	s31 =	sadd.s32 $0xE000, s4;
	[dreg:$0xe] =	wrdreg s18  }
0x1a: {  	s1 =	sadd.s32 $0x10000, s4;
	s8 =	sadd.s32 $0x12000, s4;
	[dreg:$0xf] =	wrdreg s19  }
0x1b: {  	s9 =	sadd.s32 $0x13000, s4;
	s10 =	simm.s32 $0x5;
	[dreg:$0x10] =	wrdreg s20  }
0x1c: {  	s28 =	sadd.s32 $0x27800, s7;
	s12 =	sadd.s32 $0x800, s7;
	[dreg:$0x11] =	wrdreg s21  }
0x1d: {  	s23 =	sadd.s32 s24, s0;
	s24 =	sadd.s32 s5, s0;
	[dreg:$0x12] =	wrdreg s25  }
0x1e: {  	[dreg:$0x13] =	wrdreg s26;
	s0 =	sadd.s32 $0xF000, s4;
	s5 =	sadd.s32 $0x11000, s4  }
0x1f: {  	s13 =	simm.s32 $0x6800;
	s14 =	simm.s32 $0x1;
	s15 =	simm.s32 $0x3  }
0x20: {  	s16 =	simm.s32 $0x2;
	s17 =	simm.s32 $0x4;
	[dreg:$0x5] =	wrdreg s28  }
0x21: {  	s18 =	simm.s32 $0xA800;
	[dreg:$0x7] =	wrdreg s12;
	s28 =	sadd.s32 $0xB000, s4  }
0x22: {  	v0 =	vimm.f32 $0.0e+00;
	s19 =	simm.s32 $0x0;
	s12 =	simm.s32 $0x2800;
	[dreg:$0x14] =	wrdreg s28  }
.LBB2_1:
0x23: {  	s20 =	sshrl.u32 s4, $0x3;
	s21 =	rddreg [dreg:$0x3]  }
0x24: {  	[spmem:s20], [sflag:s6] =	dma.local [hbm:s21], $0x2800  }
0x25: {  	_ =	swait.ge [sflag:s10], $0x2800  }
0x26: {  	[sflag:s10] =	ssyncset.done $0x0  }
0x27: {  	s28 =	rddreg [dreg:$0x4];
	[sflag:s10] =	ssyncadd.s32 $0xFFFFD800  }
0x28: {  	[tilespmem:s3], [sflag:$0x5] =	stream.linear.gather [hbm4b:s28+s3], $0x2800, $0x38;
	[tilespmem:$0x1F800] =	vst v63  }
0x29: {  	_ =	swait.ge [sflag:s10], $0x2800  }
0x2a: {  	[sflag:s10] =	ssyncset.done $0x0  }
0x2b: {  	s25 =	simm.s32 $0x200;
	s21 =	simm.s32 $0x0;
	[sflag:s10] =	ssyncadd.s32 $0xFFFFD800  }
.LBB2_2:
0x2c: {  	p0 =	sne.s32 s25, $0x3E00;
	[tilespmem:s21+$0xA870] =	vst v0  }
0x2d: {  	[tilespmem:s21+$0xA800] =	vst v0  }
0x2e: {  	[tilespmem:s21+$0xA810] =	vst v0  }
.Ltmp0:
0x2f: {  	[tilespmem:s21+$0xA820] =	vst v0;
	(pc) =	sbr.rel @p0 .LBB2_2-.Ltmp0, $4  }
0x30: {  	[tilespmem:s21+$0xA830] =	vst v0  }
0x31: {  	[tilespmem:s21+$0xA840] =	vst v0  }
0x32: {  	[tilespmem:s21+$0xA850] =	vst v0  }
0x33: {  	[tilespmem:s21+$0xA860] =	vst v0;
	s21 =	sshra.s32 s25, $0x2;
	s25 =	sadd.s32 $0x200, s25  }
0x34: {  	[tilespmem:s21+$0xA870] =	vst v0  }
0x35: {  	[tilespmem:s21+$0xA800] =	vst v0  }
0x36: {  	[tilespmem:s21+$0xA810] =	vst v0  }
0x37: {  	[tilespmem:s21+$0xA820] =	vst v0  }
0x38: {  	[tilespmem:s21+$0xA830] =	vst v0  }
0x39: {  	[tilespmem:s21+$0xA840] =	vst v0  }
0x3a: {  	[tilespmem:s21+$0xA850] =	vst v0  }
0x3b: {  	[tilespmem:s21+$0xA860] =	vst v0  }
0x3c: {  	s28 =	simm.s32 $0x0;
	[bflag:$0x0] =	sbarrier.arrive $0xFFFF  }
0x3d: {  	[tilespmem:s12], [sflag:$0x1] =	stream.indirect.gather [spmem:s2], $0x80, s28, s11, $0xb8;
	[tilespmem:$0x1F800] =	vst v63  }
0x3e: {  	_ = 	snop  }
0x3f: {  	[tilespmem:s13], [sflag:$0x2] =	stream.indirect.gather [spmem:s2], $0x80, s11, s11, $0xb8;
	[tilespmem:$0x1F800] =	vst v63  }
0x40: {  	_ =	swait.ge [sflag:s14], $0x4000  }
0x41: {  	[sflag:s14] =	ssyncset.done $0x0  }
0x42: {  	[sflag:s14] =	ssyncadd.s32 $0xFFFFC000  }
0x43: {  	[hbm4b:s7+s28] =	stream.linear.scatter [tilespmem:s12], [sflag:$0x3], $0x4000, $0x38;
	[tilespmem:$0x1F800] =	vst v63  }
0x44: {  	_ =	swait.ge [sflag:s15], $0x4000  }
0x45: {  	[sflag:s15] =	ssyncset.done $0x0  }
0x46: {  	s25 =	simm.s32 $0x100;
	[sflag:s15] =	ssyncadd.s32 $0xFFFFC000  }
0x47: {  	[tilespmem:s12], [sflag:$0x1] =	stream.indirect.gather [spmem:s2], $0x80, s25, s11, $0xb8;
	[tilespmem:$0x1F800] =	vst v63  }
0x48: {  	_ =	swait.ge [sflag:s16], $0x4000  }
0x49: {  	[sflag:s16] =	ssyncset.done $0x0  }
0x4a: {  	s26 =	sadd.s32 $0x0, s22;
	[sflag:s16] =	ssyncadd.s32 $0xFFFFC000  }
0x4b: {  	[hbm4b:s26+s3] =	stream.linear.scatter [tilespmem:s13], [sflag:$0x4], $0x4000, $0x38;
	[tilespmem:$0x1F800] =	vst v63  }
0x4c: {  	_ =	swait.ge [sflag:s17], $0x4000  }
0x4d: {  	[sflag:s17] =	ssyncset.done $0x0  }
0x4e: {  	s28 =	simm.s32 $0x180;
	[sflag:s17] =	ssyncadd.s32 $0xFFFFC000  }
0x4f: {  	[tilespmem:s13], [sflag:$0x2] =	stream.indirect.gather [spmem:s2], $0x80, s28, s11, $0xb8;
	[tilespmem:$0x1F800] =	vst v63  }
0x50: {  	_ =	swait.ge [sflag:s14], $0x4000  }
0x51: {  	s21 =	simm.s32 $0x1000;
	[sflag:s14] =	ssyncset.done $0x0  }
0x52: {  	s25 =	simm.s32 $0x280;
	s26 =	sadd.s32 $0x0, s23;
	[sflag:s14] =	ssyncadd.s32 $0xFFFFC000  }
.LBB2_4:
0x53: {  	[hbm4b:s26+s3] =	stream.linear.scatter [tilespmem:s12], [sflag:$0x3], $0x4000, $0x38;
	[tilespmem:$0x1F800] =	vst v63  }
0x54: {  	s26 =	smov.u32 s21  }
0x55: {  	p0 =	sne.s32 s21, $0x26000;
	s21 =	sadd.s32 $0x1000, s21;
	_ =	swait.ge [sflag:s15], $0x4000  }
0x56: {  	[sflag:s15] =	ssyncset.done $0x0  }
0x57: {  	s28 =	sadd.s32 $0xFFFFFF80, s25;
	[sflag:s15] =	ssyncadd.s32 $0xFFFFC000  }
0x58: {  	[tilespmem:s12], [sflag:$0x1] =	stream.indirect.gather [spmem:s2], $0x80, s28, s11, $0xb8;
	[tilespmem:$0x1F800] =	vst v63  }
0x59: {  	_ =	swait.ge [sflag:s16], $0x4000  }
0x5a: {  	[sflag:s16] =	ssyncset.done $0x0  }
0x5b: {  	s28 =	sadd.s32 s26, s22;
	[sflag:s16] =	ssyncadd.s32 $0xFFFFC000  }
0x5c: {  	[hbm4b:s28+s3] =	stream.linear.scatter [tilespmem:s13], [sflag:$0x4], $0x4000, $0x38;
	[tilespmem:$0x1F800] =	vst v63  }
0x5d: {  	_ =	swait.ge [sflag:s17], $0x4000  }
0x5e: {  	[sflag:s17] =	ssyncset.done $0x0  }
.Ltmp1:
0x5f: {  	[sflag:s17] =	ssyncadd.s32 $0xFFFFC000;
	(pc) =	sbr.rel @p0 .LBB2_4-.Ltmp1, $4  }
0x60: {  	[tilespmem:s13], [sflag:$0x2] =	stream.indirect.gather [spmem:s2], $0x80, s25, s11, $0xb8;
	[tilespmem:$0x1F800] =	vst v63  }
0x61: {  	_ =	swait.ge [sflag:s14], $0x4000  }
0x62: {  	[sflag:s14] =	ssyncset.done $0x0  }
0x63: {  	s26 =	sadd.s32 s26, s23;
	s25 =	sadd.s32 $0x100, s25;
	[sflag:s14] =	ssyncadd.s32 $0xFFFFC000  }
0x64: {  	[hbm4b:s26+s3] =	stream.linear.scatter [tilespmem:s12], [sflag:$0x3], $0x4000, $0x38;
	[tilespmem:$0x1F800] =	vst v63  }
0x65: {  	_ =	swait.ge [sflag:s16], $0x4000  }
0x66: {  	[sflag:s16] =	ssyncset.done $0x0  }
0x67: {  	s21 =	simm.s32 $0x0;
	s25 =	rddreg [dreg:$0x5];
	[sflag:s16] =	ssyncadd.s32 $0xFFFFC000  }
0x68: {  	[hbm4b:s25+s21] =	stream.linear.scatter [tilespmem:s13], [sflag:$0x4], $0x4000, $0x38;
	[tilespmem:$0x1F800] =	vst v63  }
0x69: {  	_ =	swait.ge [sflag:s15], $0x4000  }
0x6a: {  	[sflag:s15] =	ssyncset.done $0x0  }
0x6b: {  	[sflag:s15] =	ssyncadd.s32 $0xFFFFC000  }
0x6c: {  	_ =	swait.ge [sflag:s17], $0x4000  }
0x6d: {  	[sflag:s17] =	ssyncset.done $0x0  }
0x6e: {  	[sflag:s17] =	ssyncadd.s32 $0xFFFFC000  }
0x6f: {  	[bflag:$0x0] =	sbarrier.arrive $0xFFFF  }
0x70: {  	[spmem:s4] =	stream.linear.scatter [tilespmem:s18], [sflag:$0x5], $0x1000, $0x38;
	[tilespmem:$0x1F800] =	vst v63  }
0x71: {  	_ =	swait.ge [sflag:s10], $0x1000  }
0x72: {  	[sflag:s10] =	ssyncset.done $0x0  }
0x73: {  	s26 =	rddreg [dreg:$0xa];
	[sflag:s10] =	ssyncadd.s32 $0xFFFFF000  }
0x74: {  	[spmem:s26] =	stream.linear.scatter [tilespmem:s18], [sflag:$0x5], $0x1000, $0x38;
	[tilespmem:$0x1F800] =	vst v63  }
0x75: {  	_ =	swait.ge [sflag:s10], $0x1000  }
0x76: {  	[sflag:s10] =	ssyncset.done $0x0  }
0x77: {  	s28 =	rddreg [dreg:$0xb];
	[sflag:s10] =	ssyncadd.s32 $0xFFFFF000  }
0x78: {  	[spmem:s28] =	stream.linear.scatter [tilespmem:s18], [sflag:$0x5], $0x1000, $0x38;
	[tilespmem:$0x1F800] =	vst v63  }
0x79: {  	_ =	swait.ge [sflag:s10], $0x1000  }
0x7a: {  	[sflag:s10] =	ssyncset.done $0x0  }
0x7b: {  	s26 =	rddreg [dreg:$0xc];
	[sflag:s10] =	ssyncadd.s32 $0xFFFFF000  }
0x7c: {  	[spmem:s26] =	stream.linear.scatter [tilespmem:s18], [sflag:$0x5], $0x1000, $0x38;
	[tilespmem:$0x1F800] =	vst v63  }
0x7d: {  	_ =	swait.ge [sflag:s10], $0x1000  }
0x7e: {  	[sflag:s10] =	ssyncset.done $0x0  }
0x7f: {  	s28 =	rddreg [dreg:$0xd];
	[sflag:s10] =	ssyncadd.s32 $0xFFFFF000  }
0x80: {  	[spmem:s28] =	stream.linear.scatter [tilespmem:s18], [sflag:$0x5], $0x1000, $0x38;
	[tilespmem:$0x1F800] =	vst v63  }
0x81: {  	_ =	swait.ge [sflag:s10], $0x1000  }
0x82: {  	[sflag:s10] =	ssyncset.done $0x0  }
0x83: {  	s26 =	rddreg [dreg:$0xe];
	[sflag:s10] =	ssyncadd.s32 $0xFFFFF000  }
0x84: {  	[spmem:s26] =	stream.linear.scatter [tilespmem:s18], [sflag:$0x5], $0x1000, $0x38;
	[tilespmem:$0x1F800] =	vst v63  }
0x85: {  	_ =	swait.ge [sflag:s10], $0x1000  }
0x86: {  	[sflag:s10] =	ssyncset.done $0x0  }
0x87: {  	s28 =	rddreg [dreg:$0xf];
	[sflag:s10] =	ssyncadd.s32 $0xFFFFF000  }
0x88: {  	[spmem:s28] =	stream.linear.scatter [tilespmem:s18], [sflag:$0x5], $0x1000, $0x38;
	[tilespmem:$0x1F800] =	vst v63  }
0x89: {  	_ =	swait.ge [sflag:s10], $0x1000  }
0x8a: {  	[sflag:s10] =	ssyncset.done $0x0  }
0x8b: {  	s26 =	rddreg [dreg:$0x10];
	[sflag:s10] =	ssyncadd.s32 $0xFFFFF000  }
0x8c: {  	[spmem:s26] =	stream.linear.scatter [tilespmem:s18], [sflag:$0x5], $0x1000, $0x38;
	[tilespmem:$0x1F800] =	vst v63  }
0x8d: {  	_ =	swait.ge [sflag:s10], $0x1000  }
0x8e: {  	[sflag:s10] =	ssyncset.done $0x0  }
0x8f: {  	s28 =	rddreg [dreg:$0x11];
	[sflag:s10] =	ssyncadd.s32 $0xFFFFF000  }
0x90: {  	[spmem:s28] =	stream.linear.scatter [tilespmem:s18], [sflag:$0x5], $0x1000, $0x38;
	[tilespmem:$0x1F800] =	vst v63  }
0x91: {  	_ =	swait.ge [sflag:s10], $0x1000  }
0x92: {  	[sflag:s10] =	ssyncset.done $0x0  }
0x93: {  	s26 =	rddreg [dreg:$0x12];
	[sflag:s10] =	ssyncadd.s32 $0xFFFFF000  }
0x94: {  	[spmem:s26] =	stream.linear.scatter [tilespmem:s18], [sflag:$0x5], $0x1000, $0x38;
	[tilespmem:$0x1F800] =	vst v63  }
0x95: {  	_ =	swait.ge [sflag:s10], $0x1000  }
0x96: {  	[sflag:s10] =	ssyncset.done $0x0  }
0x97: {  	s28 =	rddreg [dreg:$0x13];
	[sflag:s10] =	ssyncadd.s32 $0xFFFFF000  }
0x98: {  	[spmem:s28] =	stream.linear.scatter [tilespmem:s18], [sflag:$0x5], $0x1000, $0x38;
	[tilespmem:$0x1F800] =	vst v63  }
0x99: {  	_ =	swait.ge [sflag:s10], $0x1000  }
0x9a: {  	[sflag:s10] =	ssyncset.done $0x0  }
0x9b: {  	s26 =	rddreg [dreg:$0x14];
	[sflag:s10] =	ssyncadd.s32 $0xFFFFF000  }
0x9c: {  	[spmem:s26] =	stream.linear.scatter [tilespmem:s18], [sflag:$0x5], $0x1000, $0x38;
	[tilespmem:$0x1F800] =	vst v63  }
0x9d: {  	_ =	swait.ge [sflag:s10], $0x1000  }
0x9e: {  	[sflag:s10] =	ssyncset.done $0x0  }
0x9f: {  	[sflag:s10] =	ssyncadd.s32 $0xFFFFF000  }
0xa0: {  	[spmem:s29] =	stream.linear.scatter [tilespmem:s18], [sflag:$0x5], $0x1000, $0x38;
	[tilespmem:$0x1F800] =	vst v63  }
0xa1: {  	_ =	swait.ge [sflag:s10], $0x1000  }
0xa2: {  	[sflag:s10] =	ssyncset.done $0x0  }
0xa3: {  	[sflag:s10] =	ssyncadd.s32 $0xFFFFF000  }
0xa4: {  	[spmem:s30] =	stream.linear.scatter [tilespmem:s18], [sflag:$0x5], $0x1000, $0x38;
	[tilespmem:$0x1F800] =	vst v63  }
0xa5: {  	_ =	swait.ge [sflag:s10], $0x1000  }
0xa6: {  	[sflag:s10] =	ssyncset.done $0x0  }
0xa7: {  	[sflag:s10] =	ssyncadd.s32 $0xFFFFF000  }
0xa8: {  	[spmem:s31] =	stream.linear.scatter [tilespmem:s18], [sflag:$0x5], $0x1000, $0x38;
	[tilespmem:$0x1F800] =	vst v63  }
0xa9: {  	_ =	swait.ge [sflag:s10], $0x1000  }
0xaa: {  	[sflag:s10] =	ssyncset.done $0x0  }
0xab: {  	[sflag:s10] =	ssyncadd.s32 $0xFFFFF000  }
0xac: {  	[spmem:s0] =	stream.linear.scatter [tilespmem:s18], [sflag:$0x5], $0x1000, $0x38;
	[tilespmem:$0x1F800] =	vst v63  }
0xad: {  	_ =	swait.ge [sflag:s10], $0x1000  }
0xae: {  	[sflag:s10] =	ssyncset.done $0x0  }
0xaf: {  	[sflag:s10] =	ssyncadd.s32 $0xFFFFF000  }
0xb0: {  	[spmem:s1] =	stream.linear.scatter [tilespmem:s18], [sflag:$0x5], $0x1000, $0x38;
	[tilespmem:$0x1F800] =	vst v63  }
0xb1: {  	_ =	swait.ge [sflag:s10], $0x1000  }
0xb2: {  	[sflag:s10] =	ssyncset.done $0x0  }
0xb3: {  	[sflag:s10] =	ssyncadd.s32 $0xFFFFF000  }
0xb4: {  	[spmem:s5] =	stream.linear.scatter [tilespmem:s18], [sflag:$0x5], $0x1000, $0x38;
	[tilespmem:$0x1F800] =	vst v63  }
0xb5: {  	_ =	swait.ge [sflag:s10], $0x1000  }
0xb6: {  	[sflag:s10] =	ssyncset.done $0x0  }
0xb7: {  	[sflag:s10] =	ssyncadd.s32 $0xFFFFF000  }
0xb8: {  	[spmem:s8] =	stream.linear.scatter [tilespmem:s18], [sflag:$0x5], $0x1000, $0x38;
	[tilespmem:$0x1F800] =	vst v63  }
0xb9: {  	_ =	swait.ge [sflag:s10], $0x1000  }
0xba: {  	[sflag:s10] =	ssyncset.done $0x0  }
0xbb: {  	[sflag:s10] =	ssyncadd.s32 $0xFFFFF000  }
0xbc: {  	[spmem:s9] =	stream.linear.scatter [tilespmem:s18], [sflag:$0x5], $0x1000, $0x38;
	[tilespmem:$0x1F800] =	vst v63  }
0xbd: {  	_ =	swait.ge [sflag:s10], $0x1000  }
0xbe: {  	[sflag:s10] =	ssyncset.done $0x0  }
0xbf: {  	s28 =	rddreg [dreg:$0x6];
	[sflag:s10] =	ssyncadd.s32 $0xFFFFF000  }
0xc0: {  	[tilespmem:s21], [sflag:$0x5] =	stream.linear.gather [hbm4b:s28+s21], $0x2800, $0x38;
	[tilespmem:$0x1F800] =	vst v63  }
0xc1: {  	_ =	swait.ge [sflag:s10], $0x2800  }
0xc2: {  	[sflag:s10] =	ssyncset.done $0x0  }
0xc3: {  	[sflag:s10] =	ssyncadd.s32 $0xFFFFD800  }
0xc4: {  	[bflag:$0x0] =	sbarrier.arrive $0xFFFF  }
0xc5: {  	[tilespmem:s12], [sflag:$0x3] =	stream.linear.gather [hbm4b:s7+s21], $0x4000, $0x38;
	[tilespmem:$0x1F800] =	vst v63  }
0xc6: {  	s26 =	rddreg [dreg:$0x7]  }
0xc7: {  	[tilespmem:s13], [sflag:$0x4] =	stream.linear.gather [hbm4b:s26+s21], $0x4000, $0x38;
	[tilespmem:$0x1F800] =	vst v63  }
0xc8: {  	_ =	swait.ge [sflag:s15], $0x4000  }
0xc9: {  	[sflag:s15] =	ssyncset.done $0x0  }
0xca: {  	s28 =	simm.s32 $0x80;
	[sflag:s15] =	ssyncadd.s32 $0xFFFFC000  }
0xcb: {  	[spmem:s2] =	stream.indirect.scatter.add.f32 [tilespmem:s12], [sflag:$0x1], $0x80, s21, s28, $0xb8;
	[tilespmem:$0x1F800] =	vst v63  }
0xcc: {  	_ =	swait.ge [sflag:s14], $0x4000  }
0xcd: {  	[sflag:s14] =	ssyncset.done $0x0  }
0xce: {  	s26 =	sadd.s32 $0x0, s23;
	[sflag:s14] =	ssyncadd.s32 $0xFFFFC000  }
0xcf: {  	[tilespmem:s12], [sflag:$0x3] =	stream.linear.gather [hbm4b:s26+s3], $0x4000, $0x38;
	[tilespmem:$0x1F800] =	vst v63  }
0xd0: {  	_ =	swait.ge [sflag:s17], $0x4000  }
0xd1: {  	[sflag:s17] =	ssyncset.done $0x0  }
0xd2: {  	[sflag:s17] =	ssyncadd.s32 $0xFFFFC000  }
0xd3: {  	[spmem:s2] =	stream.indirect.scatter.add.f32 [tilespmem:s13], [sflag:$0x2], $0x80, s28, s11, $0xb8;
	[tilespmem:$0x1F800] =	vst v63  }
0xd4: {  	_ =	swait.ge [sflag:s16], $0x4000  }
0xd5: {  	[sflag:s16] =	ssyncset.done $0x0  }
0xd6: {  	s28 =	sadd.s32 $0x0, s24;
	[sflag:s16] =	ssyncadd.s32 $0xFFFFC000  }
0xd7: {  	[tilespmem:s13], [sflag:$0x4] =	stream.linear.gather [hbm4b:s28+s3], $0x4000, $0x38;
	[tilespmem:$0x1F800] =	vst v63  }
0xd8: {  	_ =	swait.ge [sflag:s15], $0x4000  }
0xd9: {  	s25 =	simm.s32 $0x180;
	[sflag:s15] =	ssyncset.done $0x0  }
0xda: {  	s21 =	simm.s32 $0x1000;
	s26 =	simm.s32 $0x100;
	[sflag:s15] =	ssyncadd.s32 $0xFFFFC000  }
.LBB2_6:
0xdb: {  	[spmem:s2] =	stream.indirect.scatter.add.f32 [tilespmem:s12], [sflag:$0x1], $0x80, s26, s11, $0xb8;
	[tilespmem:$0x1F800] =	vst v63  }
0xdc: {  	s26 =	smov.u32 s21  }
0xdd: {  	p0 =	sne.s32 s21, $0x26000;
	s21 =	sadd.s32 $0x1000, s21;
	_ =	swait.ge [sflag:s14], $0x4000  }
0xde: {  	[sflag:s14] =	ssyncset.done $0x0  }
0xdf: {  	s28 =	sadd.s32 s26, s23;
	[sflag:s14] =	ssyncadd.s32 $0xFFFFC000  }
0xe0: {  	[tilespmem:s12], [sflag:$0x3] =	stream.linear.gather [hbm4b:s28+s3], $0x4000, $0x38;
	[tilespmem:$0x1F800] =	vst v63  }
0xe1: {  	_ =	swait.ge [sflag:s17], $0x4000  }
0xe2: {  	[sflag:s17] =	ssyncset.done $0x0  }
0xe3: {  	[sflag:s17] =	ssyncadd.s32 $0xFFFFC000  }
0xe4: {  	[spmem:s2] =	stream.indirect.scatter.add.f32 [tilespmem:s13], [sflag:$0x2], $0x80, s25, s11, $0xb8;
	[tilespmem:$0x1F800] =	vst v63  }
0xe5: {  	_ =	swait.ge [sflag:s16], $0x4000  }
0xe6: {  	[sflag:s16] =	ssyncset.done $0x0  }
.Ltmp2:
0xe7: {  	s26 =	sadd.s32 s26, s24;
	[sflag:s16] =	ssyncadd.s32 $0xFFFFC000;
	(pc) =	sbr.rel @p0 .LBB2_6-.Ltmp2, $4  }
0xe8: {  	[tilespmem:s13], [sflag:$0x4] =	stream.linear.gather [hbm4b:s26+s3], $0x4000, $0x38;
	[tilespmem:$0x1F800] =	vst v63  }
0xe9: {  	_ =	swait.ge [sflag:s15], $0x4000  }
0xea: {  	[sflag:s15] =	ssyncset.done $0x0  }
0xeb: {  	s26 =	sadd.s32 $0x80, s25;
	s25 =	sadd.s32 $0x100, s25;
	[sflag:s15] =	ssyncadd.s32 $0xFFFFC000  }
0xec: {  	[spmem:s2] =	stream.indirect.scatter.add.f32 [tilespmem:s12], [sflag:$0x1], $0x80, s26, s11, $0xb8;
	[tilespmem:$0x1F800] =	vst v63  }
0xed: {  	_ =	swait.ge [sflag:s17], $0x4000  }
0xee: {  	[sflag:s17] =	ssyncset.done $0x0  }
0xef: {  	s21 =	simm.s32 $0x2780;
	[sflag:s17] =	ssyncadd.s32 $0xFFFFC000  }
0xf0: {  	[spmem:s2] =	stream.indirect.scatter.add.f32 [tilespmem:s13], [sflag:$0x2], $0x80, s21, s11, $0xb8;
	[tilespmem:$0x1F800] =	vst v63  }
0xf1: {  	_ =	swait.ge [sflag:s14], $0x4000  }
0xf2: {  	[sflag:s14] =	ssyncset.done $0x0  }
0xf3: {  	[sflag:s14] =	ssyncadd.s32 $0xFFFFC000  }
0xf4: {  	_ =	swait.ge [sflag:s16], $0x4000  }
0xf5: {  	[sflag:s16] =	ssyncset.done $0x0  }
0xf6: {  	[sflag:s16] =	ssyncadd.s32 $0xFFFFC000  }
0xf7: {  	[bflag:$0x0] =	sbarrier.arrive $0xFFFF  }
0xf8: {  	s26 =	rddreg [dreg:$0x8]  }
0xf9: {  	[hbm:s26], [sflag:s6] =	dma.local [spmem:s20], $0x2800  }
0xfa: {  	_ =	swait.ge [sflag:s10], $0x2800  }
0xfb: {  	s19 =	sadd.s32 $0x1, s19;
	s28 =	rddreg [dreg:$0x9]  }
0xfc: {  	p0 =	sne.s32 s19, s28  }
.Ltmp3:
0xfd: {  	_ = 	snop;
	(pc) =	sbr.rel @p0 .LBB2_1-.Ltmp3, $3  }
0xfe: {  	_ =	sdelay $0x1  }
0xff: {  	[sflag:s10] =	ssyncset.done $0x0  }
0x100: {  	[sflag:s10] =	ssyncadd.s32 $0xFFFFD800  }
0x101: {  	_ =	sfence.sel $0x180000  }
0x102: {  	[bflag:$0x0] =	sbarrier.arrive $0xFFFF  }
0x103: {  	_ =	strace $0x9000004D  }
0x104: {  	s0 =	stileid.u32;
	[bflag:$0x2] =	sbarrier.arrive $0xFFFF  }
0x105: {  	p0 =	sne.s32 s0, $0x0;
	s0 =	rddreg [dreg:$0x2]  }
0x106: {  	s0 =	sadd.s32 @!p0 $0x100000, s0  }
0x107: {  	[sflag:s0] =	ssyncadd.tile.s32 @!p0 $0x1;
	_ =	shalt  }
.Lfunc_end2:
_tile_overlayer_lowered:
.L_overlay_start_2:
0x108: {  	(tag) =	ssettag $0x2  }
0x109: {  	s0 =	rddreg [dreg:$0x0];
	s2 =	stileid.u32  }
0x10a: {  	s1 =	rddreg [dreg:$0x1];
	p0 =	sne.s32 s2, $0x0  }
0x10b: {  	s3 =	rddreg [dreg:$0x2];
	[bflag:$0x3] =	sbarrier.arrive $0xFFFF;
	s2 =	simm.s32 @!p0 $0x1C05  }
0x10c: {  	[timem:s3], [sflag:s2] =	dma.local @!p0 [hbm:s0], s1  }
0x10d: {  	s0 =	simm.s32 @!p0 $0x5  }
0x10e: {  	_ =	swait.ge @!p0 [sflag:s0], s1  }
0x10f: {  	s1 =	ssub.s32 @!p0 $0x0, s1;
	[sflag:s0] =	ssyncset.done @!p0 $0x0  }
0x110: {  	[sflag:s0] =	ssyncadd.s32 @!p0 s1  }
0x111: {  	[bflag:$0x3] =	sbarrier.arrive $0xFFFF  }
0x112: {  	_ =	shalt  }

</sc_bundles>
